<compile_context>
chip_gen: v7x
topology: tpu7x:2x2x1
jax: 0.10.2.dev20260603
libtpu: 0.0.44.dev20260713+nightly
codegen_flags: <defaults>
</compile_context>

<pallas_src>
import jax
import jax.numpy as jnp
from jax import lax
from jax.experimental import pallas as pl
from jax.experimental.pallas import tpu as pltpu
from jax.experimental.pallas import tpu_sc as plsc

N = 10000
E = 320000
D = 128
H = 64

NC = 2
NS = 16
NW = NC * NS
EPW = E // NW
GCH = 80
NGCH = EPW // GCH

NPT_REAL = 313
NPT = 320
DUMMY_SLOT = 313
CAP = 11200
SCH = 80
NSCH = CAP // SCH
DB = 2000
NPAD = 10080
ES = NW * CAP

_sc_mesh = plsc.VectorSubcoreMesh(core_axis_name="c", subcore_axis_name="s")
_sc_params = pltpu.CompilerParams(
    needs_layout_passes=False, use_tc_tiling_on_sc=False)


def _wid():
    return lax.axis_index("s") * NC + lax.axis_index("c")


OFFN = 320
SCAN_BASE = 1


def _compact_body(dst_h, src_h, sdloc_hbm, ssrc_hbm, offs_hbm, dbuf, sbuf,
                  src_v, dloc_v, ssrc_v, sdloc_v, cnt_v, offs_v, cur_v):
    wid = _wid()
    lo = wid * NPT_REAL

    zero16 = jnp.zeros((16,), jnp.int32)
    dum16 = jnp.full((16,), DUMMY_SLOT, jnp.int32)

    def pre(i, c):
        src_v[pl.ds(i * 16, 16)] = zero16
        dloc_v[pl.ds(i * 16, 16)] = dum16
        ssrc_v[pl.ds(i * 16, 16)] = zero16
        sdloc_v[pl.ds(i * 16, 16)] = dum16
        return c

    lax.fori_loop(0, CAP // 16, pre, 0)

    def outer(c, off):
        pltpu.sync_copy(dst_h.at[pl.ds(c * DB, DB)], dbuf)
        pltpu.sync_copy(src_h.at[pl.ds(c * DB, DB)], sbuf)

        def inner(j, off):
            v = dbuf[pl.ds(j * 16, 16)]
            sv = sbuf[pl.ds(j * 16, 16)]
            m = (v >= lo) & (v < lo + NPT_REAL) & (off < CAP - 15)
            cs = plsc.cumsum(m.astype(jnp.int32))
            pos = off + cs - 1
            plsc.store_scatter(src_v, [pos], sv, mask=m)
            plsc.store_scatter(dloc_v, [pos], v - lo, mask=m)
            return off + cs[15]

        return lax.fori_loop(0, DB // 16, inner, off)

    lax.fori_loop(0, E // DB, outer, 0)

    def czero(g, c):
        cnt_v[pl.ds(g * 16, 16)] = zero16
        return c

    lax.fori_loop(0, OFFN // 16, czero, 0)

    def count(g, c):
        dv = dloc_v[pl.ds(g * 16, 16)]
        rank, lastm = plsc.scan_count(dv)
        cur = plsc.load_gather(cnt_v, [dv])
        plsc.store_scatter(cnt_v, [dv], cur + rank + (1 - SCAN_BASE),
                           mask=lastm)
        return c

    lax.fori_loop(0, CAP // 16, count, 0)

    def prefix(g, carry):
        cv = cnt_v[pl.ds(g * 16, 16)]
        incl = plsc.cumsum(cv) + carry
        offs_v[pl.ds(g * 16, 16)] = incl - cv
        return incl[15]

    lax.fori_loop(0, OFFN // 16, prefix, 0)

    def ccopy(g, c):
        cur_v[pl.ds(g * 16, 16)] = offs_v[pl.ds(g * 16, 16)]
        return c

    lax.fori_loop(0, OFFN // 16, ccopy, 0)

    def place(g, c):
        dv = dloc_v[pl.ds(g * 16, 16)]
        iv = src_v[pl.ds(g * 16, 16)]
        rank, lastm = plsc.scan_count(dv)
        base = plsc.load_gather(cur_v, [dv])
        pos = jnp.minimum(base + rank - SCAN_BASE, CAP - 1)
        plsc.store_scatter(ssrc_v, [pos], iv)
        plsc.store_scatter(sdloc_v, [pos], dv)
        plsc.store_scatter(cur_v, [dv], pos + 1, mask=lastm)
        return c

    lax.fori_loop(0, CAP // 16, place, 0)

    pltpu.sync_copy(sdloc_v, sdloc_hbm.at[wid])
    pltpu.sync_copy(ssrc_v, ssrc_hbm.at[wid])
    pltpu.sync_copy(offs_v, offs_hbm.at[wid])


_compact = pl.kernel(
    _compact_body,
    out_type=(
        jax.ShapeDtypeStruct((NW, CAP), jnp.int32),
        jax.ShapeDtypeStruct((NW, CAP), jnp.int32),
        jax.ShapeDtypeStruct((NW, OFFN), jnp.int32),
    ),
    mesh=_sc_mesh,
    compiler_params=_sc_params,
    scratch_types=[
        pltpu.VMEM((DB,), jnp.int32),
        pltpu.VMEM((DB,), jnp.int32),
        pltpu.VMEM((CAP,), jnp.int32),
        pltpu.VMEM((CAP,), jnp.int32),
        pltpu.VMEM((CAP,), jnp.int32),
        pltpu.VMEM((CAP,), jnp.int32),
        pltpu.VMEM((OFFN,), jnp.int32),
        pltpu.VMEM((OFFN,), jnp.int32),
        pltpu.VMEM((OFFN,), jnp.int32),
    ],
)


ZCH = 200
SUB = 40
NSUB = ZCH // SUB
NZ = CAP // ZCH


def _gather_body(sdloc_hbm, ssrc_hbm, offs_hbm, a_hbm, b_hbm, z_hbm,
                 srcb, offs_v, orep, ablock, bufb, sem, semw):
    wid = _wid()
    lo = wid * NPT_REAL
    zbase = wid * CAP
    pltpu.sync_copy(ssrc_hbm.at[pl.ds(zbase, CAP)], srcb)
    pltpu.sync_copy(offs_hbm.at[wid], offs_v)
    pltpu.sync_copy(a_hbm.at[pl.ds(lo, NPT)], ablock)

    def rep(g, c):
        v = offs_v[pl.ds(g * 16, 16)]
        for u in range(16):
            orep[pl.ds(g * 256 + u * 16, 16)] = jnp.broadcast_to(v[u], (16,))
        return c

    lax.fori_loop(0, OFFN // 16, rep, 0)

    total = orep[pl.ds(DUMMY_SLOT * 16, 16)][0]

    def fire(p, slot):
        off = p * ZCH
        for q in range(NSUB):
            isl = pl.ds(off + q * SUB, SUB)
            bsl = pl.ds(q * SUB, SUB)
            pltpu.async_copy(b_hbm.at[srcb.at[isl]], bufb.at[slot, bsl],
                             sem.at[slot])

    def drain(p, slot):
        off = p * ZCH
        for q in range(NSUB):
            isl = pl.ds(off + q * SUB, SUB)
            bsl = pl.ds(q * SUB, SUB)
            pltpu.make_async_copy(b_hbm.at[srcb.at[isl]], bufb.at[slot, bsl],
                                  sem.at[slot]).wait()

    def zdesc(p, slot):
        return pltpu.make_async_copy(
            bufb.at[slot], z_hbm.at[pl.ds(zbase + p * ZCH, ZCH)],
            semw.at[slot])

    fire(0, 0)

    def pair(P, nstate):
        for b2 in (0, 1):
            p = 2 * P + b2

            @pl.when(p + 1 < NZ)
            def _():
                @pl.when(p >= 1)
                def _():
                    zdesc(p - 1, 1 - b2).wait()

                fire(p + 1, 1 - b2)

            drain(p, b2)

            cs = p * ZCH
            ce = jnp.minimum((p + 1) * ZCH, total)

            def wcond(st):
                return st[1] < ce

            def wbody(st):
                n, e = st
                n_end = orep[pl.ds((n + 1) * 16, 16)][0]
                seg_end = jnp.minimum(n_end, ce)
                a0 = ablock[n, pl.ds(0, 16)]
                a1 = ablock[n, pl.ds(16, 16)]
                a2 = ablock[n, pl.ds(32, 16)]
                a3 = ablock[n, pl.ds(48, 16)]

                def ed(i, c2):
                    r = i - cs
                    bufb[b2, r, pl.ds(0, 16)] = a0 + bufb[b2, r, pl.ds(0, 16)]
                    bufb[b2, r, pl.ds(16, 16)] = a1 + bufb[b2, r, pl.ds(16, 16)]
                    bufb[b2, r, pl.ds(32, 16)] = a2 + bufb[b2, r, pl.ds(32, 16)]
                    bufb[b2, r, pl.ds(48, 16)] = a3 + bufb[b2, r, pl.ds(48, 16)]
                    return c2

                lax.fori_loop(e, seg_end, ed, 0)
                n2 = jnp.where(seg_end == n_end,
                               jnp.minimum(n + 1, OFFN - 2), n)
                return (n2, seg_end)

            nstate_in = (nstate[0], jnp.maximum(nstate[1], cs))
            nstate = lax.while_loop(wcond, wbody, nstate_in)
            zdesc(p, b2).start()
        return nstate

    lax.fori_loop(0, NZ // 2, pair, (jnp.int32(0), jnp.int32(0)))
    zdesc(NZ - 2, 0).wait()
    zdesc(NZ - 1, 1).wait()


_gather = pl.kernel(
    _gather_body,
    out_type=jax.ShapeDtypeStruct((ES, H), jnp.float32),
    mesh=_sc_mesh,
    compiler_params=_sc_params,
    scratch_types=[
        pltpu.VMEM((CAP,), jnp.int32),
        pltpu.VMEM((OFFN,), jnp.int32),
        pltpu.VMEM((OFFN * 16,), jnp.int32),
        pltpu.VMEM((NPT, H), jnp.float32),
        pltpu.VMEM((2, ZCH, H), jnp.float32),
        pltpu.SemaphoreType.DMA((2,)),
        pltpu.SemaphoreType.DMA((2,)),
    ],
)


SCH2 = 400
SSUB = 80
NSSUB = SCH2 // SSUB
NSC = CAP // SCH2


def _make_scatter(layer2: bool):
    def body(offs_hbm, y_hbm, out_hbm, offs_v, orep, ybuf, acc, sem):
        wid = _wid()
        lo = wid * NPT_REAL
        initv = jnp.full((16,), -jnp.inf if layer2 else 0.0, jnp.float32)

        def ini(i, c):
            for cc in range(4):
                acc[i, pl.ds(cc * 16, 16)] = initv
            return c

        lax.fori_loop(0, NPT, ini, 0)

        pltpu.sync_copy(offs_hbm.at[wid], offs_v)

        def rep(g, c):
            v = offs_v[pl.ds(g * 16, 16)]
            for u in range(16):
                orep[pl.ds(g * 256 + u * 16, 16)] = jnp.broadcast_to(v[u], (16,))
            return c

        lax.fori_loop(0, OFFN // 16, rep, 0)

        total = orep[pl.ds(DUMMY_SLOT * 16, 16)][0]

        ybase = wid * CAP

        def fire(p, slot):
            pltpu.async_copy(y_hbm.at[pl.ds(ybase + p * SCH2, SCH2)],
                             ybuf.at[slot], sem.at[slot])

        def drain(p, slot):
            pltpu.make_async_copy(y_hbm.at[pl.ds(ybase + p * SCH2, SCH2)],
                                  ybuf.at[slot], sem.at[slot]).wait()

        fire(0, 0)

        def pair(P, nstate):
            for b2 in (0, 1):
                p = 2 * P + b2

                @pl.when(p + 1 < NSC)
                def _():
                    fire(p + 1, 1 - b2)

                drain(p, b2)

                cs = p * SCH2
                ce = jnp.minimum((p + 1) * SCH2, total)

                def wcond(st):
                    return st[1] < ce

                def wbody(st):
                    n, e = st
                    n_end = orep[pl.ds((n + 1) * 16, 16)][0]
                    seg_end = jnp.minimum(n_end, ce)
                    r0 = acc[n, pl.ds(0, 16)]
                    r1 = acc[n, pl.ds(16, 16)]
                    r2 = acc[n, pl.ds(32, 16)]
                    r3 = acc[n, pl.ds(48, 16)]

                    def ed(i, regs):
                        a0, a1, a2, a3 = regs
                        r = i - cs
                        a0 = jnp.maximum(a0, ybuf[b2, r, pl.ds(0, 16)])
                        a1 = jnp.maximum(a1, ybuf[b2, r, pl.ds(16, 16)])
                        a2 = jnp.maximum(a2, ybuf[b2, r, pl.ds(32, 16)])
                        a3 = jnp.maximum(a3, ybuf[b2, r, pl.ds(48, 16)])
                        return (a0, a1, a2, a3)

                    r0, r1, r2, r3 = lax.fori_loop(e, seg_end, ed,
                                                   (r0, r1, r2, r3))
                    acc[n, pl.ds(0, 16)] = r0
                    acc[n, pl.ds(16, 16)] = r1
                    acc[n, pl.ds(32, 16)] = r2
                    acc[n, pl.ds(48, 16)] = r3
                    n2 = jnp.where(seg_end == n_end,
                                   jnp.minimum(n + 1, OFFN - 2), n)
                    return (n2, seg_end)

                nstate_in = (nstate[0], jnp.maximum(nstate[1], cs))
                nstate = lax.while_loop(wcond, wbody, nstate_in)
            return nstate

        n0 = jnp.int32(0)
        e0 = jnp.int32(0)
        lax.fori_loop(0, NSC // 2, pair, (n0, e0))

        if layer2:
            ninf = jnp.float32(-jnp.inf)

            def fix(i, c):
                for cc in range(4):
                    sl = pl.ds(cc * 16, 16)
                    v = acc[i, sl]
                    acc[i, sl] = jnp.where(v == ninf, jnp.float32(0.0), v)
                return c

            lax.fori_loop(0, NPT_REAL, fix, 0)

        last = N - (NW - 1) * NPT_REAL

        @pl.when(wid == NW - 1)
        def _():
            pltpu.sync_copy(acc.at[pl.ds(0, last)], out_hbm.at[pl.ds(lo, last)])

        @pl.when(wid != NW - 1)
        def _():
            pltpu.sync_copy(acc.at[pl.ds(0, NPT_REAL)],
                            out_hbm.at[pl.ds(lo, NPT_REAL)])

    return pl.kernel(
        body,
        out_type=jax.ShapeDtypeStruct((N, H), jnp.float32),
        mesh=_sc_mesh,
        compiler_params=_sc_params,
        scratch_types=[
            pltpu.VMEM((OFFN,), jnp.int32),
            pltpu.VMEM((OFFN * 16,), jnp.int32),
            pltpu.VMEM((2, SCH2, H), jnp.float32),
            pltpu.VMEM((NPT, H), jnp.float32),
            pltpu.SemaphoreType.DMA((2,)),
        ],
    )


_scatter1 = _make_scatter(layer2=False)
_scatter2 = _make_scatter(layer2=True)


def _precompute(x, W, Din):
    def body(x_ref, w_ref, a_ref, b_ref):
        xv = x_ref[...]
        wa = w_ref[0:Din, :]
        wb = w_ref[Din:2 * Din, :]
        a_ref[pl.ds(0, N), :] = jnp.dot(
            xv, wa - wb, preferred_element_type=jnp.float32,
            precision=lax.Precision.HIGHEST)
        b_ref[pl.ds(0, N), :] = jnp.dot(
            xv, wb, preferred_element_type=jnp.float32,
            precision=lax.Precision.HIGHEST)

    return pl.pallas_call(
        body,
        out_shape=(
            jax.ShapeDtypeStruct((NPAD, H), jnp.float32),
            jax.ShapeDtypeStruct((NPAD, H), jnp.float32),
        ),
    )(x, W)


MB = 2240


def _mlp(z, b1, W2, b2):
    def body(z_ref, b1_ref, w2_ref, b2_ref, y_ref):
        h = jnp.maximum(z_ref[...] + b1_ref[...], 0.0)
        y_ref[...] = (jnp.dot(h, w2_ref[...], preferred_element_type=jnp.float32,
                             precision=lax.Precision.HIGHEST)
                      + b2_ref[...])

    return pl.pallas_call(
        body,
        grid=(ES // MB,),
        in_specs=[
            pl.BlockSpec((MB, H), lambda i: (i, 0)),
            pl.BlockSpec((1, H), lambda i: (0, 0)),
            pl.BlockSpec((H, H), lambda i: (0, 0)),
            pl.BlockSpec((1, H), lambda i: (0, 0)),
        ],
        out_specs=pl.BlockSpec((MB, H), lambda i: (i, 0)),
        out_shape=jax.ShapeDtypeStruct((ES, H), jnp.float32),
    )(z, b1, W2, b2)


def kernel(x, edge_index, W11, b11, W12, b12, W21, b21, W22, b22):
    src = edge_index[0]
    dst = edge_index[1]
    sdloc, ssrc, offs = _compact(dst, src)

    A1, B1 = _precompute(x, W11, D)
    sdloc_f = sdloc.reshape(-1)
    ssrc_f = ssrc.reshape(-1)
    Z1 = _gather(sdloc_f, ssrc_f, offs, A1, B1)
    Y1 = _mlp(Z1, b11.reshape(1, H), W12, b12.reshape(1, H))
    h = _scatter1(offs, Y1)

    A2, B2 = _precompute(h, W21, H)
    Z2 = _gather(sdloc_f, ssrc_f, offs, A2, B2)
    Y2 = _mlp(Z2, b21.reshape(1, H), W22, b22.reshape(1, H))
    out = _scatter2(offs, Y2)
    return out

# --- scband reference (transcript-rebuilt; emitter-appended) ---
"""Pipeline reference for scband-gnnpredictor-58763742544938 (READ-ONLY COPY).

The authoritative reference and input builder live on the scoring server;
editing this copy changes nothing except your own understanding.
"""

import jax, jax.numpy as jnp
import numpy as np

N = 10000
E = 320000
D = 128
H = 64


def setup_inputs(seed: int = 0) -> dict:
    key = jax.random.key(seed)
    ks = jax.random.split(key, 10)
    x = jax.random.normal(ks[0], (N, D), dtype=jnp.float32)
    edge_index = jax.random.randint(ks[1], (2, E), 0, N)
    # conv1 MLP: Linear(2*D -> H), ReLU, Linear(H -> H)
    W11 = jax.random.normal(ks[2], (2 * D, H), dtype=jnp.float32) * (1.0 / np.sqrt(2 * D))
    b11 = jnp.zeros((H,), dtype=jnp.float32)
    W12 = jax.random.normal(ks[3], (H, H), dtype=jnp.float32) * (1.0 / np.sqrt(H))
    b12 = jnp.zeros((H,), dtype=jnp.float32)
    # conv2 MLP: Linear(2*H -> H), ReLU, Linear(H -> H)
    W21 = jax.random.normal(ks[4], (2 * H, H), dtype=jnp.float32) * (1.0 / np.sqrt(2 * H))
    b21 = jnp.zeros((H,), dtype=jnp.float32)
    W22 = jax.random.normal(ks[5], (H, H), dtype=jnp.float32) * (1.0 / np.sqrt(H))
    b22 = jnp.zeros((H,), dtype=jnp.float32)
    return {"x": x, "edge_index": edge_index,
            "W11": W11, "b11": b11, "W12": W12, "b12": b12,
            "W21": W21, "b21": b21, "W22": W22, "b22": b22}


def _edge_conv(x, edge_index, W1, b1, W2, b2):
    # PyG EdgeConv: x_i' = max_{j in N(i)} MLP([x_i, x_j - x_i])
    src = edge_index[0]
    dst = edge_index[1]
    x_i = jnp.take(x, dst, axis=0)
    x_j = jnp.take(x, src, axis=0)
    m = jnp.concatenate([x_i, x_j - x_i], axis=-1)
    h = jnp.maximum(m @ W1 + b1, 0.0) @ W2 + b2
    agg = jax.ops.segment_max(h, dst, num_segments=x.shape[0])
    # PyG max-aggregation fills isolated nodes with 0 instead of -inf
    agg = jnp.where(jnp.isneginf(agg), 0.0, agg)
    return agg


def reference(x, edge_index, W11, b11, W12, b12, W21, b21, W22, b22):
    h = _edge_conv(x, edge_index, W11, b11, W12, b12)
    h = jnp.maximum(h, 0.0)
    out = _edge_conv(h, edge_index, W21, b21, W22, b22)
    return out

if __name__ == "__main__":
    import jax
    _d = setup_inputs()
    print(jax.jit(kernel)(*tuple(_d.values())))

</pallas_src>

<mosaic_0001>
#map = affine_map<(d0, d1) -> (0)>
#map1 = affine_map<(d0, d1) -> (0, 0)>
module attributes {stable_mosaic.version = 14 : i64} {
  func.func @_compact_body(%arg0: i32, %arg1: i32, %arg2: memref<320000xi32, #tpu.memory_space<hbm>>, %arg3: memref<320000xi32, #tpu.memory_space<hbm>>, %arg4: memref<32x11200xi32, #tpu.memory_space<hbm>>, %arg5: memref<32x11200xi32, #tpu.memory_space<hbm>>, %arg6: memref<32x320xi32, #tpu.memory_space<hbm>>, %arg7: memref<2000xi32, #tpu.memory_space<vmem>>, %arg8: memref<2000xi32, #tpu.memory_space<vmem>>, %arg9: memref<11200xi32, #tpu.memory_space<vmem>>, %arg10: memref<11200xi32, #tpu.memory_space<vmem>>, %arg11: memref<11200xi32, #tpu.memory_space<vmem>>, %arg12: memref<11200xi32, #tpu.memory_space<vmem>>, %arg13: memref<320xi32, #tpu.memory_space<vmem>>, %arg14: memref<320xi32, #tpu.memory_space<vmem>>, %arg15: memref<320xi32, #tpu.memory_space<vmem>>) attributes {dimension_semantics = [#tpu.dimension_semantics<core_parallel>, #tpu.dimension_semantics<subcore_parallel>], iteration_bounds = array<i64: 2, 16>, scalar_prefetch = 0 : i64, scratch_operands = 9 : i64, tpu.core_type = #tpu.core_type<sc_vector_subcore>, window_params = [{transform_indices = #map}, {transform_indices = #map}, {transform_indices = #map1}, {transform_indices = #map1}, {transform_indices = #map1}]} {
    %mul3A = arith.constant 2 : i32
    %mul3A_0 = arith.muli %arg1, %mul3A : i32
    %add3A = arith.addi %mul3A_0, %arg0 : i32
    %mul3A_1 = arith.constant 313 : i32
    %mul3A_2 = arith.muli %add3A, %mul3A_1 : i32
    %broadcast_in_dim3A = arith.constant 0 : i32
    %broadcast_in_dim3A_3 = vector.broadcast %broadcast_in_dim3A : i32 to vector<16xi32>
    %broadcast_in_dim3A_4 = arith.constant 313 : i32
    %broadcast_in_dim3A_5 = vector.broadcast %broadcast_in_dim3A_4 : i32 to vector<16xi32>
    %scan3A = arith.constant 0 : i32
    %scan3A_6 = arith.constant 0 : i32
    %scan3A_7 = arith.constant 700 : i32
    %scan3A_8 = arith.addi %scan3A_6, %scan3A_7 : i32
    %scan3A_9 = arith.constant 1 : i32
    scf.for %scan3A_49 = %scan3A_6 to %scan3A_8 step %scan3A_9  : i32 {
      %mul3A_50 = arith.constant 16 : i32
      %mul3A_51 = arith.muli %scan3A_49, %mul3A_50 : i32
      %swap3A = arith.index_cast %mul3A_51 : i32 to index
      %swap3A_52 = tpu.vector_load %arg9[%swap3A] {strides = array<i32>} : memref<11200xi32, #tpu.memory_space<vmem>>, vector<16xi32>,
      tpu.vector_store %arg9[%swap3A], %broadcast_in_dim3A_3 {strides = array<i32>} : memref<11200xi32, #tpu.memory_space<vmem>>, vector<16xi32>,
      %mul3A_53 = arith.constant 16 : i32
      %mul3A_54 = arith.muli %scan3A_49, %mul3A_53 : i32
      %swap3A_55 = arith.index_cast %mul3A_54 : i32 to index
      %swap3A_56 = tpu.vector_load %arg10[%swap3A_55] {strides = array<i32>} : memref<11200xi32, #tpu.memory_space<vmem>>, vector<16xi32>,
      tpu.vector_store %arg10[%swap3A_55], %broadcast_in_dim3A_5 {strides = array<i32>} : memref<11200xi32, #tpu.memory_space<vmem>>, vector<16xi32>,
      %mul3A_57 = arith.constant 16 : i32
      %mul3A_58 = arith.muli %scan3A_49, %mul3A_57 : i32
      %swap3A_59 = arith.index_cast %mul3A_58 : i32 to index
      %swap3A_60 = tpu.vector_load %arg11[%swap3A_59] {strides = array<i32>} : memref<11200xi32, #tpu.memory_space<vmem>>, vector<16xi32>,
      tpu.vector_store %arg11[%swap3A_59], %broadcast_in_dim3A_3 {strides = array<i32>} : memref<11200xi32, #tpu.memory_space<vmem>>, vector<16xi32>,
      %mul3A_61 = arith.constant 16 : i32
      %mul3A_62 = arith.muli %scan3A_49, %mul3A_61 : i32
      %swap3A_63 = arith.index_cast %mul3A_62 : i32 to index
      %swap3A_64 = tpu.vector_load %arg12[%swap3A_63] {strides = array<i32>} : memref<11200xi32, #tpu.memory_space<vmem>>, vector<16xi32>,
      tpu.vector_store %arg12[%swap3A_63], %broadcast_in_dim3A_5 {strides = array<i32>} : memref<11200xi32, #tpu.memory_space<vmem>>, vector<16xi32>,
    }
    %scan3A_10 = arith.constant 700 : i32
    %scan3A_11 = arith.constant 0 : i32
    %scan3A_12 = arith.constant 0 : i32
    %scan3A_13 = arith.constant 160 : i32
    %scan3A_14 = arith.addi %scan3A_12, %scan3A_13 : i32
    %scan3A_15 = arith.constant 1 : i32
    %scan3A_16 = scf.for %scan3A_49 = %scan3A_12 to %scan3A_14 step %scan3A_15 iter_args(%scan3A_50 = %scan3A_11) -> (i32)  : i32 {
      %mul3A_51 = arith.constant 2000 : i32
      %mul3A_52 = arith.muli %scan3A_49, %mul3A_51 : i32
      "tpu.region"() ({
        %run_scoped3A = tpu.sem_alloc : memref<!tpu.dma_semaphore, #tpu.memory_space<semaphore_mem>>
        %dma_start3A = tpu.memref_slice %arg2[%mul3A_52] : memref<320000xi32, #tpu.memory_space<hbm>> -> memref<2000xi32, #tpu.memory_space<hbm>>
        %dma_start3A_61 = tpu.memref_slice %arg2[%mul3A_52] : memref<320000xi32, #tpu.memory_space<hbm>> -> memref<2000xi32, #tpu.memory_space<hbm>>
        tpu.enqueue_dma source(%dma_start3A_61 : memref<2000xi32, #tpu.memory_space<hbm>>) target(%arg7 : memref<2000xi32, #tpu.memory_space<vmem>>) target_semaphore(%run_scoped3A : memref<!tpu.dma_semaphore, #tpu.memory_space<semaphore_mem>>)
        %dma_wait3A = tpu.memref_slice %arg2[%mul3A_52] : memref<320000xi32, #tpu.memory_space<hbm>> -> memref<2000xi32, #tpu.memory_space<hbm>>
        %dma_wait3A_62 = tpu.memref_slice %arg2[%mul3A_52] : memref<320000xi32, #tpu.memory_space<hbm>> -> memref<2000xi32, #tpu.memory_space<hbm>>
        tpu.wait_dma2 semaphore(%run_scoped3A : memref<!tpu.dma_semaphore, #tpu.memory_space<semaphore_mem>>) src(%dma_wait3A_62 : memref<2000xi32, #tpu.memory_space<hbm>>) dst(%arg7 : memref<2000xi32, #tpu.memory_space<vmem>>)
        tpu.yield
      }) : () -> ()
      %mul3A_53 = arith.constant 2000 : i32
      %mul3A_54 = arith.muli %scan3A_49, %mul3A_53 : i32
      "tpu.region"() ({
        %run_scoped3A = tpu.sem_alloc : memref<!tpu.dma_semaphore, #tpu.memory_space<semaphore_mem>>
        %dma_start3A = tpu.memref_slice %arg3[%mul3A_54] : memref<320000xi32, #tpu.memory_space<hbm>> -> memref<2000xi32, #tpu.memory_space<hbm>>
        %dma_start3A_61 = tpu.memref_slice %arg3[%mul3A_54] : memref<320000xi32, #tpu.memory_space<hbm>> -> memref<2000xi32, #tpu.memory_space<hbm>>
        tpu.enqueue_dma source(%dma_start3A_61 : memref<2000xi32, #tpu.memory_space<hbm>>) target(%arg8 : memref<2000xi32, #tpu.memory_space<vmem>>) target_semaphore(%run_scoped3A : memref<!tpu.dma_semaphore, #tpu.memory_space<semaphore_mem>>)
        %dma_wait3A = tpu.memref_slice %arg3[%mul3A_54] : memref<320000xi32, #tpu.memory_space<hbm>> -> memref<2000xi32, #tpu.memory_space<hbm>>
        %dma_wait3A_62 = tpu.memref_slice %arg3[%mul3A_54] : memref<320000xi32, #tpu.memory_space<hbm>> -> memref<2000xi32, #tpu.memory_space<hbm>>
        tpu.wait_dma2 semaphore(%run_scoped3A : memref<!tpu.dma_semaphore, #tpu.memory_space<semaphore_mem>>) src(%dma_wait3A_62 : memref<2000xi32, #tpu.memory_space<hbm>>) dst(%arg8 : memref<2000xi32, #tpu.memory_space<vmem>>)
        tpu.yield
      }) : () -> ()
      %scan3A_55 = arith.constant 0 : i32
      %scan3A_56 = arith.constant 125 : i32
      %scan3A_57 = arith.addi %scan3A_55, %scan3A_56 : i32
      %scan3A_58 = arith.constant 1 : i32
      %scan3A_59 = scf.for %scan3A_61 = %scan3A_55 to %scan3A_57 step %scan3A_58 iter_args(%scan3A_62 = %scan3A_50) -> (i32)  : i32 {
        %mul3A_63 = arith.constant 16 : i32
        %mul3A_64 = arith.muli %scan3A_61, %mul3A_63 : i32
        %get3A = arith.index_cast %mul3A_64 : i32 to index
        %get3A_65 = tpu.vector_load %arg7[%get3A] {strides = array<i32>} : memref<2000xi32, #tpu.memory_space<vmem>>, vector<16xi32>,
        %mul3A_66 = arith.constant 16 : i32
        %mul3A_67 = arith.muli %scan3A_61, %mul3A_66 : i32
        %get3A_68 = arith.index_cast %mul3A_67 : i32 to index
        %get3A_69 = tpu.vector_load %arg8[%get3A_68] {strides = array<i32>} : memref<2000xi32, #tpu.memory_space<vmem>>, vector<16xi32>,
        %ge3A = vector.broadcast %mul3A_2 : i32 to vector<16xi32>
        %ge3A_70 = arith.cmpi sge, %get3A_65, %ge3A : vector<16xi32>
        %add3A_71 = arith.constant 313 : i32
        %add3A_72 = arith.addi %mul3A_2, %add3A_71 : i32
        %lt3A = vector.broadcast %add3A_72 : i32 to vector<16xi32>
        %lt3A_73 = arith.cmpi slt, %get3A_65, %lt3A : vector<16xi32>
        %and3A = arith.andi %ge3A_70, %lt3A_73 : vector<16xi1>
        %lt3A_74 = arith.constant 11185 : i32
        %lt3A_75 = arith.cmpi slt, %scan3A_62, %lt3A_74 : i32
        %and3A_76 = vector.broadcast %lt3A_75 : i1 to vector<16xi1>
        %and3A_77 = arith.andi %and3A, %and3A_76 : vector<16xi1>
        %convert_element_type3A = arith.extui %and3A_77 : vector<16xi1> to vector<16xi32>
        %broadcast_in_dim3A_78 = arith.constant true
        %broadcast_in_dim3A_79 = vector.broadcast %broadcast_in_dim3A_78 : i1 to vector<16xi1>
        %masked_cumsum3A = tpu.scan <sum>, %convert_element_type3A masked %broadcast_in_dim3A_79 : vector<16xi32>, vector<16xi1> -> vector<16xi32>
        %add3A_80 = vector.broadcast %scan3A_62 : i32 to vector<16xi32>
        %add3A_81 = arith.addi %add3A_80, %masked_cumsum3A : vector<16xi32>
        %sub3A = arith.constant 1 : i32
        %sub3A_82 = vector.broadcast %sub3A : i32 to vector<16xi32>
        %sub3A_83 = arith.subi %add3A_81, %sub3A_82 : vector<16xi32>
        tpu.vector_store_idx %arg9[%sub3A_83], %get3A_69 masked %and3A_77 : memref<11200xi32, #tpu.memory_space<vmem>>[vector<16xi32>], vector<16xi32>, vector<16xi1>
        %sub3A_84 = vector.broadcast %mul3A_2 : i32 to vector<16xi32>
        %sub3A_85 = arith.subi %get3A_65, %sub3A_84 : vector<16xi32>
        tpu.vector_store_idx %arg10[%sub3A_83], %sub3A_85 masked %and3A_77 : memref<11200xi32, #tpu.memory_space<vmem>>[vector<16xi32>], vector<16xi32>, vector<16xi1>
        %slice3A = vector.extract_strided_slice %masked_cumsum3A {offsets = [15], sizes = [1], strides = [1]} : vector<16xi32> to vector<1xi32>
        %squeeze3A = vector.extract %slice3A[0] : i32 from vector<1xi32>
        %add3A_86 = arith.addi %scan3A_62, %squeeze3A : i32
        scf.yield %add3A_86 : i32
      }
      %scan3A_60 = arith.constant 125 : i32
      scf.yield %scan3A_59 : i32
    }
    %scan3A_17 = arith.constant 160 : i32
    %scan3A_18 = arith.constant 0 : i32
    %scan3A_19 = arith.constant 0 : i32
    %scan3A_20 = arith.constant 20 : i32
    %scan3A_21 = arith.addi %scan3A_19, %scan3A_20 : i32
    %scan3A_22 = arith.constant 1 : i32
    scf.for %scan3A_49 = %scan3A_19 to %scan3A_21 step %scan3A_22  : i32 {
      %mul3A_50 = arith.constant 16 : i32
      %mul3A_51 = arith.muli %scan3A_49, %mul3A_50 : i32
      %swap3A = arith.index_cast %mul3A_51 : i32 to index
      %swap3A_52 = tpu.vector_load %arg13[%swap3A] {strides = array<i32>} : memref<320xi32, #tpu.memory_space<vmem>>, vector<16xi32>,
      tpu.vector_store %arg13[%swap3A], %broadcast_in_dim3A_3 {strides = array<i32>} : memref<320xi32, #tpu.memory_space<vmem>>, vector<16xi32>,
    }
    %scan3A_23 = arith.constant 20 : i32
    %scan3A_24 = arith.constant 0 : i32
    %scan3A_25 = arith.constant 0 : i32
    %scan3A_26 = arith.constant 700 : i32
    %scan3A_27 = arith.addi %scan3A_25, %scan3A_26 : i32
    %scan3A_28 = arith.constant 1 : i32
    scf.for %scan3A_49 = %scan3A_25 to %scan3A_27 step %scan3A_28  : i32 {
      %mul3A_50 = arith.constant 16 : i32
      %mul3A_51 = arith.muli %scan3A_49, %mul3A_50 : i32
      %get3A = arith.index_cast %mul3A_51 : i32 to index
      %get3A_52 = tpu.vector_load %arg10[%get3A] {strides = array<i32>} : memref<11200xi32, #tpu.memory_space<vmem>>, vector<16xi32>,
      %broadcast_in_dim3A_53 = arith.constant true
      %broadcast_in_dim3A_54 = vector.broadcast %broadcast_in_dim3A_53 : i1 to vector<16xi1>
      %unique3A, %unique3A_55 = tpu.scan_count mask(%broadcast_in_dim3A_54 : vector<16xi1>) value(%get3A_52 : vector<16xi32>) : vector<16xi1>, vector<16xi32>
      %gather3A = tpu.vector_load_idx %arg13[%get3A_52] : memref<320xi32, #tpu.memory_space<vmem>>[vector<16xi32>], vector<16xi32>,
      %add3A_56 = arith.addi %gather3A, %unique3A_55 : vector<16xi32>
      %add3A_57 = arith.constant 0 : i32
      %add3A_58 = vector.broadcast %add3A_57 : i32 to vector<16xi32>
      %add3A_59 = arith.addi %add3A_56, %add3A_58 : vector<16xi32>
      tpu.vector_store_idx %arg13[%get3A_52], %add3A_59 masked %unique3A : memref<320xi32, #tpu.memory_space<vmem>>[vector<16xi32>], vector<16xi32>, vector<16xi1>
    }
    %scan3A_29 = arith.constant 700 : i32
    %scan3A_30 = arith.constant 0 : i32
    %scan3A_31 = arith.constant 0 : i32
    %scan3A_32 = arith.constant 20 : i32
    %scan3A_33 = arith.addi %scan3A_31, %scan3A_32 : i32
    %scan3A_34 = arith.constant 1 : i32
    %scan3A_35 = scf.for %scan3A_49 = %scan3A_31 to %scan3A_33 step %scan3A_34 iter_args(%scan3A_50 = %scan3A_30) -> (i32)  : i32 {
      %mul3A_51 = arith.constant 16 : i32
      %mul3A_52 = arith.muli %scan3A_49, %mul3A_51 : i32
      %get3A = arith.index_cast %mul3A_52 : i32 to index
      %get3A_53 = tpu.vector_load %arg13[%get3A] {strides = array<i32>} : memref<320xi32, #tpu.memory_space<vmem>>, vector<16xi32>,
      %broadcast_in_dim3A_54 = arith.constant true
      %broadcast_in_dim3A_55 = vector.broadcast %broadcast_in_dim3A_54 : i1 to vector<16xi1>
      %masked_cumsum3A = tpu.scan <sum>, %get3A_53 masked %broadcast_in_dim3A_55 : vector<16xi32>, vector<16xi1> -> vector<16xi32>
      %add3A_56 = vector.broadcast %scan3A_50 : i32 to vector<16xi32>
      %add3A_57 = arith.addi %masked_cumsum3A, %add3A_56 : vector<16xi32>
      %sub3A = arith.subi %add3A_57, %get3A_53 : vector<16xi32>
      %mul3A_58 = arith.constant 16 : i32
      %mul3A_59 = arith.muli %scan3A_49, %mul3A_58 : i32
      %swap3A = arith.index_cast %mul3A_59 : i32 to index
      %swap3A_60 = tpu.vector_load %arg14[%swap3A] {strides = array<i32>} : memref<320xi32, #tpu.memory_space<vmem>>, vector<16xi32>,
      tpu.vector_store %arg14[%swap3A], %sub3A {strides = array<i32>} : memref<320xi32, #tpu.memory_space<vmem>>, vector<16xi32>,
      %slice3A = vector.extract_strided_slice %add3A_57 {offsets = [15], sizes = [1], strides = [1]} : vector<16xi32> to vector<1xi32>
      %squeeze3A = vector.extract %slice3A[0] : i32 from vector<1xi32>
      scf.yield %squeeze3A : i32
    }
    %scan3A_36 = arith.constant 20 : i32
    %scan3A_37 = arith.constant 0 : i32
    %scan3A_38 = arith.constant 0 : i32
    %scan3A_39 = arith.constant 20 : i32
    %scan3A_40 = arith.addi %scan3A_38, %scan3A_39 : i32
    %scan3A_41 = arith.constant 1 : i32
    scf.for %scan3A_49 = %scan3A_38 to %scan3A_40 step %scan3A_41  : i32 {
      %mul3A_50 = arith.constant 16 : i32
      %mul3A_51 = arith.muli %scan3A_49, %mul3A_50 : i32
      %get3A = arith.index_cast %mul3A_51 : i32 to index
      %get3A_52 = tpu.vector_load %arg14[%get3A] {strides = array<i32>} : memref<320xi32, #tpu.memory_space<vmem>>, vector<16xi32>,
      %mul3A_53 = arith.constant 16 : i32
      %mul3A_54 = arith.muli %scan3A_49, %mul3A_53 : i32
      %swap3A = arith.index_cast %mul3A_54 : i32 to index
      %swap3A_55 = tpu.vector_load %arg15[%swap3A] {strides = array<i32>} : memref<320xi32, #tpu.memory_space<vmem>>, vector<16xi32>,
      tpu.vector_store %arg15[%swap3A], %get3A_52 {strides = array<i32>} : memref<320xi32, #tpu.memory_space<vmem>>, vector<16xi32>,
    }
    %scan3A_42 = arith.constant 20 : i32
    %scan3A_43 = arith.constant 0 : i32
    %scan3A_44 = arith.constant 0 : i32
    %scan3A_45 = arith.constant 700 : i32
    %scan3A_46 = arith.addi %scan3A_44, %scan3A_45 : i32
    %scan3A_47 = arith.constant 1 : i32
    scf.for %scan3A_49 = %scan3A_44 to %scan3A_46 step %scan3A_47  : i32 {
      %mul3A_50 = arith.constant 16 : i32
      %mul3A_51 = arith.muli %scan3A_49, %mul3A_50 : i32
      %get3A = arith.index_cast %mul3A_51 : i32 to index
      %get3A_52 = tpu.vector_load %arg10[%get3A] {strides = array<i32>} : memref<11200xi32, #tpu.memory_space<vmem>>, vector<16xi32>,
      %mul3A_53 = arith.constant 16 : i32
      %mul3A_54 = arith.muli %scan3A_49, %mul3A_53 : i32
      %get3A_55 = arith.index_cast %mul3A_54 : i32 to index
      %get3A_56 = tpu.vector_load %arg9[%get3A_55] {strides = array<i32>} : memref<11200xi32, #tpu.memory_space<vmem>>, vector<16xi32>,
      %broadcast_in_dim3A_57 = arith.constant true
      %broadcast_in_dim3A_58 = vector.broadcast %broadcast_in_dim3A_57 : i1 to vector<16xi1>
      %unique3A, %unique3A_59 = tpu.scan_count mask(%broadcast_in_dim3A_58 : vector<16xi1>) value(%get3A_52 : vector<16xi32>) : vector<16xi1>, vector<16xi32>
      %gather3A = tpu.vector_load_idx %arg15[%get3A_52] : memref<320xi32, #tpu.memory_space<vmem>>[vector<16xi32>], vector<16xi32>,
      %add3A_60 = arith.addi %gather3A, %unique3A_59 : vector<16xi32>
      %sub3A = arith.constant 1 : i32
      %sub3A_61 = vector.broadcast %sub3A : i32 to vector<16xi32>
      %sub3A_62 = arith.subi %add3A_60, %sub3A_61 : vector<16xi32>
      %min3A = arith.constant 11199 : i32
      %min3A_63 = vector.broadcast %min3A : i32 to vector<16xi32>
      %min3A_64 = arith.minsi %sub3A_62, %min3A_63 : vector<16xi32>
      tpu.vector_store_idx %arg11[%min3A_64], %get3A_56 : memref<11200xi32, #tpu.memory_space<vmem>>[vector<16xi32>], vector<16xi32>,
      tpu.vector_store_idx %arg12[%min3A_64], %get3A_52 : memref<11200xi32, #tpu.memory_space<vmem>>[vector<16xi32>], vector<16xi32>,
      %add3A_65 = arith.constant 1 : i32
      %add3A_66 = vector.broadcast %add3A_65 : i32 to vector<16xi32>
      %add3A_67 = arith.addi %min3A_64, %add3A_66 : vector<16xi32>
      tpu.vector_store_idx %arg15[%get3A_52], %add3A_67 masked %unique3A : memref<320xi32, #tpu.memory_space<vmem>>[vector<16xi32>], vector<16xi32>, vector<16xi1>
    }
    %scan3A_48 = arith.constant 700 : i32
    "tpu.region"() ({
      %run_scoped3A = tpu.sem_alloc : memref<!tpu.dma_semaphore, #tpu.memory_space<semaphore_mem>>
      %dma_start3A = arith.constant 0 : i32
      %dma_start3A_49 = tpu.memref_slice %arg4[%add3A, %dma_start3A] : memref<32x11200xi32, #tpu.memory_space<hbm>> -> memref<1x11200xi32, #tpu.memory_space<hbm>>
      %dma_start3A_50 = tpu.memref_squeeze %dma_start3A_49 : memref<1x11200xi32, #tpu.memory_space<hbm>> -> memref<11200xi32, #tpu.memory_space<hbm>>
      %dma_start3A_51 = arith.constant 0 : i32
      %dma_start3A_52 = tpu.memref_slice %arg4[%add3A, %dma_start3A_51] : memref<32x11200xi32, #tpu.memory_space<hbm>> -> memref<1x11200xi32, #tpu.memory_space<hbm>>
      %dma_start3A_53 = tpu.memref_squeeze %dma_start3A_52 : memref<1x11200xi32, #tpu.memory_space<hbm>> -> memref<11200xi32, #tpu.memory_space<hbm>>
      tpu.enqueue_dma source(%arg12 : memref<11200xi32, #tpu.memory_space<vmem>>) target(%dma_start3A_53 : memref<11200xi32, #tpu.memory_space<hbm>>) target_semaphore(%run_scoped3A : memref<!tpu.dma_semaphore, #tpu.memory_space<semaphore_mem>>)
      %dma_wait3A = arith.constant 0 : i32
      %dma_wait3A_54 = tpu.memref_slice %arg4[%add3A, %dma_wait3A] : memref<32x11200xi32, #tpu.memory_space<hbm>> -> memref<1x11200xi32, #tpu.memory_space<hbm>>
      %dma_wait3A_55 = tpu.memref_squeeze %dma_wait3A_54 : memref<1x11200xi32, #tpu.memory_space<hbm>> -> memref<11200xi32, #tpu.memory_space<hbm>>
      %dma_wait3A_56 = arith.constant 0 : i32
      %dma_wait3A_57 = tpu.memref_slice %arg4[%add3A, %dma_wait3A_56] : memref<32x11200xi32, #tpu.memory_space<hbm>> -> memref<1x11200xi32, #tpu.memory_space<hbm>>
      %dma_wait3A_58 = tpu.memref_squeeze %dma_wait3A_57 : memref<1x11200xi32, #tpu.memory_space<hbm>> -> memref<11200xi32, #tpu.memory_space<hbm>>
      tpu.wait_dma2 semaphore(%run_scoped3A : memref<!tpu.dma_semaphore, #tpu.memory_space<semaphore_mem>>) src(%arg12 : memref<11200xi32, #tpu.memory_space<vmem>>) dst(%dma_wait3A_58 : memref<11200xi32, #tpu.memory_space<hbm>>)
      tpu.yield
    }) : () -> ()
    "tpu.region"() ({
      %run_scoped3A = tpu.sem_alloc : memref<!tpu.dma_semaphore, #tpu.memory_space<semaphore_mem>>
      %dma_start3A = arith.constant 0 : i32
      %dma_start3A_49 = tpu.memref_slice %arg5[%add3A, %dma_start3A] : memref<32x11200xi32, #tpu.memory_space<hbm>> -> memref<1x11200xi32, #tpu.memory_space<hbm>>
      %dma_start3A_50 = tpu.memref_squeeze %dma_start3A_49 : memref<1x11200xi32, #tpu.memory_space<hbm>> -> memref<11200xi32, #tpu.memory_space<hbm>>
      %dma_start3A_51 = arith.constant 0 : i32
      %dma_start3A_52 = tpu.memref_slice %arg5[%add3A, %dma_start3A_51] : memref<32x11200xi32, #tpu.memory_space<hbm>> -> memref<1x11200xi32, #tpu.memory_space<hbm>>
      %dma_start3A_53 = tpu.memref_squeeze %dma_start3A_52 : memref<1x11200xi32, #tpu.memory_space<hbm>> -> memref<11200xi32, #tpu.memory_space<hbm>>
      tpu.enqueue_dma source(%arg11 : memref<11200xi32, #tpu.memory_space<vmem>>) target(%dma_start3A_53 : memref<11200xi32, #tpu.memory_space<hbm>>) target_semaphore(%run_scoped3A : memref<!tpu.dma_semaphore, #tpu.memory_space<semaphore_mem>>)
      %dma_wait3A = arith.constant 0 : i32
      %dma_wait3A_54 = tpu.memref_slice %arg5[%add3A, %dma_wait3A] : memref<32x11200xi32, #tpu.memory_space<hbm>> -> memref<1x11200xi32, #tpu.memory_space<hbm>>
      %dma_wait3A_55 = tpu.memref_squeeze %dma_wait3A_54 : memref<1x11200xi32, #tpu.memory_space<hbm>> -> memref<11200xi32, #tpu.memory_space<hbm>>
      %dma_wait3A_56 = arith.constant 0 : i32
      %dma_wait3A_57 = tpu.memref_slice %arg5[%add3A, %dma_wait3A_56] : memref<32x11200xi32, #tpu.memory_space<hbm>> -> memref<1x11200xi32, #tpu.memory_space<hbm>>
      %dma_wait3A_58 = tpu.memref_squeeze %dma_wait3A_57 : memref<1x11200xi32, #tpu.memory_space<hbm>> -> memref<11200xi32, #tpu.memory_space<hbm>>
      tpu.wait_dma2 semaphore(%run_scoped3A : memref<!tpu.dma_semaphore, #tpu.memory_space<semaphore_mem>>) src(%arg11 : memref<11200xi32, #tpu.memory_space<vmem>>) dst(%dma_wait3A_58 : memref<11200xi32, #tpu.memory_space<hbm>>)
      tpu.yield
    }) : () -> ()
    "tpu.region"() ({
      %run_scoped3A = tpu.sem_alloc : memref<!tpu.dma_semaphore, #tpu.memory_space<semaphore_mem>>
      %dma_start3A = arith.constant 0 : i32
      %dma_start3A_49 = tpu.memref_slice %arg6[%add3A, %dma_start3A] : memref<32x320xi32, #tpu.memory_space<hbm>> -> memref<1x320xi32, #tpu.memory_space<hbm>>
      %dma_start3A_50 = tpu.memref_squeeze %dma_start3A_49 : memref<1x320xi32, #tpu.memory_space<hbm>> -> memref<320xi32, #tpu.memory_space<hbm>>
      %dma_start3A_51 = arith.constant 0 : i32
      %dma_start3A_52 = tpu.memref_slice %arg6[%add3A, %dma_start3A_51] : memref<32x320xi32, #tpu.memory_space<hbm>> -> memref<1x320xi32, #tpu.memory_space<hbm>>
      %dma_start3A_53 = tpu.memref_squeeze %dma_start3A_52 : memref<1x320xi32, #tpu.memory_space<hbm>> -> memref<320xi32, #tpu.memory_space<hbm>>
      tpu.enqueue_dma source(%arg14 : memref<320xi32, #tpu.memory_space<vmem>>) target(%dma_start3A_53 : memref<320xi32, #tpu.memory_space<hbm>>) target_semaphore(%run_scoped3A : memref<!tpu.dma_semaphore, #tpu.memory_space<semaphore_mem>>)
      %dma_wait3A = arith.constant 0 : i32
      %dma_wait3A_54 = tpu.memref_slice %arg6[%add3A, %dma_wait3A] : memref<32x320xi32, #tpu.memory_space<hbm>> -> memref<1x320xi32, #tpu.memory_space<hbm>>
      %dma_wait3A_55 = tpu.memref_squeeze %dma_wait3A_54 : memref<1x320xi32, #tpu.memory_space<hbm>> -> memref<320xi32, #tpu.memory_space<hbm>>
      %dma_wait3A_56 = arith.constant 0 : i32
      %dma_wait3A_57 = tpu.memref_slice %arg6[%add3A, %dma_wait3A_56] : memref<32x320xi32, #tpu.memory_space<hbm>> -> memref<1x320xi32, #tpu.memory_space<hbm>>
      %dma_wait3A_58 = tpu.memref_squeeze %dma_wait3A_57 : memref<1x320xi32, #tpu.memory_space<hbm>> -> memref<320xi32, #tpu.memory_space<hbm>>
      tpu.wait_dma2 semaphore(%run_scoped3A : memref<!tpu.dma_semaphore, #tpu.memory_space<semaphore_mem>>) src(%arg14 : memref<320xi32, #tpu.memory_space<vmem>>) dst(%dma_wait3A_58 : memref<320xi32, #tpu.memory_space<hbm>>)
      tpu.yield
    }) : () -> ()
    return
  }
}

#map = affine_map<(d0, d1) -> (0, 0)>
module attributes {stable_mosaic.version = 14 : i64} {
  func.func @body(%arg0: i32, %arg1: i32, %arg2: memref<32x320xi32, #tpu.memory_space<hbm>>, %arg3: memref<358400x64xf32, #tpu.memory_space<hbm>>, %arg4: memref<10000x64xf32, #tpu.memory_space<hbm>>, %arg5: memref<320xi32, #tpu.memory_space<vmem>>, %arg6: memref<5120xi32, #tpu.memory_space<vmem>>, %arg7: memref<2x400x64xf32, #tpu.memory_space<vmem>>, %arg8: memref<320x64xf32, #tpu.memory_space<vmem>>, %arg9: memref<2x!tpu.dma_semaphore, #tpu.memory_space<semaphore_mem>>) attributes {dimension_semantics = [#tpu.dimension_semantics<core_parallel>, #tpu.dimension_semantics<subcore_parallel>], iteration_bounds = array<i64: 2, 16>, scalar_prefetch = 0 : i64, scratch_operands = 5 : i64, tpu.core_type = #tpu.core_type<sc_vector_subcore>, window_params = [{transform_indices = #map}, {transform_indices = #map}, {transform_indices = #map}]} {
    %mul3A = arith.constant 2 : i32
    %mul3A_0 = arith.muli %arg1, %mul3A : i32
    %add3A = arith.addi %mul3A_0, %arg0 : i32
    %mul3A_1 = arith.constant 313 : i32
    %mul3A_2 = arith.muli %add3A, %mul3A_1 : i32
    %broadcast_in_dim3A = arith.constant 0.000000e+00 : f32
    %broadcast_in_dim3A_3 = vector.broadcast %broadcast_in_dim3A : f32 to vector<16xf32>
    %scan3A = arith.constant 0 : i32
    %scan3A_4 = arith.constant 0 : i32
    %scan3A_5 = arith.constant 320 : i32
    %scan3A_6 = arith.addi %scan3A_4, %scan3A_5 : i32
    %scan3A_7 = arith.constant 1 : i32
    scf.for %scan3A_49 = %scan3A_4 to %scan3A_6 step %scan3A_7  : i32 {
      %swap3A = arith.index_cast %scan3A_49 : i32 to index
      %swap3A_50 = arith.constant 0 : index
      %swap3A_51 = tpu.vector_load %arg8[%swap3A, %swap3A_50] {strides = array<i32>} : memref<320x64xf32, #tpu.memory_space<vmem>>, vector<16xf32>,
      tpu.vector_store %arg8[%swap3A, %swap3A_50], %broadcast_in_dim3A_3 {strides = array<i32>} : memref<320x64xf32, #tpu.memory_space<vmem>>, vector<16xf32>,
      %swap3A_52 = arith.index_cast %scan3A_49 : i32 to index
      %swap3A_53 = arith.constant 16 : index
      %swap3A_54 = tpu.vector_load %arg8[%swap3A_52, %swap3A_53] {strides = array<i32>} : memref<320x64xf32, #tpu.memory_space<vmem>>, vector<16xf32>,
      tpu.vector_store %arg8[%swap3A_52, %swap3A_53], %broadcast_in_dim3A_3 {strides = array<i32>} : memref<320x64xf32, #tpu.memory_space<vmem>>, vector<16xf32>,
      %swap3A_55 = arith.index_cast %scan3A_49 : i32 to index
      %swap3A_56 = arith.constant 32 : index
      %swap3A_57 = tpu.vector_load %arg8[%swap3A_55, %swap3A_56] {strides = array<i32>} : memref<320x64xf32, #tpu.memory_space<vmem>>, vector<16xf32>,
      tpu.vector_store %arg8[%swap3A_55, %swap3A_56], %broadcast_in_dim3A_3 {strides = array<i32>} : memref<320x64xf32, #tpu.memory_space<vmem>>, vector<16xf32>,
      %swap3A_58 = arith.index_cast %scan3A_49 : i32 to index
      %swap3A_59 = arith.constant 48 : index
      %swap3A_60 = tpu.vector_load %arg8[%swap3A_58, %swap3A_59] {strides = array<i32>} : memref<320x64xf32, #tpu.memory_space<vmem>>, vector<16xf32>,
      tpu.vector_store %arg8[%swap3A_58, %swap3A_59], %broadcast_in_dim3A_3 {strides = array<i32>} : memref<320x64xf32, #tpu.memory_space<vmem>>, vector<16xf32>,
    }
    %scan3A_8 = arith.constant 320 : i32
    "tpu.region"() ({
      %run_scoped3A = tpu.sem_alloc : memref<!tpu.dma_semaphore, #tpu.memory_space<semaphore_mem>>
      %dma_start3A_49 = arith.constant 0 : i32
      %dma_start3A_50 = tpu.memref_slice %arg2[%add3A, %dma_start3A_49] : memref<32x320xi32, #tpu.memory_space<hbm>> -> memref<1x320xi32, #tpu.memory_space<hbm>>
      %dma_start3A_51 = tpu.memref_squeeze %dma_start3A_50 : memref<1x320xi32, #tpu.memory_space<hbm>> -> memref<320xi32, #tpu.memory_space<hbm>>
      %dma_start3A_52 = arith.constant 0 : i32
      %dma_start3A_53 = tpu.memref_slice %arg2[%add3A, %dma_start3A_52] : memref<32x320xi32, #tpu.memory_space<hbm>> -> memref<1x320xi32, #tpu.memory_space<hbm>>
      %dma_start3A_54 = tpu.memref_squeeze %dma_start3A_53 : memref<1x320xi32, #tpu.memory_space<hbm>> -> memref<320xi32, #tpu.memory_space<hbm>>
      tpu.enqueue_dma source(%dma_start3A_54 : memref<320xi32, #tpu.memory_space<hbm>>) target(%arg5 : memref<320xi32, #tpu.memory_space<vmem>>) target_semaphore(%run_scoped3A : memref<!tpu.dma_semaphore, #tpu.memory_space<semaphore_mem>>)
      %dma_wait3A = arith.constant 0 : i32
      %dma_wait3A_55 = tpu.memref_slice %arg2[%add3A, %dma_wait3A] : memref<32x320xi32, #tpu.memory_space<hbm>> -> memref<1x320xi32, #tpu.memory_space<hbm>>
      %dma_wait3A_56 = tpu.memref_squeeze %dma_wait3A_55 : memref<1x320xi32, #tpu.memory_space<hbm>> -> memref<320xi32, #tpu.memory_space<hbm>>
      %dma_wait3A_57 = arith.constant 0 : i32
      %dma_wait3A_58 = tpu.memref_slice %arg2[%add3A, %dma_wait3A_57] : memref<32x320xi32, #tpu.memory_space<hbm>> -> memref<1x320xi32, #tpu.memory_space<hbm>>
      %dma_wait3A_59 = tpu.memref_squeeze %dma_wait3A_58 : memref<1x320xi32, #tpu.memory_space<hbm>> -> memref<320xi32, #tpu.memory_space<hbm>>
      tpu.wait_dma2 semaphore(%run_scoped3A : memref<!tpu.dma_semaphore, #tpu.memory_space<semaphore_mem>>) src(%dma_wait3A_59 : memref<320xi32, #tpu.memory_space<hbm>>) dst(%arg5 : memref<320xi32, #tpu.memory_space<vmem>>)
      tpu.yield
    }) : () -> ()
    %scan3A_9 = arith.constant 0 : i32
    %scan3A_10 = arith.constant 0 : i32
    %scan3A_11 = arith.constant 20 : i32
    %scan3A_12 = arith.addi %scan3A_10, %scan3A_11 : i32
    %scan3A_13 = arith.constant 1 : i32
    scf.for %scan3A_49 = %scan3A_10 to %scan3A_12 step %scan3A_13  : i32 {
      %mul3A_50 = arith.constant 16 : i32
      %mul3A_51 = arith.muli %scan3A_49, %mul3A_50 : i32
      %get3A_52 = arith.index_cast %mul3A_51 : i32 to index
      %get3A_53 = tpu.vector_load %arg5[%get3A_52] {strides = array<i32>} : memref<320xi32, #tpu.memory_space<vmem>>, vector<16xi32>,
      %slice3A_54 = vector.extract_strided_slice %get3A_53 {offsets = [0], sizes = [1], strides = [1]} : vector<16xi32> to vector<1xi32>
      %squeeze3A_55 = vector.extract %slice3A_54[0] : i32 from vector<1xi32>
      %broadcast_in_dim3A_56 = vector.broadcast %squeeze3A_55 : i32 to vector<16xi32>
      %mul3A_57 = arith.constant 256 : i32
      %mul3A_58 = arith.muli %scan3A_49, %mul3A_57 : i32
      %add3A_59 = arith.constant 0 : i32
      %add3A_60 = arith.addi %mul3A_58, %add3A_59 : i32
      %swap3A = arith.index_cast %add3A_60 : i32 to index
      %swap3A_61 = tpu.vector_load %arg6[%swap3A] {strides = array<i32>} : memref<5120xi32, #tpu.memory_space<vmem>>, vector<16xi32>,
      tpu.vector_store %arg6[%swap3A], %broadcast_in_dim3A_56 {strides = array<i32>} : memref<5120xi32, #tpu.memory_space<vmem>>, vector<16xi32>,
      %slice3A_62 = vector.extract_strided_slice %get3A_53 {offsets = [1], sizes = [1], strides = [1]} : vector<16xi32> to vector<1xi32>
      %squeeze3A_63 = vector.extract %slice3A_62[0] : i32 from vector<1xi32>
      %broadcast_in_dim3A_64 = vector.broadcast %squeeze3A_63 : i32 to vector<16xi32>
      %mul3A_65 = arith.constant 256 : i32
      %mul3A_66 = arith.muli %scan3A_49, %mul3A_65 : i32
      %add3A_67 = arith.constant 16 : i32
      %add3A_68 = arith.addi %mul3A_66, %add3A_67 : i32
      %swap3A_69 = arith.index_cast %add3A_68 : i32 to index
      %swap3A_70 = tpu.vector_load %arg6[%swap3A_69] {strides = array<i32>} : memref<5120xi32, #tpu.memory_space<vmem>>, vector<16xi32>,
      tpu.vector_store %arg6[%swap3A_69], %broadcast_in_dim3A_64 {strides = array<i32>} : memref<5120xi32, #tpu.memory_space<vmem>>, vector<16xi32>,
      %slice3A_71 = vector.extract_strided_slice %get3A_53 {offsets = [2], sizes = [1], strides = [1]} : vector<16xi32> to vector<1xi32>
      %squeeze3A_72 = vector.extract %slice3A_71[0] : i32 from vector<1xi32>
      %broadcast_in_dim3A_73 = vector.broadcast %squeeze3A_72 : i32 to vector<16xi32>
      %mul3A_74 = arith.constant 256 : i32
      %mul3A_75 = arith.muli %scan3A_49, %mul3A_74 : i32
      %add3A_76 = arith.constant 32 : i32
      %add3A_77 = arith.addi %mul3A_75, %add3A_76 : i32
      %swap3A_78 = arith.index_cast %add3A_77 : i32 to index
      %swap3A_79 = tpu.vector_load %arg6[%swap3A_78] {strides = array<i32>} : memref<5120xi32, #tpu.memory_space<vmem>>, vector<16xi32>,
      tpu.vector_store %arg6[%swap3A_78], %broadcast_in_dim3A_73 {strides = array<i32>} : memref<5120xi32, #tpu.memory_space<vmem>>, vector<16xi32>,
      %slice3A_80 = vector.extract_strided_slice %get3A_53 {offsets = [3], sizes = [1], strides = [1]} : vector<16xi32> to vector<1xi32>
      %squeeze3A_81 = vector.extract %slice3A_80[0] : i32 from vector<1xi32>
      %broadcast_in_dim3A_82 = vector.broadcast %squeeze3A_81 : i32 to vector<16xi32>
      %mul3A_83 = arith.constant 256 : i32
      %mul3A_84 = arith.muli %scan3A_49, %mul3A_83 : i32
      %add3A_85 = arith.constant 48 : i32
      %add3A_86 = arith.addi %mul3A_84, %add3A_85 : i32
      %swap3A_87 = arith.index_cast %add3A_86 : i32 to index
      %swap3A_88 = tpu.vector_load %arg6[%swap3A_87] {strides = array<i32>} : memref<5120xi32, #tpu.memory_space<vmem>>, vector<16xi32>,
      tpu.vector_store %arg6[%swap3A_87], %broadcast_in_dim3A_82 {strides = array<i32>} : memref<5120xi32, #tpu.memory_space<vmem>>, vector<16xi32>,
      %slice3A_89 = vector.extract_strided_slice %get3A_53 {offsets = [4], sizes = [1], strides = [1]} : vector<16xi32> to vector<1xi32>
      %squeeze3A_90 = vector.extract %slice3A_89[0] : i32 from vector<1xi32>
      %broadcast_in_dim3A_91 = vector.broadcast %squeeze3A_90 : i32 to vector<16xi32>
      %mul3A_92 = arith.constant 256 : i32
      %mul3A_93 = arith.muli %scan3A_49, %mul3A_92 : i32
      %add3A_94 = arith.constant 64 : i32
      %add3A_95 = arith.addi %mul3A_93, %add3A_94 : i32
      %swap3A_96 = arith.index_cast %add3A_95 : i32 to index
      %swap3A_97 = tpu.vector_load %arg6[%swap3A_96] {strides = array<i32>} : memref<5120xi32, #tpu.memory_space<vmem>>, vector<16xi32>,
      tpu.vector_store %arg6[%swap3A_96], %broadcast_in_dim3A_91 {strides = array<i32>} : memref<5120xi32, #tpu.memory_space<vmem>>, vector<16xi32>,
      %slice3A_98 = vector.extract_strided_slice %get3A_53 {offsets = [5], sizes = [1], strides = [1]} : vector<16xi32> to vector<1xi32>
      %squeeze3A_99 = vector.extract %slice3A_98[0] : i32 from vector<1xi32>
      %broadcast_in_dim3A_100 = vector.broadcast %squeeze3A_99 : i32 to vector<16xi32>
      %mul3A_101 = arith.constant 256 : i32
      %mul3A_102 = arith.muli %scan3A_49, %mul3A_101 : i32
      %add3A_103 = arith.constant 80 : i32
      %add3A_104 = arith.addi %mul3A_102, %add3A_103 : i32
      %swap3A_105 = arith.index_cast %add3A_104 : i32 to index
      %swap3A_106 = tpu.vector_load %arg6[%swap3A_105] {strides = array<i32>} : memref<5120xi32, #tpu.memory_space<vmem>>, vector<16xi32>,
      tpu.vector_store %arg6[%swap3A_105], %broadcast_in_dim3A_100 {strides = array<i32>} : memref<5120xi32, #tpu.memory_space<vmem>>, vector<16xi32>,
      %slice3A_107 = vector.extract_strided_slice %get3A_53 {offsets = [6], sizes = [1], strides = [1]} : vector<16xi32> to vector<1xi32>
      %squeeze3A_108 = vector.extract %slice3A_107[0] : i32 from vector<1xi32>
      %broadcast_in_dim3A_109 = vector.broadcast %squeeze3A_108 : i32 to vector<16xi32>
      %mul3A_110 = arith.constant 256 : i32
      %mul3A_111 = arith.muli %scan3A_49, %mul3A_110 : i32
      %add3A_112 = arith.constant 96 : i32
      %add3A_113 = arith.addi %mul3A_111, %add3A_112 : i32
      %swap3A_114 = arith.index_cast %add3A_113 : i32 to index
      %swap3A_115 = tpu.vector_load %arg6[%swap3A_114] {strides = array<i32>} : memref<5120xi32, #tpu.memory_space<vmem>>, vector<16xi32>,
      tpu.vector_store %arg6[%swap3A_114], %broadcast_in_dim3A_109 {strides = array<i32>} : memref<5120xi32, #tpu.memory_space<vmem>>, vector<16xi32>,
      %slice3A_116 = vector.extract_strided_slice %get3A_53 {offsets = [7], sizes = [1], strides = [1]} : vector<16xi32> to vector<1xi32>
      %squeeze3A_117 = vector.extract %slice3A_116[0] : i32 from vector<1xi32>
      %broadcast_in_dim3A_118 = vector.broadcast %squeeze3A_117 : i32 to vector<16xi32>
      %mul3A_119 = arith.constant 256 : i32
      %mul3A_120 = arith.muli %scan3A_49, %mul3A_119 : i32
      %add3A_121 = arith.constant 112 : i32
      %add3A_122 = arith.addi %mul3A_120, %add3A_121 : i32
      %swap3A_123 = arith.index_cast %add3A_122 : i32 to index
      %swap3A_124 = tpu.vector_load %arg6[%swap3A_123] {strides = array<i32>} : memref<5120xi32, #tpu.memory_space<vmem>>, vector<16xi32>,
      tpu.vector_store %arg6[%swap3A_123], %broadcast_in_dim3A_118 {strides = array<i32>} : memref<5120xi32, #tpu.memory_space<vmem>>, vector<16xi32>,
      %slice3A_125 = vector.extract_strided_slice %get3A_53 {offsets = [8], sizes = [1], strides = [1]} : vector<16xi32> to vector<1xi32>
      %squeeze3A_126 = vector.extract %slice3A_125[0] : i32 from vector<1xi32>
      %broadcast_in_dim3A_127 = vector.broadcast %squeeze3A_126 : i32 to vector<16xi32>
      %mul3A_128 = arith.constant 256 : i32
      %mul3A_129 = arith.muli %scan3A_49, %mul3A_128 : i32
      %add3A_130 = arith.constant 128 : i32
      %add3A_131 = arith.addi %mul3A_129, %add3A_130 : i32
      %swap3A_132 = arith.index_cast %add3A_131 : i32 to index
      %swap3A_133 = tpu.vector_load %arg6[%swap3A_132] {strides = array<i32>} : memref<5120xi32, #tpu.memory_space<vmem>>, vector<16xi32>,
      tpu.vector_store %arg6[%swap3A_132], %broadcast_in_dim3A_127 {strides = array<i32>} : memref<5120xi32, #tpu.memory_space<vmem>>, vector<16xi32>,
      %slice3A_134 = vector.extract_strided_slice %get3A_53 {offsets = [9], sizes = [1], strides = [1]} : vector<16xi32> to vector<1xi32>
      %squeeze3A_135 = vector.extract %slice3A_134[0] : i32 from vector<1xi32>
      %broadcast_in_dim3A_136 = vector.broadcast %squeeze3A_135 : i32 to vector<16xi32>
      %mul3A_137 = arith.constant 256 : i32
      %mul3A_138 = arith.muli %scan3A_49, %mul3A_137 : i32
      %add3A_139 = arith.constant 144 : i32
      %add3A_140 = arith.addi %mul3A_138, %add3A_139 : i32
      %swap3A_141 = arith.index_cast %add3A_140 : i32 to index
      %swap3A_142 = tpu.vector_load %arg6[%swap3A_141] {strides = array<i32>} : memref<5120xi32, #tpu.memory_space<vmem>>, vector<16xi32>,
      tpu.vector_store %arg6[%swap3A_141], %broadcast_in_dim3A_136 {strides = array<i32>} : memref<5120xi32, #tpu.memory_space<vmem>>, vector<16xi32>,
      %slice3A_143 = vector.extract_strided_slice %get3A_53 {offsets = [10], sizes = [1], strides = [1]} : vector<16xi32> to vector<1xi32>
      %squeeze3A_144 = vector.extract %slice3A_143[0] : i32 from vector<1xi32>
      %broadcast_in_dim3A_145 = vector.broadcast %squeeze3A_144 : i32 to vector<16xi32>
      %mul3A_146 = arith.constant 256 : i32
      %mul3A_147 = arith.muli %scan3A_49, %mul3A_146 : i32
      %add3A_148 = arith.constant 160 : i32
      %add3A_149 = arith.addi %mul3A_147, %add3A_148 : i32
      %swap3A_150 = arith.index_cast %add3A_149 : i32 to index
      %swap3A_151 = tpu.vector_load %arg6[%swap3A_150] {strides = array<i32>} : memref<5120xi32, #tpu.memory_space<vmem>>, vector<16xi32>,
      tpu.vector_store %arg6[%swap3A_150], %broadcast_in_dim3A_145 {strides = array<i32>} : memref<5120xi32, #tpu.memory_space<vmem>>, vector<16xi32>,
      %slice3A_152 = vector.extract_strided_slice %get3A_53 {offsets = [11], sizes = [1], strides = [1]} : vector<16xi32> to vector<1xi32>
      %squeeze3A_153 = vector.extract %slice3A_152[0] : i32 from vector<1xi32>
      %broadcast_in_dim3A_154 = vector.broadcast %squeeze3A_153 : i32 to vector<16xi32>
      %mul3A_155 = arith.constant 256 : i32
      %mul3A_156 = arith.muli %scan3A_49, %mul3A_155 : i32
      %add3A_157 = arith.constant 176 : i32
      %add3A_158 = arith.addi %mul3A_156, %add3A_157 : i32
      %swap3A_159 = arith.index_cast %add3A_158 : i32 to index
      %swap3A_160 = tpu.vector_load %arg6[%swap3A_159] {strides = array<i32>} : memref<5120xi32, #tpu.memory_space<vmem>>, vector<16xi32>,
      tpu.vector_store %arg6[%swap3A_159], %broadcast_in_dim3A_154 {strides = array<i32>} : memref<5120xi32, #tpu.memory_space<vmem>>, vector<16xi32>,
      %slice3A_161 = vector.extract_strided_slice %get3A_53 {offsets = [12], sizes = [1], strides = [1]} : vector<16xi32> to vector<1xi32>
      %squeeze3A_162 = vector.extract %slice3A_161[0] : i32 from vector<1xi32>
      %broadcast_in_dim3A_163 = vector.broadcast %squeeze3A_162 : i32 to vector<16xi32>
      %mul3A_164 = arith.constant 256 : i32
      %mul3A_165 = arith.muli %scan3A_49, %mul3A_164 : i32
      %add3A_166 = arith.constant 192 : i32
      %add3A_167 = arith.addi %mul3A_165, %add3A_166 : i32
      %swap3A_168 = arith.index_cast %add3A_167 : i32 to index
      %swap3A_169 = tpu.vector_load %arg6[%swap3A_168] {strides = array<i32>} : memref<5120xi32, #tpu.memory_space<vmem>>, vector<16xi32>,
      tpu.vector_store %arg6[%swap3A_168], %broadcast_in_dim3A_163 {strides = array<i32>} : memref<5120xi32, #tpu.memory_space<vmem>>, vector<16xi32>,
      %slice3A_170 = vector.extract_strided_slice %get3A_53 {offsets = [13], sizes = [1], strides = [1]} : vector<16xi32> to vector<1xi32>
      %squeeze3A_171 = vector.extract %slice3A_170[0] : i32 from vector<1xi32>
      %broadcast_in_dim3A_172 = vector.broadcast %squeeze3A_171 : i32 to vector<16xi32>
      %mul3A_173 = arith.constant 256 : i32
      %mul3A_174 = arith.muli %scan3A_49, %mul3A_173 : i32
      %add3A_175 = arith.constant 208 : i32
      %add3A_176 = arith.addi %mul3A_174, %add3A_175 : i32
      %swap3A_177 = arith.index_cast %add3A_176 : i32 to index
      %swap3A_178 = tpu.vector_load %arg6[%swap3A_177] {strides = array<i32>} : memref<5120xi32, #tpu.memory_space<vmem>>, vector<16xi32>,
      tpu.vector_store %arg6[%swap3A_177], %broadcast_in_dim3A_172 {strides = array<i32>} : memref<5120xi32, #tpu.memory_space<vmem>>, vector<16xi32>,
      %slice3A_179 = vector.extract_strided_slice %get3A_53 {offsets = [14], sizes = [1], strides = [1]} : vector<16xi32> to vector<1xi32>
      %squeeze3A_180 = vector.extract %slice3A_179[0] : i32 from vector<1xi32>
      %broadcast_in_dim3A_181 = vector.broadcast %squeeze3A_180 : i32 to vector<16xi32>
      %mul3A_182 = arith.constant 256 : i32
      %mul3A_183 = arith.muli %scan3A_49, %mul3A_182 : i32
      %add3A_184 = arith.constant 224 : i32
      %add3A_185 = arith.addi %mul3A_183, %add3A_184 : i32
      %swap3A_186 = arith.index_cast %add3A_185 : i32 to index
      %swap3A_187 = tpu.vector_load %arg6[%swap3A_186] {strides = array<i32>} : memref<5120xi32, #tpu.memory_space<vmem>>, vector<16xi32>,
      tpu.vector_store %arg6[%swap3A_186], %broadcast_in_dim3A_181 {strides = array<i32>} : memref<5120xi32, #tpu.memory_space<vmem>>, vector<16xi32>,
      %slice3A_188 = vector.extract_strided_slice %get3A_53 {offsets = [15], sizes = [1], strides = [1]} : vector<16xi32> to vector<1xi32>
      %squeeze3A_189 = vector.extract %slice3A_188[0] : i32 from vector<1xi32>
      %broadcast_in_dim3A_190 = vector.broadcast %squeeze3A_189 : i32 to vector<16xi32>
      %mul3A_191 = arith.constant 256 : i32
      %mul3A_192 = arith.muli %scan3A_49, %mul3A_191 : i32
      %add3A_193 = arith.constant 240 : i32
      %add3A_194 = arith.addi %mul3A_192, %add3A_193 : i32
      %swap3A_195 = arith.index_cast %add3A_194 : i32 to index
      %swap3A_196 = tpu.vector_load %arg6[%swap3A_195] {strides = array<i32>} : memref<5120xi32, #tpu.memory_space<vmem>>, vector<16xi32>,
      tpu.vector_store %arg6[%swap3A_195], %broadcast_in_dim3A_190 {strides = array<i32>} : memref<5120xi32, #tpu.memory_space<vmem>>, vector<16xi32>,
    }
    %scan3A_14 = arith.constant 20 : i32
    %get3A = arith.constant 5008 : index
    %get3A_15 = tpu.vector_load %arg6[%get3A] {strides = array<i32>} : memref<5120xi32, #tpu.memory_space<vmem>>, vector<16xi32>,
    %slice3A = vector.extract_strided_slice %get3A_15 {offsets = [0], sizes = [1], strides = [1]} : vector<16xi32> to vector<1xi32>
    %squeeze3A = vector.extract %slice3A[0] : i32 from vector<1xi32>
    %mul3A_16 = arith.constant 11200 : i32
    %mul3A_17 = arith.muli %add3A, %mul3A_16 : i32
    %add3A_18 = arith.constant 0 : i32
    %add3A_19 = arith.addi %mul3A_17, %add3A_18 : i32
    %dma_start3A = arith.constant 0 : i32
    %dma_start3A_20 = arith.constant 0 : i32
    %dma_start3A_21 = arith.constant 0 : i32
    %dma_start3A_22 = arith.constant 0 : i32
    %dma_start3A_23 = tpu.memref_slice %arg7[%dma_start3A, %dma_start3A_21, %dma_start3A_22] : memref<2x400x64xf32, #tpu.memory_space<vmem>> -> memref<1x400x64xf32, #tpu.memory_space<vmem>>
    %dma_start3A_24 = tpu.memref_squeeze %dma_start3A_23 : memref<1x400x64xf32, #tpu.memory_space<vmem>> -> memref<400x64xf32, #tpu.memory_space<vmem>>
    %dma_start3A_25 = arith.constant 0 : i32
    %dma_start3A_26 = tpu.memref_slice %arg3[%add3A_19, %dma_start3A_25] : memref<358400x64xf32, #tpu.memory_space<hbm>> -> memref<400x64xf32, #tpu.memory_space<hbm>>
    %dma_start3A_27 = tpu.memref_slice %arg9[%dma_start3A_20] : memref<2x!tpu.dma_semaphore, #tpu.memory_space<semaphore_mem>> -> memref<1x!tpu.dma_semaphore, #tpu.memory_space<semaphore_mem>>
    %dma_start3A_28 = tpu.memref_squeeze %dma_start3A_27 : memref<1x!tpu.dma_semaphore, #tpu.memory_space<semaphore_mem>> -> memref<!tpu.dma_semaphore, #tpu.memory_space<semaphore_mem>>
    %dma_start3A_29 = arith.constant 0 : i32
    %dma_start3A_30 = arith.constant 0 : i32
    %dma_start3A_31 = tpu.memref_slice %arg7[%dma_start3A, %dma_start3A_29, %dma_start3A_30] : memref<2x400x64xf32, #tpu.memory_space<vmem>> -> memref<1x400x64xf32, #tpu.memory_space<vmem>>
    %dma_start3A_32 = tpu.memref_squeeze %dma_start3A_31 : memref<1x400x64xf32, #tpu.memory_space<vmem>> -> memref<400x64xf32, #tpu.memory_space<vmem>>
    %dma_start3A_33 = arith.constant 0 : i32
    %dma_start3A_34 = tpu.memref_slice %arg3[%add3A_19, %dma_start3A_33] : memref<358400x64xf32, #tpu.memory_space<hbm>> -> memref<400x64xf32, #tpu.memory_space<hbm>>
    tpu.enqueue_dma source(%dma_start3A_34 : memref<400x64xf32, #tpu.memory_space<hbm>>) target(%dma_start3A_32 : memref<400x64xf32, #tpu.memory_space<vmem>>) target_semaphore(%dma_start3A_28 : memref<!tpu.dma_semaphore, #tpu.memory_space<semaphore_mem>>)
    %scan3A_35 = arith.constant 0 : i32
    %scan3A_36 = arith.constant 0 : i32
    %scan3A_37 = arith.constant 0 : i32
    %scan3A_38 = arith.constant 14 : i32
    %scan3A_39 = arith.addi %scan3A_37, %scan3A_38 : i32
    %scan3A_40 = arith.constant 1 : i32
    %scan3A_41:2 = scf.for %scan3A_49 = %scan3A_37 to %scan3A_39 step %scan3A_40 iter_args(%scan3A_50 = %scan3A_35, %scan3A_51 = %scan3A_36) -> (i32, i32)  : i32 {
      %mul3A_52 = arith.constant 2 : i32
      %mul3A_53 = arith.muli %mul3A_52, %scan3A_49 : i32
      %add3A_54 = arith.constant 0 : i32
      %add3A_55 = arith.addi %mul3A_53, %add3A_54 : i32
      %add3A_56 = arith.constant 1 : i32
      %add3A_57 = arith.addi %add3A_55, %add3A_56 : i32
      %lt3A = arith.constant 28 : i32
      %lt3A_58 = arith.cmpi slt, %add3A_57, %lt3A : i32
      %convert_element_type3A_59 = arith.extui %lt3A_58 : i1 to i32
      %cond3A_60 = arith.constant 0 : i32
      %cond3A_61 = arith.cmpi ne, %convert_element_type3A_59, %cond3A_60 : i32
      scf.if %cond3A_61 {
        %add3A_125 = arith.constant 1 : i32
        %add3A_126 = arith.addi %add3A_55, %add3A_125 : i32
        %mul3A_127 = arith.constant 400 : i32
        %mul3A_128 = arith.muli %add3A_126, %mul3A_127 : i32
        %add3A_129 = arith.addi %mul3A_17, %mul3A_128 : i32
        %dma_start3A_130 = arith.constant 1 : i32
        %dma_start3A_131 = arith.constant 1 : i32
        %dma_start3A_132 = arith.constant 0 : i32
        %dma_start3A_133 = arith.constant 0 : i32
        %dma_start3A_134 = tpu.memref_slice %arg7[%dma_start3A_130, %dma_start3A_132, %dma_start3A_133] : memref<2x400x64xf32, #tpu.memory_space<vmem>> -> memref<1x400x64xf32, #tpu.memory_space<vmem>>
        %dma_start3A_135 = tpu.memref_squeeze %dma_start3A_134 : memref<1x400x64xf32, #tpu.memory_space<vmem>> -> memref<400x64xf32, #tpu.memory_space<vmem>>
        %dma_start3A_136 = arith.constant 0 : i32
        %dma_start3A_137 = tpu.memref_slice %arg3[%add3A_129, %dma_start3A_136] : memref<358400x64xf32, #tpu.memory_space<hbm>> -> memref<400x64xf32, #tpu.memory_space<hbm>>
        %dma_start3A_138 = tpu.memref_slice %arg9[%dma_start3A_131] : memref<2x!tpu.dma_semaphore, #tpu.memory_space<semaphore_mem>> -> memref<1x!tpu.dma_semaphore, #tpu.memory_space<semaphore_mem>>
        %dma_start3A_139 = tpu.memref_squeeze %dma_start3A_138 : memref<1x!tpu.dma_semaphore, #tpu.memory_space<semaphore_mem>> -> memref<!tpu.dma_semaphore, #tpu.memory_space<semaphore_mem>>
        %dma_start3A_140 = arith.constant 0 : i32
        %dma_start3A_141 = arith.constant 0 : i32
        %dma_start3A_142 = tpu.memref_slice %arg7[%dma_start3A_130, %dma_start3A_140, %dma_start3A_141] : memref<2x400x64xf32, #tpu.memory_space<vmem>> -> memref<1x400x64xf32, #tpu.memory_space<vmem>>
        %dma_start3A_143 = tpu.memref_squeeze %dma_start3A_142 : memref<1x400x64xf32, #tpu.memory_space<vmem>> -> memref<400x64xf32, #tpu.memory_space<vmem>>
        %dma_start3A_144 = arith.constant 0 : i32
        %dma_start3A_145 = tpu.memref_slice %arg3[%add3A_129, %dma_start3A_144] : memref<358400x64xf32, #tpu.memory_space<hbm>> -> memref<400x64xf32, #tpu.memory_space<hbm>>
        tpu.enqueue_dma source(%dma_start3A_145 : memref<400x64xf32, #tpu.memory_space<hbm>>) target(%dma_start3A_143 : memref<400x64xf32, #tpu.memory_space<vmem>>) target_semaphore(%dma_start3A_139 : memref<!tpu.dma_semaphore, #tpu.memory_space<semaphore_mem>>)
      } else {
      }
      %mul3A_62 = arith.constant 400 : i32
      %mul3A_63 = arith.muli %add3A_55, %mul3A_62 : i32
      %add3A_64 = arith.addi %mul3A_17, %mul3A_63 : i32
      %dma_wait3A = arith.constant 0 : i32
      %dma_wait3A_65 = arith.constant 0 : i32
      %dma_wait3A_66 = arith.constant 0 : i32
      %dma_wait3A_67 = arith.constant 0 : i32
      %dma_wait3A_68 = tpu.memref_slice %arg7[%dma_wait3A, %dma_wait3A_66, %dma_wait3A_67] : memref<2x400x64xf32, #tpu.memory_space<vmem>> -> memref<1x400x64xf32, #tpu.memory_space<vmem>>
      %dma_wait3A_69 = tpu.memref_squeeze %dma_wait3A_68 : memref<1x400x64xf32, #tpu.memory_space<vmem>> -> memref<400x64xf32, #tpu.memory_space<vmem>>
      %dma_wait3A_70 = arith.constant 0 : i32
      %dma_wait3A_71 = tpu.memref_slice %arg3[%add3A_64, %dma_wait3A_70] : memref<358400x64xf32, #tpu.memory_space<hbm>> -> memref<400x64xf32, #tpu.memory_space<hbm>>
      %dma_wait3A_72 = tpu.memref_slice %arg9[%dma_wait3A_65] : memref<2x!tpu.dma_semaphore, #tpu.memory_space<semaphore_mem>> -> memref<1x!tpu.dma_semaphore, #tpu.memory_space<semaphore_mem>>
      %dma_wait3A_73 = tpu.memref_squeeze %dma_wait3A_72 : memref<1x!tpu.dma_semaphore, #tpu.memory_space<semaphore_mem>> -> memref<!tpu.dma_semaphore, #tpu.memory_space<semaphore_mem>>
      %dma_wait3A_74 = arith.constant 0 : i32
      %dma_wait3A_75 = arith.constant 0 : i32
      %dma_wait3A_76 = tpu.memref_slice %arg7[%dma_wait3A, %dma_wait3A_74, %dma_wait3A_75] : memref<2x400x64xf32, #tpu.memory_space<vmem>> -> memref<1x400x64xf32, #tpu.memory_space<vmem>>
      %dma_wait3A_77 = tpu.memref_squeeze %dma_wait3A_76 : memref<1x400x64xf32, #tpu.memory_space<vmem>> -> memref<400x64xf32, #tpu.memory_space<vmem>>
      %dma_wait3A_78 = arith.constant 0 : i32
      %dma_wait3A_79 = tpu.memref_slice %arg3[%add3A_64, %dma_wait3A_78] : memref<358400x64xf32, #tpu.memory_space<hbm>> -> memref<400x64xf32, #tpu.memory_space<hbm>>
      tpu.wait_dma2 semaphore(%dma_wait3A_73 : memref<!tpu.dma_semaphore, #tpu.memory_space<semaphore_mem>>) src(%dma_wait3A_79 : memref<400x64xf32, #tpu.memory_space<hbm>>) dst(%dma_wait3A_77 : memref<400x64xf32, #tpu.memory_space<vmem>>)
      %mul3A_80 = arith.constant 400 : i32
      %mul3A_81 = arith.muli %add3A_55, %mul3A_80 : i32
      %add3A_82 = arith.constant 1 : i32
      %add3A_83 = arith.addi %add3A_55, %add3A_82 : i32
      %mul3A_84 = arith.constant 400 : i32
      %mul3A_85 = arith.muli %add3A_83, %mul3A_84 : i32
      %min3A = arith.minsi %mul3A_85, %squeeze3A : i32
      %max3A = arith.maxsi %scan3A_51, %mul3A_81 : i32
      %while3A:2 = scf.while (%while3A_125 = %scan3A_50, %while3A_126 = %max3A) : (i32, i32) -> (i32, i32) {
        %lt3A_127 = arith.cmpi slt, %while3A_126, %min3A : i32
        scf.condition(%lt3A_127) %while3A_125, %while3A_126 : i32, i32
      } do {
      ^bb0(%while3A_125: i32, %while3A_126: i32):
        %add3A_127 = arith.constant 1 : i32
        %add3A_128 = arith.addi %while3A_125, %add3A_127 : i32
        %mul3A_129 = arith.constant 16 : i32
        %mul3A_130 = arith.muli %add3A_128, %mul3A_129 : i32
        %get3A_131 = arith.index_cast %mul3A_130 : i32 to index
        %get3A_132 = tpu.vector_load %arg6[%get3A_131] {strides = array<i32>} : memref<5120xi32, #tpu.memory_space<vmem>>, vector<16xi32>,
        %slice3A_133 = vector.extract_strided_slice %get3A_132 {offsets = [0], sizes = [1], strides = [1]} : vector<16xi32> to vector<1xi32>
        %squeeze3A_134 = vector.extract %slice3A_133[0] : i32 from vector<1xi32>
        %min3A_135 = arith.minsi %squeeze3A_134, %min3A : i32
        %get3A_136 = arith.index_cast %while3A_125 : i32 to index
        %get3A_137 = arith.constant 0 : index
        %get3A_138 = tpu.vector_load %arg8[%get3A_136, %get3A_137] {strides = array<i32>} : memref<320x64xf32, #tpu.memory_space<vmem>>, vector<16xf32>,
        %get3A_139 = arith.index_cast %while3A_125 : i32 to index
        %get3A_140 = arith.constant 16 : index
        %get3A_141 = tpu.vector_load %arg8[%get3A_139, %get3A_140] {strides = array<i32>} : memref<320x64xf32, #tpu.memory_space<vmem>>, vector<16xf32>,
        %get3A_142 = arith.index_cast %while3A_125 : i32 to index
        %get3A_143 = arith.constant 32 : index
        %get3A_144 = tpu.vector_load %arg8[%get3A_142, %get3A_143] {strides = array<i32>} : memref<320x64xf32, #tpu.memory_space<vmem>>, vector<16xf32>,
        %get3A_145 = arith.index_cast %while3A_125 : i32 to index
        %get3A_146 = arith.constant 48 : index
        %get3A_147 = tpu.vector_load %arg8[%get3A_145, %get3A_146] {strides = array<i32>} : memref<320x64xf32, #tpu.memory_space<vmem>>, vector<16xf32>,
        %while3A_148 = arith.subi %min3A_135, %while3A_126 : i32
        %while3A_149 = arith.addi %while3A_126, %while3A_148 : i32
        %while3A_150 = arith.constant 1 : i32
        %while3A_151 = arith.divsi %while3A_148, %while3A_150 : i32
        %while3A_152 = arith.muli %while3A_151, %while3A_150 : i32
        %while3A_153 = arith.addi %while3A_126, %while3A_152 : i32
        %while3A_154 = arith.constant 1 : i32
        %while3A_155:4 = scf.for %while3A_174 = %while3A_126 to %while3A_153 step %while3A_154 iter_args(%while3A_175 = %get3A_138, %while3A_176 = %get3A_141, %while3A_177 = %get3A_144, %while3A_178 = %get3A_147) -> (vector<16xf32>, vector<16xf32>, vector<16xf32>, vector<16xf32>)  : i32 {
          %sub3A = arith.subi %while3A_174, %mul3A_81 : i32
          %get3A_179 = arith.constant 0 : i32
          %get3A_180 = arith.index_cast %get3A_179 : i32 to index
          %get3A_181 = arith.index_cast %sub3A : i32 to index
          %get3A_182 = arith.constant 0 : index
          %get3A_183 = tpu.vector_load %arg7[%get3A_180, %get3A_181, %get3A_182] {strides = array<i32>} : memref<2x400x64xf32, #tpu.memory_space<vmem>>, vector<16xf32>,
          %max3A_184 = arith.maximumf %while3A_175, %get3A_183 : vector<16xf32>
          %get3A_185 = arith.constant 0 : i32
          %get3A_186 = arith.index_cast %get3A_185 : i32 to index
          %get3A_187 = arith.index_cast %sub3A : i32 to index
          %get3A_188 = arith.constant 16 : index
          %get3A_189 = tpu.vector_load %arg7[%get3A_186, %get3A_187, %get3A_188] {strides = array<i32>} : memref<2x400x64xf32, #tpu.memory_space<vmem>>, vector<16xf32>,
          %max3A_190 = arith.maximumf %while3A_176, %get3A_189 : vector<16xf32>
          %get3A_191 = arith.constant 0 : i32
          %get3A_192 = arith.index_cast %get3A_191 : i32 to index
          %get3A_193 = arith.index_cast %sub3A : i32 to index
          %get3A_194 = arith.constant 32 : index
          %get3A_195 = tpu.vector_load %arg7[%get3A_192, %get3A_193, %get3A_194] {strides = array<i32>} : memref<2x400x64xf32, #tpu.memory_space<vmem>>, vector<16xf32>,
          %max3A_196 = arith.maximumf %while3A_177, %get3A_195 : vector<16xf32>
          %get3A_197 = arith.constant 0 : i32
          %get3A_198 = arith.index_cast %get3A_197 : i32 to index
          %get3A_199 = arith.index_cast %sub3A : i32 to index
          %get3A_200 = arith.constant 48 : index
          %get3A_201 = tpu.vector_load %arg7[%get3A_198, %get3A_199, %get3A_200] {strides = array<i32>} : memref<2x400x64xf32, #tpu.memory_space<vmem>>, vector<16xf32>,
          %max3A_202 = arith.maximumf %while3A_178, %get3A_201 : vector<16xf32>
          scf.yield %max3A_184, %max3A_190, %max3A_196, %max3A_202 : vector<16xf32>, vector<16xf32>, vector<16xf32>, vector<16xf32>
        }
        %while3A_156 = arith.constant 1 : i32
        %while3A_157:4 = scf.for %while3A_174 = %while3A_153 to %while3A_149 step %while3A_156 iter_args(%while3A_175 = %while3A_155#0, %while3A_176 = %while3A_155#1, %while3A_177 = %while3A_155#2, %while3A_178 = %while3A_155#3) -> (vector<16xf32>, vector<16xf32>, vector<16xf32>, vector<16xf32>)  : i32 {
          %sub3A = arith.subi %while3A_174, %mul3A_81 : i32
          %get3A_179 = arith.constant 0 : i32
          %get3A_180 = arith.index_cast %get3A_179 : i32 to index
          %get3A_181 = arith.index_cast %sub3A : i32 to index
          %get3A_182 = arith.constant 0 : index
          %get3A_183 = tpu.vector_load %arg7[%get3A_180, %get3A_181, %get3A_182] {strides = array<i32>} : memref<2x400x64xf32, #tpu.memory_space<vmem>>, vector<16xf32>,
          %max3A_184 = arith.maximumf %while3A_175, %get3A_183 : vector<16xf32>
          %get3A_185 = arith.constant 0 : i32
          %get3A_186 = arith.index_cast %get3A_185 : i32 to index
          %get3A_187 = arith.index_cast %sub3A : i32 to index
          %get3A_188 = arith.constant 16 : index
          %get3A_189 = tpu.vector_load %arg7[%get3A_186, %get3A_187, %get3A_188] {strides = array<i32>} : memref<2x400x64xf32, #tpu.memory_space<vmem>>, vector<16xf32>,
          %max3A_190 = arith.maximumf %while3A_176, %get3A_189 : vector<16xf32>
          %get3A_191 = arith.constant 0 : i32
          %get3A_192 = arith.index_cast %get3A_191 : i32 to index
          %get3A_193 = arith.index_cast %sub3A : i32 to index
          %get3A_194 = arith.constant 32 : index
          %get3A_195 = tpu.vector_load %arg7[%get3A_192, %get3A_193, %get3A_194] {strides = array<i32>} : memref<2x400x64xf32, #tpu.memory_space<vmem>>, vector<16xf32>,
          %max3A_196 = arith.maximumf %while3A_177, %get3A_195 : vector<16xf32>
          %get3A_197 = arith.constant 0 : i32
          %get3A_198 = arith.index_cast %get3A_197 : i32 to index
          %get3A_199 = arith.index_cast %sub3A : i32 to index
          %get3A_200 = arith.constant 48 : index
          %get3A_201 = tpu.vector_load %arg7[%get3A_198, %get3A_199, %get3A_200] {strides = array<i32>} : memref<2x400x64xf32, #tpu.memory_space<vmem>>, vector<16xf32>,
          %max3A_202 = arith.maximumf %while3A_178, %get3A_201 : vector<16xf32>
          scf.yield %max3A_184, %max3A_190, %max3A_196, %max3A_202 : vector<16xf32>, vector<16xf32>, vector<16xf32>, vector<16xf32>
        }
        %swap3A = arith.index_cast %while3A_125 : i32 to index
        %swap3A_158 = arith.constant 0 : index
        %swap3A_159 = tpu.vector_load %arg8[%swap3A, %swap3A_158] {strides = array<i32>} : memref<320x64xf32, #tpu.memory_space<vmem>>, vector<16xf32>,
        tpu.vector_store %arg8[%swap3A, %swap3A_158], %while3A_157#0 {strides = array<i32>} : memref<320x64xf32, #tpu.memory_space<vmem>>, vector<16xf32>,
        %swap3A_160 = arith.index_cast %while3A_125 : i32 to index
        %swap3A_161 = arith.constant 16 : index
        %swap3A_162 = tpu.vector_load %arg8[%swap3A_160, %swap3A_161] {strides = array<i32>} : memref<320x64xf32, #tpu.memory_space<vmem>>, vector<16xf32>,
        tpu.vector_store %arg8[%swap3A_160, %swap3A_161], %while3A_157#1 {strides = array<i32>} : memref<320x64xf32, #tpu.memory_space<vmem>>, vector<16xf32>,
        %swap3A_163 = arith.index_cast %while3A_125 : i32 to index
        %swap3A_164 = arith.constant 32 : index
        %swap3A_165 = tpu.vector_load %arg8[%swap3A_163, %swap3A_164] {strides = array<i32>} : memref<320x64xf32, #tpu.memory_space<vmem>>, vector<16xf32>,
        tpu.vector_store %arg8[%swap3A_163, %swap3A_164], %while3A_157#2 {strides = array<i32>} : memref<320x64xf32, #tpu.memory_space<vmem>>, vector<16xf32>,
        %swap3A_166 = arith.index_cast %while3A_125 : i32 to index
        %swap3A_167 = arith.constant 48 : index
        %swap3A_168 = tpu.vector_load %arg8[%swap3A_166, %swap3A_167] {strides = array<i32>} : memref<320x64xf32, #tpu.memory_space<vmem>>, vector<16xf32>,
        tpu.vector_store %arg8[%swap3A_166, %swap3A_167], %while3A_157#3 {strides = array<i32>} : memref<320x64xf32, #tpu.memory_space<vmem>>, vector<16xf32>,
        %eq3A_169 = arith.cmpi eq, %min3A_135, %squeeze3A_134 : i32
        %add3A_170 = arith.constant 1 : i32
        %add3A_171 = arith.addi %while3A_125, %add3A_170 : i32
        %min3A_172 = arith.constant 318 : i32
        %min3A_173 = arith.minsi %add3A_171, %min3A_172 : i32
        %select_n3A = arith.select %eq3A_169, %min3A_173, %while3A_125 : i32
        scf.yield %select_n3A, %min3A_135 : i32, i32
      }
      %mul3A_86 = arith.constant 2 : i32
      %mul3A_87 = arith.muli %mul3A_86, %scan3A_49 : i32
      %add3A_88 = arith.constant 1 : i32
      %add3A_89 = arith.addi %mul3A_87, %add3A_88 : i32
      %add3A_90 = arith.constant 1 : i32
      %add3A_91 = arith.addi %add3A_89, %add3A_90 : i32
      %lt3A_92 = arith.constant 28 : i32
      %lt3A_93 = arith.cmpi slt, %add3A_91, %lt3A_92 : i32
      %convert_element_type3A_94 = arith.extui %lt3A_93 : i1 to i32
      %cond3A_95 = arith.constant 0 : i32
      %cond3A_96 = arith.cmpi ne, %convert_element_type3A_94, %cond3A_95 : i32
      scf.if %cond3A_96 {
        %add3A_125 = arith.constant 1 : i32
        %add3A_126 = arith.addi %add3A_89, %add3A_125 : i32
        %mul3A_127 = arith.constant 400 : i32
        %mul3A_128 = arith.muli %add3A_126, %mul3A_127 : i32
        %add3A_129 = arith.addi %mul3A_17, %mul3A_128 : i32
        %dma_start3A_130 = arith.constant 0 : i32
        %dma_start3A_131 = arith.constant 0 : i32
        %dma_start3A_132 = arith.constant 0 : i32
        %dma_start3A_133 = arith.constant 0 : i32
        %dma_start3A_134 = tpu.memref_slice %arg7[%dma_start3A_130, %dma_start3A_132, %dma_start3A_133] : memref<2x400x64xf32, #tpu.memory_space<vmem>> -> memref<1x400x64xf32, #tpu.memory_space<vmem>>
        %dma_start3A_135 = tpu.memref_squeeze %dma_start3A_134 : memref<1x400x64xf32, #tpu.memory_space<vmem>> -> memref<400x64xf32, #tpu.memory_space<vmem>>
        %dma_start3A_136 = arith.constant 0 : i32
        %dma_start3A_137 = tpu.memref_slice %arg3[%add3A_129, %dma_start3A_136] : memref<358400x64xf32, #tpu.memory_space<hbm>> -> memref<400x64xf32, #tpu.memory_space<hbm>>
        %dma_start3A_138 = tpu.memref_slice %arg9[%dma_start3A_131] : memref<2x!tpu.dma_semaphore, #tpu.memory_space<semaphore_mem>> -> memref<1x!tpu.dma_semaphore, #tpu.memory_space<semaphore_mem>>
        %dma_start3A_139 = tpu.memref_squeeze %dma_start3A_138 : memref<1x!tpu.dma_semaphore, #tpu.memory_space<semaphore_mem>> -> memref<!tpu.dma_semaphore, #tpu.memory_space<semaphore_mem>>
        %dma_start3A_140 = arith.constant 0 : i32
        %dma_start3A_141 = arith.constant 0 : i32
        %dma_start3A_142 = tpu.memref_slice %arg7[%dma_start3A_130, %dma_start3A_140, %dma_start3A_141] : memref<2x400x64xf32, #tpu.memory_space<vmem>> -> memref<1x400x64xf32, #tpu.memory_space<vmem>>
        %dma_start3A_143 = tpu.memref_squeeze %dma_start3A_142 : memref<1x400x64xf32, #tpu.memory_space<vmem>> -> memref<400x64xf32, #tpu.memory_space<vmem>>
        %dma_start3A_144 = arith.constant 0 : i32
        %dma_start3A_145 = tpu.memref_slice %arg3[%add3A_129, %dma_start3A_144] : memref<358400x64xf32, #tpu.memory_space<hbm>> -> memref<400x64xf32, #tpu.memory_space<hbm>>
        tpu.enqueue_dma source(%dma_start3A_145 : memref<400x64xf32, #tpu.memory_space<hbm>>) target(%dma_start3A_143 : memref<400x64xf32, #tpu.memory_space<vmem>>) target_semaphore(%dma_start3A_139 : memref<!tpu.dma_semaphore, #tpu.memory_space<semaphore_mem>>)
      } else {
      }
      %mul3A_97 = arith.constant 400 : i32
      %mul3A_98 = arith.muli %add3A_89, %mul3A_97 : i32
      %add3A_99 = arith.addi %mul3A_17, %mul3A_98 : i32
      %dma_wait3A_100 = arith.constant 1 : i32
      %dma_wait3A_101 = arith.constant 1 : i32
      %dma_wait3A_102 = arith.constant 0 : i32
      %dma_wait3A_103 = arith.constant 0 : i32
      %dma_wait3A_104 = tpu.memref_slice %arg7[%dma_wait3A_100, %dma_wait3A_102, %dma_wait3A_103] : memref<2x400x64xf32, #tpu.memory_space<vmem>> -> memref<1x400x64xf32, #tpu.memory_space<vmem>>
      %dma_wait3A_105 = tpu.memref_squeeze %dma_wait3A_104 : memref<1x400x64xf32, #tpu.memory_space<vmem>> -> memref<400x64xf32, #tpu.memory_space<vmem>>
      %dma_wait3A_106 = arith.constant 0 : i32
      %dma_wait3A_107 = tpu.memref_slice %arg3[%add3A_99, %dma_wait3A_106] : memref<358400x64xf32, #tpu.memory_space<hbm>> -> memref<400x64xf32, #tpu.memory_space<hbm>>
      %dma_wait3A_108 = tpu.memref_slice %arg9[%dma_wait3A_101] : memref<2x!tpu.dma_semaphore, #tpu.memory_space<semaphore_mem>> -> memref<1x!tpu.dma_semaphore, #tpu.memory_space<semaphore_mem>>
      %dma_wait3A_109 = tpu.memref_squeeze %dma_wait3A_108 : memref<1x!tpu.dma_semaphore, #tpu.memory_space<semaphore_mem>> -> memref<!tpu.dma_semaphore, #tpu.memory_space<semaphore_mem>>
      %dma_wait3A_110 = arith.constant 0 : i32
      %dma_wait3A_111 = arith.constant 0 : i32
      %dma_wait3A_112 = tpu.memref_slice %arg7[%dma_wait3A_100, %dma_wait3A_110, %dma_wait3A_111] : memref<2x400x64xf32, #tpu.memory_space<vmem>> -> memref<1x400x64xf32, #tpu.memory_space<vmem>>
      %dma_wait3A_113 = tpu.memref_squeeze %dma_wait3A_112 : memref<1x400x64xf32, #tpu.memory_space<vmem>> -> memref<400x64xf32, #tpu.memory_space<vmem>>
      %dma_wait3A_114 = arith.constant 0 : i32
      %dma_wait3A_115 = tpu.memref_slice %arg3[%add3A_99, %dma_wait3A_114] : memref<358400x64xf32, #tpu.memory_space<hbm>> -> memref<400x64xf32, #tpu.memory_space<hbm>>
      tpu.wait_dma2 semaphore(%dma_wait3A_109 : memref<!tpu.dma_semaphore, #tpu.memory_space<semaphore_mem>>) src(%dma_wait3A_115 : memref<400x64xf32, #tpu.memory_space<hbm>>) dst(%dma_wait3A_113 : memref<400x64xf32, #tpu.memory_space<vmem>>)
      %mul3A_116 = arith.constant 400 : i32
      %mul3A_117 = arith.muli %add3A_89, %mul3A_116 : i32
      %add3A_118 = arith.constant 1 : i32
      %add3A_119 = arith.addi %add3A_89, %add3A_118 : i32
      %mul3A_120 = arith.constant 400 : i32
      %mul3A_121 = arith.muli %add3A_119, %mul3A_120 : i32
      %min3A_122 = arith.minsi %mul3A_121, %squeeze3A : i32
      %max3A_123 = arith.maxsi %while3A#1, %mul3A_117 : i32
      %while3A_124:2 = scf.while (%while3A_125 = %while3A#0, %while3A_126 = %max3A_123) : (i32, i32) -> (i32, i32) {
        %lt3A_127 = arith.cmpi slt, %while3A_126, %min3A_122 : i32
        scf.condition(%lt3A_127) %while3A_125, %while3A_126 : i32, i32
      } do {
      ^bb0(%while3A_125: i32, %while3A_126: i32):
        %add3A_127 = arith.constant 1 : i32
        %add3A_128 = arith.addi %while3A_125, %add3A_127 : i32
        %mul3A_129 = arith.constant 16 : i32
        %mul3A_130 = arith.muli %add3A_128, %mul3A_129 : i32
        %get3A_131 = arith.index_cast %mul3A_130 : i32 to index
        %get3A_132 = tpu.vector_load %arg6[%get3A_131] {strides = array<i32>} : memref<5120xi32, #tpu.memory_space<vmem>>, vector<16xi32>,
        %slice3A_133 = vector.extract_strided_slice %get3A_132 {offsets = [0], sizes = [1], strides = [1]} : vector<16xi32> to vector<1xi32>
        %squeeze3A_134 = vector.extract %slice3A_133[0] : i32 from vector<1xi32>
        %min3A_135 = arith.minsi %squeeze3A_134, %min3A_122 : i32
        %get3A_136 = arith.index_cast %while3A_125 : i32 to index
        %get3A_137 = arith.constant 0 : index
        %get3A_138 = tpu.vector_load %arg8[%get3A_136, %get3A_137] {strides = array<i32>} : memref<320x64xf32, #tpu.memory_space<vmem>>, vector<16xf32>,
        %get3A_139 = arith.index_cast %while3A_125 : i32 to index
        %get3A_140 = arith.constant 16 : index
        %get3A_141 = tpu.vector_load %arg8[%get3A_139, %get3A_140] {strides = array<i32>} : memref<320x64xf32, #tpu.memory_space<vmem>>, vector<16xf32>,
        %get3A_142 = arith.index_cast %while3A_125 : i32 to index
        %get3A_143 = arith.constant 32 : index
        %get3A_144 = tpu.vector_load %arg8[%get3A_142, %get3A_143] {strides = array<i32>} : memref<320x64xf32, #tpu.memory_space<vmem>>, vector<16xf32>,
        %get3A_145 = arith.index_cast %while3A_125 : i32 to index
        %get3A_146 = arith.constant 48 : index
        %get3A_147 = tpu.vector_load %arg8[%get3A_145, %get3A_146] {strides = array<i32>} : memref<320x64xf32, #tpu.memory_space<vmem>>, vector<16xf32>,
        %while3A_148 = arith.subi %min3A_135, %while3A_126 : i32
        %while3A_149 = arith.addi %while3A_126, %while3A_148 : i32
        %while3A_150 = arith.constant 1 : i32
        %while3A_151 = arith.divsi %while3A_148, %while3A_150 : i32
        %while3A_152 = arith.muli %while3A_151, %while3A_150 : i32
        %while3A_153 = arith.addi %while3A_126, %while3A_152 : i32
        %while3A_154 = arith.constant 1 : i32
        %while3A_155:4 = scf.for %while3A_174 = %while3A_126 to %while3A_153 step %while3A_154 iter_args(%while3A_175 = %get3A_138, %while3A_176 = %get3A_141, %while3A_177 = %get3A_144, %while3A_178 = %get3A_147) -> (vector<16xf32>, vector<16xf32>, vector<16xf32>, vector<16xf32>)  : i32 {
          %sub3A = arith.subi %while3A_174, %mul3A_117 : i32
          %get3A_179 = arith.constant 1 : i32
          %get3A_180 = arith.index_cast %get3A_179 : i32 to index
          %get3A_181 = arith.index_cast %sub3A : i32 to index
          %get3A_182 = arith.constant 0 : index
          %get3A_183 = tpu.vector_load %arg7[%get3A_180, %get3A_181, %get3A_182] {strides = array<i32>} : memref<2x400x64xf32, #tpu.memory_space<vmem>>, vector<16xf32>,
          %max3A_184 = arith.maximumf %while3A_175, %get3A_183 : vector<16xf32>
          %get3A_185 = arith.constant 1 : i32
          %get3A_186 = arith.index_cast %get3A_185 : i32 to index
          %get3A_187 = arith.index_cast %sub3A : i32 to index
          %get3A_188 = arith.constant 16 : index
          %get3A_189 = tpu.vector_load %arg7[%get3A_186, %get3A_187, %get3A_188] {strides = array<i32>} : memref<2x400x64xf32, #tpu.memory_space<vmem>>, vector<16xf32>,
          %max3A_190 = arith.maximumf %while3A_176, %get3A_189 : vector<16xf32>
          %get3A_191 = arith.constant 1 : i32
          %get3A_192 = arith.index_cast %get3A_191 : i32 to index
          %get3A_193 = arith.index_cast %sub3A : i32 to index
          %get3A_194 = arith.constant 32 : index
          %get3A_195 = tpu.vector_load %arg7[%get3A_192, %get3A_193, %get3A_194] {strides = array<i32>} : memref<2x400x64xf32, #tpu.memory_space<vmem>>, vector<16xf32>,
          %max3A_196 = arith.maximumf %while3A_177, %get3A_195 : vector<16xf32>
          %get3A_197 = arith.constant 1 : i32
          %get3A_198 = arith.index_cast %get3A_197 : i32 to index
          %get3A_199 = arith.index_cast %sub3A : i32 to index
          %get3A_200 = arith.constant 48 : index
          %get3A_201 = tpu.vector_load %arg7[%get3A_198, %get3A_199, %get3A_200] {strides = array<i32>} : memref<2x400x64xf32, #tpu.memory_space<vmem>>, vector<16xf32>,
          %max3A_202 = arith.maximumf %while3A_178, %get3A_201 : vector<16xf32>
          scf.yield %max3A_184, %max3A_190, %max3A_196, %max3A_202 : vector<16xf32>, vector<16xf32>, vector<16xf32>, vector<16xf32>
        }
        %while3A_156 = arith.constant 1 : i32
        %while3A_157:4 = scf.for %while3A_174 = %while3A_153 to %while3A_149 step %while3A_156 iter_args(%while3A_175 = %while3A_155#0, %while3A_176 = %while3A_155#1, %while3A_177 = %while3A_155#2, %while3A_178 = %while3A_155#3) -> (vector<16xf32>, vector<16xf32>, vector<16xf32>, vector<16xf32>)  : i32 {
          %sub3A = arith.subi %while3A_174, %mul3A_117 : i32
          %get3A_179 = arith.constant 1 : i32
          %get3A_180 = arith.index_cast %get3A_179 : i32 to index
          %get3A_181 = arith.index_cast %sub3A : i32 to index
          %get3A_182 = arith.constant 0 : index
          %get3A_183 = tpu.vector_load %arg7[%get3A_180, %get3A_181, %get3A_182] {strides = array<i32>} : memref<2x400x64xf32, #tpu.memory_space<vmem>>, vector<16xf32>,
          %max3A_184 = arith.maximumf %while3A_175, %get3A_183 : vector<16xf32>
          %get3A_185 = arith.constant 1 : i32
          %get3A_186 = arith.index_cast %get3A_185 : i32 to index
          %get3A_187 = arith.index_cast %sub3A : i32 to index
          %get3A_188 = arith.constant 16 : index
          %get3A_189 = tpu.vector_load %arg7[%get3A_186, %get3A_187, %get3A_188] {strides = array<i32>} : memref<2x400x64xf32, #tpu.memory_space<vmem>>, vector<16xf32>,
          %max3A_190 = arith.maximumf %while3A_176, %get3A_189 : vector<16xf32>
          %get3A_191 = arith.constant 1 : i32
          %get3A_192 = arith.index_cast %get3A_191 : i32 to index
          %get3A_193 = arith.index_cast %sub3A : i32 to index
          %get3A_194 = arith.constant 32 : index
          %get3A_195 = tpu.vector_load %arg7[%get3A_192, %get3A_193, %get3A_194] {strides = array<i32>} : memref<2x400x64xf32, #tpu.memory_space<vmem>>, vector<16xf32>,
          %max3A_196 = arith.maximumf %while3A_177, %get3A_195 : vector<16xf32>
          %get3A_197 = arith.constant 1 : i32
          %get3A_198 = arith.index_cast %get3A_197 : i32 to index
          %get3A_199 = arith.index_cast %sub3A : i32 to index
          %get3A_200 = arith.constant 48 : index
          %get3A_201 = tpu.vector_load %arg7[%get3A_198, %get3A_199, %get3A_200] {strides = array<i32>} : memref<2x400x64xf32, #tpu.memory_space<vmem>>, vector<16xf32>,
          %max3A_202 = arith.maximumf %while3A_178, %get3A_201 : vector<16xf32>
          scf.yield %max3A_184, %max3A_190, %max3A_196, %max3A_202 : vector<16xf32>, vector<16xf32>, vector<16xf32>, vector<16xf32>
        }
        %swap3A = arith.index_cast %while3A_125 : i32 to index
        %swap3A_158 = arith.constant 0 : index
        %swap3A_159 = tpu.vector_load %arg8[%swap3A, %swap3A_158] {strides = array<i32>} : memref<320x64xf32, #tpu.memory_space<vmem>>, vector<16xf32>,
        tpu.vector_store %arg8[%swap3A, %swap3A_158], %while3A_157#0 {strides = array<i32>} : memref<320x64xf32, #tpu.memory_space<vmem>>, vector<16xf32>,
        %swap3A_160 = arith.index_cast %while3A_125 : i32 to index
        %swap3A_161 = arith.constant 16 : index
        %swap3A_162 = tpu.vector_load %arg8[%swap3A_160, %swap3A_161] {strides = array<i32>} : memref<320x64xf32, #tpu.memory_space<vmem>>, vector<16xf32>,
        tpu.vector_store %arg8[%swap3A_160, %swap3A_161], %while3A_157#1 {strides = array<i32>} : memref<320x64xf32, #tpu.memory_space<vmem>>, vector<16xf32>,
        %swap3A_163 = arith.index_cast %while3A_125 : i32 to index
        %swap3A_164 = arith.constant 32 : index
        %swap3A_165 = tpu.vector_load %arg8[%swap3A_163, %swap3A_164] {strides = array<i32>} : memref<320x64xf32, #tpu.memory_space<vmem>>, vector<16xf32>,
        tpu.vector_store %arg8[%swap3A_163, %swap3A_164], %while3A_157#2 {strides = array<i32>} : memref<320x64xf32, #tpu.memory_space<vmem>>, vector<16xf32>,
        %swap3A_166 = arith.index_cast %while3A_125 : i32 to index
        %swap3A_167 = arith.constant 48 : index
        %swap3A_168 = tpu.vector_load %arg8[%swap3A_166, %swap3A_167] {strides = array<i32>} : memref<320x64xf32, #tpu.memory_space<vmem>>, vector<16xf32>,
        tpu.vector_store %arg8[%swap3A_166, %swap3A_167], %while3A_157#3 {strides = array<i32>} : memref<320x64xf32, #tpu.memory_space<vmem>>, vector<16xf32>,
        %eq3A_169 = arith.cmpi eq, %min3A_135, %squeeze3A_134 : i32
        %add3A_170 = arith.constant 1 : i32
        %add3A_171 = arith.addi %while3A_125, %add3A_170 : i32
        %min3A_172 = arith.constant 318 : i32
        %min3A_173 = arith.minsi %add3A_171, %min3A_172 : i32
        %select_n3A = arith.select %eq3A_169, %min3A_173, %while3A_125 : i32
        scf.yield %select_n3A, %min3A_135 : i32, i32
      }
      scf.yield %while3A_124#0, %while3A_124#1 : i32, i32
    }
    %scan3A_42 = arith.constant 14 : i32
    %eq3A = arith.constant 31 : i32
    %eq3A_43 = arith.cmpi eq, %add3A, %eq3A : i32
    %convert_element_type3A = arith.extui %eq3A_43 : i1 to i32
    %cond3A = arith.constant 0 : i32
    %cond3A_44 = arith.cmpi ne, %convert_element_type3A, %cond3A : i32
    scf.if %cond3A_44 {
      "tpu.region"() ({
        %run_scoped3A = tpu.sem_alloc : memref<!tpu.dma_semaphore, #tpu.memory_space<semaphore_mem>>
        %dma_start3A_49 = arith.constant 0 : i32
        %dma_start3A_50 = arith.constant 0 : i32
        %dma_start3A_51 = tpu.memref_slice %arg8[%dma_start3A_49, %dma_start3A_50] : memref<320x64xf32, #tpu.memory_space<vmem>> -> memref<297x64xf32, #tpu.memory_space<vmem>>
        %dma_start3A_52 = arith.constant 0 : i32
        %dma_start3A_53 = tpu.memref_slice %arg4[%mul3A_2, %dma_start3A_52] : memref<10000x64xf32, #tpu.memory_space<hbm>> -> memref<297x64xf32, #tpu.memory_space<hbm>>
        %dma_start3A_54 = arith.constant 0 : i32
        %dma_start3A_55 = tpu.memref_slice %arg4[%mul3A_2, %dma_start3A_54] : memref<10000x64xf32, #tpu.memory_space<hbm>> -> memref<297x64xf32, #tpu.memory_space<hbm>>
        %dma_start3A_56 = arith.constant 0 : i32
        %dma_start3A_57 = arith.constant 0 : i32
        %dma_start3A_58 = tpu.memref_slice %arg8[%dma_start3A_56, %dma_start3A_57] : memref<320x64xf32, #tpu.memory_space<vmem>> -> memref<297x64xf32, #tpu.memory_space<vmem>>
        tpu.enqueue_dma source(%dma_start3A_58 : memref<297x64xf32, #tpu.memory_space<vmem>>) target(%dma_start3A_55 : memref<297x64xf32, #tpu.memory_space<hbm>>) target_semaphore(%run_scoped3A : memref<!tpu.dma_semaphore, #tpu.memory_space<semaphore_mem>>)
        %dma_wait3A = arith.constant 0 : i32
        %dma_wait3A_59 = arith.constant 0 : i32
        %dma_wait3A_60 = tpu.memref_slice %arg8[%dma_wait3A, %dma_wait3A_59] : memref<320x64xf32, #tpu.memory_space<vmem>> -> memref<297x64xf32, #tpu.memory_space<vmem>>
        %dma_wait3A_61 = arith.constant 0 : i32
        %dma_wait3A_62 = tpu.memref_slice %arg4[%mul3A_2, %dma_wait3A_61] : memref<10000x64xf32, #tpu.memory_space<hbm>> -> memref<297x64xf32, #tpu.memory_space<hbm>>
        %dma_wait3A_63 = arith.constant 0 : i32
        %dma_wait3A_64 = tpu.memref_slice %arg4[%mul3A_2, %dma_wait3A_63] : memref<10000x64xf32, #tpu.memory_space<hbm>> -> memref<297x64xf32, #tpu.memory_space<hbm>>
        %dma_wait3A_65 = arith.constant 0 : i32
        %dma_wait3A_66 = arith.constant 0 : i32
        %dma_wait3A_67 = tpu.memref_slice %arg8[%dma_wait3A_65, %dma_wait3A_66] : memref<320x64xf32, #tpu.memory_space<vmem>> -> memref<297x64xf32, #tpu.memory_space<vmem>>
        tpu.wait_dma2 semaphore(%run_scoped3A : memref<!tpu.dma_semaphore, #tpu.memory_space<semaphore_mem>>) src(%dma_wait3A_67 : memref<297x64xf32, #tpu.memory_space<vmem>>) dst(%dma_wait3A_64 : memref<297x64xf32, #tpu.memory_space<hbm>>)
        tpu.yield
      }) : () -> ()
    } else {
    }
    %ne3A = arith.constant 31 : i32
    %ne3A_45 = arith.cmpi ne, %add3A, %ne3A : i32
    %convert_element_type3A_46 = arith.extui %ne3A_45 : i1 to i32
    %cond3A_47 = arith.constant 0 : i32
    %cond3A_48 = arith.cmpi ne, %convert_element_type3A_46, %cond3A_47 : i32
    scf.if %cond3A_48 {
      "tpu.region"() ({
        %run_scoped3A = tpu.sem_alloc : memref<!tpu.dma_semaphore, #tpu.memory_space<semaphore_mem>>
        %dma_start3A_49 = arith.constant 0 : i32
        %dma_start3A_50 = arith.constant 0 : i32
        %dma_start3A_51 = tpu.memref_slice %arg8[%dma_start3A_49, %dma_start3A_50] : memref<320x64xf32, #tpu.memory_space<vmem>> -> memref<313x64xf32, #tpu.memory_space<vmem>>
        %dma_start3A_52 = arith.constant 0 : i32
        %dma_start3A_53 = tpu.memref_slice %arg4[%mul3A_2, %dma_start3A_52] : memref<10000x64xf32, #tpu.memory_space<hbm>> -> memref<313x64xf32, #tpu.memory_space<hbm>>
        %dma_start3A_54 = arith.constant 0 : i32
        %dma_start3A_55 = tpu.memref_slice %arg4[%mul3A_2, %dma_start3A_54] : memref<10000x64xf32, #tpu.memory_space<hbm>> -> memref<313x64xf32, #tpu.memory_space<hbm>>
        %dma_start3A_56 = arith.constant 0 : i32
        %dma_start3A_57 = arith.constant 0 : i32
        %dma_start3A_58 = tpu.memref_slice %arg8[%dma_start3A_56, %dma_start3A_57] : memref<320x64xf32, #tpu.memory_space<vmem>> -> memref<313x64xf32, #tpu.memory_space<vmem>>
        tpu.enqueue_dma source(%dma_start3A_58 : memref<313x64xf32, #tpu.memory_space<vmem>>) target(%dma_start3A_55 : memref<313x64xf32, #tpu.memory_space<hbm>>) target_semaphore(%run_scoped3A : memref<!tpu.dma_semaphore, #tpu.memory_space<semaphore_mem>>)
        %dma_wait3A = arith.constant 0 : i32
        %dma_wait3A_59 = arith.constant 0 : i32
        %dma_wait3A_60 = tpu.memref_slice %arg8[%dma_wait3A, %dma_wait3A_59] : memref<320x64xf32, #tpu.memory_space<vmem>> -> memref<313x64xf32, #tpu.memory_space<vmem>>
        %dma_wait3A_61 = arith.constant 0 : i32
        %dma_wait3A_62 = tpu.memref_slice %arg4[%mul3A_2, %dma_wait3A_61] : memref<10000x64xf32, #tpu.memory_space<hbm>> -> memref<313x64xf32, #tpu.memory_space<hbm>>
        %dma_wait3A_63 = arith.constant 0 : i32
        %dma_wait3A_64 = tpu.memref_slice %arg4[%mul3A_2, %dma_wait3A_63] : memref<10000x64xf32, #tpu.memory_space<hbm>> -> memref<313x64xf32, #tpu.memory_space<hbm>>
        %dma_wait3A_65 = arith.constant 0 : i32
        %dma_wait3A_66 = arith.constant 0 : i32
        %dma_wait3A_67 = tpu.memref_slice %arg8[%dma_wait3A_65, %dma_wait3A_66] : memref<320x64xf32, #tpu.memory_space<vmem>> -> memref<313x64xf32, #tpu.memory_space<vmem>>
        tpu.wait_dma2 semaphore(%run_scoped3A : memref<!tpu.dma_semaphore, #tpu.memory_space<semaphore_mem>>) src(%dma_wait3A_67 : memref<313x64xf32, #tpu.memory_space<vmem>>) dst(%dma_wait3A_64 : memref<313x64xf32, #tpu.memory_space<hbm>>)
        tpu.yield
      }) : () -> ()
    } else {
    }
    return
  }
}

#map = affine_map<(d0, d1) -> (0)>
#map1 = affine_map<(d0, d1) -> (0, 0)>
module attributes {stable_mosaic.version = 14 : i64} {
  func.func @_gather_body(%arg0: i32, %arg1: i32, %arg2: memref<358400xi32, #tpu.memory_space<hbm>>, %arg3: memref<358400xi32, #tpu.memory_space<hbm>>, %arg4: memref<32x320xi32, #tpu.memory_space<hbm>>, %arg5: memref<10080x64xf32, #tpu.memory_space<hbm>>, %arg6: memref<10080x64xf32, #tpu.memory_space<hbm>>, %arg7: memref<358400x64xf32, #tpu.memory_space<hbm>>, %arg8: memref<11200xi32, #tpu.memory_space<vmem>>, %arg9: memref<320xi32, #tpu.memory_space<vmem>>, %arg10: memref<5120xi32, #tpu.memory_space<vmem>>, %arg11: memref<320x64xf32, #tpu.memory_space<vmem>>, %arg12: memref<2x200x64xf32, #tpu.memory_space<vmem>>, %arg13: memref<2x!tpu.dma_semaphore, #tpu.memory_space<semaphore_mem>>, %arg14: memref<2x!tpu.dma_semaphore, #tpu.memory_space<semaphore_mem>>) attributes {dimension_semantics = [#tpu.dimension_semantics<core_parallel>, #tpu.dimension_semantics<subcore_parallel>], iteration_bounds = array<i64: 2, 16>, scalar_prefetch = 0 : i64, scratch_operands = 7 : i64, tpu.core_type = #tpu.core_type<sc_vector_subcore>, window_params = [{transform_indices = #map}, {transform_indices = #map}, {transform_indices = #map1}, {transform_indices = #map1}, {transform_indices = #map1}, {transform_indices = #map1}]} {
    %mul3A = arith.constant 2 : i32
    %mul3A_0 = arith.muli %arg1, %mul3A : i32
    %add3A = arith.addi %mul3A_0, %arg0 : i32
    %mul3A_1 = arith.constant 313 : i32
    %mul3A_2 = arith.muli %add3A, %mul3A_1 : i32
    %mul3A_3 = arith.constant 11200 : i32
    %mul3A_4 = arith.muli %add3A, %mul3A_3 : i32
    "tpu.region"() ({
      %run_scoped3A = tpu.sem_alloc : memref<!tpu.dma_semaphore, #tpu.memory_space<semaphore_mem>>
      %dma_start3A_118 = tpu.memref_slice %arg3[%mul3A_4] : memref<358400xi32, #tpu.memory_space<hbm>> -> memref<11200xi32, #tpu.memory_space<hbm>>
      %dma_start3A_119 = tpu.memref_slice %arg3[%mul3A_4] : memref<358400xi32, #tpu.memory_space<hbm>> -> memref<11200xi32, #tpu.memory_space<hbm>>
      tpu.enqueue_dma source(%dma_start3A_119 : memref<11200xi32, #tpu.memory_space<hbm>>) target(%arg8 : memref<11200xi32, #tpu.memory_space<vmem>>) target_semaphore(%run_scoped3A : memref<!tpu.dma_semaphore, #tpu.memory_space<semaphore_mem>>)
      %dma_wait3A_120 = tpu.memref_slice %arg3[%mul3A_4] : memref<358400xi32, #tpu.memory_space<hbm>> -> memref<11200xi32, #tpu.memory_space<hbm>>
      %dma_wait3A_121 = tpu.memref_slice %arg3[%mul3A_4] : memref<358400xi32, #tpu.memory_space<hbm>> -> memref<11200xi32, #tpu.memory_space<hbm>>
      tpu.wait_dma2 semaphore(%run_scoped3A : memref<!tpu.dma_semaphore, #tpu.memory_space<semaphore_mem>>) src(%dma_wait3A_121 : memref<11200xi32, #tpu.memory_space<hbm>>) dst(%arg8 : memref<11200xi32, #tpu.memory_space<vmem>>)
      tpu.yield
    }) : () -> ()
    "tpu.region"() ({
      %run_scoped3A = tpu.sem_alloc : memref<!tpu.dma_semaphore, #tpu.memory_space<semaphore_mem>>
      %dma_start3A_118 = arith.constant 0 : i32
      %dma_start3A_119 = tpu.memref_slice %arg4[%add3A, %dma_start3A_118] : memref<32x320xi32, #tpu.memory_space<hbm>> -> memref<1x320xi32, #tpu.memory_space<hbm>>
      %dma_start3A_120 = tpu.memref_squeeze %dma_start3A_119 : memref<1x320xi32, #tpu.memory_space<hbm>> -> memref<320xi32, #tpu.memory_space<hbm>>
      %dma_start3A_121 = arith.constant 0 : i32
      %dma_start3A_122 = tpu.memref_slice %arg4[%add3A, %dma_start3A_121] : memref<32x320xi32, #tpu.memory_space<hbm>> -> memref<1x320xi32, #tpu.memory_space<hbm>>
      %dma_start3A_123 = tpu.memref_squeeze %dma_start3A_122 : memref<1x320xi32, #tpu.memory_space<hbm>> -> memref<320xi32, #tpu.memory_space<hbm>>
      tpu.enqueue_dma source(%dma_start3A_123 : memref<320xi32, #tpu.memory_space<hbm>>) target(%arg9 : memref<320xi32, #tpu.memory_space<vmem>>) target_semaphore(%run_scoped3A : memref<!tpu.dma_semaphore, #tpu.memory_space<semaphore_mem>>)
      %dma_wait3A_124 = arith.constant 0 : i32
      %dma_wait3A_125 = tpu.memref_slice %arg4[%add3A, %dma_wait3A_124] : memref<32x320xi32, #tpu.memory_space<hbm>> -> memref<1x320xi32, #tpu.memory_space<hbm>>
      %dma_wait3A_126 = tpu.memref_squeeze %dma_wait3A_125 : memref<1x320xi32, #tpu.memory_space<hbm>> -> memref<320xi32, #tpu.memory_space<hbm>>
      %dma_wait3A_127 = arith.constant 0 : i32
      %dma_wait3A_128 = tpu.memref_slice %arg4[%add3A, %dma_wait3A_127] : memref<32x320xi32, #tpu.memory_space<hbm>> -> memref<1x320xi32, #tpu.memory_space<hbm>>
      %dma_wait3A_129 = tpu.memref_squeeze %dma_wait3A_128 : memref<1x320xi32, #tpu.memory_space<hbm>> -> memref<320xi32, #tpu.memory_space<hbm>>
      tpu.wait_dma2 semaphore(%run_scoped3A : memref<!tpu.dma_semaphore, #tpu.memory_space<semaphore_mem>>) src(%dma_wait3A_129 : memref<320xi32, #tpu.memory_space<hbm>>) dst(%arg9 : memref<320xi32, #tpu.memory_space<vmem>>)
      tpu.yield
    }) : () -> ()
    "tpu.region"() ({
      %run_scoped3A = tpu.sem_alloc : memref<!tpu.dma_semaphore, #tpu.memory_space<semaphore_mem>>
      %dma_start3A_118 = arith.constant 0 : i32
      %dma_start3A_119 = tpu.memref_slice %arg5[%mul3A_2, %dma_start3A_118] : memref<10080x64xf32, #tpu.memory_space<hbm>> -> memref<320x64xf32, #tpu.memory_space<hbm>>
      %dma_start3A_120 = arith.constant 0 : i32
      %dma_start3A_121 = tpu.memref_slice %arg5[%mul3A_2, %dma_start3A_120] : memref<10080x64xf32, #tpu.memory_space<hbm>> -> memref<320x64xf32, #tpu.memory_space<hbm>>
      tpu.enqueue_dma source(%dma_start3A_121 : memref<320x64xf32, #tpu.memory_space<hbm>>) target(%arg11 : memref<320x64xf32, #tpu.memory_space<vmem>>) target_semaphore(%run_scoped3A : memref<!tpu.dma_semaphore, #tpu.memory_space<semaphore_mem>>)
      %dma_wait3A_122 = arith.constant 0 : i32
      %dma_wait3A_123 = tpu.memref_slice %arg5[%mul3A_2, %dma_wait3A_122] : memref<10080x64xf32, #tpu.memory_space<hbm>> -> memref<320x64xf32, #tpu.memory_space<hbm>>
      %dma_wait3A_124 = arith.constant 0 : i32
      %dma_wait3A_125 = tpu.memref_slice %arg5[%mul3A_2, %dma_wait3A_124] : memref<10080x64xf32, #tpu.memory_space<hbm>> -> memref<320x64xf32, #tpu.memory_space<hbm>>
      tpu.wait_dma2 semaphore(%run_scoped3A : memref<!tpu.dma_semaphore, #tpu.memory_space<semaphore_mem>>) src(%dma_wait3A_125 : memref<320x64xf32, #tpu.memory_space<hbm>>) dst(%arg11 : memref<320x64xf32, #tpu.memory_space<vmem>>)
      tpu.yield
    }) : () -> ()
    %scan3A = arith.constant 0 : i32
    %scan3A_5 = arith.constant 0 : i32
    %scan3A_6 = arith.constant 20 : i32
    %scan3A_7 = arith.addi %scan3A_5, %scan3A_6 : i32
    %scan3A_8 = arith.constant 1 : i32
    scf.for %scan3A_118 = %scan3A_5 to %scan3A_7 step %scan3A_8  : i32 {
      %mul3A_119 = arith.constant 16 : i32
      %mul3A_120 = arith.muli %scan3A_118, %mul3A_119 : i32
      %get3A_121 = arith.index_cast %mul3A_120 : i32 to index
      %get3A_122 = tpu.vector_load %arg9[%get3A_121] {strides = array<i32>} : memref<320xi32, #tpu.memory_space<vmem>>, vector<16xi32>,
      %slice3A_123 = vector.extract_strided_slice %get3A_122 {offsets = [0], sizes = [1], strides = [1]} : vector<16xi32> to vector<1xi32>
      %squeeze3A_124 = vector.extract %slice3A_123[0] : i32 from vector<1xi32>
      %broadcast_in_dim3A = vector.broadcast %squeeze3A_124 : i32 to vector<16xi32>
      %mul3A_125 = arith.constant 256 : i32
      %mul3A_126 = arith.muli %scan3A_118, %mul3A_125 : i32
      %add3A_127 = arith.constant 0 : i32
      %add3A_128 = arith.addi %mul3A_126, %add3A_127 : i32
      %swap3A = arith.index_cast %add3A_128 : i32 to index
      %swap3A_129 = tpu.vector_load %arg10[%swap3A] {strides = array<i32>} : memref<5120xi32, #tpu.memory_space<vmem>>, vector<16xi32>,
      tpu.vector_store %arg10[%swap3A], %broadcast_in_dim3A {strides = array<i32>} : memref<5120xi32, #tpu.memory_space<vmem>>, vector<16xi32>,
      %slice3A_130 = vector.extract_strided_slice %get3A_122 {offsets = [1], sizes = [1], strides = [1]} : vector<16xi32> to vector<1xi32>
      %squeeze3A_131 = vector.extract %slice3A_130[0] : i32 from vector<1xi32>
      %broadcast_in_dim3A_132 = vector.broadcast %squeeze3A_131 : i32 to vector<16xi32>
      %mul3A_133 = arith.constant 256 : i32
      %mul3A_134 = arith.muli %scan3A_118, %mul3A_133 : i32
      %add3A_135 = arith.constant 16 : i32
      %add3A_136 = arith.addi %mul3A_134, %add3A_135 : i32
      %swap3A_137 = arith.index_cast %add3A_136 : i32 to index
      %swap3A_138 = tpu.vector_load %arg10[%swap3A_137] {strides = array<i32>} : memref<5120xi32, #tpu.memory_space<vmem>>, vector<16xi32>,
      tpu.vector_store %arg10[%swap3A_137], %broadcast_in_dim3A_132 {strides = array<i32>} : memref<5120xi32, #tpu.memory_space<vmem>>, vector<16xi32>,
      %slice3A_139 = vector.extract_strided_slice %get3A_122 {offsets = [2], sizes = [1], strides = [1]} : vector<16xi32> to vector<1xi32>
      %squeeze3A_140 = vector.extract %slice3A_139[0] : i32 from vector<1xi32>
      %broadcast_in_dim3A_141 = vector.broadcast %squeeze3A_140 : i32 to vector<16xi32>
      %mul3A_142 = arith.constant 256 : i32
      %mul3A_143 = arith.muli %scan3A_118, %mul3A_142 : i32
      %add3A_144 = arith.constant 32 : i32
      %add3A_145 = arith.addi %mul3A_143, %add3A_144 : i32
      %swap3A_146 = arith.index_cast %add3A_145 : i32 to index
      %swap3A_147 = tpu.vector_load %arg10[%swap3A_146] {strides = array<i32>} : memref<5120xi32, #tpu.memory_space<vmem>>, vector<16xi32>,
      tpu.vector_store %arg10[%swap3A_146], %broadcast_in_dim3A_141 {strides = array<i32>} : memref<5120xi32, #tpu.memory_space<vmem>>, vector<16xi32>,
      %slice3A_148 = vector.extract_strided_slice %get3A_122 {offsets = [3], sizes = [1], strides = [1]} : vector<16xi32> to vector<1xi32>
      %squeeze3A_149 = vector.extract %slice3A_148[0] : i32 from vector<1xi32>
      %broadcast_in_dim3A_150 = vector.broadcast %squeeze3A_149 : i32 to vector<16xi32>
      %mul3A_151 = arith.constant 256 : i32
      %mul3A_152 = arith.muli %scan3A_118, %mul3A_151 : i32
      %add3A_153 = arith.constant 48 : i32
      %add3A_154 = arith.addi %mul3A_152, %add3A_153 : i32
      %swap3A_155 = arith.index_cast %add3A_154 : i32 to index
      %swap3A_156 = tpu.vector_load %arg10[%swap3A_155] {strides = array<i32>} : memref<5120xi32, #tpu.memory_space<vmem>>, vector<16xi32>,
      tpu.vector_store %arg10[%swap3A_155], %broadcast_in_dim3A_150 {strides = array<i32>} : memref<5120xi32, #tpu.memory_space<vmem>>, vector<16xi32>,
      %slice3A_157 = vector.extract_strided_slice %get3A_122 {offsets = [4], sizes = [1], strides = [1]} : vector<16xi32> to vector<1xi32>
      %squeeze3A_158 = vector.extract %slice3A_157[0] : i32 from vector<1xi32>
      %broadcast_in_dim3A_159 = vector.broadcast %squeeze3A_158 : i32 to vector<16xi32>
      %mul3A_160 = arith.constant 256 : i32
      %mul3A_161 = arith.muli %scan3A_118, %mul3A_160 : i32
      %add3A_162 = arith.constant 64 : i32
      %add3A_163 = arith.addi %mul3A_161, %add3A_162 : i32
      %swap3A_164 = arith.index_cast %add3A_163 : i32 to index
      %swap3A_165 = tpu.vector_load %arg10[%swap3A_164] {strides = array<i32>} : memref<5120xi32, #tpu.memory_space<vmem>>, vector<16xi32>,
      tpu.vector_store %arg10[%swap3A_164], %broadcast_in_dim3A_159 {strides = array<i32>} : memref<5120xi32, #tpu.memory_space<vmem>>, vector<16xi32>,
      %slice3A_166 = vector.extract_strided_slice %get3A_122 {offsets = [5], sizes = [1], strides = [1]} : vector<16xi32> to vector<1xi32>
      %squeeze3A_167 = vector.extract %slice3A_166[0] : i32 from vector<1xi32>
      %broadcast_in_dim3A_168 = vector.broadcast %squeeze3A_167 : i32 to vector<16xi32>
      %mul3A_169 = arith.constant 256 : i32
      %mul3A_170 = arith.muli %scan3A_118, %mul3A_169 : i32
      %add3A_171 = arith.constant 80 : i32
      %add3A_172 = arith.addi %mul3A_170, %add3A_171 : i32
      %swap3A_173 = arith.index_cast %add3A_172 : i32 to index
      %swap3A_174 = tpu.vector_load %arg10[%swap3A_173] {strides = array<i32>} : memref<5120xi32, #tpu.memory_space<vmem>>, vector<16xi32>,
      tpu.vector_store %arg10[%swap3A_173], %broadcast_in_dim3A_168 {strides = array<i32>} : memref<5120xi32, #tpu.memory_space<vmem>>, vector<16xi32>,
      %slice3A_175 = vector.extract_strided_slice %get3A_122 {offsets = [6], sizes = [1], strides = [1]} : vector<16xi32> to vector<1xi32>
      %squeeze3A_176 = vector.extract %slice3A_175[0] : i32 from vector<1xi32>
      %broadcast_in_dim3A_177 = vector.broadcast %squeeze3A_176 : i32 to vector<16xi32>
      %mul3A_178 = arith.constant 256 : i32
      %mul3A_179 = arith.muli %scan3A_118, %mul3A_178 : i32
      %add3A_180 = arith.constant 96 : i32
      %add3A_181 = arith.addi %mul3A_179, %add3A_180 : i32
      %swap3A_182 = arith.index_cast %add3A_181 : i32 to index
      %swap3A_183 = tpu.vector_load %arg10[%swap3A_182] {strides = array<i32>} : memref<5120xi32, #tpu.memory_space<vmem>>, vector<16xi32>,
      tpu.vector_store %arg10[%swap3A_182], %broadcast_in_dim3A_177 {strides = array<i32>} : memref<5120xi32, #tpu.memory_space<vmem>>, vector<16xi32>,
      %slice3A_184 = vector.extract_strided_slice %get3A_122 {offsets = [7], sizes = [1], strides = [1]} : vector<16xi32> to vector<1xi32>
      %squeeze3A_185 = vector.extract %slice3A_184[0] : i32 from vector<1xi32>
      %broadcast_in_dim3A_186 = vector.broadcast %squeeze3A_185 : i32 to vector<16xi32>
      %mul3A_187 = arith.constant 256 : i32
      %mul3A_188 = arith.muli %scan3A_118, %mul3A_187 : i32
      %add3A_189 = arith.constant 112 : i32
      %add3A_190 = arith.addi %mul3A_188, %add3A_189 : i32
      %swap3A_191 = arith.index_cast %add3A_190 : i32 to index
      %swap3A_192 = tpu.vector_load %arg10[%swap3A_191] {strides = array<i32>} : memref<5120xi32, #tpu.memory_space<vmem>>, vector<16xi32>,
      tpu.vector_store %arg10[%swap3A_191], %broadcast_in_dim3A_186 {strides = array<i32>} : memref<5120xi32, #tpu.memory_space<vmem>>, vector<16xi32>,
      %slice3A_193 = vector.extract_strided_slice %get3A_122 {offsets = [8], sizes = [1], strides = [1]} : vector<16xi32> to vector<1xi32>
      %squeeze3A_194 = vector.extract %slice3A_193[0] : i32 from vector<1xi32>
      %broadcast_in_dim3A_195 = vector.broadcast %squeeze3A_194 : i32 to vector<16xi32>
      %mul3A_196 = arith.constant 256 : i32
      %mul3A_197 = arith.muli %scan3A_118, %mul3A_196 : i32
      %add3A_198 = arith.constant 128 : i32
      %add3A_199 = arith.addi %mul3A_197, %add3A_198 : i32
      %swap3A_200 = arith.index_cast %add3A_199 : i32 to index
      %swap3A_201 = tpu.vector_load %arg10[%swap3A_200] {strides = array<i32>} : memref<5120xi32, #tpu.memory_space<vmem>>, vector<16xi32>,
      tpu.vector_store %arg10[%swap3A_200], %broadcast_in_dim3A_195 {strides = array<i32>} : memref<5120xi32, #tpu.memory_space<vmem>>, vector<16xi32>,
      %slice3A_202 = vector.extract_strided_slice %get3A_122 {offsets = [9], sizes = [1], strides = [1]} : vector<16xi32> to vector<1xi32>
      %squeeze3A_203 = vector.extract %slice3A_202[0] : i32 from vector<1xi32>
      %broadcast_in_dim3A_204 = vector.broadcast %squeeze3A_203 : i32 to vector<16xi32>
      %mul3A_205 = arith.constant 256 : i32
      %mul3A_206 = arith.muli %scan3A_118, %mul3A_205 : i32
      %add3A_207 = arith.constant 144 : i32
      %add3A_208 = arith.addi %mul3A_206, %add3A_207 : i32
      %swap3A_209 = arith.index_cast %add3A_208 : i32 to index
      %swap3A_210 = tpu.vector_load %arg10[%swap3A_209] {strides = array<i32>} : memref<5120xi32, #tpu.memory_space<vmem>>, vector<16xi32>,
      tpu.vector_store %arg10[%swap3A_209], %broadcast_in_dim3A_204 {strides = array<i32>} : memref<5120xi32, #tpu.memory_space<vmem>>, vector<16xi32>,
      %slice3A_211 = vector.extract_strided_slice %get3A_122 {offsets = [10], sizes = [1], strides = [1]} : vector<16xi32> to vector<1xi32>
      %squeeze3A_212 = vector.extract %slice3A_211[0] : i32 from vector<1xi32>
      %broadcast_in_dim3A_213 = vector.broadcast %squeeze3A_212 : i32 to vector<16xi32>
      %mul3A_214 = arith.constant 256 : i32
      %mul3A_215 = arith.muli %scan3A_118, %mul3A_214 : i32
      %add3A_216 = arith.constant 160 : i32
      %add3A_217 = arith.addi %mul3A_215, %add3A_216 : i32
      %swap3A_218 = arith.index_cast %add3A_217 : i32 to index
      %swap3A_219 = tpu.vector_load %arg10[%swap3A_218] {strides = array<i32>} : memref<5120xi32, #tpu.memory_space<vmem>>, vector<16xi32>,
      tpu.vector_store %arg10[%swap3A_218], %broadcast_in_dim3A_213 {strides = array<i32>} : memref<5120xi32, #tpu.memory_space<vmem>>, vector<16xi32>,
      %slice3A_220 = vector.extract_strided_slice %get3A_122 {offsets = [11], sizes = [1], strides = [1]} : vector<16xi32> to vector<1xi32>
      %squeeze3A_221 = vector.extract %slice3A_220[0] : i32 from vector<1xi32>
      %broadcast_in_dim3A_222 = vector.broadcast %squeeze3A_221 : i32 to vector<16xi32>
      %mul3A_223 = arith.constant 256 : i32
      %mul3A_224 = arith.muli %scan3A_118, %mul3A_223 : i32
      %add3A_225 = arith.constant 176 : i32
      %add3A_226 = arith.addi %mul3A_224, %add3A_225 : i32
      %swap3A_227 = arith.index_cast %add3A_226 : i32 to index
      %swap3A_228 = tpu.vector_load %arg10[%swap3A_227] {strides = array<i32>} : memref<5120xi32, #tpu.memory_space<vmem>>, vector<16xi32>,
      tpu.vector_store %arg10[%swap3A_227], %broadcast_in_dim3A_222 {strides = array<i32>} : memref<5120xi32, #tpu.memory_space<vmem>>, vector<16xi32>,
      %slice3A_229 = vector.extract_strided_slice %get3A_122 {offsets = [12], sizes = [1], strides = [1]} : vector<16xi32> to vector<1xi32>
      %squeeze3A_230 = vector.extract %slice3A_229[0] : i32 from vector<1xi32>
      %broadcast_in_dim3A_231 = vector.broadcast %squeeze3A_230 : i32 to vector<16xi32>
      %mul3A_232 = arith.constant 256 : i32
      %mul3A_233 = arith.muli %scan3A_118, %mul3A_232 : i32
      %add3A_234 = arith.constant 192 : i32
      %add3A_235 = arith.addi %mul3A_233, %add3A_234 : i32
      %swap3A_236 = arith.index_cast %add3A_235 : i32 to index
      %swap3A_237 = tpu.vector_load %arg10[%swap3A_236] {strides = array<i32>} : memref<5120xi32, #tpu.memory_space<vmem>>, vector<16xi32>,
      tpu.vector_store %arg10[%swap3A_236], %broadcast_in_dim3A_231 {strides = array<i32>} : memref<5120xi32, #tpu.memory_space<vmem>>, vector<16xi32>,
      %slice3A_238 = vector.extract_strided_slice %get3A_122 {offsets = [13], sizes = [1], strides = [1]} : vector<16xi32> to vector<1xi32>
      %squeeze3A_239 = vector.extract %slice3A_238[0] : i32 from vector<1xi32>
      %broadcast_in_dim3A_240 = vector.broadcast %squeeze3A_239 : i32 to vector<16xi32>
      %mul3A_241 = arith.constant 256 : i32
      %mul3A_242 = arith.muli %scan3A_118, %mul3A_241 : i32
      %add3A_243 = arith.constant 208 : i32
      %add3A_244 = arith.addi %mul3A_242, %add3A_243 : i32
      %swap3A_245 = arith.index_cast %add3A_244 : i32 to index
      %swap3A_246 = tpu.vector_load %arg10[%swap3A_245] {strides = array<i32>} : memref<5120xi32, #tpu.memory_space<vmem>>, vector<16xi32>,
      tpu.vector_store %arg10[%swap3A_245], %broadcast_in_dim3A_240 {strides = array<i32>} : memref<5120xi32, #tpu.memory_space<vmem>>, vector<16xi32>,
      %slice3A_247 = vector.extract_strided_slice %get3A_122 {offsets = [14], sizes = [1], strides = [1]} : vector<16xi32> to vector<1xi32>
      %squeeze3A_248 = vector.extract %slice3A_247[0] : i32 from vector<1xi32>
      %broadcast_in_dim3A_249 = vector.broadcast %squeeze3A_248 : i32 to vector<16xi32>
      %mul3A_250 = arith.constant 256 : i32
      %mul3A_251 = arith.muli %scan3A_118, %mul3A_250 : i32
      %add3A_252 = arith.constant 224 : i32
      %add3A_253 = arith.addi %mul3A_251, %add3A_252 : i32
      %swap3A_254 = arith.index_cast %add3A_253 : i32 to index
      %swap3A_255 = tpu.vector_load %arg10[%swap3A_254] {strides = array<i32>} : memref<5120xi32, #tpu.memory_space<vmem>>, vector<16xi32>,
      tpu.vector_store %arg10[%swap3A_254], %broadcast_in_dim3A_249 {strides = array<i32>} : memref<5120xi32, #tpu.memory_space<vmem>>, vector<16xi32>,
      %slice3A_256 = vector.extract_strided_slice %get3A_122 {offsets = [15], sizes = [1], strides = [1]} : vector<16xi32> to vector<1xi32>
      %squeeze3A_257 = vector.extract %slice3A_256[0] : i32 from vector<1xi32>
      %broadcast_in_dim3A_258 = vector.broadcast %squeeze3A_257 : i32 to vector<16xi32>
      %mul3A_259 = arith.constant 256 : i32
      %mul3A_260 = arith.muli %scan3A_118, %mul3A_259 : i32
      %add3A_261 = arith.constant 240 : i32
      %add3A_262 = arith.addi %mul3A_260, %add3A_261 : i32
      %swap3A_263 = arith.index_cast %add3A_262 : i32 to index
      %swap3A_264 = tpu.vector_load %arg10[%swap3A_263] {strides = array<i32>} : memref<5120xi32, #tpu.memory_space<vmem>>, vector<16xi32>,
      tpu.vector_store %arg10[%swap3A_263], %broadcast_in_dim3A_258 {strides = array<i32>} : memref<5120xi32, #tpu.memory_space<vmem>>, vector<16xi32>,
    }
    %scan3A_9 = arith.constant 20 : i32
    %get3A = arith.constant 5008 : index
    %get3A_10 = tpu.vector_load %arg10[%get3A] {strides = array<i32>} : memref<5120xi32, #tpu.memory_space<vmem>>, vector<16xi32>,
    %slice3A = vector.extract_strided_slice %get3A_10 {offsets = [0], sizes = [1], strides = [1]} : vector<16xi32> to vector<1xi32>
    %squeeze3A = vector.extract %slice3A[0] : i32 from vector<1xi32>
    %dma_start3A = arith.constant 0 : i32
    %dma_start3A_11 = arith.constant 0 : i32
    %dma_start3A_12 = arith.constant 0 : i32
    %dma_start3A_13 = arith.constant 0 : i32
    %dma_start3A_14 = tpu.memref_slice %arg12[%dma_start3A, %dma_start3A_12, %dma_start3A_13] : memref<2x200x64xf32, #tpu.memory_space<vmem>> -> memref<1x40x64xf32, #tpu.memory_space<vmem>>
    %dma_start3A_15 = tpu.memref_squeeze %dma_start3A_14 : memref<1x40x64xf32, #tpu.memory_space<vmem>> -> memref<40x64xf32, #tpu.memory_space<vmem>>
    %dma_start3A_16 = arith.constant 0 : i32
    %dma_start3A_17 = tpu.memref_slice %arg8[%dma_start3A_16] : memref<11200xi32, #tpu.memory_space<vmem>> -> memref<40xi32, #tpu.memory_space<vmem>>
    %dma_start3A_18 = arith.constant 0 : i32
    %dma_start3A_19 = arith.constant 0 : i32
    %dma_start3A_20 = tpu.memref_slice %arg6[%dma_start3A_18, %dma_start3A_19] : memref<10080x64xf32, #tpu.memory_space<hbm>> -> memref<10080x64xf32, #tpu.memory_space<hbm>>
    %dma_start3A_21 = tpu.memref_slice %arg13[%dma_start3A_11] : memref<2x!tpu.dma_semaphore, #tpu.memory_space<semaphore_mem>> -> memref<1x!tpu.dma_semaphore, #tpu.memory_space<semaphore_mem>>
    %dma_start3A_22 = tpu.memref_squeeze %dma_start3A_21 : memref<1x!tpu.dma_semaphore, #tpu.memory_space<semaphore_mem>> -> memref<!tpu.dma_semaphore, #tpu.memory_space<semaphore_mem>>
    tpu.enqueue_indirect_dma source(%dma_start3A_20 : memref<10080x64xf32, #tpu.memory_space<hbm>>) target(%dma_start3A_15 : memref<40x64xf32, #tpu.memory_space<vmem>>) offsets(%dma_start3A_17 : memref<40xi32, #tpu.memory_space<vmem>>) semaphore(%dma_start3A_22 : memref<!tpu.dma_semaphore, #tpu.memory_space<semaphore_mem>>)
    %dma_start3A_23 = arith.constant 0 : i32
    %dma_start3A_24 = arith.constant 0 : i32
    %dma_start3A_25 = arith.constant 40 : i32
    %dma_start3A_26 = arith.constant 0 : i32
    %dma_start3A_27 = tpu.memref_slice %arg12[%dma_start3A_23, %dma_start3A_25, %dma_start3A_26] : memref<2x200x64xf32, #tpu.memory_space<vmem>> -> memref<1x40x64xf32, #tpu.memory_space<vmem>>
    %dma_start3A_28 = tpu.memref_squeeze %dma_start3A_27 : memref<1x40x64xf32, #tpu.memory_space<vmem>> -> memref<40x64xf32, #tpu.memory_space<vmem>>
    %dma_start3A_29 = arith.constant 40 : i32
    %dma_start3A_30 = tpu.memref_slice %arg8[%dma_start3A_29] : memref<11200xi32, #tpu.memory_space<vmem>> -> memref<40xi32, #tpu.memory_space<vmem>>
    %dma_start3A_31 = arith.constant 0 : i32
    %dma_start3A_32 = arith.constant 0 : i32
    %dma_start3A_33 = tpu.memref_slice %arg6[%dma_start3A_31, %dma_start3A_32] : memref<10080x64xf32, #tpu.memory_space<hbm>> -> memref<10080x64xf32, #tpu.memory_space<hbm>>
    %dma_start3A_34 = tpu.memref_slice %arg13[%dma_start3A_24] : memref<2x!tpu.dma_semaphore, #tpu.memory_space<semaphore_mem>> -> memref<1x!tpu.dma_semaphore, #tpu.memory_space<semaphore_mem>>
    %dma_start3A_35 = tpu.memref_squeeze %dma_start3A_34 : memref<1x!tpu.dma_semaphore, #tpu.memory_space<semaphore_mem>> -> memref<!tpu.dma_semaphore, #tpu.memory_space<semaphore_mem>>
    tpu.enqueue_indirect_dma source(%dma_start3A_33 : memref<10080x64xf32, #tpu.memory_space<hbm>>) target(%dma_start3A_28 : memref<40x64xf32, #tpu.memory_space<vmem>>) offsets(%dma_start3A_30 : memref<40xi32, #tpu.memory_space<vmem>>) semaphore(%dma_start3A_35 : memref<!tpu.dma_semaphore, #tpu.memory_space<semaphore_mem>>)
    %dma_start3A_36 = arith.constant 0 : i32
    %dma_start3A_37 = arith.constant 0 : i32
    %dma_start3A_38 = arith.constant 80 : i32
    %dma_start3A_39 = arith.constant 0 : i32
    %dma_start3A_40 = tpu.memref_slice %arg12[%dma_start3A_36, %dma_start3A_38, %dma_start3A_39] : memref<2x200x64xf32, #tpu.memory_space<vmem>> -> memref<1x40x64xf32, #tpu.memory_space<vmem>>
    %dma_start3A_41 = tpu.memref_squeeze %dma_start3A_40 : memref<1x40x64xf32, #tpu.memory_space<vmem>> -> memref<40x64xf32, #tpu.memory_space<vmem>>
    %dma_start3A_42 = arith.constant 80 : i32
    %dma_start3A_43 = tpu.memref_slice %arg8[%dma_start3A_42] : memref<11200xi32, #tpu.memory_space<vmem>> -> memref<40xi32, #tpu.memory_space<vmem>>
    %dma_start3A_44 = arith.constant 0 : i32
    %dma_start3A_45 = arith.constant 0 : i32
    %dma_start3A_46 = tpu.memref_slice %arg6[%dma_start3A_44, %dma_start3A_45] : memref<10080x64xf32, #tpu.memory_space<hbm>> -> memref<10080x64xf32, #tpu.memory_space<hbm>>
    %dma_start3A_47 = tpu.memref_slice %arg13[%dma_start3A_37] : memref<2x!tpu.dma_semaphore, #tpu.memory_space<semaphore_mem>> -> memref<1x!tpu.dma_semaphore, #tpu.memory_space<semaphore_mem>>
    %dma_start3A_48 = tpu.memref_squeeze %dma_start3A_47 : memref<1x!tpu.dma_semaphore, #tpu.memory_space<semaphore_mem>> -> memref<!tpu.dma_semaphore, #tpu.memory_space<semaphore_mem>>
    tpu.enqueue_indirect_dma source(%dma_start3A_46 : memref<10080x64xf32, #tpu.memory_space<hbm>>) target(%dma_start3A_41 : memref<40x64xf32, #tpu.memory_space<vmem>>) offsets(%dma_start3A_43 : memref<40xi32, #tpu.memory_space<vmem>>) semaphore(%dma_start3A_48 : memref<!tpu.dma_semaphore, #tpu.memory_space<semaphore_mem>>)
    %dma_start3A_49 = arith.constant 0 : i32
    %dma_start3A_50 = arith.constant 0 : i32
    %dma_start3A_51 = arith.constant 120 : i32
    %dma_start3A_52 = arith.constant 0 : i32
    %dma_start3A_53 = tpu.memref_slice %arg12[%dma_start3A_49, %dma_start3A_51, %dma_start3A_52] : memref<2x200x64xf32, #tpu.memory_space<vmem>> -> memref<1x40x64xf32, #tpu.memory_space<vmem>>
    %dma_start3A_54 = tpu.memref_squeeze %dma_start3A_53 : memref<1x40x64xf32, #tpu.memory_space<vmem>> -> memref<40x64xf32, #tpu.memory_space<vmem>>
    %dma_start3A_55 = arith.constant 120 : i32
    %dma_start3A_56 = tpu.memref_slice %arg8[%dma_start3A_55] : memref<11200xi32, #tpu.memory_space<vmem>> -> memref<40xi32, #tpu.memory_space<vmem>>
    %dma_start3A_57 = arith.constant 0 : i32
    %dma_start3A_58 = arith.constant 0 : i32
    %dma_start3A_59 = tpu.memref_slice %arg6[%dma_start3A_57, %dma_start3A_58] : memref<10080x64xf32, #tpu.memory_space<hbm>> -> memref<10080x64xf32, #tpu.memory_space<hbm>>
    %dma_start3A_60 = tpu.memref_slice %arg13[%dma_start3A_50] : memref<2x!tpu.dma_semaphore, #tpu.memory_space<semaphore_mem>> -> memref<1x!tpu.dma_semaphore, #tpu.memory_space<semaphore_mem>>
    %dma_start3A_61 = tpu.memref_squeeze %dma_start3A_60 : memref<1x!tpu.dma_semaphore, #tpu.memory_space<semaphore_mem>> -> memref<!tpu.dma_semaphore, #tpu.memory_space<semaphore_mem>>
    tpu.enqueue_indirect_dma source(%dma_start3A_59 : memref<10080x64xf32, #tpu.memory_space<hbm>>) target(%dma_start3A_54 : memref<40x64xf32, #tpu.memory_space<vmem>>) offsets(%dma_start3A_56 : memref<40xi32, #tpu.memory_space<vmem>>) semaphore(%dma_start3A_61 : memref<!tpu.dma_semaphore, #tpu.memory_space<semaphore_mem>>)
    %dma_start3A_62 = arith.constant 0 : i32
    %dma_start3A_63 = arith.constant 0 : i32
    %dma_start3A_64 = arith.constant 160 : i32
    %dma_start3A_65 = arith.constant 0 : i32
    %dma_start3A_66 = tpu.memref_slice %arg12[%dma_start3A_62, %dma_start3A_64, %dma_start3A_65] : memref<2x200x64xf32, #tpu.memory_space<vmem>> -> memref<1x40x64xf32, #tpu.memory_space<vmem>>
    %dma_start3A_67 = tpu.memref_squeeze %dma_start3A_66 : memref<1x40x64xf32, #tpu.memory_space<vmem>> -> memref<40x64xf32, #tpu.memory_space<vmem>>
    %dma_start3A_68 = arith.constant 160 : i32
    %dma_start3A_69 = tpu.memref_slice %arg8[%dma_start3A_68] : memref<11200xi32, #tpu.memory_space<vmem>> -> memref<40xi32, #tpu.memory_space<vmem>>
    %dma_start3A_70 = arith.constant 0 : i32
    %dma_start3A_71 = arith.constant 0 : i32
    %dma_start3A_72 = tpu.memref_slice %arg6[%dma_start3A_70, %dma_start3A_71] : memref<10080x64xf32, #tpu.memory_space<hbm>> -> memref<10080x64xf32, #tpu.memory_space<hbm>>
    %dma_start3A_73 = tpu.memref_slice %arg13[%dma_start3A_63] : memref<2x!tpu.dma_semaphore, #tpu.memory_space<semaphore_mem>> -> memref<1x!tpu.dma_semaphore, #tpu.memory_space<semaphore_mem>>
    %dma_start3A_74 = tpu.memref_squeeze %dma_start3A_73 : memref<1x!tpu.dma_semaphore, #tpu.memory_space<semaphore_mem>> -> memref<!tpu.dma_semaphore, #tpu.memory_space<semaphore_mem>>
    tpu.enqueue_indirect_dma source(%dma_start3A_72 : memref<10080x64xf32, #tpu.memory_space<hbm>>) target(%dma_start3A_67 : memref<40x64xf32, #tpu.memory_space<vmem>>) offsets(%dma_start3A_69 : memref<40xi32, #tpu.memory_space<vmem>>) semaphore(%dma_start3A_74 : memref<!tpu.dma_semaphore, #tpu.memory_space<semaphore_mem>>)
    %scan3A_75 = arith.constant 0 : i32
    %scan3A_76 = arith.constant 0 : i32
    %scan3A_77 = arith.constant 0 : i32
    %scan3A_78 = arith.constant 28 : i32
    %scan3A_79 = arith.addi %scan3A_77, %scan3A_78 : i32
    %scan3A_80 = arith.constant 1 : i32
    %scan3A_81:2 = scf.for %scan3A_118 = %scan3A_77 to %scan3A_79 step %scan3A_80 iter_args(%scan3A_119 = %scan3A_75, %scan3A_120 = %scan3A_76) -> (i32, i32)  : i32 {
      %mul3A_121 = arith.constant 2 : i32
      %mul3A_122 = arith.muli %mul3A_121, %scan3A_118 : i32
      %add3A_123 = arith.constant 0 : i32
      %add3A_124 = arith.addi %mul3A_122, %add3A_123 : i32
      %add3A_125 = arith.constant 1 : i32
      %add3A_126 = arith.addi %add3A_124, %add3A_125 : i32
      %lt3A = arith.constant 56 : i32
      %lt3A_127 = arith.cmpi slt, %add3A_126, %lt3A : i32
      %convert_element_type3A = arith.extui %lt3A_127 : i1 to i32
      %cond3A = arith.constant 0 : i32
      %cond3A_128 = arith.cmpi ne, %convert_element_type3A, %cond3A : i32
      scf.if %cond3A_128 {
        %ge3A = arith.constant 1 : i32
        %ge3A_337 = arith.cmpi sge, %add3A_124, %ge3A : i32
        %convert_element_type3A_338 = arith.extui %ge3A_337 : i1 to i32
        %cond3A_339 = arith.constant 0 : i32
        %cond3A_340 = arith.cmpi ne, %convert_element_type3A_338, %cond3A_339 : i32
        scf.if %cond3A_340 {
          %sub3A = arith.constant 1 : i32
          %sub3A_415 = arith.subi %add3A_124, %sub3A : i32
          %mul3A_416 = arith.constant 200 : i32
          %mul3A_417 = arith.muli %sub3A_415, %mul3A_416 : i32
          %add3A_418 = arith.addi %mul3A_4, %mul3A_417 : i32
          %dma_wait3A_419 = arith.constant 1 : i32
          %dma_wait3A_420 = arith.constant 1 : i32
          %dma_wait3A_421 = arith.constant 0 : i32
          %dma_wait3A_422 = arith.constant 0 : i32
          %dma_wait3A_423 = tpu.memref_slice %arg12[%dma_wait3A_419, %dma_wait3A_421, %dma_wait3A_422] : memref<2x200x64xf32, #tpu.memory_space<vmem>> -> memref<1x200x64xf32, #tpu.memory_space<vmem>>
          %dma_wait3A_424 = tpu.memref_squeeze %dma_wait3A_423 : memref<1x200x64xf32, #tpu.memory_space<vmem>> -> memref<200x64xf32, #tpu.memory_space<vmem>>
          %dma_wait3A_425 = arith.constant 0 : i32
          %dma_wait3A_426 = tpu.memref_slice %arg7[%add3A_418, %dma_wait3A_425] : memref<358400x64xf32, #tpu.memory_space<hbm>> -> memref<200x64xf32, #tpu.memory_space<hbm>>
          %dma_wait3A_427 = tpu.memref_slice %arg14[%dma_wait3A_420] : memref<2x!tpu.dma_semaphore, #tpu.memory_space<semaphore_mem>> -> memref<1x!tpu.dma_semaphore, #tpu.memory_space<semaphore_mem>>
          %dma_wait3A_428 = tpu.memref_squeeze %dma_wait3A_427 : memref<1x!tpu.dma_semaphore, #tpu.memory_space<semaphore_mem>> -> memref<!tpu.dma_semaphore, #tpu.memory_space<semaphore_mem>>
          %dma_wait3A_429 = arith.constant 0 : i32
          %dma_wait3A_430 = tpu.memref_slice %arg7[%add3A_418, %dma_wait3A_429] : memref<358400x64xf32, #tpu.memory_space<hbm>> -> memref<200x64xf32, #tpu.memory_space<hbm>>
          %dma_wait3A_431 = arith.constant 0 : i32
          %dma_wait3A_432 = arith.constant 0 : i32
          %dma_wait3A_433 = tpu.memref_slice %arg12[%dma_wait3A_419, %dma_wait3A_431, %dma_wait3A_432] : memref<2x200x64xf32, #tpu.memory_space<vmem>> -> memref<1x200x64xf32, #tpu.memory_space<vmem>>
          %dma_wait3A_434 = tpu.memref_squeeze %dma_wait3A_433 : memref<1x200x64xf32, #tpu.memory_space<vmem>> -> memref<200x64xf32, #tpu.memory_space<vmem>>
          tpu.wait_dma2 semaphore(%dma_wait3A_428 : memref<!tpu.dma_semaphore, #tpu.memory_space<semaphore_mem>>) src(%dma_wait3A_434 : memref<200x64xf32, #tpu.memory_space<vmem>>) dst(%dma_wait3A_430 : memref<200x64xf32, #tpu.memory_space<hbm>>)
        } else {
        }
        %add3A_341 = arith.constant 1 : i32
        %add3A_342 = arith.addi %add3A_124, %add3A_341 : i32
        %mul3A_343 = arith.constant 200 : i32
        %mul3A_344 = arith.muli %add3A_342, %mul3A_343 : i32
        %add3A_345 = arith.constant 0 : i32
        %add3A_346 = arith.addi %mul3A_344, %add3A_345 : i32
        %dma_start3A_347 = arith.constant 1 : i32
        %dma_start3A_348 = arith.constant 1 : i32
        %dma_start3A_349 = arith.constant 0 : i32
        %dma_start3A_350 = arith.constant 0 : i32
        %dma_start3A_351 = tpu.memref_slice %arg12[%dma_start3A_347, %dma_start3A_349, %dma_start3A_350] : memref<2x200x64xf32, #tpu.memory_space<vmem>> -> memref<1x40x64xf32, #tpu.memory_space<vmem>>
        %dma_start3A_352 = tpu.memref_squeeze %dma_start3A_351 : memref<1x40x64xf32, #tpu.memory_space<vmem>> -> memref<40x64xf32, #tpu.memory_space<vmem>>
        %dma_start3A_353 = tpu.memref_slice %arg8[%add3A_346] : memref<11200xi32, #tpu.memory_space<vmem>> -> memref<40xi32, #tpu.memory_space<vmem>>
        %dma_start3A_354 = arith.constant 0 : i32
        %dma_start3A_355 = arith.constant 0 : i32
        %dma_start3A_356 = tpu.memref_slice %arg6[%dma_start3A_354, %dma_start3A_355] : memref<10080x64xf32, #tpu.memory_space<hbm>> -> memref<10080x64xf32, #tpu.memory_space<hbm>>
        %dma_start3A_357 = tpu.memref_slice %arg13[%dma_start3A_348] : memref<2x!tpu.dma_semaphore, #tpu.memory_space<semaphore_mem>> -> memref<1x!tpu.dma_semaphore, #tpu.memory_space<semaphore_mem>>
        %dma_start3A_358 = tpu.memref_squeeze %dma_start3A_357 : memref<1x!tpu.dma_semaphore, #tpu.memory_space<semaphore_mem>> -> memref<!tpu.dma_semaphore, #tpu.memory_space<semaphore_mem>>
        tpu.enqueue_indirect_dma source(%dma_start3A_356 : memref<10080x64xf32, #tpu.memory_space<hbm>>) target(%dma_start3A_352 : memref<40x64xf32, #tpu.memory_space<vmem>>) offsets(%dma_start3A_353 : memref<40xi32, #tpu.memory_space<vmem>>) semaphore(%dma_start3A_358 : memref<!tpu.dma_semaphore, #tpu.memory_space<semaphore_mem>>)
        %add3A_359 = arith.constant 40 : i32
        %add3A_360 = arith.addi %mul3A_344, %add3A_359 : i32
        %dma_start3A_361 = arith.constant 1 : i32
        %dma_start3A_362 = arith.constant 1 : i32
        %dma_start3A_363 = arith.constant 40 : i32
        %dma_start3A_364 = arith.constant 0 : i32
        %dma_start3A_365 = tpu.memref_slice %arg12[%dma_start3A_361, %dma_start3A_363, %dma_start3A_364] : memref<2x200x64xf32, #tpu.memory_space<vmem>> -> memref<1x40x64xf32, #tpu.memory_space<vmem>>
        %dma_start3A_366 = tpu.memref_squeeze %dma_start3A_365 : memref<1x40x64xf32, #tpu.memory_space<vmem>> -> memref<40x64xf32, #tpu.memory_space<vmem>>
        %dma_start3A_367 = tpu.memref_slice %arg8[%add3A_360] : memref<11200xi32, #tpu.memory_space<vmem>> -> memref<40xi32, #tpu.memory_space<vmem>>
        %dma_start3A_368 = arith.constant 0 : i32
        %dma_start3A_369 = arith.constant 0 : i32
        %dma_start3A_370 = tpu.memref_slice %arg6[%dma_start3A_368, %dma_start3A_369] : memref<10080x64xf32, #tpu.memory_space<hbm>> -> memref<10080x64xf32, #tpu.memory_space<hbm>>
        %dma_start3A_371 = tpu.memref_slice %arg13[%dma_start3A_362] : memref<2x!tpu.dma_semaphore, #tpu.memory_space<semaphore_mem>> -> memref<1x!tpu.dma_semaphore, #tpu.memory_space<semaphore_mem>>
        %dma_start3A_372 = tpu.memref_squeeze %dma_start3A_371 : memref<1x!tpu.dma_semaphore, #tpu.memory_space<semaphore_mem>> -> memref<!tpu.dma_semaphore, #tpu.memory_space<semaphore_mem>>
        tpu.enqueue_indirect_dma source(%dma_start3A_370 : memref<10080x64xf32, #tpu.memory_space<hbm>>) target(%dma_start3A_366 : memref<40x64xf32, #tpu.memory_space<vmem>>) offsets(%dma_start3A_367 : memref<40xi32, #tpu.memory_space<vmem>>) semaphore(%dma_start3A_372 : memref<!tpu.dma_semaphore, #tpu.memory_space<semaphore_mem>>)
        %add3A_373 = arith.constant 80 : i32
        %add3A_374 = arith.addi %mul3A_344, %add3A_373 : i32
        %dma_start3A_375 = arith.constant 1 : i32
        %dma_start3A_376 = arith.constant 1 : i32
        %dma_start3A_377 = arith.constant 80 : i32
        %dma_start3A_378 = arith.constant 0 : i32
        %dma_start3A_379 = tpu.memref_slice %arg12[%dma_start3A_375, %dma_start3A_377, %dma_start3A_378] : memref<2x200x64xf32, #tpu.memory_space<vmem>> -> memref<1x40x64xf32, #tpu.memory_space<vmem>>
        %dma_start3A_380 = tpu.memref_squeeze %dma_start3A_379 : memref<1x40x64xf32, #tpu.memory_space<vmem>> -> memref<40x64xf32, #tpu.memory_space<vmem>>
        %dma_start3A_381 = tpu.memref_slice %arg8[%add3A_374] : memref<11200xi32, #tpu.memory_space<vmem>> -> memref<40xi32, #tpu.memory_space<vmem>>
        %dma_start3A_382 = arith.constant 0 : i32
        %dma_start3A_383 = arith.constant 0 : i32
        %dma_start3A_384 = tpu.memref_slice %arg6[%dma_start3A_382, %dma_start3A_383] : memref<10080x64xf32, #tpu.memory_space<hbm>> -> memref<10080x64xf32, #tpu.memory_space<hbm>>
        %dma_start3A_385 = tpu.memref_slice %arg13[%dma_start3A_376] : memref<2x!tpu.dma_semaphore, #tpu.memory_space<semaphore_mem>> -> memref<1x!tpu.dma_semaphore, #tpu.memory_space<semaphore_mem>>
        %dma_start3A_386 = tpu.memref_squeeze %dma_start3A_385 : memref<1x!tpu.dma_semaphore, #tpu.memory_space<semaphore_mem>> -> memref<!tpu.dma_semaphore, #tpu.memory_space<semaphore_mem>>
        tpu.enqueue_indirect_dma source(%dma_start3A_384 : memref<10080x64xf32, #tpu.memory_space<hbm>>) target(%dma_start3A_380 : memref<40x64xf32, #tpu.memory_space<vmem>>) offsets(%dma_start3A_381 : memref<40xi32, #tpu.memory_space<vmem>>) semaphore(%dma_start3A_386 : memref<!tpu.dma_semaphore, #tpu.memory_space<semaphore_mem>>)
        %add3A_387 = arith.constant 120 : i32
        %add3A_388 = arith.addi %mul3A_344, %add3A_387 : i32
        %dma_start3A_389 = arith.constant 1 : i32
        %dma_start3A_390 = arith.constant 1 : i32
        %dma_start3A_391 = arith.constant 120 : i32
        %dma_start3A_392 = arith.constant 0 : i32
        %dma_start3A_393 = tpu.memref_slice %arg12[%dma_start3A_389, %dma_start3A_391, %dma_start3A_392] : memref<2x200x64xf32, #tpu.memory_space<vmem>> -> memref<1x40x64xf32, #tpu.memory_space<vmem>>
        %dma_start3A_394 = tpu.memref_squeeze %dma_start3A_393 : memref<1x40x64xf32, #tpu.memory_space<vmem>> -> memref<40x64xf32, #tpu.memory_space<vmem>>
        %dma_start3A_395 = tpu.memref_slice %arg8[%add3A_388] : memref<11200xi32, #tpu.memory_space<vmem>> -> memref<40xi32, #tpu.memory_space<vmem>>
        %dma_start3A_396 = arith.constant 0 : i32
        %dma_start3A_397 = arith.constant 0 : i32
        %dma_start3A_398 = tpu.memref_slice %arg6[%dma_start3A_396, %dma_start3A_397] : memref<10080x64xf32, #tpu.memory_space<hbm>> -> memref<10080x64xf32, #tpu.memory_space<hbm>>
        %dma_start3A_399 = tpu.memref_slice %arg13[%dma_start3A_390] : memref<2x!tpu.dma_semaphore, #tpu.memory_space<semaphore_mem>> -> memref<1x!tpu.dma_semaphore, #tpu.memory_space<semaphore_mem>>
        %dma_start3A_400 = tpu.memref_squeeze %dma_start3A_399 : memref<1x!tpu.dma_semaphore, #tpu.memory_space<semaphore_mem>> -> memref<!tpu.dma_semaphore, #tpu.memory_space<semaphore_mem>>
        tpu.enqueue_indirect_dma source(%dma_start3A_398 : memref<10080x64xf32, #tpu.memory_space<hbm>>) target(%dma_start3A_394 : memref<40x64xf32, #tpu.memory_space<vmem>>) offsets(%dma_start3A_395 : memref<40xi32, #tpu.memory_space<vmem>>) semaphore(%dma_start3A_400 : memref<!tpu.dma_semaphore, #tpu.memory_space<semaphore_mem>>)
        %add3A_401 = arith.constant 160 : i32
        %add3A_402 = arith.addi %mul3A_344, %add3A_401 : i32
        %dma_start3A_403 = arith.constant 1 : i32
        %dma_start3A_404 = arith.constant 1 : i32
        %dma_start3A_405 = arith.constant 160 : i32
        %dma_start3A_406 = arith.constant 0 : i32
        %dma_start3A_407 = tpu.memref_slice %arg12[%dma_start3A_403, %dma_start3A_405, %dma_start3A_406] : memref<2x200x64xf32, #tpu.memory_space<vmem>> -> memref<1x40x64xf32, #tpu.memory_space<vmem>>
        %dma_start3A_408 = tpu.memref_squeeze %dma_start3A_407 : memref<1x40x64xf32, #tpu.memory_space<vmem>> -> memref<40x64xf32, #tpu.memory_space<vmem>>
        %dma_start3A_409 = tpu.memref_slice %arg8[%add3A_402] : memref<11200xi32, #tpu.memory_space<vmem>> -> memref<40xi32, #tpu.memory_space<vmem>>
        %dma_start3A_410 = arith.constant 0 : i32
        %dma_start3A_411 = arith.constant 0 : i32
        %dma_start3A_412 = tpu.memref_slice %arg6[%dma_start3A_410, %dma_start3A_411] : memref<10080x64xf32, #tpu.memory_space<hbm>> -> memref<10080x64xf32, #tpu.memory_space<hbm>>
        %dma_start3A_413 = tpu.memref_slice %arg13[%dma_start3A_404] : memref<2x!tpu.dma_semaphore, #tpu.memory_space<semaphore_mem>> -> memref<1x!tpu.dma_semaphore, #tpu.memory_space<semaphore_mem>>
        %dma_start3A_414 = tpu.memref_squeeze %dma_start3A_413 : memref<1x!tpu.dma_semaphore, #tpu.memory_space<semaphore_mem>> -> memref<!tpu.dma_semaphore, #tpu.memory_space<semaphore_mem>>
        tpu.enqueue_indirect_dma source(%dma_start3A_412 : memref<10080x64xf32, #tpu.memory_space<hbm>>) target(%dma_start3A_408 : memref<40x64xf32, #tpu.memory_space<vmem>>) offsets(%dma_start3A_409 : memref<40xi32, #tpu.memory_space<vmem>>) semaphore(%dma_start3A_414 : memref<!tpu.dma_semaphore, #tpu.memory_space<semaphore_mem>>)
      } else {
      }
      %mul3A_129 = arith.constant 200 : i32
      %mul3A_130 = arith.muli %add3A_124, %mul3A_129 : i32
      %add3A_131 = arith.constant 0 : i32
      %add3A_132 = arith.addi %mul3A_130, %add3A_131 : i32
      %dma_wait3A_133 = arith.constant 0 : i32
      %dma_wait3A_134 = arith.constant 0 : i32
      %dma_wait3A_135 = arith.constant 0 : i32
      %dma_wait3A_136 = arith.constant 0 : i32
      %dma_wait3A_137 = tpu.memref_slice %arg12[%dma_wait3A_133, %dma_wait3A_135, %dma_wait3A_136] : memref<2x200x64xf32, #tpu.memory_space<vmem>> -> memref<1x40x64xf32, #tpu.memory_space<vmem>>
      %dma_wait3A_138 = tpu.memref_squeeze %dma_wait3A_137 : memref<1x40x64xf32, #tpu.memory_space<vmem>> -> memref<40x64xf32, #tpu.memory_space<vmem>>
      %dma_wait3A_139 = tpu.memref_slice %arg8[%add3A_132] : memref<11200xi32, #tpu.memory_space<vmem>> -> memref<40xi32, #tpu.memory_space<vmem>>
      %dma_wait3A_140 = arith.constant 0 : i32
      %dma_wait3A_141 = arith.constant 0 : i32
      %dma_wait3A_142 = tpu.memref_slice %arg6[%dma_wait3A_140, %dma_wait3A_141] : memref<10080x64xf32, #tpu.memory_space<hbm>> -> memref<10080x64xf32, #tpu.memory_space<hbm>>
      %dma_wait3A_143 = tpu.memref_slice %arg13[%dma_wait3A_134] : memref<2x!tpu.dma_semaphore, #tpu.memory_space<semaphore_mem>> -> memref<1x!tpu.dma_semaphore, #tpu.memory_space<semaphore_mem>>
      %dma_wait3A_144 = tpu.memref_squeeze %dma_wait3A_143 : memref<1x!tpu.dma_semaphore, #tpu.memory_space<semaphore_mem>> -> memref<!tpu.dma_semaphore, #tpu.memory_space<semaphore_mem>>
      tpu.wait_indirect_dma semaphore(%dma_wait3A_144 : memref<!tpu.dma_semaphore, #tpu.memory_space<semaphore_mem>>) src(%dma_wait3A_142 : memref<10080x64xf32, #tpu.memory_space<hbm>>) dst(%dma_wait3A_138 : memref<40x64xf32, #tpu.memory_space<vmem>>)
      %add3A_145 = arith.constant 40 : i32
      %add3A_146 = arith.addi %mul3A_130, %add3A_145 : i32
      %dma_wait3A_147 = arith.constant 0 : i32
      %dma_wait3A_148 = arith.constant 0 : i32
      %dma_wait3A_149 = arith.constant 40 : i32
      %dma_wait3A_150 = arith.constant 0 : i32
      %dma_wait3A_151 = tpu.memref_slice %arg12[%dma_wait3A_147, %dma_wait3A_149, %dma_wait3A_150] : memref<2x200x64xf32, #tpu.memory_space<vmem>> -> memref<1x40x64xf32, #tpu.memory_space<vmem>>
      %dma_wait3A_152 = tpu.memref_squeeze %dma_wait3A_151 : memref<1x40x64xf32, #tpu.memory_space<vmem>> -> memref<40x64xf32, #tpu.memory_space<vmem>>
      %dma_wait3A_153 = tpu.memref_slice %arg8[%add3A_146] : memref<11200xi32, #tpu.memory_space<vmem>> -> memref<40xi32, #tpu.memory_space<vmem>>
      %dma_wait3A_154 = arith.constant 0 : i32
      %dma_wait3A_155 = arith.constant 0 : i32
      %dma_wait3A_156 = tpu.memref_slice %arg6[%dma_wait3A_154, %dma_wait3A_155] : memref<10080x64xf32, #tpu.memory_space<hbm>> -> memref<10080x64xf32, #tpu.memory_space<hbm>>
      %dma_wait3A_157 = tpu.memref_slice %arg13[%dma_wait3A_148] : memref<2x!tpu.dma_semaphore, #tpu.memory_space<semaphore_mem>> -> memref<1x!tpu.dma_semaphore, #tpu.memory_space<semaphore_mem>>
      %dma_wait3A_158 = tpu.memref_squeeze %dma_wait3A_157 : memref<1x!tpu.dma_semaphore, #tpu.memory_space<semaphore_mem>> -> memref<!tpu.dma_semaphore, #tpu.memory_space<semaphore_mem>>
      tpu.wait_indirect_dma semaphore(%dma_wait3A_158 : memref<!tpu.dma_semaphore, #tpu.memory_space<semaphore_mem>>) src(%dma_wait3A_156 : memref<10080x64xf32, #tpu.memory_space<hbm>>) dst(%dma_wait3A_152 : memref<40x64xf32, #tpu.memory_space<vmem>>)
      %add3A_159 = arith.constant 80 : i32
      %add3A_160 = arith.addi %mul3A_130, %add3A_159 : i32
      %dma_wait3A_161 = arith.constant 0 : i32
      %dma_wait3A_162 = arith.constant 0 : i32
      %dma_wait3A_163 = arith.constant 80 : i32
      %dma_wait3A_164 = arith.constant 0 : i32
      %dma_wait3A_165 = tpu.memref_slice %arg12[%dma_wait3A_161, %dma_wait3A_163, %dma_wait3A_164] : memref<2x200x64xf32, #tpu.memory_space<vmem>> -> memref<1x40x64xf32, #tpu.memory_space<vmem>>
      %dma_wait3A_166 = tpu.memref_squeeze %dma_wait3A_165 : memref<1x40x64xf32, #tpu.memory_space<vmem>> -> memref<40x64xf32, #tpu.memory_space<vmem>>
      %dma_wait3A_167 = tpu.memref_slice %arg8[%add3A_160] : memref<11200xi32, #tpu.memory_space<vmem>> -> memref<40xi32, #tpu.memory_space<vmem>>
      %dma_wait3A_168 = arith.constant 0 : i32
      %dma_wait3A_169 = arith.constant 0 : i32
      %dma_wait3A_170 = tpu.memref_slice %arg6[%dma_wait3A_168, %dma_wait3A_169] : memref<10080x64xf32, #tpu.memory_space<hbm>> -> memref<10080x64xf32, #tpu.memory_space<hbm>>
      %dma_wait3A_171 = tpu.memref_slice %arg13[%dma_wait3A_162] : memref<2x!tpu.dma_semaphore, #tpu.memory_space<semaphore_mem>> -> memref<1x!tpu.dma_semaphore, #tpu.memory_space<semaphore_mem>>
      %dma_wait3A_172 = tpu.memref_squeeze %dma_wait3A_171 : memref<1x!tpu.dma_semaphore, #tpu.memory_space<semaphore_mem>> -> memref<!tpu.dma_semaphore, #tpu.memory_space<semaphore_mem>>
      tpu.wait_indirect_dma semaphore(%dma_wait3A_172 : memref<!tpu.dma_semaphore, #tpu.memory_space<semaphore_mem>>) src(%dma_wait3A_170 : memref<10080x64xf32, #tpu.memory_space<hbm>>) dst(%dma_wait3A_166 : memref<40x64xf32, #tpu.memory_space<vmem>>)
      %add3A_173 = arith.constant 120 : i32
      %add3A_174 = arith.addi %mul3A_130, %add3A_173 : i32
      %dma_wait3A_175 = arith.constant 0 : i32
      %dma_wait3A_176 = arith.constant 0 : i32
      %dma_wait3A_177 = arith.constant 120 : i32
      %dma_wait3A_178 = arith.constant 0 : i32
      %dma_wait3A_179 = tpu.memref_slice %arg12[%dma_wait3A_175, %dma_wait3A_177, %dma_wait3A_178] : memref<2x200x64xf32, #tpu.memory_space<vmem>> -> memref<1x40x64xf32, #tpu.memory_space<vmem>>
      %dma_wait3A_180 = tpu.memref_squeeze %dma_wait3A_179 : memref<1x40x64xf32, #tpu.memory_space<vmem>> -> memref<40x64xf32, #tpu.memory_space<vmem>>
      %dma_wait3A_181 = tpu.memref_slice %arg8[%add3A_174] : memref<11200xi32, #tpu.memory_space<vmem>> -> memref<40xi32, #tpu.memory_space<vmem>>
      %dma_wait3A_182 = arith.constant 0 : i32
      %dma_wait3A_183 = arith.constant 0 : i32
      %dma_wait3A_184 = tpu.memref_slice %arg6[%dma_wait3A_182, %dma_wait3A_183] : memref<10080x64xf32, #tpu.memory_space<hbm>> -> memref<10080x64xf32, #tpu.memory_space<hbm>>
      %dma_wait3A_185 = tpu.memref_slice %arg13[%dma_wait3A_176] : memref<2x!tpu.dma_semaphore, #tpu.memory_space<semaphore_mem>> -> memref<1x!tpu.dma_semaphore, #tpu.memory_space<semaphore_mem>>
      %dma_wait3A_186 = tpu.memref_squeeze %dma_wait3A_185 : memref<1x!tpu.dma_semaphore, #tpu.memory_space<semaphore_mem>> -> memref<!tpu.dma_semaphore, #tpu.memory_space<semaphore_mem>>
      tpu.wait_indirect_dma semaphore(%dma_wait3A_186 : memref<!tpu.dma_semaphore, #tpu.memory_space<semaphore_mem>>) src(%dma_wait3A_184 : memref<10080x64xf32, #tpu.memory_space<hbm>>) dst(%dma_wait3A_180 : memref<40x64xf32, #tpu.memory_space<vmem>>)
      %add3A_187 = arith.constant 160 : i32
      %add3A_188 = arith.addi %mul3A_130, %add3A_187 : i32
      %dma_wait3A_189 = arith.constant 0 : i32
      %dma_wait3A_190 = arith.constant 0 : i32
      %dma_wait3A_191 = arith.constant 160 : i32
      %dma_wait3A_192 = arith.constant 0 : i32
      %dma_wait3A_193 = tpu.memref_slice %arg12[%dma_wait3A_189, %dma_wait3A_191, %dma_wait3A_192] : memref<2x200x64xf32, #tpu.memory_space<vmem>> -> memref<1x40x64xf32, #tpu.memory_space<vmem>>
      %dma_wait3A_194 = tpu.memref_squeeze %dma_wait3A_193 : memref<1x40x64xf32, #tpu.memory_space<vmem>> -> memref<40x64xf32, #tpu.memory_space<vmem>>
      %dma_wait3A_195 = tpu.memref_slice %arg8[%add3A_188] : memref<11200xi32, #tpu.memory_space<vmem>> -> memref<40xi32, #tpu.memory_space<vmem>>
      %dma_wait3A_196 = arith.constant 0 : i32
      %dma_wait3A_197 = arith.constant 0 : i32
      %dma_wait3A_198 = tpu.memref_slice %arg6[%dma_wait3A_196, %dma_wait3A_197] : memref<10080x64xf32, #tpu.memory_space<hbm>> -> memref<10080x64xf32, #tpu.memory_space<hbm>>
      %dma_wait3A_199 = tpu.memref_slice %arg13[%dma_wait3A_190] : memref<2x!tpu.dma_semaphore, #tpu.memory_space<semaphore_mem>> -> memref<1x!tpu.dma_semaphore, #tpu.memory_space<semaphore_mem>>
      %dma_wait3A_200 = tpu.memref_squeeze %dma_wait3A_199 : memref<1x!tpu.dma_semaphore, #tpu.memory_space<semaphore_mem>> -> memref<!tpu.dma_semaphore, #tpu.memory_space<semaphore_mem>>
      tpu.wait_indirect_dma semaphore(%dma_wait3A_200 : memref<!tpu.dma_semaphore, #tpu.memory_space<semaphore_mem>>) src(%dma_wait3A_198 : memref<10080x64xf32, #tpu.memory_space<hbm>>) dst(%dma_wait3A_194 : memref<40x64xf32, #tpu.memory_space<vmem>>)
      %mul3A_201 = arith.constant 200 : i32
      %mul3A_202 = arith.muli %add3A_124, %mul3A_201 : i32
      %add3A_203 = arith.constant 1 : i32
      %add3A_204 = arith.addi %add3A_124, %add3A_203 : i32
      %mul3A_205 = arith.constant 200 : i32
      %mul3A_206 = arith.muli %add3A_204, %mul3A_205 : i32
      %min3A = arith.minsi %mul3A_206, %squeeze3A : i32
      %max3A = arith.maxsi %scan3A_120, %mul3A_202 : i32
      %while3A:2 = scf.while (%while3A_337 = %scan3A_119, %while3A_338 = %max3A) : (i32, i32) -> (i32, i32) {
        %lt3A_339 = arith.cmpi slt, %while3A_338, %min3A : i32
        scf.condition(%lt3A_339) %while3A_337, %while3A_338 : i32, i32
      } do {
      ^bb0(%while3A_337: i32, %while3A_338: i32):
        %add3A_339 = arith.constant 1 : i32
        %add3A_340 = arith.addi %while3A_337, %add3A_339 : i32
        %mul3A_341 = arith.constant 16 : i32
        %mul3A_342 = arith.muli %add3A_340, %mul3A_341 : i32
        %get3A_343 = arith.index_cast %mul3A_342 : i32 to index
        %get3A_344 = tpu.vector_load %arg10[%get3A_343] {strides = array<i32>} : memref<5120xi32, #tpu.memory_space<vmem>>, vector<16xi32>,
        %slice3A_345 = vector.extract_strided_slice %get3A_344 {offsets = [0], sizes = [1], strides = [1]} : vector<16xi32> to vector<1xi32>
        %squeeze3A_346 = vector.extract %slice3A_345[0] : i32 from vector<1xi32>
        %min3A_347 = arith.minsi %squeeze3A_346, %min3A : i32
        %get3A_348 = arith.index_cast %while3A_337 : i32 to index
        %get3A_349 = arith.constant 0 : index
        %get3A_350 = tpu.vector_load %arg11[%get3A_348, %get3A_349] {strides = array<i32>} : memref<320x64xf32, #tpu.memory_space<vmem>>, vector<16xf32>,
        %get3A_351 = arith.index_cast %while3A_337 : i32 to index
        %get3A_352 = arith.constant 16 : index
        %get3A_353 = tpu.vector_load %arg11[%get3A_351, %get3A_352] {strides = array<i32>} : memref<320x64xf32, #tpu.memory_space<vmem>>, vector<16xf32>,
        %get3A_354 = arith.index_cast %while3A_337 : i32 to index
        %get3A_355 = arith.constant 32 : index
        %get3A_356 = tpu.vector_load %arg11[%get3A_354, %get3A_355] {strides = array<i32>} : memref<320x64xf32, #tpu.memory_space<vmem>>, vector<16xf32>,
        %get3A_357 = arith.index_cast %while3A_337 : i32 to index
        %get3A_358 = arith.constant 48 : index
        %get3A_359 = tpu.vector_load %arg11[%get3A_357, %get3A_358] {strides = array<i32>} : memref<320x64xf32, #tpu.memory_space<vmem>>, vector<16xf32>,
        %while3A_360 = arith.constant 0 : i32
        %while3A_361 = arith.subi %min3A_347, %while3A_338 : i32
        %while3A_362 = arith.addi %while3A_338, %while3A_361 : i32
        %while3A_363 = arith.constant 1 : i32
        %while3A_364 = arith.divsi %while3A_361, %while3A_363 : i32
        %while3A_365 = arith.muli %while3A_364, %while3A_363 : i32
        %while3A_366 = arith.addi %while3A_338, %while3A_365 : i32
        %while3A_367 = arith.constant 1 : i32
        scf.for %while3A_373 = %while3A_338 to %while3A_366 step %while3A_367  : i32 {
          %sub3A = arith.subi %while3A_373, %mul3A_202 : i32
          %get3A_374 = arith.constant 0 : i32
          %get3A_375 = arith.index_cast %get3A_374 : i32 to index
          %get3A_376 = arith.index_cast %sub3A : i32 to index
          %get3A_377 = arith.constant 0 : index
          %get3A_378 = tpu.vector_load %arg12[%get3A_375, %get3A_376, %get3A_377] {strides = array<i32>} : memref<2x200x64xf32, #tpu.memory_space<vmem>>, vector<16xf32>,
          %add3A_379 = arith.addf %get3A_350, %get3A_378 : vector<16xf32>
          %swap3A = arith.constant 0 : i32
          %swap3A_380 = arith.index_cast %swap3A : i32 to index
          %swap3A_381 = arith.index_cast %sub3A : i32 to index
          %swap3A_382 = arith.constant 0 : index
          %swap3A_383 = tpu.vector_load %arg12[%swap3A_380, %swap3A_381, %swap3A_382] {strides = array<i32>} : memref<2x200x64xf32, #tpu.memory_space<vmem>>, vector<16xf32>,
          tpu.vector_store %arg12[%swap3A_380, %swap3A_381, %swap3A_382], %add3A_379 {strides = array<i32>} : memref<2x200x64xf32, #tpu.memory_space<vmem>>, vector<16xf32>,
          %get3A_384 = arith.constant 0 : i32
          %get3A_385 = arith.index_cast %get3A_384 : i32 to index
          %get3A_386 = arith.index_cast %sub3A : i32 to index
          %get3A_387 = arith.constant 16 : index
          %get3A_388 = tpu.vector_load %arg12[%get3A_385, %get3A_386, %get3A_387] {strides = array<i32>} : memref<2x200x64xf32, #tpu.memory_space<vmem>>, vector<16xf32>,
          %add3A_389 = arith.addf %get3A_353, %get3A_388 : vector<16xf32>
          %swap3A_390 = arith.constant 0 : i32
          %swap3A_391 = arith.index_cast %swap3A_390 : i32 to index
          %swap3A_392 = arith.index_cast %sub3A : i32 to index
          %swap3A_393 = arith.constant 16 : index
          %swap3A_394 = tpu.vector_load %arg12[%swap3A_391, %swap3A_392, %swap3A_393] {strides = array<i32>} : memref<2x200x64xf32, #tpu.memory_space<vmem>>, vector<16xf32>,
          tpu.vector_store %arg12[%swap3A_391, %swap3A_392, %swap3A_393], %add3A_389 {strides = array<i32>} : memref<2x200x64xf32, #tpu.memory_space<vmem>>, vector<16xf32>,
          %get3A_395 = arith.constant 0 : i32
          %get3A_396 = arith.index_cast %get3A_395 : i32 to index
          %get3A_397 = arith.index_cast %sub3A : i32 to index
          %get3A_398 = arith.constant 32 : index
          %get3A_399 = tpu.vector_load %arg12[%get3A_396, %get3A_397, %get3A_398] {strides = array<i32>} : memref<2x200x64xf32, #tpu.memory_space<vmem>>, vector<16xf32>,
          %add3A_400 = arith.addf %get3A_356, %get3A_399 : vector<16xf32>
          %swap3A_401 = arith.constant 0 : i32
          %swap3A_402 = arith.index_cast %swap3A_401 : i32 to index
          %swap3A_403 = arith.index_cast %sub3A : i32 to index
          %swap3A_404 = arith.constant 32 : index
          %swap3A_405 = tpu.vector_load %arg12[%swap3A_402, %swap3A_403, %swap3A_404] {strides = array<i32>} : memref<2x200x64xf32, #tpu.memory_space<vmem>>, vector<16xf32>,
          tpu.vector_store %arg12[%swap3A_402, %swap3A_403, %swap3A_404], %add3A_400 {strides = array<i32>} : memref<2x200x64xf32, #tpu.memory_space<vmem>>, vector<16xf32>,
          %get3A_406 = arith.constant 0 : i32
          %get3A_407 = arith.index_cast %get3A_406 : i32 to index
          %get3A_408 = arith.index_cast %sub3A : i32 to index
          %get3A_409 = arith.constant 48 : index
          %get3A_410 = tpu.vector_load %arg12[%get3A_407, %get3A_408, %get3A_409] {strides = array<i32>} : memref<2x200x64xf32, #tpu.memory_space<vmem>>, vector<16xf32>,
          %add3A_411 = arith.addf %get3A_359, %get3A_410 : vector<16xf32>
          %swap3A_412 = arith.constant 0 : i32
          %swap3A_413 = arith.index_cast %swap3A_412 : i32 to index
          %swap3A_414 = arith.index_cast %sub3A : i32 to index
          %swap3A_415 = arith.constant 48 : index
          %swap3A_416 = tpu.vector_load %arg12[%swap3A_413, %swap3A_414, %swap3A_415] {strides = array<i32>} : memref<2x200x64xf32, #tpu.memory_space<vmem>>, vector<16xf32>,
          tpu.vector_store %arg12[%swap3A_413, %swap3A_414, %swap3A_415], %add3A_411 {strides = array<i32>} : memref<2x200x64xf32, #tpu.memory_space<vmem>>, vector<16xf32>,
        }
        %while3A_368 = arith.constant 1 : i32
        scf.for %while3A_373 = %while3A_366 to %while3A_362 step %while3A_368  : i32 {
          %sub3A = arith.subi %while3A_373, %mul3A_202 : i32
          %get3A_374 = arith.constant 0 : i32
          %get3A_375 = arith.index_cast %get3A_374 : i32 to index
          %get3A_376 = arith.index_cast %sub3A : i32 to index
          %get3A_377 = arith.constant 0 : index
          %get3A_378 = tpu.vector_load %arg12[%get3A_375, %get3A_376, %get3A_377] {strides = array<i32>} : memref<2x200x64xf32, #tpu.memory_space<vmem>>, vector<16xf32>,
          %add3A_379 = arith.addf %get3A_350, %get3A_378 : vector<16xf32>
          %swap3A = arith.constant 0 : i32
          %swap3A_380 = arith.index_cast %swap3A : i32 to index
          %swap3A_381 = arith.index_cast %sub3A : i32 to index
          %swap3A_382 = arith.constant 0 : index
          %swap3A_383 = tpu.vector_load %arg12[%swap3A_380, %swap3A_381, %swap3A_382] {strides = array<i32>} : memref<2x200x64xf32, #tpu.memory_space<vmem>>, vector<16xf32>,
          tpu.vector_store %arg12[%swap3A_380, %swap3A_381, %swap3A_382], %add3A_379 {strides = array<i32>} : memref<2x200x64xf32, #tpu.memory_space<vmem>>, vector<16xf32>,
          %get3A_384 = arith.constant 0 : i32
          %get3A_385 = arith.index_cast %get3A_384 : i32 to index
          %get3A_386 = arith.index_cast %sub3A : i32 to index
          %get3A_387 = arith.constant 16 : index
          %get3A_388 = tpu.vector_load %arg12[%get3A_385, %get3A_386, %get3A_387] {strides = array<i32>} : memref<2x200x64xf32, #tpu.memory_space<vmem>>, vector<16xf32>,
          %add3A_389 = arith.addf %get3A_353, %get3A_388 : vector<16xf32>
          %swap3A_390 = arith.constant 0 : i32
          %swap3A_391 = arith.index_cast %swap3A_390 : i32 to index
          %swap3A_392 = arith.index_cast %sub3A : i32 to index
          %swap3A_393 = arith.constant 16 : index
          %swap3A_394 = tpu.vector_load %arg12[%swap3A_391, %swap3A_392, %swap3A_393] {strides = array<i32>} : memref<2x200x64xf32, #tpu.memory_space<vmem>>, vector<16xf32>,
          tpu.vector_store %arg12[%swap3A_391, %swap3A_392, %swap3A_393], %add3A_389 {strides = array<i32>} : memref<2x200x64xf32, #tpu.memory_space<vmem>>, vector<16xf32>,
          %get3A_395 = arith.constant 0 : i32
          %get3A_396 = arith.index_cast %get3A_395 : i32 to index
          %get3A_397 = arith.index_cast %sub3A : i32 to index
          %get3A_398 = arith.constant 32 : index
          %get3A_399 = tpu.vector_load %arg12[%get3A_396, %get3A_397, %get3A_398] {strides = array<i32>} : memref<2x200x64xf32, #tpu.memory_space<vmem>>, vector<16xf32>,
          %add3A_400 = arith.addf %get3A_356, %get3A_399 : vector<16xf32>
          %swap3A_401 = arith.constant 0 : i32
          %swap3A_402 = arith.index_cast %swap3A_401 : i32 to index
          %swap3A_403 = arith.index_cast %sub3A : i32 to index
          %swap3A_404 = arith.constant 32 : index
          %swap3A_405 = tpu.vector_load %arg12[%swap3A_402, %swap3A_403, %swap3A_404] {strides = array<i32>} : memref<2x200x64xf32, #tpu.memory_space<vmem>>, vector<16xf32>,
          tpu.vector_store %arg12[%swap3A_402, %swap3A_403, %swap3A_404], %add3A_400 {strides = array<i32>} : memref<2x200x64xf32, #tpu.memory_space<vmem>>, vector<16xf32>,
          %get3A_406 = arith.constant 0 : i32
          %get3A_407 = arith.index_cast %get3A_406 : i32 to index
          %get3A_408 = arith.index_cast %sub3A : i32 to index
          %get3A_409 = arith.constant 48 : index
          %get3A_410 = tpu.vector_load %arg12[%get3A_407, %get3A_408, %get3A_409] {strides = array<i32>} : memref<2x200x64xf32, #tpu.memory_space<vmem>>, vector<16xf32>,
          %add3A_411 = arith.addf %get3A_359, %get3A_410 : vector<16xf32>
          %swap3A_412 = arith.constant 0 : i32
          %swap3A_413 = arith.index_cast %swap3A_412 : i32 to index
          %swap3A_414 = arith.index_cast %sub3A : i32 to index
          %swap3A_415 = arith.constant 48 : index
          %swap3A_416 = tpu.vector_load %arg12[%swap3A_413, %swap3A_414, %swap3A_415] {strides = array<i32>} : memref<2x200x64xf32, #tpu.memory_space<vmem>>, vector<16xf32>,
          tpu.vector_store %arg12[%swap3A_413, %swap3A_414, %swap3A_415], %add3A_411 {strides = array<i32>} : memref<2x200x64xf32, #tpu.memory_space<vmem>>, vector<16xf32>,
        }
        %eq3A = arith.cmpi eq, %min3A_347, %squeeze3A_346 : i32
        %add3A_369 = arith.constant 1 : i32
        %add3A_370 = arith.addi %while3A_337, %add3A_369 : i32
        %min3A_371 = arith.constant 318 : i32
        %min3A_372 = arith.minsi %add3A_370, %min3A_371 : i32
        %select_n3A = arith.select %eq3A, %min3A_372, %while3A_337 : i32
        scf.yield %select_n3A, %min3A_347 : i32, i32
      }
      %mul3A_207 = arith.constant 200 : i32
      %mul3A_208 = arith.muli %add3A_124, %mul3A_207 : i32
      %add3A_209 = arith.addi %mul3A_4, %mul3A_208 : i32
      %dma_start3A_210 = arith.constant 0 : i32
      %dma_start3A_211 = arith.constant 0 : i32
      %dma_start3A_212 = arith.constant 0 : i32
      %dma_start3A_213 = arith.constant 0 : i32
      %dma_start3A_214 = tpu.memref_slice %arg12[%dma_start3A_210, %dma_start3A_212, %dma_start3A_213] : memref<2x200x64xf32, #tpu.memory_space<vmem>> -> memref<1x200x64xf32, #tpu.memory_space<vmem>>
      %dma_start3A_215 = tpu.memref_squeeze %dma_start3A_214 : memref<1x200x64xf32, #tpu.memory_space<vmem>> -> memref<200x64xf32, #tpu.memory_space<vmem>>
      %dma_start3A_216 = arith.constant 0 : i32
      %dma_start3A_217 = tpu.memref_slice %arg7[%add3A_209, %dma_start3A_216] : memref<358400x64xf32, #tpu.memory_space<hbm>> -> memref<200x64xf32, #tpu.memory_space<hbm>>
      %dma_start3A_218 = tpu.memref_slice %arg14[%dma_start3A_211] : memref<2x!tpu.dma_semaphore, #tpu.memory_space<semaphore_mem>> -> memref<1x!tpu.dma_semaphore, #tpu.memory_space<semaphore_mem>>
      %dma_start3A_219 = tpu.memref_squeeze %dma_start3A_218 : memref<1x!tpu.dma_semaphore, #tpu.memory_space<semaphore_mem>> -> memref<!tpu.dma_semaphore, #tpu.memory_space<semaphore_mem>>
      %dma_start3A_220 = arith.constant 0 : i32
      %dma_start3A_221 = tpu.memref_slice %arg7[%add3A_209, %dma_start3A_220] : memref<358400x64xf32, #tpu.memory_space<hbm>> -> memref<200x64xf32, #tpu.memory_space<hbm>>
      %dma_start3A_222 = arith.constant 0 : i32
      %dma_start3A_223 = arith.constant 0 : i32
      %dma_start3A_224 = tpu.memref_slice %arg12[%dma_start3A_210, %dma_start3A_222, %dma_start3A_223] : memref<2x200x64xf32, #tpu.memory_space<vmem>> -> memref<1x200x64xf32, #tpu.memory_space<vmem>>
      %dma_start3A_225 = tpu.memref_squeeze %dma_start3A_224 : memref<1x200x64xf32, #tpu.memory_space<vmem>> -> memref<200x64xf32, #tpu.memory_space<vmem>>
      tpu.enqueue_dma source(%dma_start3A_225 : memref<200x64xf32, #tpu.memory_space<vmem>>) target(%dma_start3A_221 : memref<200x64xf32, #tpu.memory_space<hbm>>) target_semaphore(%dma_start3A_219 : memref<!tpu.dma_semaphore, #tpu.memory_space<semaphore_mem>>)
      %mul3A_226 = arith.constant 2 : i32
      %mul3A_227 = arith.muli %mul3A_226, %scan3A_118 : i32
      %add3A_228 = arith.constant 1 : i32
      %add3A_229 = arith.addi %mul3A_227, %add3A_228 : i32
      %add3A_230 = arith.constant 1 : i32
      %add3A_231 = arith.addi %add3A_229, %add3A_230 : i32
      %lt3A_232 = arith.constant 56 : i32
      %lt3A_233 = arith.cmpi slt, %add3A_231, %lt3A_232 : i32
      %convert_element_type3A_234 = arith.extui %lt3A_233 : i1 to i32
      %cond3A_235 = arith.constant 0 : i32
      %cond3A_236 = arith.cmpi ne, %convert_element_type3A_234, %cond3A_235 : i32
      scf.if %cond3A_236 {
        %ge3A = arith.constant 1 : i32
        %ge3A_337 = arith.cmpi sge, %add3A_229, %ge3A : i32
        %convert_element_type3A_338 = arith.extui %ge3A_337 : i1 to i32
        %cond3A_339 = arith.constant 0 : i32
        %cond3A_340 = arith.cmpi ne, %convert_element_type3A_338, %cond3A_339 : i32
        scf.if %cond3A_340 {
          %sub3A = arith.constant 1 : i32
          %sub3A_415 = arith.subi %add3A_229, %sub3A : i32
          %mul3A_416 = arith.constant 200 : i32
          %mul3A_417 = arith.muli %sub3A_415, %mul3A_416 : i32
          %add3A_418 = arith.addi %mul3A_4, %mul3A_417 : i32
          %dma_wait3A_419 = arith.constant 0 : i32
          %dma_wait3A_420 = arith.constant 0 : i32
          %dma_wait3A_421 = arith.constant 0 : i32
          %dma_wait3A_422 = arith.constant 0 : i32
          %dma_wait3A_423 = tpu.memref_slice %arg12[%dma_wait3A_419, %dma_wait3A_421, %dma_wait3A_422] : memref<2x200x64xf32, #tpu.memory_space<vmem>> -> memref<1x200x64xf32, #tpu.memory_space<vmem>>
          %dma_wait3A_424 = tpu.memref_squeeze %dma_wait3A_423 : memref<1x200x64xf32, #tpu.memory_space<vmem>> -> memref<200x64xf32, #tpu.memory_space<vmem>>
          %dma_wait3A_425 = arith.constant 0 : i32
          %dma_wait3A_426 = tpu.memref_slice %arg7[%add3A_418, %dma_wait3A_425] : memref<358400x64xf32, #tpu.memory_space<hbm>> -> memref<200x64xf32, #tpu.memory_space<hbm>>
          %dma_wait3A_427 = tpu.memref_slice %arg14[%dma_wait3A_420] : memref<2x!tpu.dma_semaphore, #tpu.memory_space<semaphore_mem>> -> memref<1x!tpu.dma_semaphore, #tpu.memory_space<semaphore_mem>>
          %dma_wait3A_428 = tpu.memref_squeeze %dma_wait3A_427 : memref<1x!tpu.dma_semaphore, #tpu.memory_space<semaphore_mem>> -> memref<!tpu.dma_semaphore, #tpu.memory_space<semaphore_mem>>
          %dma_wait3A_429 = arith.constant 0 : i32
          %dma_wait3A_430 = tpu.memref_slice %arg7[%add3A_418, %dma_wait3A_429] : memref<358400x64xf32, #tpu.memory_space<hbm>> -> memref<200x64xf32, #tpu.memory_space<hbm>>
          %dma_wait3A_431 = arith.constant 0 : i32
          %dma_wait3A_432 = arith.constant 0 : i32
          %dma_wait3A_433 = tpu.memref_slice %arg12[%dma_wait3A_419, %dma_wait3A_431, %dma_wait3A_432] : memref<2x200x64xf32, #tpu.memory_space<vmem>> -> memref<1x200x64xf32, #tpu.memory_space<vmem>>
          %dma_wait3A_434 = tpu.memref_squeeze %dma_wait3A_433 : memref<1x200x64xf32, #tpu.memory_space<vmem>> -> memref<200x64xf32, #tpu.memory_space<vmem>>
          tpu.wait_dma2 semaphore(%dma_wait3A_428 : memref<!tpu.dma_semaphore, #tpu.memory_space<semaphore_mem>>) src(%dma_wait3A_434 : memref<200x64xf32, #tpu.memory_space<vmem>>) dst(%dma_wait3A_430 : memref<200x64xf32, #tpu.memory_space<hbm>>)
        } else {
        }
        %add3A_341 = arith.constant 1 : i32
        %add3A_342 = arith.addi %add3A_229, %add3A_341 : i32
        %mul3A_343 = arith.constant 200 : i32
        %mul3A_344 = arith.muli %add3A_342, %mul3A_343 : i32
        %add3A_345 = arith.constant 0 : i32
        %add3A_346 = arith.addi %mul3A_344, %add3A_345 : i32
        %dma_start3A_347 = arith.constant 0 : i32
        %dma_start3A_348 = arith.constant 0 : i32
        %dma_start3A_349 = arith.constant 0 : i32
        %dma_start3A_350 = arith.constant 0 : i32
        %dma_start3A_351 = tpu.memref_slice %arg12[%dma_start3A_347, %dma_start3A_349, %dma_start3A_350] : memref<2x200x64xf32, #tpu.memory_space<vmem>> -> memref<1x40x64xf32, #tpu.memory_space<vmem>>
        %dma_start3A_352 = tpu.memref_squeeze %dma_start3A_351 : memref<1x40x64xf32, #tpu.memory_space<vmem>> -> memref<40x64xf32, #tpu.memory_space<vmem>>
        %dma_start3A_353 = tpu.memref_slice %arg8[%add3A_346] : memref<11200xi32, #tpu.memory_space<vmem>> -> memref<40xi32, #tpu.memory_space<vmem>>
        %dma_start3A_354 = arith.constant 0 : i32
        %dma_start3A_355 = arith.constant 0 : i32
        %dma_start3A_356 = tpu.memref_slice %arg6[%dma_start3A_354, %dma_start3A_355] : memref<10080x64xf32, #tpu.memory_space<hbm>> -> memref<10080x64xf32, #tpu.memory_space<hbm>>
        %dma_start3A_357 = tpu.memref_slice %arg13[%dma_start3A_348] : memref<2x!tpu.dma_semaphore, #tpu.memory_space<semaphore_mem>> -> memref<1x!tpu.dma_semaphore, #tpu.memory_space<semaphore_mem>>
        %dma_start3A_358 = tpu.memref_squeeze %dma_start3A_357 : memref<1x!tpu.dma_semaphore, #tpu.memory_space<semaphore_mem>> -> memref<!tpu.dma_semaphore, #tpu.memory_space<semaphore_mem>>
        tpu.enqueue_indirect_dma source(%dma_start3A_356 : memref<10080x64xf32, #tpu.memory_space<hbm>>) target(%dma_start3A_352 : memref<40x64xf32, #tpu.memory_space<vmem>>) offsets(%dma_start3A_353 : memref<40xi32, #tpu.memory_space<vmem>>) semaphore(%dma_start3A_358 : memref<!tpu.dma_semaphore, #tpu.memory_space<semaphore_mem>>)
        %add3A_359 = arith.constant 40 : i32
        %add3A_360 = arith.addi %mul3A_344, %add3A_359 : i32
        %dma_start3A_361 = arith.constant 0 : i32
        %dma_start3A_362 = arith.constant 0 : i32
        %dma_start3A_363 = arith.constant 40 : i32
        %dma_start3A_364 = arith.constant 0 : i32
        %dma_start3A_365 = tpu.memref_slice %arg12[%dma_start3A_361, %dma_start3A_363, %dma_start3A_364] : memref<2x200x64xf32, #tpu.memory_space<vmem>> -> memref<1x40x64xf32, #tpu.memory_space<vmem>>
        %dma_start3A_366 = tpu.memref_squeeze %dma_start3A_365 : memref<1x40x64xf32, #tpu.memory_space<vmem>> -> memref<40x64xf32, #tpu.memory_space<vmem>>
        %dma_start3A_367 = tpu.memref_slice %arg8[%add3A_360] : memref<11200xi32, #tpu.memory_space<vmem>> -> memref<40xi32, #tpu.memory_space<vmem>>
        %dma_start3A_368 = arith.constant 0 : i32
        %dma_start3A_369 = arith.constant 0 : i32
        %dma_start3A_370 = tpu.memref_slice %arg6[%dma_start3A_368, %dma_start3A_369] : memref<10080x64xf32, #tpu.memory_space<hbm>> -> memref<10080x64xf32, #tpu.memory_space<hbm>>
        %dma_start3A_371 = tpu.memref_slice %arg13[%dma_start3A_362] : memref<2x!tpu.dma_semaphore, #tpu.memory_space<semaphore_mem>> -> memref<1x!tpu.dma_semaphore, #tpu.memory_space<semaphore_mem>>
        %dma_start3A_372 = tpu.memref_squeeze %dma_start3A_371 : memref<1x!tpu.dma_semaphore, #tpu.memory_space<semaphore_mem>> -> memref<!tpu.dma_semaphore, #tpu.memory_space<semaphore_mem>>
        tpu.enqueue_indirect_dma source(%dma_start3A_370 : memref<10080x64xf32, #tpu.memory_space<hbm>>) target(%dma_start3A_366 : memref<40x64xf32, #tpu.memory_space<vmem>>) offsets(%dma_start3A_367 : memref<40xi32, #tpu.memory_space<vmem>>) semaphore(%dma_start3A_372 : memref<!tpu.dma_semaphore, #tpu.memory_space<semaphore_mem>>)
        %add3A_373 = arith.constant 80 : i32
        %add3A_374 = arith.addi %mul3A_344, %add3A_373 : i32
        %dma_start3A_375 = arith.constant 0 : i32
        %dma_start3A_376 = arith.constant 0 : i32
        %dma_start3A_377 = arith.constant 80 : i32
        %dma_start3A_378 = arith.constant 0 : i32
        %dma_start3A_379 = tpu.memref_slice %arg12[%dma_start3A_375, %dma_start3A_377, %dma_start3A_378] : memref<2x200x64xf32, #tpu.memory_space<vmem>> -> memref<1x40x64xf32, #tpu.memory_space<vmem>>
        %dma_start3A_380 = tpu.memref_squeeze %dma_start3A_379 : memref<1x40x64xf32, #tpu.memory_space<vmem>> -> memref<40x64xf32, #tpu.memory_space<vmem>>
        %dma_start3A_381 = tpu.memref_slice %arg8[%add3A_374] : memref<11200xi32, #tpu.memory_space<vmem>> -> memref<40xi32, #tpu.memory_space<vmem>>
        %dma_start3A_382 = arith.constant 0 : i32
        %dma_start3A_383 = arith.constant 0 : i32
        %dma_start3A_384 = tpu.memref_slice %arg6[%dma_start3A_382, %dma_start3A_383] : memref<10080x64xf32, #tpu.memory_space<hbm>> -> memref<10080x64xf32, #tpu.memory_space<hbm>>
        %dma_start3A_385 = tpu.memref_slice %arg13[%dma_start3A_376] : memref<2x!tpu.dma_semaphore, #tpu.memory_space<semaphore_mem>> -> memref<1x!tpu.dma_semaphore, #tpu.memory_space<semaphore_mem>>
        %dma_start3A_386 = tpu.memref_squeeze %dma_start3A_385 : memref<1x!tpu.dma_semaphore, #tpu.memory_space<semaphore_mem>> -> memref<!tpu.dma_semaphore, #tpu.memory_space<semaphore_mem>>
        tpu.enqueue_indirect_dma source(%dma_start3A_384 : memref<10080x64xf32, #tpu.memory_space<hbm>>) target(%dma_start3A_380 : memref<40x64xf32, #tpu.memory_space<vmem>>) offsets(%dma_start3A_381 : memref<40xi32, #tpu.memory_space<vmem>>) semaphore(%dma_start3A_386 : memref<!tpu.dma_semaphore, #tpu.memory_space<semaphore_mem>>)
        %add3A_387 = arith.constant 120 : i32
        %add3A_388 = arith.addi %mul3A_344, %add3A_387 : i32
        %dma_start3A_389 = arith.constant 0 : i32
        %dma_start3A_390 = arith.constant 0 : i32
        %dma_start3A_391 = arith.constant 120 : i32
        %dma_start3A_392 = arith.constant 0 : i32
        %dma_start3A_393 = tpu.memref_slice %arg12[%dma_start3A_389, %dma_start3A_391, %dma_start3A_392] : memref<2x200x64xf32, #tpu.memory_space<vmem>> -> memref<1x40x64xf32, #tpu.memory_space<vmem>>
        %dma_start3A_394 = tpu.memref_squeeze %dma_start3A_393 : memref<1x40x64xf32, #tpu.memory_space<vmem>> -> memref<40x64xf32, #tpu.memory_space<vmem>>
        %dma_start3A_395 = tpu.memref_slice %arg8[%add3A_388] : memref<11200xi32, #tpu.memory_space<vmem>> -> memref<40xi32, #tpu.memory_space<vmem>>
        %dma_start3A_396 = arith.constant 0 : i32
        %dma_start3A_397 = arith.constant 0 : i32
        %dma_start3A_398 = tpu.memref_slice %arg6[%dma_start3A_396, %dma_start3A_397] : memref<10080x64xf32, #tpu.memory_space<hbm>> -> memref<10080x64xf32, #tpu.memory_space<hbm>>
        %dma_start3A_399 = tpu.memref_slice %arg13[%dma_start3A_390] : memref<2x!tpu.dma_semaphore, #tpu.memory_space<semaphore_mem>> -> memref<1x!tpu.dma_semaphore, #tpu.memory_space<semaphore_mem>>
        %dma_start3A_400 = tpu.memref_squeeze %dma_start3A_399 : memref<1x!tpu.dma_semaphore, #tpu.memory_space<semaphore_mem>> -> memref<!tpu.dma_semaphore, #tpu.memory_space<semaphore_mem>>
        tpu.enqueue_indirect_dma source(%dma_start3A_398 : memref<10080x64xf32, #tpu.memory_space<hbm>>) target(%dma_start3A_394 : memref<40x64xf32, #tpu.memory_space<vmem>>) offsets(%dma_start3A_395 : memref<40xi32, #tpu.memory_space<vmem>>) semaphore(%dma_start3A_400 : memref<!tpu.dma_semaphore, #tpu.memory_space<semaphore_mem>>)
        %add3A_401 = arith.constant 160 : i32
        %add3A_402 = arith.addi %mul3A_344, %add3A_401 : i32
        %dma_start3A_403 = arith.constant 0 : i32
        %dma_start3A_404 = arith.constant 0 : i32
        %dma_start3A_405 = arith.constant 160 : i32
        %dma_start3A_406 = arith.constant 0 : i32
        %dma_start3A_407 = tpu.memref_slice %arg12[%dma_start3A_403, %dma_start3A_405, %dma_start3A_406] : memref<2x200x64xf32, #tpu.memory_space<vmem>> -> memref<1x40x64xf32, #tpu.memory_space<vmem>>
        %dma_start3A_408 = tpu.memref_squeeze %dma_start3A_407 : memref<1x40x64xf32, #tpu.memory_space<vmem>> -> memref<40x64xf32, #tpu.memory_space<vmem>>
        %dma_start3A_409 = tpu.memref_slice %arg8[%add3A_402] : memref<11200xi32, #tpu.memory_space<vmem>> -> memref<40xi32, #tpu.memory_space<vmem>>
        %dma_start3A_410 = arith.constant 0 : i32
        %dma_start3A_411 = arith.constant 0 : i32
        %dma_start3A_412 = tpu.memref_slice %arg6[%dma_start3A_410, %dma_start3A_411] : memref<10080x64xf32, #tpu.memory_space<hbm>> -> memref<10080x64xf32, #tpu.memory_space<hbm>>
        %dma_start3A_413 = tpu.memref_slice %arg13[%dma_start3A_404] : memref<2x!tpu.dma_semaphore, #tpu.memory_space<semaphore_mem>> -> memref<1x!tpu.dma_semaphore, #tpu.memory_space<semaphore_mem>>
        %dma_start3A_414 = tpu.memref_squeeze %dma_start3A_413 : memref<1x!tpu.dma_semaphore, #tpu.memory_space<semaphore_mem>> -> memref<!tpu.dma_semaphore, #tpu.memory_space<semaphore_mem>>
        tpu.enqueue_indirect_dma source(%dma_start3A_412 : memref<10080x64xf32, #tpu.memory_space<hbm>>) target(%dma_start3A_408 : memref<40x64xf32, #tpu.memory_space<vmem>>) offsets(%dma_start3A_409 : memref<40xi32, #tpu.memory_space<vmem>>) semaphore(%dma_start3A_414 : memref<!tpu.dma_semaphore, #tpu.memory_space<semaphore_mem>>)
      } else {
      }
      %mul3A_237 = arith.constant 200 : i32
      %mul3A_238 = arith.muli %add3A_229, %mul3A_237 : i32
      %add3A_239 = arith.constant 0 : i32
      %add3A_240 = arith.addi %mul3A_238, %add3A_239 : i32
      %dma_wait3A_241 = arith.constant 1 : i32
      %dma_wait3A_242 = arith.constant 1 : i32
      %dma_wait3A_243 = arith.constant 0 : i32
      %dma_wait3A_244 = arith.constant 0 : i32
      %dma_wait3A_245 = tpu.memref_slice %arg12[%dma_wait3A_241, %dma_wait3A_243, %dma_wait3A_244] : memref<2x200x64xf32, #tpu.memory_space<vmem>> -> memref<1x40x64xf32, #tpu.memory_space<vmem>>
      %dma_wait3A_246 = tpu.memref_squeeze %dma_wait3A_245 : memref<1x40x64xf32, #tpu.memory_space<vmem>> -> memref<40x64xf32, #tpu.memory_space<vmem>>
      %dma_wait3A_247 = tpu.memref_slice %arg8[%add3A_240] : memref<11200xi32, #tpu.memory_space<vmem>> -> memref<40xi32, #tpu.memory_space<vmem>>
      %dma_wait3A_248 = arith.constant 0 : i32
      %dma_wait3A_249 = arith.constant 0 : i32
      %dma_wait3A_250 = tpu.memref_slice %arg6[%dma_wait3A_248, %dma_wait3A_249] : memref<10080x64xf32, #tpu.memory_space<hbm>> -> memref<10080x64xf32, #tpu.memory_space<hbm>>
      %dma_wait3A_251 = tpu.memref_slice %arg13[%dma_wait3A_242] : memref<2x!tpu.dma_semaphore, #tpu.memory_space<semaphore_mem>> -> memref<1x!tpu.dma_semaphore, #tpu.memory_space<semaphore_mem>>
      %dma_wait3A_252 = tpu.memref_squeeze %dma_wait3A_251 : memref<1x!tpu.dma_semaphore, #tpu.memory_space<semaphore_mem>> -> memref<!tpu.dma_semaphore, #tpu.memory_space<semaphore_mem>>
      tpu.wait_indirect_dma semaphore(%dma_wait3A_252 : memref<!tpu.dma_semaphore, #tpu.memory_space<semaphore_mem>>) src(%dma_wait3A_250 : memref<10080x64xf32, #tpu.memory_space<hbm>>) dst(%dma_wait3A_246 : memref<40x64xf32, #tpu.memory_space<vmem>>)
      %add3A_253 = arith.constant 40 : i32
      %add3A_254 = arith.addi %mul3A_238, %add3A_253 : i32
      %dma_wait3A_255 = arith.constant 1 : i32
      %dma_wait3A_256 = arith.constant 1 : i32
      %dma_wait3A_257 = arith.constant 40 : i32
      %dma_wait3A_258 = arith.constant 0 : i32
      %dma_wait3A_259 = tpu.memref_slice %arg12[%dma_wait3A_255, %dma_wait3A_257, %dma_wait3A_258] : memref<2x200x64xf32, #tpu.memory_space<vmem>> -> memref<1x40x64xf32, #tpu.memory_space<vmem>>
      %dma_wait3A_260 = tpu.memref_squeeze %dma_wait3A_259 : memref<1x40x64xf32, #tpu.memory_space<vmem>> -> memref<40x64xf32, #tpu.memory_space<vmem>>
      %dma_wait3A_261 = tpu.memref_slice %arg8[%add3A_254] : memref<11200xi32, #tpu.memory_space<vmem>> -> memref<40xi32, #tpu.memory_space<vmem>>
      %dma_wait3A_262 = arith.constant 0 : i32
      %dma_wait3A_263 = arith.constant 0 : i32
      %dma_wait3A_264 = tpu.memref_slice %arg6[%dma_wait3A_262, %dma_wait3A_263] : memref<10080x64xf32, #tpu.memory_space<hbm>> -> memref<10080x64xf32, #tpu.memory_space<hbm>>
      %dma_wait3A_265 = tpu.memref_slice %arg13[%dma_wait3A_256] : memref<2x!tpu.dma_semaphore, #tpu.memory_space<semaphore_mem>> -> memref<1x!tpu.dma_semaphore, #tpu.memory_space<semaphore_mem>>
      %dma_wait3A_266 = tpu.memref_squeeze %dma_wait3A_265 : memref<1x!tpu.dma_semaphore, #tpu.memory_space<semaphore_mem>> -> memref<!tpu.dma_semaphore, #tpu.memory_space<semaphore_mem>>
      tpu.wait_indirect_dma semaphore(%dma_wait3A_266 : memref<!tpu.dma_semaphore, #tpu.memory_space<semaphore_mem>>) src(%dma_wait3A_264 : memref<10080x64xf32, #tpu.memory_space<hbm>>) dst(%dma_wait3A_260 : memref<40x64xf32, #tpu.memory_space<vmem>>)
      %add3A_267 = arith.constant 80 : i32
      %add3A_268 = arith.addi %mul3A_238, %add3A_267 : i32
      %dma_wait3A_269 = arith.constant 1 : i32
      %dma_wait3A_270 = arith.constant 1 : i32
      %dma_wait3A_271 = arith.constant 80 : i32
      %dma_wait3A_272 = arith.constant 0 : i32
      %dma_wait3A_273 = tpu.memref_slice %arg12[%dma_wait3A_269, %dma_wait3A_271, %dma_wait3A_272] : memref<2x200x64xf32, #tpu.memory_space<vmem>> -> memref<1x40x64xf32, #tpu.memory_space<vmem>>
      %dma_wait3A_274 = tpu.memref_squeeze %dma_wait3A_273 : memref<1x40x64xf32, #tpu.memory_space<vmem>> -> memref<40x64xf32, #tpu.memory_space<vmem>>
      %dma_wait3A_275 = tpu.memref_slice %arg8[%add3A_268] : memref<11200xi32, #tpu.memory_space<vmem>> -> memref<40xi32, #tpu.memory_space<vmem>>
      %dma_wait3A_276 = arith.constant 0 : i32
      %dma_wait3A_277 = arith.constant 0 : i32
      %dma_wait3A_278 = tpu.memref_slice %arg6[%dma_wait3A_276, %dma_wait3A_277] : memref<10080x64xf32, #tpu.memory_space<hbm>> -> memref<10080x64xf32, #tpu.memory_space<hbm>>
      %dma_wait3A_279 = tpu.memref_slice %arg13[%dma_wait3A_270] : memref<2x!tpu.dma_semaphore, #tpu.memory_space<semaphore_mem>> -> memref<1x!tpu.dma_semaphore, #tpu.memory_space<semaphore_mem>>
      %dma_wait3A_280 = tpu.memref_squeeze %dma_wait3A_279 : memref<1x!tpu.dma_semaphore, #tpu.memory_space<semaphore_mem>> -> memref<!tpu.dma_semaphore, #tpu.memory_space<semaphore_mem>>
      tpu.wait_indirect_dma semaphore(%dma_wait3A_280 : memref<!tpu.dma_semaphore, #tpu.memory_space<semaphore_mem>>) src(%dma_wait3A_278 : memref<10080x64xf32, #tpu.memory_space<hbm>>) dst(%dma_wait3A_274 : memref<40x64xf32, #tpu.memory_space<vmem>>)
      %add3A_281 = arith.constant 120 : i32
      %add3A_282 = arith.addi %mul3A_238, %add3A_281 : i32
      %dma_wait3A_283 = arith.constant 1 : i32
      %dma_wait3A_284 = arith.constant 1 : i32
      %dma_wait3A_285 = arith.constant 120 : i32
      %dma_wait3A_286 = arith.constant 0 : i32
      %dma_wait3A_287 = tpu.memref_slice %arg12[%dma_wait3A_283, %dma_wait3A_285, %dma_wait3A_286] : memref<2x200x64xf32, #tpu.memory_space<vmem>> -> memref<1x40x64xf32, #tpu.memory_space<vmem>>
      %dma_wait3A_288 = tpu.memref_squeeze %dma_wait3A_287 : memref<1x40x64xf32, #tpu.memory_space<vmem>> -> memref<40x64xf32, #tpu.memory_space<vmem>>
      %dma_wait3A_289 = tpu.memref_slice %arg8[%add3A_282] : memref<11200xi32, #tpu.memory_space<vmem>> -> memref<40xi32, #tpu.memory_space<vmem>>
      %dma_wait3A_290 = arith.constant 0 : i32
      %dma_wait3A_291 = arith.constant 0 : i32
      %dma_wait3A_292 = tpu.memref_slice %arg6[%dma_wait3A_290, %dma_wait3A_291] : memref<10080x64xf32, #tpu.memory_space<hbm>> -> memref<10080x64xf32, #tpu.memory_space<hbm>>
      %dma_wait3A_293 = tpu.memref_slice %arg13[%dma_wait3A_284] : memref<2x!tpu.dma_semaphore, #tpu.memory_space<semaphore_mem>> -> memref<1x!tpu.dma_semaphore, #tpu.memory_space<semaphore_mem>>
      %dma_wait3A_294 = tpu.memref_squeeze %dma_wait3A_293 : memref<1x!tpu.dma_semaphore, #tpu.memory_space<semaphore_mem>> -> memref<!tpu.dma_semaphore, #tpu.memory_space<semaphore_mem>>
      tpu.wait_indirect_dma semaphore(%dma_wait3A_294 : memref<!tpu.dma_semaphore, #tpu.memory_space<semaphore_mem>>) src(%dma_wait3A_292 : memref<10080x64xf32, #tpu.memory_space<hbm>>) dst(%dma_wait3A_288 : memref<40x64xf32, #tpu.memory_space<vmem>>)
      %add3A_295 = arith.constant 160 : i32
      %add3A_296 = arith.addi %mul3A_238, %add3A_295 : i32
      %dma_wait3A_297 = arith.constant 1 : i32
      %dma_wait3A_298 = arith.constant 1 : i32
      %dma_wait3A_299 = arith.constant 160 : i32
      %dma_wait3A_300 = arith.constant 0 : i32
      %dma_wait3A_301 = tpu.memref_slice %arg12[%dma_wait3A_297, %dma_wait3A_299, %dma_wait3A_300] : memref<2x200x64xf32, #tpu.memory_space<vmem>> -> memref<1x40x64xf32, #tpu.memory_space<vmem>>
      %dma_wait3A_302 = tpu.memref_squeeze %dma_wait3A_301 : memref<1x40x64xf32, #tpu.memory_space<vmem>> -> memref<40x64xf32, #tpu.memory_space<vmem>>
      %dma_wait3A_303 = tpu.memref_slice %arg8[%add3A_296] : memref<11200xi32, #tpu.memory_space<vmem>> -> memref<40xi32, #tpu.memory_space<vmem>>
      %dma_wait3A_304 = arith.constant 0 : i32
      %dma_wait3A_305 = arith.constant 0 : i32
      %dma_wait3A_306 = tpu.memref_slice %arg6[%dma_wait3A_304, %dma_wait3A_305] : memref<10080x64xf32, #tpu.memory_space<hbm>> -> memref<10080x64xf32, #tpu.memory_space<hbm>>
      %dma_wait3A_307 = tpu.memref_slice %arg13[%dma_wait3A_298] : memref<2x!tpu.dma_semaphore, #tpu.memory_space<semaphore_mem>> -> memref<1x!tpu.dma_semaphore, #tpu.memory_space<semaphore_mem>>
      %dma_wait3A_308 = tpu.memref_squeeze %dma_wait3A_307 : memref<1x!tpu.dma_semaphore, #tpu.memory_space<semaphore_mem>> -> memref<!tpu.dma_semaphore, #tpu.memory_space<semaphore_mem>>
      tpu.wait_indirect_dma semaphore(%dma_wait3A_308 : memref<!tpu.dma_semaphore, #tpu.memory_space<semaphore_mem>>) src(%dma_wait3A_306 : memref<10080x64xf32, #tpu.memory_space<hbm>>) dst(%dma_wait3A_302 : memref<40x64xf32, #tpu.memory_space<vmem>>)
      %mul3A_309 = arith.constant 200 : i32
      %mul3A_310 = arith.muli %add3A_229, %mul3A_309 : i32
      %add3A_311 = arith.constant 1 : i32
      %add3A_312 = arith.addi %add3A_229, %add3A_311 : i32
      %mul3A_313 = arith.constant 200 : i32
      %mul3A_314 = arith.muli %add3A_312, %mul3A_313 : i32
      %min3A_315 = arith.minsi %mul3A_314, %squeeze3A : i32
      %max3A_316 = arith.maxsi %while3A#1, %mul3A_310 : i32
      %while3A_317:2 = scf.while (%while3A_337 = %while3A#0, %while3A_338 = %max3A_316) : (i32, i32) -> (i32, i32) {
        %lt3A_339 = arith.cmpi slt, %while3A_338, %min3A_315 : i32
        scf.condition(%lt3A_339) %while3A_337, %while3A_338 : i32, i32
      } do {
      ^bb0(%while3A_337: i32, %while3A_338: i32):
        %add3A_339 = arith.constant 1 : i32
        %add3A_340 = arith.addi %while3A_337, %add3A_339 : i32
        %mul3A_341 = arith.constant 16 : i32
        %mul3A_342 = arith.muli %add3A_340, %mul3A_341 : i32
        %get3A_343 = arith.index_cast %mul3A_342 : i32 to index
        %get3A_344 = tpu.vector_load %arg10[%get3A_343] {strides = array<i32>} : memref<5120xi32, #tpu.memory_space<vmem>>, vector<16xi32>,
        %slice3A_345 = vector.extract_strided_slice %get3A_344 {offsets = [0], sizes = [1], strides = [1]} : vector<16xi32> to vector<1xi32>
        %squeeze3A_346 = vector.extract %slice3A_345[0] : i32 from vector<1xi32>
        %min3A_347 = arith.minsi %squeeze3A_346, %min3A_315 : i32
        %get3A_348 = arith.index_cast %while3A_337 : i32 to index
        %get3A_349 = arith.constant 0 : index
        %get3A_350 = tpu.vector_load %arg11[%get3A_348, %get3A_349] {strides = array<i32>} : memref<320x64xf32, #tpu.memory_space<vmem>>, vector<16xf32>,
        %get3A_351 = arith.index_cast %while3A_337 : i32 to index
        %get3A_352 = arith.constant 16 : index
        %get3A_353 = tpu.vector_load %arg11[%get3A_351, %get3A_352] {strides = array<i32>} : memref<320x64xf32, #tpu.memory_space<vmem>>, vector<16xf32>,
        %get3A_354 = arith.index_cast %while3A_337 : i32 to index
        %get3A_355 = arith.constant 32 : index
        %get3A_356 = tpu.vector_load %arg11[%get3A_354, %get3A_355] {strides = array<i32>} : memref<320x64xf32, #tpu.memory_space<vmem>>, vector<16xf32>,
        %get3A_357 = arith.index_cast %while3A_337 : i32 to index
        %get3A_358 = arith.constant 48 : index
        %get3A_359 = tpu.vector_load %arg11[%get3A_357, %get3A_358] {strides = array<i32>} : memref<320x64xf32, #tpu.memory_space<vmem>>, vector<16xf32>,
        %while3A_360 = arith.constant 0 : i32
        %while3A_361 = arith.subi %min3A_347, %while3A_338 : i32
        %while3A_362 = arith.addi %while3A_338, %while3A_361 : i32
        %while3A_363 = arith.constant 1 : i32
        %while3A_364 = arith.divsi %while3A_361, %while3A_363 : i32
        %while3A_365 = arith.muli %while3A_364, %while3A_363 : i32
        %while3A_366 = arith.addi %while3A_338, %while3A_365 : i32
        %while3A_367 = arith.constant 1 : i32
        scf.for %while3A_373 = %while3A_338 to %while3A_366 step %while3A_367  : i32 {
          %sub3A = arith.subi %while3A_373, %mul3A_310 : i32
          %get3A_374 = arith.constant 1 : i32
          %get3A_375 = arith.index_cast %get3A_374 : i32 to index
          %get3A_376 = arith.index_cast %sub3A : i32 to index
          %get3A_377 = arith.constant 0 : index
          %get3A_378 = tpu.vector_load %arg12[%get3A_375, %get3A_376, %get3A_377] {strides = array<i32>} : memref<2x200x64xf32, #tpu.memory_space<vmem>>, vector<16xf32>,
          %add3A_379 = arith.addf %get3A_350, %get3A_378 : vector<16xf32>
          %swap3A = arith.constant 1 : i32
          %swap3A_380 = arith.index_cast %swap3A : i32 to index
          %swap3A_381 = arith.index_cast %sub3A : i32 to index
          %swap3A_382 = arith.constant 0 : index
          %swap3A_383 = tpu.vector_load %arg12[%swap3A_380, %swap3A_381, %swap3A_382] {strides = array<i32>} : memref<2x200x64xf32, #tpu.memory_space<vmem>>, vector<16xf32>,
          tpu.vector_store %arg12[%swap3A_380, %swap3A_381, %swap3A_382], %add3A_379 {strides = array<i32>} : memref<2x200x64xf32, #tpu.memory_space<vmem>>, vector<16xf32>,
          %get3A_384 = arith.constant 1 : i32
          %get3A_385 = arith.index_cast %get3A_384 : i32 to index
          %get3A_386 = arith.index_cast %sub3A : i32 to index
          %get3A_387 = arith.constant 16 : index
          %get3A_388 = tpu.vector_load %arg12[%get3A_385, %get3A_386, %get3A_387] {strides = array<i32>} : memref<2x200x64xf32, #tpu.memory_space<vmem>>, vector<16xf32>,
          %add3A_389 = arith.addf %get3A_353, %get3A_388 : vector<16xf32>
          %swap3A_390 = arith.constant 1 : i32
          %swap3A_391 = arith.index_cast %swap3A_390 : i32 to index
          %swap3A_392 = arith.index_cast %sub3A : i32 to index
          %swap3A_393 = arith.constant 16 : index
          %swap3A_394 = tpu.vector_load %arg12[%swap3A_391, %swap3A_392, %swap3A_393] {strides = array<i32>} : memref<2x200x64xf32, #tpu.memory_space<vmem>>, vector<16xf32>,
          tpu.vector_store %arg12[%swap3A_391, %swap3A_392, %swap3A_393], %add3A_389 {strides = array<i32>} : memref<2x200x64xf32, #tpu.memory_space<vmem>>, vector<16xf32>,
          %get3A_395 = arith.constant 1 : i32
          %get3A_396 = arith.index_cast %get3A_395 : i32 to index
          %get3A_397 = arith.index_cast %sub3A : i32 to index
          %get3A_398 = arith.constant 32 : index
          %get3A_399 = tpu.vector_load %arg12[%get3A_396, %get3A_397, %get3A_398] {strides = array<i32>} : memref<2x200x64xf32, #tpu.memory_space<vmem>>, vector<16xf32>,
          %add3A_400 = arith.addf %get3A_356, %get3A_399 : vector<16xf32>
          %swap3A_401 = arith.constant 1 : i32
          %swap3A_402 = arith.index_cast %swap3A_401 : i32 to index
          %swap3A_403 = arith.index_cast %sub3A : i32 to index
          %swap3A_404 = arith.constant 32 : index
          %swap3A_405 = tpu.vector_load %arg12[%swap3A_402, %swap3A_403, %swap3A_404] {strides = array<i32>} : memref<2x200x64xf32, #tpu.memory_space<vmem>>, vector<16xf32>,
          tpu.vector_store %arg12[%swap3A_402, %swap3A_403, %swap3A_404], %add3A_400 {strides = array<i32>} : memref<2x200x64xf32, #tpu.memory_space<vmem>>, vector<16xf32>,
          %get3A_406 = arith.constant 1 : i32
          %get3A_407 = arith.index_cast %get3A_406 : i32 to index
          %get3A_408 = arith.index_cast %sub3A : i32 to index
          %get3A_409 = arith.constant 48 : index
          %get3A_410 = tpu.vector_load %arg12[%get3A_407, %get3A_408, %get3A_409] {strides = array<i32>} : memref<2x200x64xf32, #tpu.memory_space<vmem>>, vector<16xf32>,
          %add3A_411 = arith.addf %get3A_359, %get3A_410 : vector<16xf32>
          %swap3A_412 = arith.constant 1 : i32
          %swap3A_413 = arith.index_cast %swap3A_412 : i32 to index
          %swap3A_414 = arith.index_cast %sub3A : i32 to index
          %swap3A_415 = arith.constant 48 : index
          %swap3A_416 = tpu.vector_load %arg12[%swap3A_413, %swap3A_414, %swap3A_415] {strides = array<i32>} : memref<2x200x64xf32, #tpu.memory_space<vmem>>, vector<16xf32>,
          tpu.vector_store %arg12[%swap3A_413, %swap3A_414, %swap3A_415], %add3A_411 {strides = array<i32>} : memref<2x200x64xf32, #tpu.memory_space<vmem>>, vector<16xf32>,
        }
        %while3A_368 = arith.constant 1 : i32
        scf.for %while3A_373 = %while3A_366 to %while3A_362 step %while3A_368  : i32 {
          %sub3A = arith.subi %while3A_373, %mul3A_310 : i32
          %get3A_374 = arith.constant 1 : i32
          %get3A_375 = arith.index_cast %get3A_374 : i32 to index
          %get3A_376 = arith.index_cast %sub3A : i32 to index
          %get3A_377 = arith.constant 0 : index
          %get3A_378 = tpu.vector_load %arg12[%get3A_375, %get3A_376, %get3A_377] {strides = array<i32>} : memref<2x200x64xf32, #tpu.memory_space<vmem>>, vector<16xf32>,
          %add3A_379 = arith.addf %get3A_350, %get3A_378 : vector<16xf32>
          %swap3A = arith.constant 1 : i32
          %swap3A_380 = arith.index_cast %swap3A : i32 to index
          %swap3A_381 = arith.index_cast %sub3A : i32 to index
          %swap3A_382 = arith.constant 0 : index
          %swap3A_383 = tpu.vector_load %arg12[%swap3A_380, %swap3A_381, %swap3A_382] {strides = array<i32>} : memref<2x200x64xf32, #tpu.memory_space<vmem>>, vector<16xf32>,
          tpu.vector_store %arg12[%swap3A_380, %swap3A_381, %swap3A_382], %add3A_379 {strides = array<i32>} : memref<2x200x64xf32, #tpu.memory_space<vmem>>, vector<16xf32>,
          %get3A_384 = arith.constant 1 : i32
          %get3A_385 = arith.index_cast %get3A_384 : i32 to index
          %get3A_386 = arith.index_cast %sub3A : i32 to index
          %get3A_387 = arith.constant 16 : index
          %get3A_388 = tpu.vector_load %arg12[%get3A_385, %get3A_386, %get3A_387] {strides = array<i32>} : memref<2x200x64xf32, #tpu.memory_space<vmem>>, vector<16xf32>,
          %add3A_389 = arith.addf %get3A_353, %get3A_388 : vector<16xf32>
          %swap3A_390 = arith.constant 1 : i32
          %swap3A_391 = arith.index_cast %swap3A_390 : i32 to index
          %swap3A_392 = arith.index_cast %sub3A : i32 to index
          %swap3A_393 = arith.constant 16 : index
          %swap3A_394 = tpu.vector_load %arg12[%swap3A_391, %swap3A_392, %swap3A_393] {strides = array<i32>} : memref<2x200x64xf32, #tpu.memory_space<vmem>>, vector<16xf32>,
          tpu.vector_store %arg12[%swap3A_391, %swap3A_392, %swap3A_393], %add3A_389 {strides = array<i32>} : memref<2x200x64xf32, #tpu.memory_space<vmem>>, vector<16xf32>,
          %get3A_395 = arith.constant 1 : i32
          %get3A_396 = arith.index_cast %get3A_395 : i32 to index
          %get3A_397 = arith.index_cast %sub3A : i32 to index
          %get3A_398 = arith.constant 32 : index
          %get3A_399 = tpu.vector_load %arg12[%get3A_396, %get3A_397, %get3A_398] {strides = array<i32>} : memref<2x200x64xf32, #tpu.memory_space<vmem>>, vector<16xf32>,
          %add3A_400 = arith.addf %get3A_356, %get3A_399 : vector<16xf32>
          %swap3A_401 = arith.constant 1 : i32
          %swap3A_402 = arith.index_cast %swap3A_401 : i32 to index
          %swap3A_403 = arith.index_cast %sub3A : i32 to index
          %swap3A_404 = arith.constant 32 : index
          %swap3A_405 = tpu.vector_load %arg12[%swap3A_402, %swap3A_403, %swap3A_404] {strides = array<i32>} : memref<2x200x64xf32, #tpu.memory_space<vmem>>, vector<16xf32>,
          tpu.vector_store %arg12[%swap3A_402, %swap3A_403, %swap3A_404], %add3A_400 {strides = array<i32>} : memref<2x200x64xf32, #tpu.memory_space<vmem>>, vector<16xf32>,
          %get3A_406 = arith.constant 1 : i32
          %get3A_407 = arith.index_cast %get3A_406 : i32 to index
          %get3A_408 = arith.index_cast %sub3A : i32 to index
          %get3A_409 = arith.constant 48 : index
          %get3A_410 = tpu.vector_load %arg12[%get3A_407, %get3A_408, %get3A_409] {strides = array<i32>} : memref<2x200x64xf32, #tpu.memory_space<vmem>>, vector<16xf32>,
          %add3A_411 = arith.addf %get3A_359, %get3A_410 : vector<16xf32>
          %swap3A_412 = arith.constant 1 : i32
          %swap3A_413 = arith.index_cast %swap3A_412 : i32 to index
          %swap3A_414 = arith.index_cast %sub3A : i32 to index
          %swap3A_415 = arith.constant 48 : index
          %swap3A_416 = tpu.vector_load %arg12[%swap3A_413, %swap3A_414, %swap3A_415] {strides = array<i32>} : memref<2x200x64xf32, #tpu.memory_space<vmem>>, vector<16xf32>,
          tpu.vector_store %arg12[%swap3A_413, %swap3A_414, %swap3A_415], %add3A_411 {strides = array<i32>} : memref<2x200x64xf32, #tpu.memory_space<vmem>>, vector<16xf32>,
        }
        %eq3A = arith.cmpi eq, %min3A_347, %squeeze3A_346 : i32
        %add3A_369 = arith.constant 1 : i32
        %add3A_370 = arith.addi %while3A_337, %add3A_369 : i32
        %min3A_371 = arith.constant 318 : i32
        %min3A_372 = arith.minsi %add3A_370, %min3A_371 : i32
        %select_n3A = arith.select %eq3A, %min3A_372, %while3A_337 : i32
        scf.yield %select_n3A, %min3A_347 : i32, i32
      }
      %mul3A_318 = arith.constant 200 : i32
      %mul3A_319 = arith.muli %add3A_229, %mul3A_318 : i32
      %add3A_320 = arith.addi %mul3A_4, %mul3A_319 : i32
      %dma_start3A_321 = arith.constant 1 : i32
      %dma_start3A_322 = arith.constant 1 : i32
      %dma_start3A_323 = arith.constant 0 : i32
      %dma_start3A_324 = arith.constant 0 : i32
      %dma_start3A_325 = tpu.memref_slice %arg12[%dma_start3A_321, %dma_start3A_323, %dma_start3A_324] : memref<2x200x64xf32, #tpu.memory_space<vmem>> -> memref<1x200x64xf32, #tpu.memory_space<vmem>>
      %dma_start3A_326 = tpu.memref_squeeze %dma_start3A_325 : memref<1x200x64xf32, #tpu.memory_space<vmem>> -> memref<200x64xf32, #tpu.memory_space<vmem>>
      %dma_start3A_327 = arith.constant 0 : i32
      %dma_start3A_328 = tpu.memref_slice %arg7[%add3A_320, %dma_start3A_327] : memref<358400x64xf32, #tpu.memory_space<hbm>> -> memref<200x64xf32, #tpu.memory_space<hbm>>
      %dma_start3A_329 = tpu.memref_slice %arg14[%dma_start3A_322] : memref<2x!tpu.dma_semaphore, #tpu.memory_space<semaphore_mem>> -> memref<1x!tpu.dma_semaphore, #tpu.memory_space<semaphore_mem>>
      %dma_start3A_330 = tpu.memref_squeeze %dma_start3A_329 : memref<1x!tpu.dma_semaphore, #tpu.memory_space<semaphore_mem>> -> memref<!tpu.dma_semaphore, #tpu.memory_space<semaphore_mem>>
      %dma_start3A_331 = arith.constant 0 : i32
      %dma_start3A_332 = tpu.memref_slice %arg7[%add3A_320, %dma_start3A_331] : memref<358400x64xf32, #tpu.memory_space<hbm>> -> memref<200x64xf32, #tpu.memory_space<hbm>>
      %dma_start3A_333 = arith.constant 0 : i32
      %dma_start3A_334 = arith.constant 0 : i32
      %dma_start3A_335 = tpu.memref_slice %arg12[%dma_start3A_321, %dma_start3A_333, %dma_start3A_334] : memref<2x200x64xf32, #tpu.memory_space<vmem>> -> memref<1x200x64xf32, #tpu.memory_space<vmem>>
      %dma_start3A_336 = tpu.memref_squeeze %dma_start3A_335 : memref<1x200x64xf32, #tpu.memory_space<vmem>> -> memref<200x64xf32, #tpu.memory_space<vmem>>
      tpu.enqueue_dma source(%dma_start3A_336 : memref<200x64xf32, #tpu.memory_space<vmem>>) target(%dma_start3A_332 : memref<200x64xf32, #tpu.memory_space<hbm>>) target_semaphore(%dma_start3A_330 : memref<!tpu.dma_semaphore, #tpu.memory_space<semaphore_mem>>)
      scf.yield %while3A_317#0, %while3A_317#1 : i32, i32
    }
    %scan3A_82 = arith.constant 28 : i32
    %add3A_83 = arith.constant 10800 : i32
    %add3A_84 = arith.addi %mul3A_4, %add3A_83 : i32
    %dma_wait3A = arith.constant 0 : i32
    %dma_wait3A_85 = arith.constant 0 : i32
    %dma_wait3A_86 = arith.constant 0 : i32
    %dma_wait3A_87 = arith.constant 0 : i32
    %dma_wait3A_88 = tpu.memref_slice %arg12[%dma_wait3A, %dma_wait3A_86, %dma_wait3A_87] : memref<2x200x64xf32, #tpu.memory_space<vmem>> -> memref<1x200x64xf32, #tpu.memory_space<vmem>>
    %dma_wait3A_89 = tpu.memref_squeeze %dma_wait3A_88 : memref<1x200x64xf32, #tpu.memory_space<vmem>> -> memref<200x64xf32, #tpu.memory_space<vmem>>
    %dma_wait3A_90 = arith.constant 0 : i32
    %dma_wait3A_91 = tpu.memref_slice %arg7[%add3A_84, %dma_wait3A_90] : memref<358400x64xf32, #tpu.memory_space<hbm>> -> memref<200x64xf32, #tpu.memory_space<hbm>>
    %dma_wait3A_92 = tpu.memref_slice %arg14[%dma_wait3A_85] : memref<2x!tpu.dma_semaphore, #tpu.memory_space<semaphore_mem>> -> memref<1x!tpu.dma_semaphore, #tpu.memory_space<semaphore_mem>>
    %dma_wait3A_93 = tpu.memref_squeeze %dma_wait3A_92 : memref<1x!tpu.dma_semaphore, #tpu.memory_space<semaphore_mem>> -> memref<!tpu.dma_semaphore, #tpu.memory_space<semaphore_mem>>
    %dma_wait3A_94 = arith.constant 0 : i32
    %dma_wait3A_95 = tpu.memref_slice %arg7[%add3A_84, %dma_wait3A_94] : memref<358400x64xf32, #tpu.memory_space<hbm>> -> memref<200x64xf32, #tpu.memory_space<hbm>>
    %dma_wait3A_96 = arith.constant 0 : i32
    %dma_wait3A_97 = arith.constant 0 : i32
    %dma_wait3A_98 = tpu.memref_slice %arg12[%dma_wait3A, %dma_wait3A_96, %dma_wait3A_97] : memref<2x200x64xf32, #tpu.memory_space<vmem>> -> memref<1x200x64xf32, #tpu.memory_space<vmem>>
    %dma_wait3A_99 = tpu.memref_squeeze %dma_wait3A_98 : memref<1x200x64xf32, #tpu.memory_space<vmem>> -> memref<200x64xf32, #tpu.memory_space<vmem>>
    tpu.wait_dma2 semaphore(%dma_wait3A_93 : memref<!tpu.dma_semaphore, #tpu.memory_space<semaphore_mem>>) src(%dma_wait3A_99 : memref<200x64xf32, #tpu.memory_space<vmem>>) dst(%dma_wait3A_95 : memref<200x64xf32, #tpu.memory_space<hbm>>)
    %add3A_100 = arith.constant 11000 : i32
    %add3A_101 = arith.addi %mul3A_4, %add3A_100 : i32
    %dma_wait3A_102 = arith.constant 1 : i32
    %dma_wait3A_103 = arith.constant 1 : i32
    %dma_wait3A_104 = arith.constant 0 : i32
    %dma_wait3A_105 = arith.constant 0 : i32
    %dma_wait3A_106 = tpu.memref_slice %arg12[%dma_wait3A_102, %dma_wait3A_104, %dma_wait3A_105] : memref<2x200x64xf32, #tpu.memory_space<vmem>> -> memref<1x200x64xf32, #tpu.memory_space<vmem>>
    %dma_wait3A_107 = tpu.memref_squeeze %dma_wait3A_106 : memref<1x200x64xf32, #tpu.memory_space<vmem>> -> memref<200x64xf32, #tpu.memory_space<vmem>>
    %dma_wait3A_108 = arith.constant 0 : i32
    %dma_wait3A_109 = tpu.memref_slice %arg7[%add3A_101, %dma_wait3A_108] : memref<358400x64xf32, #tpu.memory_space<hbm>> -> memref<200x64xf32, #tpu.memory_space<hbm>>
    %dma_wait3A_110 = tpu.memref_slice %arg14[%dma_wait3A_103] : memref<2x!tpu.dma_semaphore, #tpu.memory_space<semaphore_mem>> -> memref<1x!tpu.dma_semaphore, #tpu.memory_space<semaphore_mem>>
    %dma_wait3A_111 = tpu.memref_squeeze %dma_wait3A_110 : memref<1x!tpu.dma_semaphore, #tpu.memory_space<semaphore_mem>> -> memref<!tpu.dma_semaphore, #tpu.memory_space<semaphore_mem>>
    %dma_wait3A_112 = arith.constant 0 : i32
    %dma_wait3A_113 = tpu.memref_slice %arg7[%add3A_101, %dma_wait3A_112] : memref<358400x64xf32, #tpu.memory_space<hbm>> -> memref<200x64xf32, #tpu.memory_space<hbm>>
    %dma_wait3A_114 = arith.constant 0 : i32
    %dma_wait3A_115 = arith.constant 0 : i32
    %dma_wait3A_116 = tpu.memref_slice %arg12[%dma_wait3A_102, %dma_wait3A_114, %dma_wait3A_115] : memref<2x200x64xf32, #tpu.memory_space<vmem>> -> memref<1x200x64xf32, #tpu.memory_space<vmem>>
    %dma_wait3A_117 = tpu.memref_squeeze %dma_wait3A_116 : memref<1x200x64xf32, #tpu.memory_space<vmem>> -> memref<200x64xf32, #tpu.memory_space<vmem>>
    tpu.wait_dma2 semaphore(%dma_wait3A_111 : memref<!tpu.dma_semaphore, #tpu.memory_space<semaphore_mem>>) src(%dma_wait3A_117 : memref<200x64xf32, #tpu.memory_space<vmem>>) dst(%dma_wait3A_113 : memref<200x64xf32, #tpu.memory_space<hbm>>)
    return
  }
}

#map = affine_map<(d0, d1) -> (0)>
#map1 = affine_map<(d0, d1) -> (0, 0)>
module attributes {stable_mosaic.version = 14 : i64} {
  func.func @_gather_body(%arg0: i32, %arg1: i32, %arg2: memref<358400xi32, #tpu.memory_space<hbm>>, %arg3: memref<358400xi32, #tpu.memory_space<hbm>>, %arg4: memref<32x320xi32, #tpu.memory_space<hbm>>, %arg5: memref<10080x64xf32, #tpu.memory_space<hbm>>, %arg6: memref<10080x64xf32, #tpu.memory_space<hbm>>, %arg7: memref<358400x64xf32, #tpu.memory_space<hbm>>, %arg8: memref<11200xi32, #tpu.memory_space<vmem>>, %arg9: memref<320xi32, #tpu.memory_space<vmem>>, %arg10: memref<5120xi32, #tpu.memory_space<vmem>>, %arg11: memref<320x64xf32, #tpu.memory_space<vmem>>, %arg12: memref<2x200x64xf32, #tpu.memory_space<vmem>>, %arg13: memref<2x!tpu.dma_semaphore, #tpu.memory_space<semaphore_mem>>, %arg14: memref<2x!tpu.dma_semaphore, #tpu.memory_space<semaphore_mem>>) attributes {dimension_semantics = [#tpu.dimension_semantics<core_parallel>, #tpu.dimension_semantics<subcore_parallel>], iteration_bounds = array<i64: 2, 16>, scalar_prefetch = 0 : i64, scratch_operands = 7 : i64, tpu.core_type = #tpu.core_type<sc_vector_subcore>, window_params = [{transform_indices = #map}, {transform_indices = #map}, {transform_indices = #map1}, {transform_indices = #map1}, {transform_indices = #map1}, {transform_indices = #map1}]} {
    %mul3A = arith.constant 2 : i32
    %mul3A_0 = arith.muli %arg1, %mul3A : i32
    %add3A = arith.addi %mul3A_0, %arg0 : i32
    %mul3A_1 = arith.constant 313 : i32
    %mul3A_2 = arith.muli %add3A, %mul3A_1 : i32
    %mul3A_3 = arith.constant 11200 : i32
    %mul3A_4 = arith.muli %add3A, %mul3A_3 : i32
    "tpu.region"() ({
      %run_scoped3A = tpu.sem_alloc : memref<!tpu.dma_semaphore, #tpu.memory_space<semaphore_mem>>
      %dma_start3A_118 = tpu.memref_slice %arg3[%mul3A_4] : memref<358400xi32, #tpu.memory_space<hbm>> -> memref<11200xi32, #tpu.memory_space<hbm>>
      %dma_start3A_119 = tpu.memref_slice %arg3[%mul3A_4] : memref<358400xi32, #tpu.memory_space<hbm>> -> memref<11200xi32, #tpu.memory_space<hbm>>
      tpu.enqueue_dma source(%dma_start3A_119 : memref<11200xi32, #tpu.memory_space<hbm>>) target(%arg8 : memref<11200xi32, #tpu.memory_space<vmem>>) target_semaphore(%run_scoped3A : memref<!tpu.dma_semaphore, #tpu.memory_space<semaphore_mem>>)
      %dma_wait3A_120 = tpu.memref_slice %arg3[%mul3A_4] : memref<358400xi32, #tpu.memory_space<hbm>> -> memref<11200xi32, #tpu.memory_space<hbm>>
      %dma_wait3A_121 = tpu.memref_slice %arg3[%mul3A_4] : memref<358400xi32, #tpu.memory_space<hbm>> -> memref<11200xi32, #tpu.memory_space<hbm>>
      tpu.wait_dma2 semaphore(%run_scoped3A : memref<!tpu.dma_semaphore, #tpu.memory_space<semaphore_mem>>) src(%dma_wait3A_121 : memref<11200xi32, #tpu.memory_space<hbm>>) dst(%arg8 : memref<11200xi32, #tpu.memory_space<vmem>>)
      tpu.yield
    }) : () -> ()
    "tpu.region"() ({
      %run_scoped3A = tpu.sem_alloc : memref<!tpu.dma_semaphore, #tpu.memory_space<semaphore_mem>>
      %dma_start3A_118 = arith.constant 0 : i32
      %dma_start3A_119 = tpu.memref_slice %arg4[%add3A, %dma_start3A_118] : memref<32x320xi32, #tpu.memory_space<hbm>> -> memref<1x320xi32, #tpu.memory_space<hbm>>
      %dma_start3A_120 = tpu.memref_squeeze %dma_start3A_119 : memref<1x320xi32, #tpu.memory_space<hbm>> -> memref<320xi32, #tpu.memory_space<hbm>>
      %dma_start3A_121 = arith.constant 0 : i32
      %dma_start3A_122 = tpu.memref_slice %arg4[%add3A, %dma_start3A_121] : memref<32x320xi32, #tpu.memory_space<hbm>> -> memref<1x320xi32, #tpu.memory_space<hbm>>
      %dma_start3A_123 = tpu.memref_squeeze %dma_start3A_122 : memref<1x320xi32, #tpu.memory_space<hbm>> -> memref<320xi32, #tpu.memory_space<hbm>>
      tpu.enqueue_dma source(%dma_start3A_123 : memref<320xi32, #tpu.memory_space<hbm>>) target(%arg9 : memref<320xi32, #tpu.memory_space<vmem>>) target_semaphore(%run_scoped3A : memref<!tpu.dma_semaphore, #tpu.memory_space<semaphore_mem>>)
      %dma_wait3A_124 = arith.constant 0 : i32
      %dma_wait3A_125 = tpu.memref_slice %arg4[%add3A, %dma_wait3A_124] : memref<32x320xi32, #tpu.memory_space<hbm>> -> memref<1x320xi32, #tpu.memory_space<hbm>>
      %dma_wait3A_126 = tpu.memref_squeeze %dma_wait3A_125 : memref<1x320xi32, #tpu.memory_space<hbm>> -> memref<320xi32, #tpu.memory_space<hbm>>
      %dma_wait3A_127 = arith.constant 0 : i32
      %dma_wait3A_128 = tpu.memref_slice %arg4[%add3A, %dma_wait3A_127] : memref<32x320xi32, #tpu.memory_space<hbm>> -> memref<1x320xi32, #tpu.memory_space<hbm>>
      %dma_wait3A_129 = tpu.memref_squeeze %dma_wait3A_128 : memref<1x320xi32, #tpu.memory_space<hbm>> -> memref<320xi32, #tpu.memory_space<hbm>>
      tpu.wait_dma2 semaphore(%run_scoped3A : memref<!tpu.dma_semaphore, #tpu.memory_space<semaphore_mem>>) src(%dma_wait3A_129 : memref<320xi32, #tpu.memory_space<hbm>>) dst(%arg9 : memref<320xi32, #tpu.memory_space<vmem>>)
      tpu.yield
    }) : () -> ()
    "tpu.region"() ({
      %run_scoped3A = tpu.sem_alloc : memref<!tpu.dma_semaphore, #tpu.memory_space<semaphore_mem>>
      %dma_start3A_118 = arith.constant 0 : i32
      %dma_start3A_119 = tpu.memref_slice %arg5[%mul3A_2, %dma_start3A_118] : memref<10080x64xf32, #tpu.memory_space<hbm>> -> memref<320x64xf32, #tpu.memory_space<hbm>>
      %dma_start3A_120 = arith.constant 0 : i32
      %dma_start3A_121 = tpu.memref_slice %arg5[%mul3A_2, %dma_start3A_120] : memref<10080x64xf32, #tpu.memory_space<hbm>> -> memref<320x64xf32, #tpu.memory_space<hbm>>
      tpu.enqueue_dma source(%dma_start3A_121 : memref<320x64xf32, #tpu.memory_space<hbm>>) target(%arg11 : memref<320x64xf32, #tpu.memory_space<vmem>>) target_semaphore(%run_scoped3A : memref<!tpu.dma_semaphore, #tpu.memory_space<semaphore_mem>>)
      %dma_wait3A_122 = arith.constant 0 : i32
      %dma_wait3A_123 = tpu.memref_slice %arg5[%mul3A_2, %dma_wait3A_122] : memref<10080x64xf32, #tpu.memory_space<hbm>> -> memref<320x64xf32, #tpu.memory_space<hbm>>
      %dma_wait3A_124 = arith.constant 0 : i32
      %dma_wait3A_125 = tpu.memref_slice %arg5[%mul3A_2, %dma_wait3A_124] : memref<10080x64xf32, #tpu.memory_space<hbm>> -> memref<320x64xf32, #tpu.memory_space<hbm>>
      tpu.wait_dma2 semaphore(%run_scoped3A : memref<!tpu.dma_semaphore, #tpu.memory_space<semaphore_mem>>) src(%dma_wait3A_125 : memref<320x64xf32, #tpu.memory_space<hbm>>) dst(%arg11 : memref<320x64xf32, #tpu.memory_space<vmem>>)
      tpu.yield
    }) : () -> ()
    %scan3A = arith.constant 0 : i32
    %scan3A_5 = arith.constant 0 : i32
    %scan3A_6 = arith.constant 20 : i32
    %scan3A_7 = arith.addi %scan3A_5, %scan3A_6 : i32
    %scan3A_8 = arith.constant 1 : i32
    scf.for %scan3A_118 = %scan3A_5 to %scan3A_7 step %scan3A_8  : i32 {
      %mul3A_119 = arith.constant 16 : i32
      %mul3A_120 = arith.muli %scan3A_118, %mul3A_119 : i32
      %get3A_121 = arith.index_cast %mul3A_120 : i32 to index
      %get3A_122 = tpu.vector_load %arg9[%get3A_121] {strides = array<i32>} : memref<320xi32, #tpu.memory_space<vmem>>, vector<16xi32>,
      %slice3A_123 = vector.extract_strided_slice %get3A_122 {offsets = [0], sizes = [1], strides = [1]} : vector<16xi32> to vector<1xi32>
      %squeeze3A_124 = vector.extract %slice3A_123[0] : i32 from vector<1xi32>
      %broadcast_in_dim3A = vector.broadcast %squeeze3A_124 : i32 to vector<16xi32>
      %mul3A_125 = arith.constant 256 : i32
      %mul3A_126 = arith.muli %scan3A_118, %mul3A_125 : i32
      %add3A_127 = arith.constant 0 : i32
      %add3A_128 = arith.addi %mul3A_126, %add3A_127 : i32
      %swap3A = arith.index_cast %add3A_128 : i32 to index
      %swap3A_129 = tpu.vector_load %arg10[%swap3A] {strides = array<i32>} : memref<5120xi32, #tpu.memory_space<vmem>>, vector<16xi32>,
      tpu.vector_store %arg10[%swap3A], %broadcast_in_dim3A {strides = array<i32>} : memref<5120xi32, #tpu.memory_space<vmem>>, vector<16xi32>,
      %slice3A_130 = vector.extract_strided_slice %get3A_122 {offsets = [1], sizes = [1], strides = [1]} : vector<16xi32> to vector<1xi32>
      %squeeze3A_131 = vector.extract %slice3A_130[0] : i32 from vector<1xi32>
      %broadcast_in_dim3A_132 = vector.broadcast %squeeze3A_131 : i32 to vector<16xi32>
      %mul3A_133 = arith.constant 256 : i32
      %mul3A_134 = arith.muli %scan3A_118, %mul3A_133 : i32
      %add3A_135 = arith.constant 16 : i32
      %add3A_136 = arith.addi %mul3A_134, %add3A_135 : i32
      %swap3A_137 = arith.index_cast %add3A_136 : i32 to index
      %swap3A_138 = tpu.vector_load %arg10[%swap3A_137] {strides = array<i32>} : memref<5120xi32, #tpu.memory_space<vmem>>, vector<16xi32>,
      tpu.vector_store %arg10[%swap3A_137], %broadcast_in_dim3A_132 {strides = array<i32>} : memref<5120xi32, #tpu.memory_space<vmem>>, vector<16xi32>,
      %slice3A_139 = vector.extract_strided_slice %get3A_122 {offsets = [2], sizes = [1], strides = [1]} : vector<16xi32> to vector<1xi32>
      %squeeze3A_140 = vector.extract %slice3A_139[0] : i32 from vector<1xi32>
      %broadcast_in_dim3A_141 = vector.broadcast %squeeze3A_140 : i32 to vector<16xi32>
      %mul3A_142 = arith.constant 256 : i32
      %mul3A_143 = arith.muli %scan3A_118, %mul3A_142 : i32
      %add3A_144 = arith.constant 32 : i32
      %add3A_145 = arith.addi %mul3A_143, %add3A_144 : i32
      %swap3A_146 = arith.index_cast %add3A_145 : i32 to index
      %swap3A_147 = tpu.vector_load %arg10[%swap3A_146] {strides = array<i32>} : memref<5120xi32, #tpu.memory_space<vmem>>, vector<16xi32>,
      tpu.vector_store %arg10[%swap3A_146], %broadcast_in_dim3A_141 {strides = array<i32>} : memref<5120xi32, #tpu.memory_space<vmem>>, vector<16xi32>,
      %slice3A_148 = vector.extract_strided_slice %get3A_122 {offsets = [3], sizes = [1], strides = [1]} : vector<16xi32> to vector<1xi32>
      %squeeze3A_149 = vector.extract %slice3A_148[0] : i32 from vector<1xi32>
      %broadcast_in_dim3A_150 = vector.broadcast %squeeze3A_149 : i32 to vector<16xi32>
      %mul3A_151 = arith.constant 256 : i32
      %mul3A_152 = arith.muli %scan3A_118, %mul3A_151 : i32
      %add3A_153 = arith.constant 48 : i32
      %add3A_154 = arith.addi %mul3A_152, %add3A_153 : i32
      %swap3A_155 = arith.index_cast %add3A_154 : i32 to index
      %swap3A_156 = tpu.vector_load %arg10[%swap3A_155] {strides = array<i32>} : memref<5120xi32, #tpu.memory_space<vmem>>, vector<16xi32>,
      tpu.vector_store %arg10[%swap3A_155], %broadcast_in_dim3A_150 {strides = array<i32>} : memref<5120xi32, #tpu.memory_space<vmem>>, vector<16xi32>,
      %slice3A_157 = vector.extract_strided_slice %get3A_122 {offsets = [4], sizes = [1], strides = [1]} : vector<16xi32> to vector<1xi32>
      %squeeze3A_158 = vector.extract %slice3A_157[0] : i32 from vector<1xi32>
      %broadcast_in_dim3A_159 = vector.broadcast %squeeze3A_158 : i32 to vector<16xi32>
      %mul3A_160 = arith.constant 256 : i32
      %mul3A_161 = arith.muli %scan3A_118, %mul3A_160 : i32
      %add3A_162 = arith.constant 64 : i32
      %add3A_163 = arith.addi %mul3A_161, %add3A_162 : i32
      %swap3A_164 = arith.index_cast %add3A_163 : i32 to index
      %swap3A_165 = tpu.vector_load %arg10[%swap3A_164] {strides = array<i32>} : memref<5120xi32, #tpu.memory_space<vmem>>, vector<16xi32>,
      tpu.vector_store %arg10[%swap3A_164], %broadcast_in_dim3A_159 {strides = array<i32>} : memref<5120xi32, #tpu.memory_space<vmem>>, vector<16xi32>,
      %slice3A_166 = vector.extract_strided_slice %get3A_122 {offsets = [5], sizes = [1], strides = [1]} : vector<16xi32> to vector<1xi32>
      %squeeze3A_167 = vector.extract %slice3A_166[0] : i32 from vector<1xi32>
      %broadcast_in_dim3A_168 = vector.broadcast %squeeze3A_167 : i32 to vector<16xi32>
      %mul3A_169 = arith.constant 256 : i32
      %mul3A_170 = arith.muli %scan3A_118, %mul3A_169 : i32
      %add3A_171 = arith.constant 80 : i32
      %add3A_172 = arith.addi %mul3A_170, %add3A_171 : i32
      %swap3A_173 = arith.index_cast %add3A_172 : i32 to index
      %swap3A_174 = tpu.vector_load %arg10[%swap3A_173] {strides = array<i32>} : memref<5120xi32, #tpu.memory_space<vmem>>, vector<16xi32>,
      tpu.vector_store %arg10[%swap3A_173], %broadcast_in_dim3A_168 {strides = array<i32>} : memref<5120xi32, #tpu.memory_space<vmem>>, vector<16xi32>,
      %slice3A_175 = vector.extract_strided_slice %get3A_122 {offsets = [6], sizes = [1], strides = [1]} : vector<16xi32> to vector<1xi32>
      %squeeze3A_176 = vector.extract %slice3A_175[0] : i32 from vector<1xi32>
      %broadcast_in_dim3A_177 = vector.broadcast %squeeze3A_176 : i32 to vector<16xi32>
      %mul3A_178 = arith.constant 256 : i32
      %mul3A_179 = arith.muli %scan3A_118, %mul3A_178 : i32
      %add3A_180 = arith.constant 96 : i32
      %add3A_181 = arith.addi %mul3A_179, %add3A_180 : i32
      %swap3A_182 = arith.index_cast %add3A_181 : i32 to index
      %swap3A_183 = tpu.vector_load %arg10[%swap3A_182] {strides = array<i32>} : memref<5120xi32, #tpu.memory_space<vmem>>, vector<16xi32>,
      tpu.vector_store %arg10[%swap3A_182], %broadcast_in_dim3A_177 {strides = array<i32>} : memref<5120xi32, #tpu.memory_space<vmem>>, vector<16xi32>,
      %slice3A_184 = vector.extract_strided_slice %get3A_122 {offsets = [7], sizes = [1], strides = [1]} : vector<16xi32> to vector<1xi32>
      %squeeze3A_185 = vector.extract %slice3A_184[0] : i32 from vector<1xi32>
      %broadcast_in_dim3A_186 = vector.broadcast %squeeze3A_185 : i32 to vector<16xi32>
      %mul3A_187 = arith.constant 256 : i32
      %mul3A_188 = arith.muli %scan3A_118, %mul3A_187 : i32
      %add3A_189 = arith.constant 112 : i32
      %add3A_190 = arith.addi %mul3A_188, %add3A_189 : i32
      %swap3A_191 = arith.index_cast %add3A_190 : i32 to index
      %swap3A_192 = tpu.vector_load %arg10[%swap3A_191] {strides = array<i32>} : memref<5120xi32, #tpu.memory_space<vmem>>, vector<16xi32>,
      tpu.vector_store %arg10[%swap3A_191], %broadcast_in_dim3A_186 {strides = array<i32>} : memref<5120xi32, #tpu.memory_space<vmem>>, vector<16xi32>,
      %slice3A_193 = vector.extract_strided_slice %get3A_122 {offsets = [8], sizes = [1], strides = [1]} : vector<16xi32> to vector<1xi32>
      %squeeze3A_194 = vector.extract %slice3A_193[0] : i32 from vector<1xi32>
      %broadcast_in_dim3A_195 = vector.broadcast %squeeze3A_194 : i32 to vector<16xi32>
      %mul3A_196 = arith.constant 256 : i32
      %mul3A_197 = arith.muli %scan3A_118, %mul3A_196 : i32
      %add3A_198 = arith.constant 128 : i32
      %add3A_199 = arith.addi %mul3A_197, %add3A_198 : i32
      %swap3A_200 = arith.index_cast %add3A_199 : i32 to index
      %swap3A_201 = tpu.vector_load %arg10[%swap3A_200] {strides = array<i32>} : memref<5120xi32, #tpu.memory_space<vmem>>, vector<16xi32>,
      tpu.vector_store %arg10[%swap3A_200], %broadcast_in_dim3A_195 {strides = array<i32>} : memref<5120xi32, #tpu.memory_space<vmem>>, vector<16xi32>,
      %slice3A_202 = vector.extract_strided_slice %get3A_122 {offsets = [9], sizes = [1], strides = [1]} : vector<16xi32> to vector<1xi32>
      %squeeze3A_203 = vector.extract %slice3A_202[0] : i32 from vector<1xi32>
      %broadcast_in_dim3A_204 = vector.broadcast %squeeze3A_203 : i32 to vector<16xi32>
      %mul3A_205 = arith.constant 256 : i32
      %mul3A_206 = arith.muli %scan3A_118, %mul3A_205 : i32
      %add3A_207 = arith.constant 144 : i32
      %add3A_208 = arith.addi %mul3A_206, %add3A_207 : i32
      %swap3A_209 = arith.index_cast %add3A_208 : i32 to index
      %swap3A_210 = tpu.vector_load %arg10[%swap3A_209] {strides = array<i32>} : memref<5120xi32, #tpu.memory_space<vmem>>, vector<16xi32>,
      tpu.vector_store %arg10[%swap3A_209], %broadcast_in_dim3A_204 {strides = array<i32>} : memref<5120xi32, #tpu.memory_space<vmem>>, vector<16xi32>,
      %slice3A_211 = vector.extract_strided_slice %get3A_122 {offsets = [10], sizes = [1], strides = [1]} : vector<16xi32> to vector<1xi32>
      %squeeze3A_212 = vector.extract %slice3A_211[0] : i32 from vector<1xi32>
      %broadcast_in_dim3A_213 = vector.broadcast %squeeze3A_212 : i32 to vector<16xi32>
      %mul3A_214 = arith.constant 256 : i32
      %mul3A_215 = arith.muli %scan3A_118, %mul3A_214 : i32
      %add3A_216 = arith.constant 160 : i32
      %add3A_217 = arith.addi %mul3A_215, %add3A_216 : i32
      %swap3A_218 = arith.index_cast %add3A_217 : i32 to index
      %swap3A_219 = tpu.vector_load %arg10[%swap3A_218] {strides = array<i32>} : memref<5120xi32, #tpu.memory_space<vmem>>, vector<16xi32>,
      tpu.vector_store %arg10[%swap3A_218], %broadcast_in_dim3A_213 {strides = array<i32>} : memref<5120xi32, #tpu.memory_space<vmem>>, vector<16xi32>,
      %slice3A_220 = vector.extract_strided_slice %get3A_122 {offsets = [11], sizes = [1], strides = [1]} : vector<16xi32> to vector<1xi32>
      %squeeze3A_221 = vector.extract %slice3A_220[0] : i32 from vector<1xi32>
      %broadcast_in_dim3A_222 = vector.broadcast %squeeze3A_221 : i32 to vector<16xi32>
      %mul3A_223 = arith.constant 256 : i32
      %mul3A_224 = arith.muli %scan3A_118, %mul3A_223 : i32
      %add3A_225 = arith.constant 176 : i32
      %add3A_226 = arith.addi %mul3A_224, %add3A_225 : i32
      %swap3A_227 = arith.index_cast %add3A_226 : i32 to index
      %swap3A_228 = tpu.vector_load %arg10[%swap3A_227] {strides = array<i32>} : memref<5120xi32, #tpu.memory_space<vmem>>, vector<16xi32>,
      tpu.vector_store %arg10[%swap3A_227], %broadcast_in_dim3A_222 {strides = array<i32>} : memref<5120xi32, #tpu.memory_space<vmem>>, vector<16xi32>,
      %slice3A_229 = vector.extract_strided_slice %get3A_122 {offsets = [12], sizes = [1], strides = [1]} : vector<16xi32> to vector<1xi32>
      %squeeze3A_230 = vector.extract %slice3A_229[0] : i32 from vector<1xi32>
      %broadcast_in_dim3A_231 = vector.broadcast %squeeze3A_230 : i32 to vector<16xi32>
      %mul3A_232 = arith.constant 256 : i32
      %mul3A_233 = arith.muli %scan3A_118, %mul3A_232 : i32
      %add3A_234 = arith.constant 192 : i32
      %add3A_235 = arith.addi %mul3A_233, %add3A_234 : i32
      %swap3A_236 = arith.index_cast %add3A_235 : i32 to index
      %swap3A_237 = tpu.vector_load %arg10[%swap3A_236] {strides = array<i32>} : memref<5120xi32, #tpu.memory_space<vmem>>, vector<16xi32>,
      tpu.vector_store %arg10[%swap3A_236], %broadcast_in_dim3A_231 {strides = array<i32>} : memref<5120xi32, #tpu.memory_space<vmem>>, vector<16xi32>,
      %slice3A_238 = vector.extract_strided_slice %get3A_122 {offsets = [13], sizes = [1], strides = [1]} : vector<16xi32> to vector<1xi32>
      %squeeze3A_239 = vector.extract %slice3A_238[0] : i32 from vector<1xi32>
      %broadcast_in_dim3A_240 = vector.broadcast %squeeze3A_239 : i32 to vector<16xi32>
      %mul3A_241 = arith.constant 256 : i32
      %mul3A_242 = arith.muli %scan3A_118, %mul3A_241 : i32
      %add3A_243 = arith.constant 208 : i32
      %add3A_244 = arith.addi %mul3A_242, %add3A_243 : i32
      %swap3A_245 = arith.index_cast %add3A_244 : i32 to index
      %swap3A_246 = tpu.vector_load %arg10[%swap3A_245] {strides = array<i32>} : memref<5120xi32, #tpu.memory_space<vmem>>, vector<16xi32>,
      tpu.vector_store %arg10[%swap3A_245], %broadcast_in_dim3A_240 {strides = array<i32>} : memref<5120xi32, #tpu.memory_space<vmem>>, vector<16xi32>,
      %slice3A_247 = vector.extract_strided_slice %get3A_122 {offsets = [14], sizes = [1], strides = [1]} : vector<16xi32> to vector<1xi32>
      %squeeze3A_248 = vector.extract %slice3A_247[0] : i32 from vector<1xi32>
      %broadcast_in_dim3A_249 = vector.broadcast %squeeze3A_248 : i32 to vector<16xi32>
      %mul3A_250 = arith.constant 256 : i32
      %mul3A_251 = arith.muli %scan3A_118, %mul3A_250 : i32
      %add3A_252 = arith.constant 224 : i32
      %add3A_253 = arith.addi %mul3A_251, %add3A_252 : i32
      %swap3A_254 = arith.index_cast %add3A_253 : i32 to index
      %swap3A_255 = tpu.vector_load %arg10[%swap3A_254] {strides = array<i32>} : memref<5120xi32, #tpu.memory_space<vmem>>, vector<16xi32>,
      tpu.vector_store %arg10[%swap3A_254], %broadcast_in_dim3A_249 {strides = array<i32>} : memref<5120xi32, #tpu.memory_space<vmem>>, vector<16xi32>,
      %slice3A_256 = vector.extract_strided_slice %get3A_122 {offsets = [15], sizes = [1], strides = [1]} : vector<16xi32> to vector<1xi32>
      %squeeze3A_257 = vector.extract %slice3A_256[0] : i32 from vector<1xi32>
      %broadcast_in_dim3A_258 = vector.broadcast %squeeze3A_257 : i32 to vector<16xi32>
      %mul3A_259 = arith.constant 256 : i32
      %mul3A_260 = arith.muli %scan3A_118, %mul3A_259 : i32
      %add3A_261 = arith.constant 240 : i32
      %add3A_262 = arith.addi %mul3A_260, %add3A_261 : i32
      %swap3A_263 = arith.index_cast %add3A_262 : i32 to index
      %swap3A_264 = tpu.vector_load %arg10[%swap3A_263] {strides = array<i32>} : memref<5120xi32, #tpu.memory_space<vmem>>, vector<16xi32>,
      tpu.vector_store %arg10[%swap3A_263], %broadcast_in_dim3A_258 {strides = array<i32>} : memref<5120xi32, #tpu.memory_space<vmem>>, vector<16xi32>,
    }
    %scan3A_9 = arith.constant 20 : i32
    %get3A = arith.constant 5008 : index
    %get3A_10 = tpu.vector_load %arg10[%get3A] {strides = array<i32>} : memref<5120xi32, #tpu.memory_space<vmem>>, vector<16xi32>,
    %slice3A = vector.extract_strided_slice %get3A_10 {offsets = [0], sizes = [1], strides = [1]} : vector<16xi32> to vector<1xi32>
    %squeeze3A = vector.extract %slice3A[0] : i32 from vector<1xi32>
    %dma_start3A = arith.constant 0 : i32
    %dma_start3A_11 = arith.constant 0 : i32
    %dma_start3A_12 = arith.constant 0 : i32
    %dma_start3A_13 = arith.constant 0 : i32
    %dma_start3A_14 = tpu.memref_slice %arg12[%dma_start3A, %dma_start3A_12, %dma_start3A_13] : memref<2x200x64xf32, #tpu.memory_space<vmem>> -> memref<1x40x64xf32, #tpu.memory_space<vmem>>
    %dma_start3A_15 = tpu.memref_squeeze %dma_start3A_14 : memref<1x40x64xf32, #tpu.memory_space<vmem>> -> memref<40x64xf32, #tpu.memory_space<vmem>>
    %dma_start3A_16 = arith.constant 0 : i32
    %dma_start3A_17 = tpu.memref_slice %arg8[%dma_start3A_16] : memref<11200xi32, #tpu.memory_space<vmem>> -> memref<40xi32, #tpu.memory_space<vmem>>
    %dma_start3A_18 = arith.constant 0 : i32
    %dma_start3A_19 = arith.constant 0 : i32
    %dma_start3A_20 = tpu.memref_slice %arg6[%dma_start3A_18, %dma_start3A_19] : memref<10080x64xf32, #tpu.memory_space<hbm>> -> memref<10080x64xf32, #tpu.memory_space<hbm>>
    %dma_start3A_21 = tpu.memref_slice %arg13[%dma_start3A_11] : memref<2x!tpu.dma_semaphore, #tpu.memory_space<semaphore_mem>> -> memref<1x!tpu.dma_semaphore, #tpu.memory_space<semaphore_mem>>
    %dma_start3A_22 = tpu.memref_squeeze %dma_start3A_21 : memref<1x!tpu.dma_semaphore, #tpu.memory_space<semaphore_mem>> -> memref<!tpu.dma_semaphore, #tpu.memory_space<semaphore_mem>>
    tpu.enqueue_indirect_dma source(%dma_start3A_20 : memref<10080x64xf32, #tpu.memory_space<hbm>>) target(%dma_start3A_15 : memref<40x64xf32, #tpu.memory_space<vmem>>) offsets(%dma_start3A_17 : memref<40xi32, #tpu.memory_space<vmem>>) semaphore(%dma_start3A_22 : memref<!tpu.dma_semaphore, #tpu.memory_space<semaphore_mem>>)
    %dma_start3A_23 = arith.constant 0 : i32
    %dma_start3A_24 = arith.constant 0 : i32
    %dma_start3A_25 = arith.constant 40 : i32
    %dma_start3A_26 = arith.constant 0 : i32
    %dma_start3A_27 = tpu.memref_slice %arg12[%dma_start3A_23, %dma_start3A_25, %dma_start3A_26] : memref<2x200x64xf32, #tpu.memory_space<vmem>> -> memref<1x40x64xf32, #tpu.memory_space<vmem>>
    %dma_start3A_28 = tpu.memref_squeeze %dma_start3A_27 : memref<1x40x64xf32, #tpu.memory_space<vmem>> -> memref<40x64xf32, #tpu.memory_space<vmem>>
    %dma_start3A_29 = arith.constant 40 : i32
    %dma_start3A_30 = tpu.memref_slice %arg8[%dma_start3A_29] : memref<11200xi32, #tpu.memory_space<vmem>> -> memref<40xi32, #tpu.memory_space<vmem>>
    %dma_start3A_31 = arith.constant 0 : i32
    %dma_start3A_32 = arith.constant 0 : i32
    %dma_start3A_33 = tpu.memref_slice %arg6[%dma_start3A_31, %dma_start3A_32] : memref<10080x64xf32, #tpu.memory_space<hbm>> -> memref<10080x64xf32, #tpu.memory_space<hbm>>
    %dma_start3A_34 = tpu.memref_slice %arg13[%dma_start3A_24] : memref<2x!tpu.dma_semaphore, #tpu.memory_space<semaphore_mem>> -> memref<1x!tpu.dma_semaphore, #tpu.memory_space<semaphore_mem>>
    %dma_start3A_35 = tpu.memref_squeeze %dma_start3A_34 : memref<1x!tpu.dma_semaphore, #tpu.memory_space<semaphore_mem>> -> memref<!tpu.dma_semaphore, #tpu.memory_space<semaphore_mem>>
    tpu.enqueue_indirect_dma source(%dma_start3A_33 : memref<10080x64xf32, #tpu.memory_space<hbm>>) target(%dma_start3A_28 : memref<40x64xf32, #tpu.memory_space<vmem>>) offsets(%dma_start3A_30 : memref<40xi32, #tpu.memory_space<vmem>>) semaphore(%dma_start3A_35 : memref<!tpu.dma_semaphore, #tpu.memory_space<semaphore_mem>>)
    %dma_start3A_36 = arith.constant 0 : i32
    %dma_start3A_37 = arith.constant 0 : i32
    %dma_start3A_38 = arith.constant 80 : i32
    %dma_start3A_39 = arith.constant 0 : i32
    %dma_start3A_40 = tpu.memref_slice %arg12[%dma_start3A_36, %dma_start3A_38, %dma_start3A_39] : memref<2x200x64xf32, #tpu.memory_space<vmem>> -> memref<1x40x64xf32, #tpu.memory_space<vmem>>
    %dma_start3A_41 = tpu.memref_squeeze %dma_start3A_40 : memref<1x40x64xf32, #tpu.memory_space<vmem>> -> memref<40x64xf32, #tpu.memory_space<vmem>>
    %dma_start3A_42 = arith.constant 80 : i32
    %dma_start3A_43 = tpu.memref_slice %arg8[%dma_start3A_42] : memref<11200xi32, #tpu.memory_space<vmem>> -> memref<40xi32, #tpu.memory_space<vmem>>
    %dma_start3A_44 = arith.constant 0 : i32
    %dma_start3A_45 = arith.constant 0 : i32
    %dma_start3A_46 = tpu.memref_slice %arg6[%dma_start3A_44, %dma_start3A_45] : memref<10080x64xf32, #tpu.memory_space<hbm>> -> memref<10080x64xf32, #tpu.memory_space<hbm>>
    %dma_start3A_47 = tpu.memref_slice %arg13[%dma_start3A_37] : memref<2x!tpu.dma_semaphore, #tpu.memory_space<semaphore_mem>> -> memref<1x!tpu.dma_semaphore, #tpu.memory_space<semaphore_mem>>
    %dma_start3A_48 = tpu.memref_squeeze %dma_start3A_47 : memref<1x!tpu.dma_semaphore, #tpu.memory_space<semaphore_mem>> -> memref<!tpu.dma_semaphore, #tpu.memory_space<semaphore_mem>>
    tpu.enqueue_indirect_dma source(%dma_start3A_46 : memref<10080x64xf32, #tpu.memory_space<hbm>>) target(%dma_start3A_41 : memref<40x64xf32, #tpu.memory_space<vmem>>) offsets(%dma_start3A_43 : memref<40xi32, #tpu.memory_space<vmem>>) semaphore(%dma_start3A_48 : memref<!tpu.dma_semaphore, #tpu.memory_space<semaphore_mem>>)
    %dma_start3A_49 = arith.constant 0 : i32
    %dma_start3A_50 = arith.constant 0 : i32
    %dma_start3A_51 = arith.constant 120 : i32
    %dma_start3A_52 = arith.constant 0 : i32
    %dma_start3A_53 = tpu.memref_slice %arg12[%dma_start3A_49, %dma_start3A_51, %dma_start3A_52] : memref<2x200x64xf32, #tpu.memory_space<vmem>> -> memref<1x40x64xf32, #tpu.memory_space<vmem>>
    %dma_start3A_54 = tpu.memref_squeeze %dma_start3A_53 : memref<1x40x64xf32, #tpu.memory_space<vmem>> -> memref<40x64xf32, #tpu.memory_space<vmem>>
    %dma_start3A_55 = arith.constant 120 : i32
    %dma_start3A_56 = tpu.memref_slice %arg8[%dma_start3A_55] : memref<11200xi32, #tpu.memory_space<vmem>> -> memref<40xi32, #tpu.memory_space<vmem>>
    %dma_start3A_57 = arith.constant 0 : i32
    %dma_start3A_58 = arith.constant 0 : i32
    %dma_start3A_59 = tpu.memref_slice %arg6[%dma_start3A_57, %dma_start3A_58] : memref<10080x64xf32, #tpu.memory_space<hbm>> -> memref<10080x64xf32, #tpu.memory_space<hbm>>
    %dma_start3A_60 = tpu.memref_slice %arg13[%dma_start3A_50] : memref<2x!tpu.dma_semaphore, #tpu.memory_space<semaphore_mem>> -> memref<1x!tpu.dma_semaphore, #tpu.memory_space<semaphore_mem>>
    %dma_start3A_61 = tpu.memref_squeeze %dma_start3A_60 : memref<1x!tpu.dma_semaphore, #tpu.memory_space<semaphore_mem>> -> memref<!tpu.dma_semaphore, #tpu.memory_space<semaphore_mem>>
    tpu.enqueue_indirect_dma source(%dma_start3A_59 : memref<10080x64xf32, #tpu.memory_space<hbm>>) target(%dma_start3A_54 : memref<40x64xf32, #tpu.memory_space<vmem>>) offsets(%dma_start3A_56 : memref<40xi32, #tpu.memory_space<vmem>>) semaphore(%dma_start3A_61 : memref<!tpu.dma_semaphore, #tpu.memory_space<semaphore_mem>>)
    %dma_start3A_62 = arith.constant 0 : i32
    %dma_start3A_63 = arith.constant 0 : i32
    %dma_start3A_64 = arith.constant 160 : i32
    %dma_start3A_65 = arith.constant 0 : i32
    %dma_start3A_66 = tpu.memref_slice %arg12[%dma_start3A_62, %dma_start3A_64, %dma_start3A_65] : memref<2x200x64xf32, #tpu.memory_space<vmem>> -> memref<1x40x64xf32, #tpu.memory_space<vmem>>
    %dma_start3A_67 = tpu.memref_squeeze %dma_start3A_66 : memref<1x40x64xf32, #tpu.memory_space<vmem>> -> memref<40x64xf32, #tpu.memory_space<vmem>>
    %dma_start3A_68 = arith.constant 160 : i32
    %dma_start3A_69 = tpu.memref_slice %arg8[%dma_start3A_68] : memref<11200xi32, #tpu.memory_space<vmem>> -> memref<40xi32, #tpu.memory_space<vmem>>
    %dma_start3A_70 = arith.constant 0 : i32
    %dma_start3A_71 = arith.constant 0 : i32
    %dma_start3A_72 = tpu.memref_slice %arg6[%dma_start3A_70, %dma_start3A_71] : memref<10080x64xf32, #tpu.memory_space<hbm>> -> memref<10080x64xf32, #tpu.memory_space<hbm>>
    %dma_start3A_73 = tpu.memref_slice %arg13[%dma_start3A_63] : memref<2x!tpu.dma_semaphore, #tpu.memory_space<semaphore_mem>> -> memref<1x!tpu.dma_semaphore, #tpu.memory_space<semaphore_mem>>
    %dma_start3A_74 = tpu.memref_squeeze %dma_start3A_73 : memref<1x!tpu.dma_semaphore, #tpu.memory_space<semaphore_mem>> -> memref<!tpu.dma_semaphore, #tpu.memory_space<semaphore_mem>>
    tpu.enqueue_indirect_dma source(%dma_start3A_72 : memref<10080x64xf32, #tpu.memory_space<hbm>>) target(%dma_start3A_67 : memref<40x64xf32, #tpu.memory_space<vmem>>) offsets(%dma_start3A_69 : memref<40xi32, #tpu.memory_space<vmem>>) semaphore(%dma_start3A_74 : memref<!tpu.dma_semaphore, #tpu.memory_space<semaphore_mem>>)
    %scan3A_75 = arith.constant 0 : i32
    %scan3A_76 = arith.constant 0 : i32
    %scan3A_77 = arith.constant 0 : i32
    %scan3A_78 = arith.constant 28 : i32
    %scan3A_79 = arith.addi %scan3A_77, %scan3A_78 : i32
    %scan3A_80 = arith.constant 1 : i32
    %scan3A_81:2 = scf.for %scan3A_118 = %scan3A_77 to %scan3A_79 step %scan3A_80 iter_args(%scan3A_119 = %scan3A_75, %scan3A_120 = %scan3A_76) -> (i32, i32)  : i32 {
      %mul3A_121 = arith.constant 2 : i32
      %mul3A_122 = arith.muli %mul3A_121, %scan3A_118 : i32
      %add3A_123 = arith.constant 0 : i32
      %add3A_124 = arith.addi %mul3A_122, %add3A_123 : i32
      %add3A_125 = arith.constant 1 : i32
      %add3A_126 = arith.addi %add3A_124, %add3A_125 : i32
      %lt3A = arith.constant 56 : i32
      %lt3A_127 = arith.cmpi slt, %add3A_126, %lt3A : i32
      %convert_element_type3A = arith.extui %lt3A_127 : i1 to i32
      %cond3A = arith.constant 0 : i32
      %cond3A_128 = arith.cmpi ne, %convert_element_type3A, %cond3A : i32
      scf.if %cond3A_128 {
        %ge3A = arith.constant 1 : i32
        %ge3A_337 = arith.cmpi sge, %add3A_124, %ge3A : i32
        %convert_element_type3A_338 = arith.extui %ge3A_337 : i1 to i32
        %cond3A_339 = arith.constant 0 : i32
        %cond3A_340 = arith.cmpi ne, %convert_element_type3A_338, %cond3A_339 : i32
        scf.if %cond3A_340 {
          %sub3A = arith.constant 1 : i32
          %sub3A_415 = arith.subi %add3A_124, %sub3A : i32
          %mul3A_416 = arith.constant 200 : i32
          %mul3A_417 = arith.muli %sub3A_415, %mul3A_416 : i32
          %add3A_418 = arith.addi %mul3A_4, %mul3A_417 : i32
          %dma_wait3A_419 = arith.constant 1 : i32
          %dma_wait3A_420 = arith.constant 1 : i32
          %dma_wait3A_421 = arith.constant 0 : i32
          %dma_wait3A_422 = arith.constant 0 : i32
          %dma_wait3A_423 = tpu.memref_slice %arg12[%dma_wait3A_419, %dma_wait3A_421, %dma_wait3A_422] : memref<2x200x64xf32, #tpu.memory_space<vmem>> -> memref<1x200x64xf32, #tpu.memory_space<vmem>>
          %dma_wait3A_424 = tpu.memref_squeeze %dma_wait3A_423 : memref<1x200x64xf32, #tpu.memory_space<vmem>> -> memref<200x64xf32, #tpu.memory_space<vmem>>
          %dma_wait3A_425 = arith.constant 0 : i32
          %dma_wait3A_426 = tpu.memref_slice %arg7[%add3A_418, %dma_wait3A_425] : memref<358400x64xf32, #tpu.memory_space<hbm>> -> memref<200x64xf32, #tpu.memory_space<hbm>>
          %dma_wait3A_427 = tpu.memref_slice %arg14[%dma_wait3A_420] : memref<2x!tpu.dma_semaphore, #tpu.memory_space<semaphore_mem>> -> memref<1x!tpu.dma_semaphore, #tpu.memory_space<semaphore_mem>>
          %dma_wait3A_428 = tpu.memref_squeeze %dma_wait3A_427 : memref<1x!tpu.dma_semaphore, #tpu.memory_space<semaphore_mem>> -> memref<!tpu.dma_semaphore, #tpu.memory_space<semaphore_mem>>
          %dma_wait3A_429 = arith.constant 0 : i32
          %dma_wait3A_430 = tpu.memref_slice %arg7[%add3A_418, %dma_wait3A_429] : memref<358400x64xf32, #tpu.memory_space<hbm>> -> memref<200x64xf32, #tpu.memory_space<hbm>>
          %dma_wait3A_431 = arith.constant 0 : i32
          %dma_wait3A_432 = arith.constant 0 : i32
          %dma_wait3A_433 = tpu.memref_slice %arg12[%dma_wait3A_419, %dma_wait3A_431, %dma_wait3A_432] : memref<2x200x64xf32, #tpu.memory_space<vmem>> -> memref<1x200x64xf32, #tpu.memory_space<vmem>>
          %dma_wait3A_434 = tpu.memref_squeeze %dma_wait3A_433 : memref<1x200x64xf32, #tpu.memory_space<vmem>> -> memref<200x64xf32, #tpu.memory_space<vmem>>
          tpu.wait_dma2 semaphore(%dma_wait3A_428 : memref<!tpu.dma_semaphore, #tpu.memory_space<semaphore_mem>>) src(%dma_wait3A_434 : memref<200x64xf32, #tpu.memory_space<vmem>>) dst(%dma_wait3A_430 : memref<200x64xf32, #tpu.memory_space<hbm>>)
        } else {
        }
        %add3A_341 = arith.constant 1 : i32
        %add3A_342 = arith.addi %add3A_124, %add3A_341 : i32
        %mul3A_343 = arith.constant 200 : i32
        %mul3A_344 = arith.muli %add3A_342, %mul3A_343 : i32
        %add3A_345 = arith.constant 0 : i32
        %add3A_346 = arith.addi %mul3A_344, %add3A_345 : i32
        %dma_start3A_347 = arith.constant 1 : i32
        %dma_start3A_348 = arith.constant 1 : i32
        %dma_start3A_349 = arith.constant 0 : i32
        %dma_start3A_350 = arith.constant 0 : i32
        %dma_start3A_351 = tpu.memref_slice %arg12[%dma_start3A_347, %dma_start3A_349, %dma_start3A_350] : memref<2x200x64xf32, #tpu.memory_space<vmem>> -> memref<1x40x64xf32, #tpu.memory_space<vmem>>
        %dma_start3A_352 = tpu.memref_squeeze %dma_start3A_351 : memref<1x40x64xf32, #tpu.memory_space<vmem>> -> memref<40x64xf32, #tpu.memory_space<vmem>>
        %dma_start3A_353 = tpu.memref_slice %arg8[%add3A_346] : memref<11200xi32, #tpu.memory_space<vmem>> -> memref<40xi32, #tpu.memory_space<vmem>>
        %dma_start3A_354 = arith.constant 0 : i32
        %dma_start3A_355 = arith.constant 0 : i32
        %dma_start3A_356 = tpu.memref_slice %arg6[%dma_start3A_354, %dma_start3A_355] : memref<10080x64xf32, #tpu.memory_space<hbm>> -> memref<10080x64xf32, #tpu.memory_space<hbm>>
        %dma_start3A_357 = tpu.memref_slice %arg13[%dma_start3A_348] : memref<2x!tpu.dma_semaphore, #tpu.memory_space<semaphore_mem>> -> memref<1x!tpu.dma_semaphore, #tpu.memory_space<semaphore_mem>>
        %dma_start3A_358 = tpu.memref_squeeze %dma_start3A_357 : memref<1x!tpu.dma_semaphore, #tpu.memory_space<semaphore_mem>> -> memref<!tpu.dma_semaphore, #tpu.memory_space<semaphore_mem>>
        tpu.enqueue_indirect_dma source(%dma_start3A_356 : memref<10080x64xf32, #tpu.memory_space<hbm>>) target(%dma_start3A_352 : memref<40x64xf32, #tpu.memory_space<vmem>>) offsets(%dma_start3A_353 : memref<40xi32, #tpu.memory_space<vmem>>) semaphore(%dma_start3A_358 : memref<!tpu.dma_semaphore, #tpu.memory_space<semaphore_mem>>)
        %add3A_359 = arith.constant 40 : i32
        %add3A_360 = arith.addi %mul3A_344, %add3A_359 : i32
        %dma_start3A_361 = arith.constant 1 : i32
        %dma_start3A_362 = arith.constant 1 : i32
        %dma_start3A_363 = arith.constant 40 : i32
        %dma_start3A_364 = arith.constant 0 : i32
        %dma_start3A_365 = tpu.memref_slice %arg12[%dma_start3A_361, %dma_start3A_363, %dma_start3A_364] : memref<2x200x64xf32, #tpu.memory_space<vmem>> -> memref<1x40x64xf32, #tpu.memory_space<vmem>>
        %dma_start3A_366 = tpu.memref_squeeze %dma_start3A_365 : memref<1x40x64xf32, #tpu.memory_space<vmem>> -> memref<40x64xf32, #tpu.memory_space<vmem>>
        %dma_start3A_367 = tpu.memref_slice %arg8[%add3A_360] : memref<11200xi32, #tpu.memory_space<vmem>> -> memref<40xi32, #tpu.memory_space<vmem>>
        %dma_start3A_368 = arith.constant 0 : i32
        %dma_start3A_369 = arith.constant 0 : i32
        %dma_start3A_370 = tpu.memref_slice %arg6[%dma_start3A_368, %dma_start3A_369] : memref<10080x64xf32, #tpu.memory_space<hbm>> -> memref<10080x64xf32, #tpu.memory_space<hbm>>
        %dma_start3A_371 = tpu.memref_slice %arg13[%dma_start3A_362] : memref<2x!tpu.dma_semaphore, #tpu.memory_space<semaphore_mem>> -> memref<1x!tpu.dma_semaphore, #tpu.memory_space<semaphore_mem>>
        %dma_start3A_372 = tpu.memref_squeeze %dma_start3A_371 : memref<1x!tpu.dma_semaphore, #tpu.memory_space<semaphore_mem>> -> memref<!tpu.dma_semaphore, #tpu.memory_space<semaphore_mem>>
        tpu.enqueue_indirect_dma source(%dma_start3A_370 : memref<10080x64xf32, #tpu.memory_space<hbm>>) target(%dma_start3A_366 : memref<40x64xf32, #tpu.memory_space<vmem>>) offsets(%dma_start3A_367 : memref<40xi32, #tpu.memory_space<vmem>>) semaphore(%dma_start3A_372 : memref<!tpu.dma_semaphore, #tpu.memory_space<semaphore_mem>>)
        %add3A_373 = arith.constant 80 : i32
        %add3A_374 = arith.addi %mul3A_344, %add3A_373 : i32
        %dma_start3A_375 = arith.constant 1 : i32
        %dma_start3A_376 = arith.constant 1 : i32
        %dma_start3A_377 = arith.constant 80 : i32
        %dma_start3A_378 = arith.constant 0 : i32
        %dma_start3A_379 = tpu.memref_slice %arg12[%dma_start3A_375, %dma_start3A_377, %dma_start3A_378] : memref<2x200x64xf32, #tpu.memory_space<vmem>> -> memref<1x40x64xf32, #tpu.memory_space<vmem>>
        %dma_start3A_380 = tpu.memref_squeeze %dma_start3A_379 : memref<1x40x64xf32, #tpu.memory_space<vmem>> -> memref<40x64xf32, #tpu.memory_space<vmem>>
        %dma_start3A_381 = tpu.memref_slice %arg8[%add3A_374] : memref<11200xi32, #tpu.memory_space<vmem>> -> memref<40xi32, #tpu.memory_space<vmem>>
        %dma_start3A_382 = arith.constant 0 : i32
        %dma_start3A_383 = arith.constant 0 : i32
        %dma_start3A_384 = tpu.memref_slice %arg6[%dma_start3A_382, %dma_start3A_383] : memref<10080x64xf32, #tpu.memory_space<hbm>> -> memref<10080x64xf32, #tpu.memory_space<hbm>>
        %dma_start3A_385 = tpu.memref_slice %arg13[%dma_start3A_376] : memref<2x!tpu.dma_semaphore, #tpu.memory_space<semaphore_mem>> -> memref<1x!tpu.dma_semaphore, #tpu.memory_space<semaphore_mem>>
        %dma_start3A_386 = tpu.memref_squeeze %dma_start3A_385 : memref<1x!tpu.dma_semaphore, #tpu.memory_space<semaphore_mem>> -> memref<!tpu.dma_semaphore, #tpu.memory_space<semaphore_mem>>
        tpu.enqueue_indirect_dma source(%dma_start3A_384 : memref<10080x64xf32, #tpu.memory_space<hbm>>) target(%dma_start3A_380 : memref<40x64xf32, #tpu.memory_space<vmem>>) offsets(%dma_start3A_381 : memref<40xi32, #tpu.memory_space<vmem>>) semaphore(%dma_start3A_386 : memref<!tpu.dma_semaphore, #tpu.memory_space<semaphore_mem>>)
        %add3A_387 = arith.constant 120 : i32
        %add3A_388 = arith.addi %mul3A_344, %add3A_387 : i32
        %dma_start3A_389 = arith.constant 1 : i32
        %dma_start3A_390 = arith.constant 1 : i32
        %dma_start3A_391 = arith.constant 120 : i32
        %dma_start3A_392 = arith.constant 0 : i32
        %dma_start3A_393 = tpu.memref_slice %arg12[%dma_start3A_389, %dma_start3A_391, %dma_start3A_392] : memref<2x200x64xf32, #tpu.memory_space<vmem>> -> memref<1x40x64xf32, #tpu.memory_space<vmem>>
        %dma_start3A_394 = tpu.memref_squeeze %dma_start3A_393 : memref<1x40x64xf32, #tpu.memory_space<vmem>> -> memref<40x64xf32, #tpu.memory_space<vmem>>
        %dma_start3A_395 = tpu.memref_slice %arg8[%add3A_388] : memref<11200xi32, #tpu.memory_space<vmem>> -> memref<40xi32, #tpu.memory_space<vmem>>
        %dma_start3A_396 = arith.constant 0 : i32
        %dma_start3A_397 = arith.constant 0 : i32
        %dma_start3A_398 = tpu.memref_slice %arg6[%dma_start3A_396, %dma_start3A_397] : memref<10080x64xf32, #tpu.memory_space<hbm>> -> memref<10080x64xf32, #tpu.memory_space<hbm>>
        %dma_start3A_399 = tpu.memref_slice %arg13[%dma_start3A_390] : memref<2x!tpu.dma_semaphore, #tpu.memory_space<semaphore_mem>> -> memref<1x!tpu.dma_semaphore, #tpu.memory_space<semaphore_mem>>
        %dma_start3A_400 = tpu.memref_squeeze %dma_start3A_399 : memref<1x!tpu.dma_semaphore, #tpu.memory_space<semaphore_mem>> -> memref<!tpu.dma_semaphore, #tpu.memory_space<semaphore_mem>>
        tpu.enqueue_indirect_dma source(%dma_start3A_398 : memref<10080x64xf32, #tpu.memory_space<hbm>>) target(%dma_start3A_394 : memref<40x64xf32, #tpu.memory_space<vmem>>) offsets(%dma_start3A_395 : memref<40xi32, #tpu.memory_space<vmem>>) semaphore(%dma_start3A_400 : memref<!tpu.dma_semaphore, #tpu.memory_space<semaphore_mem>>)
        %add3A_401 = arith.constant 160 : i32
        %add3A_402 = arith.addi %mul3A_344, %add3A_401 : i32
        %dma_start3A_403 = arith.constant 1 : i32
        %dma_start3A_404 = arith.constant 1 : i32
        %dma_start3A_405 = arith.constant 160 : i32
        %dma_start3A_406 = arith.constant 0 : i32
        %dma_start3A_407 = tpu.memref_slice %arg12[%dma_start3A_403, %dma_start3A_405, %dma_start3A_406] : memref<2x200x64xf32, #tpu.memory_space<vmem>> -> memref<1x40x64xf32, #tpu.memory_space<vmem>>
        %dma_start3A_408 = tpu.memref_squeeze %dma_start3A_407 : memref<1x40x64xf32, #tpu.memory_space<vmem>> -> memref<40x64xf32, #tpu.memory_space<vmem>>
        %dma_start3A_409 = tpu.memref_slice %arg8[%add3A_402] : memref<11200xi32, #tpu.memory_space<vmem>> -> memref<40xi32, #tpu.memory_space<vmem>>
        %dma_start3A_410 = arith.constant 0 : i32
        %dma_start3A_411 = arith.constant 0 : i32
        %dma_start3A_412 = tpu.memref_slice %arg6[%dma_start3A_410, %dma_start3A_411] : memref<10080x64xf32, #tpu.memory_space<hbm>> -> memref<10080x64xf32, #tpu.memory_space<hbm>>
        %dma_start3A_413 = tpu.memref_slice %arg13[%dma_start3A_404] : memref<2x!tpu.dma_semaphore, #tpu.memory_space<semaphore_mem>> -> memref<1x!tpu.dma_semaphore, #tpu.memory_space<semaphore_mem>>
        %dma_start3A_414 = tpu.memref_squeeze %dma_start3A_413 : memref<1x!tpu.dma_semaphore, #tpu.memory_space<semaphore_mem>> -> memref<!tpu.dma_semaphore, #tpu.memory_space<semaphore_mem>>
        tpu.enqueue_indirect_dma source(%dma_start3A_412 : memref<10080x64xf32, #tpu.memory_space<hbm>>) target(%dma_start3A_408 : memref<40x64xf32, #tpu.memory_space<vmem>>) offsets(%dma_start3A_409 : memref<40xi32, #tpu.memory_space<vmem>>) semaphore(%dma_start3A_414 : memref<!tpu.dma_semaphore, #tpu.memory_space<semaphore_mem>>)
      } else {
      }
      %mul3A_129 = arith.constant 200 : i32
      %mul3A_130 = arith.muli %add3A_124, %mul3A_129 : i32
      %add3A_131 = arith.constant 0 : i32
      %add3A_132 = arith.addi %mul3A_130, %add3A_131 : i32
      %dma_wait3A_133 = arith.constant 0 : i32
      %dma_wait3A_134 = arith.constant 0 : i32
      %dma_wait3A_135 = arith.constant 0 : i32
      %dma_wait3A_136 = arith.constant 0 : i32
      %dma_wait3A_137 = tpu.memref_slice %arg12[%dma_wait3A_133, %dma_wait3A_135, %dma_wait3A_136] : memref<2x200x64xf32, #tpu.memory_space<vmem>> -> memref<1x40x64xf32, #tpu.memory_space<vmem>>
      %dma_wait3A_138 = tpu.memref_squeeze %dma_wait3A_137 : memref<1x40x64xf32, #tpu.memory_space<vmem>> -> memref<40x64xf32, #tpu.memory_space<vmem>>
      %dma_wait3A_139 = tpu.memref_slice %arg8[%add3A_132] : memref<11200xi32, #tpu.memory_space<vmem>> -> memref<40xi32, #tpu.memory_space<vmem>>
      %dma_wait3A_140 = arith.constant 0 : i32
      %dma_wait3A_141 = arith.constant 0 : i32
      %dma_wait3A_142 = tpu.memref_slice %arg6[%dma_wait3A_140, %dma_wait3A_141] : memref<10080x64xf32, #tpu.memory_space<hbm>> -> memref<10080x64xf32, #tpu.memory_space<hbm>>
      %dma_wait3A_143 = tpu.memref_slice %arg13[%dma_wait3A_134] : memref<2x!tpu.dma_semaphore, #tpu.memory_space<semaphore_mem>> -> memref<1x!tpu.dma_semaphore, #tpu.memory_space<semaphore_mem>>
      %dma_wait3A_144 = tpu.memref_squeeze %dma_wait3A_143 : memref<1x!tpu.dma_semaphore, #tpu.memory_space<semaphore_mem>> -> memref<!tpu.dma_semaphore, #tpu.memory_space<semaphore_mem>>
      tpu.wait_indirect_dma semaphore(%dma_wait3A_144 : memref<!tpu.dma_semaphore, #tpu.memory_space<semaphore_mem>>) src(%dma_wait3A_142 : memref<10080x64xf32, #tpu.memory_space<hbm>>) dst(%dma_wait3A_138 : memref<40x64xf32, #tpu.memory_space<vmem>>)
      %add3A_145 = arith.constant 40 : i32
      %add3A_146 = arith.addi %mul3A_130, %add3A_145 : i32
      %dma_wait3A_147 = arith.constant 0 : i32
      %dma_wait3A_148 = arith.constant 0 : i32
      %dma_wait3A_149 = arith.constant 40 : i32
      %dma_wait3A_150 = arith.constant 0 : i32
      %dma_wait3A_151 = tpu.memref_slice %arg12[%dma_wait3A_147, %dma_wait3A_149, %dma_wait3A_150] : memref<2x200x64xf32, #tpu.memory_space<vmem>> -> memref<1x40x64xf32, #tpu.memory_space<vmem>>
      %dma_wait3A_152 = tpu.memref_squeeze %dma_wait3A_151 : memref<1x40x64xf32, #tpu.memory_space<vmem>> -> memref<40x64xf32, #tpu.memory_space<vmem>>
      %dma_wait3A_153 = tpu.memref_slice %arg8[%add3A_146] : memref<11200xi32, #tpu.memory_space<vmem>> -> memref<40xi32, #tpu.memory_space<vmem>>
      %dma_wait3A_154 = arith.constant 0 : i32
      %dma_wait3A_155 = arith.constant 0 : i32
      %dma_wait3A_156 = tpu.memref_slice %arg6[%dma_wait3A_154, %dma_wait3A_155] : memref<10080x64xf32, #tpu.memory_space<hbm>> -> memref<10080x64xf32, #tpu.memory_space<hbm>>
      %dma_wait3A_157 = tpu.memref_slice %arg13[%dma_wait3A_148] : memref<2x!tpu.dma_semaphore, #tpu.memory_space<semaphore_mem>> -> memref<1x!tpu.dma_semaphore, #tpu.memory_space<semaphore_mem>>
      %dma_wait3A_158 = tpu.memref_squeeze %dma_wait3A_157 : memref<1x!tpu.dma_semaphore, #tpu.memory_space<semaphore_mem>> -> memref<!tpu.dma_semaphore, #tpu.memory_space<semaphore_mem>>
      tpu.wait_indirect_dma semaphore(%dma_wait3A_158 : memref<!tpu.dma_semaphore, #tpu.memory_space<semaphore_mem>>) src(%dma_wait3A_156 : memref<10080x64xf32, #tpu.memory_space<hbm>>) dst(%dma_wait3A_152 : memref<40x64xf32, #tpu.memory_space<vmem>>)
      %add3A_159 = arith.constant 80 : i32
      %add3A_160 = arith.addi %mul3A_130, %add3A_159 : i32
      %dma_wait3A_161 = arith.constant 0 : i32
      %dma_wait3A_162 = arith.constant 0 : i32
      %dma_wait3A_163 = arith.constant 80 : i32
      %dma_wait3A_164 = arith.constant 0 : i32
      %dma_wait3A_165 = tpu.memref_slice %arg12[%dma_wait3A_161, %dma_wait3A_163, %dma_wait3A_164] : memref<2x200x64xf32, #tpu.memory_space<vmem>> -> memref<1x40x64xf32, #tpu.memory_space<vmem>>
      %dma_wait3A_166 = tpu.memref_squeeze %dma_wait3A_165 : memref<1x40x64xf32, #tpu.memory_space<vmem>> -> memref<40x64xf32, #tpu.memory_space<vmem>>
      %dma_wait3A_167 = tpu.memref_slice %arg8[%add3A_160] : memref<11200xi32, #tpu.memory_space<vmem>> -> memref<40xi32, #tpu.memory_space<vmem>>
      %dma_wait3A_168 = arith.constant 0 : i32
      %dma_wait3A_169 = arith.constant 0 : i32
      %dma_wait3A_170 = tpu.memref_slice %arg6[%dma_wait3A_168, %dma_wait3A_169] : memref<10080x64xf32, #tpu.memory_space<hbm>> -> memref<10080x64xf32, #tpu.memory_space<hbm>>
      %dma_wait3A_171 = tpu.memref_slice %arg13[%dma_wait3A_162] : memref<2x!tpu.dma_semaphore, #tpu.memory_space<semaphore_mem>> -> memref<1x!tpu.dma_semaphore, #tpu.memory_space<semaphore_mem>>
      %dma_wait3A_172 = tpu.memref_squeeze %dma_wait3A_171 : memref<1x!tpu.dma_semaphore, #tpu.memory_space<semaphore_mem>> -> memref<!tpu.dma_semaphore, #tpu.memory_space<semaphore_mem>>
      tpu.wait_indirect_dma semaphore(%dma_wait3A_172 : memref<!tpu.dma_semaphore, #tpu.memory_space<semaphore_mem>>) src(%dma_wait3A_170 : memref<10080x64xf32, #tpu.memory_space<hbm>>) dst(%dma_wait3A_166 : memref<40x64xf32, #tpu.memory_space<vmem>>)
      %add3A_173 = arith.constant 120 : i32
      %add3A_174 = arith.addi %mul3A_130, %add3A_173 : i32
      %dma_wait3A_175 = arith.constant 0 : i32
      %dma_wait3A_176 = arith.constant 0 : i32
      %dma_wait3A_177 = arith.constant 120 : i32
      %dma_wait3A_178 = arith.constant 0 : i32
      %dma_wait3A_179 = tpu.memref_slice %arg12[%dma_wait3A_175, %dma_wait3A_177, %dma_wait3A_178] : memref<2x200x64xf32, #tpu.memory_space<vmem>> -> memref<1x40x64xf32, #tpu.memory_space<vmem>>
      %dma_wait3A_180 = tpu.memref_squeeze %dma_wait3A_179 : memref<1x40x64xf32, #tpu.memory_space<vmem>> -> memref<40x64xf32, #tpu.memory_space<vmem>>
      %dma_wait3A_181 = tpu.memref_slice %arg8[%add3A_174] : memref<11200xi32, #tpu.memory_space<vmem>> -> memref<40xi32, #tpu.memory_space<vmem>>
      %dma_wait3A_182 = arith.constant 0 : i32
      %dma_wait3A_183 = arith.constant 0 : i32
      %dma_wait3A_184 = tpu.memref_slice %arg6[%dma_wait3A_182, %dma_wait3A_183] : memref<10080x64xf32, #tpu.memory_space<hbm>> -> memref<10080x64xf32, #tpu.memory_space<hbm>>
      %dma_wait3A_185 = tpu.memref_slice %arg13[%dma_wait3A_176] : memref<2x!tpu.dma_semaphore, #tpu.memory_space<semaphore_mem>> -> memref<1x!tpu.dma_semaphore, #tpu.memory_space<semaphore_mem>>
      %dma_wait3A_186 = tpu.memref_squeeze %dma_wait3A_185 : memref<1x!tpu.dma_semaphore, #tpu.memory_space<semaphore_mem>> -> memref<!tpu.dma_semaphore, #tpu.memory_space<semaphore_mem>>
      tpu.wait_indirect_dma semaphore(%dma_wait3A_186 : memref<!tpu.dma_semaphore, #tpu.memory_space<semaphore_mem>>) src(%dma_wait3A_184 : memref<10080x64xf32, #tpu.memory_space<hbm>>) dst(%dma_wait3A_180 : memref<40x64xf32, #tpu.memory_space<vmem>>)
      %add3A_187 = arith.constant 160 : i32
      %add3A_188 = arith.addi %mul3A_130, %add3A_187 : i32
      %dma_wait3A_189 = arith.constant 0 : i32
      %dma_wait3A_190 = arith.constant 0 : i32
      %dma_wait3A_191 = arith.constant 160 : i32
      %dma_wait3A_192 = arith.constant 0 : i32
      %dma_wait3A_193 = tpu.memref_slice %arg12[%dma_wait3A_189, %dma_wait3A_191, %dma_wait3A_192] : memref<2x200x64xf32, #tpu.memory_space<vmem>> -> memref<1x40x64xf32, #tpu.memory_space<vmem>>
      %dma_wait3A_194 = tpu.memref_squeeze %dma_wait3A_193 : memref<1x40x64xf32, #tpu.memory_space<vmem>> -> memref<40x64xf32, #tpu.memory_space<vmem>>
      %dma_wait3A_195 = tpu.memref_slice %arg8[%add3A_188] : memref<11200xi32, #tpu.memory_space<vmem>> -> memref<40xi32, #tpu.memory_space<vmem>>
      %dma_wait3A_196 = arith.constant 0 : i32
      %dma_wait3A_197 = arith.constant 0 : i32
      %dma_wait3A_198 = tpu.memref_slice %arg6[%dma_wait3A_196, %dma_wait3A_197] : memref<10080x64xf32, #tpu.memory_space<hbm>> -> memref<10080x64xf32, #tpu.memory_space<hbm>>
      %dma_wait3A_199 = tpu.memref_slice %arg13[%dma_wait3A_190] : memref<2x!tpu.dma_semaphore, #tpu.memory_space<semaphore_mem>> -> memref<1x!tpu.dma_semaphore, #tpu.memory_space<semaphore_mem>>
      %dma_wait3A_200 = tpu.memref_squeeze %dma_wait3A_199 : memref<1x!tpu.dma_semaphore, #tpu.memory_space<semaphore_mem>> -> memref<!tpu.dma_semaphore, #tpu.memory_space<semaphore_mem>>
      tpu.wait_indirect_dma semaphore(%dma_wait3A_200 : memref<!tpu.dma_semaphore, #tpu.memory_space<semaphore_mem>>) src(%dma_wait3A_198 : memref<10080x64xf32, #tpu.memory_space<hbm>>) dst(%dma_wait3A_194 : memref<40x64xf32, #tpu.memory_space<vmem>>)
      %mul3A_201 = arith.constant 200 : i32
      %mul3A_202 = arith.muli %add3A_124, %mul3A_201 : i32
      %add3A_203 = arith.constant 1 : i32
      %add3A_204 = arith.addi %add3A_124, %add3A_203 : i32
      %mul3A_205 = arith.constant 200 : i32
      %mul3A_206 = arith.muli %add3A_204, %mul3A_205 : i32
      %min3A = arith.minsi %mul3A_206, %squeeze3A : i32
      %max3A = arith.maxsi %scan3A_120, %mul3A_202 : i32
      %while3A:2 = scf.while (%while3A_337 = %scan3A_119, %while3A_338 = %max3A) : (i32, i32) -> (i32, i32) {
        %lt3A_339 = arith.cmpi slt, %while3A_338, %min3A : i32
        scf.condition(%lt3A_339) %while3A_337, %while3A_338 : i32, i32
      } do {
      ^bb0(%while3A_337: i32, %while3A_338: i32):
        %add3A_339 = arith.constant 1 : i32
        %add3A_340 = arith.addi %while3A_337, %add3A_339 : i32
        %mul3A_341 = arith.constant 16 : i32
        %mul3A_342 = arith.muli %add3A_340, %mul3A_341 : i32
        %get3A_343 = arith.index_cast %mul3A_342 : i32 to index
        %get3A_344 = tpu.vector_load %arg10[%get3A_343] {strides = array<i32>} : memref<5120xi32, #tpu.memory_space<vmem>>, vector<16xi32>,
        %slice3A_345 = vector.extract_strided_slice %get3A_344 {offsets = [0], sizes = [1], strides = [1]} : vector<16xi32> to vector<1xi32>
        %squeeze3A_346 = vector.extract %slice3A_345[0] : i32 from vector<1xi32>
        %min3A_347 = arith.minsi %squeeze3A_346, %min3A : i32
        %get3A_348 = arith.index_cast %while3A_337 : i32 to index
        %get3A_349 = arith.constant 0 : index
        %get3A_350 = tpu.vector_load %arg11[%get3A_348, %get3A_349] {strides = array<i32>} : memref<320x64xf32, #tpu.memory_space<vmem>>, vector<16xf32>,
        %get3A_351 = arith.index_cast %while3A_337 : i32 to index
        %get3A_352 = arith.constant 16 : index
        %get3A_353 = tpu.vector_load %arg11[%get3A_351, %get3A_352] {strides = array<i32>} : memref<320x64xf32, #tpu.memory_space<vmem>>, vector<16xf32>,
        %get3A_354 = arith.index_cast %while3A_337 : i32 to index
        %get3A_355 = arith.constant 32 : index
        %get3A_356 = tpu.vector_load %arg11[%get3A_354, %get3A_355] {strides = array<i32>} : memref<320x64xf32, #tpu.memory_space<vmem>>, vector<16xf32>,
        %get3A_357 = arith.index_cast %while3A_337 : i32 to index
        %get3A_358 = arith.constant 48 : index
        %get3A_359 = tpu.vector_load %arg11[%get3A_357, %get3A_358] {strides = array<i32>} : memref<320x64xf32, #tpu.memory_space<vmem>>, vector<16xf32>,
        %while3A_360 = arith.constant 0 : i32
        %while3A_361 = arith.subi %min3A_347, %while3A_338 : i32
        %while3A_362 = arith.addi %while3A_338, %while3A_361 : i32
        %while3A_363 = arith.constant 1 : i32
        %while3A_364 = arith.divsi %while3A_361, %while3A_363 : i32
        %while3A_365 = arith.muli %while3A_364, %while3A_363 : i32
        %while3A_366 = arith.addi %while3A_338, %while3A_365 : i32
        %while3A_367 = arith.constant 1 : i32
        scf.for %while3A_373 = %while3A_338 to %while3A_366 step %while3A_367  : i32 {
          %sub3A = arith.subi %while3A_373, %mul3A_202 : i32
          %get3A_374 = arith.constant 0 : i32
          %get3A_375 = arith.index_cast %get3A_374 : i32 to index
          %get3A_376 = arith.index_cast %sub3A : i32 to index
          %get3A_377 = arith.constant 0 : index
          %get3A_378 = tpu.vector_load %arg12[%get3A_375, %get3A_376, %get3A_377] {strides = array<i32>} : memref<2x200x64xf32, #tpu.memory_space<vmem>>, vector<16xf32>,
          %add3A_379 = arith.addf %get3A_350, %get3A_378 : vector<16xf32>
          %swap3A = arith.constant 0 : i32
          %swap3A_380 = arith.index_cast %swap3A : i32 to index
          %swap3A_381 = arith.index_cast %sub3A : i32 to index
          %swap3A_382 = arith.constant 0 : index
          %swap3A_383 = tpu.vector_load %arg12[%swap3A_380, %swap3A_381, %swap3A_382] {strides = array<i32>} : memref<2x200x64xf32, #tpu.memory_space<vmem>>, vector<16xf32>,
          tpu.vector_store %arg12[%swap3A_380, %swap3A_381, %swap3A_382], %add3A_379 {strides = array<i32>} : memref<2x200x64xf32, #tpu.memory_space<vmem>>, vector<16xf32>,
          %get3A_384 = arith.constant 0 : i32
          %get3A_385 = arith.index_cast %get3A_384 : i32 to index
          %get3A_386 = arith.index_cast %sub3A : i32 to index
          %get3A_387 = arith.constant 16 : index
          %get3A_388 = tpu.vector_load %arg12[%get3A_385, %get3A_386, %get3A_387] {strides = array<i32>} : memref<2x200x64xf32, #tpu.memory_space<vmem>>, vector<16xf32>,
          %add3A_389 = arith.addf %get3A_353, %get3A_388 : vector<16xf32>
          %swap3A_390 = arith.constant 0 : i32
          %swap3A_391 = arith.index_cast %swap3A_390 : i32 to index
          %swap3A_392 = arith.index_cast %sub3A : i32 to index
          %swap3A_393 = arith.constant 16 : index
          %swap3A_394 = tpu.vector_load %arg12[%swap3A_391, %swap3A_392, %swap3A_393] {strides = array<i32>} : memref<2x200x64xf32, #tpu.memory_space<vmem>>, vector<16xf32>,
          tpu.vector_store %arg12[%swap3A_391, %swap3A_392, %swap3A_393], %add3A_389 {strides = array<i32>} : memref<2x200x64xf32, #tpu.memory_space<vmem>>, vector<16xf32>,
          %get3A_395 = arith.constant 0 : i32
          %get3A_396 = arith.index_cast %get3A_395 : i32 to index
          %get3A_397 = arith.index_cast %sub3A : i32 to index
          %get3A_398 = arith.constant 32 : index
          %get3A_399 = tpu.vector_load %arg12[%get3A_396, %get3A_397, %get3A_398] {strides = array<i32>} : memref<2x200x64xf32, #tpu.memory_space<vmem>>, vector<16xf32>,
          %add3A_400 = arith.addf %get3A_356, %get3A_399 : vector<16xf32>
          %swap3A_401 = arith.constant 0 : i32
          %swap3A_402 = arith.index_cast %swap3A_401 : i32 to index
          %swap3A_403 = arith.index_cast %sub3A : i32 to index
          %swap3A_404 = arith.constant 32 : index
          %swap3A_405 = tpu.vector_load %arg12[%swap3A_402, %swap3A_403, %swap3A_404] {strides = array<i32>} : memref<2x200x64xf32, #tpu.memory_space<vmem>>, vector<16xf32>,
          tpu.vector_store %arg12[%swap3A_402, %swap3A_403, %swap3A_404], %add3A_400 {strides = array<i32>} : memref<2x200x64xf32, #tpu.memory_space<vmem>>, vector<16xf32>,
          %get3A_406 = arith.constant 0 : i32
          %get3A_407 = arith.index_cast %get3A_406 : i32 to index
          %get3A_408 = arith.index_cast %sub3A : i32 to index
          %get3A_409 = arith.constant 48 : index
          %get3A_410 = tpu.vector_load %arg12[%get3A_407, %get3A_408, %get3A_409] {strides = array<i32>} : memref<2x200x64xf32, #tpu.memory_space<vmem>>, vector<16xf32>,
          %add3A_411 = arith.addf %get3A_359, %get3A_410 : vector<16xf32>
          %swap3A_412 = arith.constant 0 : i32
          %swap3A_413 = arith.index_cast %swap3A_412 : i32 to index
          %swap3A_414 = arith.index_cast %sub3A : i32 to index
          %swap3A_415 = arith.constant 48 : index
          %swap3A_416 = tpu.vector_load %arg12[%swap3A_413, %swap3A_414, %swap3A_415] {strides = array<i32>} : memref<2x200x64xf32, #tpu.memory_space<vmem>>, vector<16xf32>,
          tpu.vector_store %arg12[%swap3A_413, %swap3A_414, %swap3A_415], %add3A_411 {strides = array<i32>} : memref<2x200x64xf32, #tpu.memory_space<vmem>>, vector<16xf32>,
        }
        %while3A_368 = arith.constant 1 : i32
        scf.for %while3A_373 = %while3A_366 to %while3A_362 step %while3A_368  : i32 {
          %sub3A = arith.subi %while3A_373, %mul3A_202 : i32
          %get3A_374 = arith.constant 0 : i32
          %get3A_375 = arith.index_cast %get3A_374 : i32 to index
          %get3A_376 = arith.index_cast %sub3A : i32 to index
          %get3A_377 = arith.constant 0 : index
          %get3A_378 = tpu.vector_load %arg12[%get3A_375, %get3A_376, %get3A_377] {strides = array<i32>} : memref<2x200x64xf32, #tpu.memory_space<vmem>>, vector<16xf32>,
          %add3A_379 = arith.addf %get3A_350, %get3A_378 : vector<16xf32>
          %swap3A = arith.constant 0 : i32
          %swap3A_380 = arith.index_cast %swap3A : i32 to index
          %swap3A_381 = arith.index_cast %sub3A : i32 to index
          %swap3A_382 = arith.constant 0 : index
          %swap3A_383 = tpu.vector_load %arg12[%swap3A_380, %swap3A_381, %swap3A_382] {strides = array<i32>} : memref<2x200x64xf32, #tpu.memory_space<vmem>>, vector<16xf32>,
          tpu.vector_store %arg12[%swap3A_380, %swap3A_381, %swap3A_382], %add3A_379 {strides = array<i32>} : memref<2x200x64xf32, #tpu.memory_space<vmem>>, vector<16xf32>,
          %get3A_384 = arith.constant 0 : i32
          %get3A_385 = arith.index_cast %get3A_384 : i32 to index
          %get3A_386 = arith.index_cast %sub3A : i32 to index
          %get3A_387 = arith.constant 16 : index
          %get3A_388 = tpu.vector_load %arg12[%get3A_385, %get3A_386, %get3A_387] {strides = array<i32>} : memref<2x200x64xf32, #tpu.memory_space<vmem>>, vector<16xf32>,
          %add3A_389 = arith.addf %get3A_353, %get3A_388 : vector<16xf32>
          %swap3A_390 = arith.constant 0 : i32
          %swap3A_391 = arith.index_cast %swap3A_390 : i32 to index
          %swap3A_392 = arith.index_cast %sub3A : i32 to index
          %swap3A_393 = arith.constant 16 : index
          %swap3A_394 = tpu.vector_load %arg12[%swap3A_391, %swap3A_392, %swap3A_393] {strides = array<i32>} : memref<2x200x64xf32, #tpu.memory_space<vmem>>, vector<16xf32>,
          tpu.vector_store %arg12[%swap3A_391, %swap3A_392, %swap3A_393], %add3A_389 {strides = array<i32>} : memref<2x200x64xf32, #tpu.memory_space<vmem>>, vector<16xf32>,
          %get3A_395 = arith.constant 0 : i32
          %get3A_396 = arith.index_cast %get3A_395 : i32 to index
          %get3A_397 = arith.index_cast %sub3A : i32 to index
          %get3A_398 = arith.constant 32 : index
          %get3A_399 = tpu.vector_load %arg12[%get3A_396, %get3A_397, %get3A_398] {strides = array<i32>} : memref<2x200x64xf32, #tpu.memory_space<vmem>>, vector<16xf32>,
          %add3A_400 = arith.addf %get3A_356, %get3A_399 : vector<16xf32>
          %swap3A_401 = arith.constant 0 : i32
          %swap3A_402 = arith.index_cast %swap3A_401 : i32 to index
          %swap3A_403 = arith.index_cast %sub3A : i32 to index
          %swap3A_404 = arith.constant 32 : index
          %swap3A_405 = tpu.vector_load %arg12[%swap3A_402, %swap3A_403, %swap3A_404] {strides = array<i32>} : memref<2x200x64xf32, #tpu.memory_space<vmem>>, vector<16xf32>,
          tpu.vector_store %arg12[%swap3A_402, %swap3A_403, %swap3A_404], %add3A_400 {strides = array<i32>} : memref<2x200x64xf32, #tpu.memory_space<vmem>>, vector<16xf32>,
          %get3A_406 = arith.constant 0 : i32
          %get3A_407 = arith.index_cast %get3A_406 : i32 to index
          %get3A_408 = arith.index_cast %sub3A : i32 to index
          %get3A_409 = arith.constant 48 : index
          %get3A_410 = tpu.vector_load %arg12[%get3A_407, %get3A_408, %get3A_409] {strides = array<i32>} : memref<2x200x64xf32, #tpu.memory_space<vmem>>, vector<16xf32>,
          %add3A_411 = arith.addf %get3A_359, %get3A_410 : vector<16xf32>
          %swap3A_412 = arith.constant 0 : i32
          %swap3A_413 = arith.index_cast %swap3A_412 : i32 to index
          %swap3A_414 = arith.index_cast %sub3A : i32 to index
          %swap3A_415 = arith.constant 48 : index
          %swap3A_416 = tpu.vector_load %arg12[%swap3A_413, %swap3A_414, %swap3A_415] {strides = array<i32>} : memref<2x200x64xf32, #tpu.memory_space<vmem>>, vector<16xf32>,
          tpu.vector_store %arg12[%swap3A_413, %swap3A_414, %swap3A_415], %add3A_411 {strides = array<i32>} : memref<2x200x64xf32, #tpu.memory_space<vmem>>, vector<16xf32>,
        }
        %eq3A = arith.cmpi eq, %min3A_347, %squeeze3A_346 : i32
        %add3A_369 = arith.constant 1 : i32
        %add3A_370 = arith.addi %while3A_337, %add3A_369 : i32
        %min3A_371 = arith.constant 318 : i32
        %min3A_372 = arith.minsi %add3A_370, %min3A_371 : i32
        %select_n3A = arith.select %eq3A, %min3A_372, %while3A_337 : i32
        scf.yield %select_n3A, %min3A_347 : i32, i32
      }
      %mul3A_207 = arith.constant 200 : i32
      %mul3A_208 = arith.muli %add3A_124, %mul3A_207 : i32
      %add3A_209 = arith.addi %mul3A_4, %mul3A_208 : i32
      %dma_start3A_210 = arith.constant 0 : i32
      %dma_start3A_211 = arith.constant 0 : i32
      %dma_start3A_212 = arith.constant 0 : i32
      %dma_start3A_213 = arith.constant 0 : i32
      %dma_start3A_214 = tpu.memref_slice %arg12[%dma_start3A_210, %dma_start3A_212, %dma_start3A_213] : memref<2x200x64xf32, #tpu.memory_space<vmem>> -> memref<1x200x64xf32, #tpu.memory_space<vmem>>
      %dma_start3A_215 = tpu.memref_squeeze %dma_start3A_214 : memref<1x200x64xf32, #tpu.memory_space<vmem>> -> memref<200x64xf32, #tpu.memory_space<vmem>>
      %dma_start3A_216 = arith.constant 0 : i32
      %dma_start3A_217 = tpu.memref_slice %arg7[%add3A_209, %dma_start3A_216] : memref<358400x64xf32, #tpu.memory_space<hbm>> -> memref<200x64xf32, #tpu.memory_space<hbm>>
      %dma_start3A_218 = tpu.memref_slice %arg14[%dma_start3A_211] : memref<2x!tpu.dma_semaphore, #tpu.memory_space<semaphore_mem>> -> memref<1x!tpu.dma_semaphore, #tpu.memory_space<semaphore_mem>>
      %dma_start3A_219 = tpu.memref_squeeze %dma_start3A_218 : memref<1x!tpu.dma_semaphore, #tpu.memory_space<semaphore_mem>> -> memref<!tpu.dma_semaphore, #tpu.memory_space<semaphore_mem>>
      %dma_start3A_220 = arith.constant 0 : i32
      %dma_start3A_221 = tpu.memref_slice %arg7[%add3A_209, %dma_start3A_220] : memref<358400x64xf32, #tpu.memory_space<hbm>> -> memref<200x64xf32, #tpu.memory_space<hbm>>
      %dma_start3A_222 = arith.constant 0 : i32
      %dma_start3A_223 = arith.constant 0 : i32
      %dma_start3A_224 = tpu.memref_slice %arg12[%dma_start3A_210, %dma_start3A_222, %dma_start3A_223] : memref<2x200x64xf32, #tpu.memory_space<vmem>> -> memref<1x200x64xf32, #tpu.memory_space<vmem>>
      %dma_start3A_225 = tpu.memref_squeeze %dma_start3A_224 : memref<1x200x64xf32, #tpu.memory_space<vmem>> -> memref<200x64xf32, #tpu.memory_space<vmem>>
      tpu.enqueue_dma source(%dma_start3A_225 : memref<200x64xf32, #tpu.memory_space<vmem>>) target(%dma_start3A_221 : memref<200x64xf32, #tpu.memory_space<hbm>>) target_semaphore(%dma_start3A_219 : memref<!tpu.dma_semaphore, #tpu.memory_space<semaphore_mem>>)
      %mul3A_226 = arith.constant 2 : i32
      %mul3A_227 = arith.muli %mul3A_226, %scan3A_118 : i32
      %add3A_228 = arith.constant 1 : i32
      %add3A_229 = arith.addi %mul3A_227, %add3A_228 : i32
      %add3A_230 = arith.constant 1 : i32
      %add3A_231 = arith.addi %add3A_229, %add3A_230 : i32
      %lt3A_232 = arith.constant 56 : i32
      %lt3A_233 = arith.cmpi slt, %add3A_231, %lt3A_232 : i32
      %convert_element_type3A_234 = arith.extui %lt3A_233 : i1 to i32
      %cond3A_235 = arith.constant 0 : i32
      %cond3A_236 = arith.cmpi ne, %convert_element_type3A_234, %cond3A_235 : i32
      scf.if %cond3A_236 {
        %ge3A = arith.constant 1 : i32
        %ge3A_337 = arith.cmpi sge, %add3A_229, %ge3A : i32
        %convert_element_type3A_338 = arith.extui %ge3A_337 : i1 to i32
        %cond3A_339 = arith.constant 0 : i32
        %cond3A_340 = arith.cmpi ne, %convert_element_type3A_338, %cond3A_339 : i32
        scf.if %cond3A_340 {
          %sub3A = arith.constant 1 : i32
          %sub3A_415 = arith.subi %add3A_229, %sub3A : i32
          %mul3A_416 = arith.constant 200 : i32
          %mul3A_417 = arith.muli %sub3A_415, %mul3A_416 : i32
          %add3A_418 = arith.addi %mul3A_4, %mul3A_417 : i32
          %dma_wait3A_419 = arith.constant 0 : i32
          %dma_wait3A_420 = arith.constant 0 : i32
          %dma_wait3A_421 = arith.constant 0 : i32
          %dma_wait3A_422 = arith.constant 0 : i32
          %dma_wait3A_423 = tpu.memref_slice %arg12[%dma_wait3A_419, %dma_wait3A_421, %dma_wait3A_422] : memref<2x200x64xf32, #tpu.memory_space<vmem>> -> memref<1x200x64xf32, #tpu.memory_space<vmem>>
          %dma_wait3A_424 = tpu.memref_squeeze %dma_wait3A_423 : memref<1x200x64xf32, #tpu.memory_space<vmem>> -> memref<200x64xf32, #tpu.memory_space<vmem>>
          %dma_wait3A_425 = arith.constant 0 : i32
          %dma_wait3A_426 = tpu.memref_slice %arg7[%add3A_418, %dma_wait3A_425] : memref<358400x64xf32, #tpu.memory_space<hbm>> -> memref<200x64xf32, #tpu.memory_space<hbm>>
          %dma_wait3A_427 = tpu.memref_slice %arg14[%dma_wait3A_420] : memref<2x!tpu.dma_semaphore, #tpu.memory_space<semaphore_mem>> -> memref<1x!tpu.dma_semaphore, #tpu.memory_space<semaphore_mem>>
          %dma_wait3A_428 = tpu.memref_squeeze %dma_wait3A_427 : memref<1x!tpu.dma_semaphore, #tpu.memory_space<semaphore_mem>> -> memref<!tpu.dma_semaphore, #tpu.memory_space<semaphore_mem>>
          %dma_wait3A_429 = arith.constant 0 : i32
          %dma_wait3A_430 = tpu.memref_slice %arg7[%add3A_418, %dma_wait3A_429] : memref<358400x64xf32, #tpu.memory_space<hbm>> -> memref<200x64xf32, #tpu.memory_space<hbm>>
          %dma_wait3A_431 = arith.constant 0 : i32
          %dma_wait3A_432 = arith.constant 0 : i32
          %dma_wait3A_433 = tpu.memref_slice %arg12[%dma_wait3A_419, %dma_wait3A_431, %dma_wait3A_432] : memref<2x200x64xf32, #tpu.memory_space<vmem>> -> memref<1x200x64xf32, #tpu.memory_space<vmem>>
          %dma_wait3A_434 = tpu.memref_squeeze %dma_wait3A_433 : memref<1x200x64xf32, #tpu.memory_space<vmem>> -> memref<200x64xf32, #tpu.memory_space<vmem>>
          tpu.wait_dma2 semaphore(%dma_wait3A_428 : memref<!tpu.dma_semaphore, #tpu.memory_space<semaphore_mem>>) src(%dma_wait3A_434 : memref<200x64xf32, #tpu.memory_space<vmem>>) dst(%dma_wait3A_430 : memref<200x64xf32, #tpu.memory_space<hbm>>)
        } else {
        }
        %add3A_341 = arith.constant 1 : i32
        %add3A_342 = arith.addi %add3A_229, %add3A_341 : i32
        %mul3A_343 = arith.constant 200 : i32
        %mul3A_344 = arith.muli %add3A_342, %mul3A_343 : i32
        %add3A_345 = arith.constant 0 : i32
        %add3A_346 = arith.addi %mul3A_344, %add3A_345 : i32
        %dma_start3A_347 = arith.constant 0 : i32
        %dma_start3A_348 = arith.constant 0 : i32
        %dma_start3A_349 = arith.constant 0 : i32
        %dma_start3A_350 = arith.constant 0 : i32
        %dma_start3A_351 = tpu.memref_slice %arg12[%dma_start3A_347, %dma_start3A_349, %dma_start3A_350] : memref<2x200x64xf32, #tpu.memory_space<vmem>> -> memref<1x40x64xf32, #tpu.memory_space<vmem>>
        %dma_start3A_352 = tpu.memref_squeeze %dma_start3A_351 : memref<1x40x64xf32, #tpu.memory_space<vmem>> -> memref<40x64xf32, #tpu.memory_space<vmem>>
        %dma_start3A_353 = tpu.memref_slice %arg8[%add3A_346] : memref<11200xi32, #tpu.memory_space<vmem>> -> memref<40xi32, #tpu.memory_space<vmem>>
        %dma_start3A_354 = arith.constant 0 : i32
        %dma_start3A_355 = arith.constant 0 : i32
        %dma_start3A_356 = tpu.memref_slice %arg6[%dma_start3A_354, %dma_start3A_355] : memref<10080x64xf32, #tpu.memory_space<hbm>> -> memref<10080x64xf32, #tpu.memory_space<hbm>>
        %dma_start3A_357 = tpu.memref_slice %arg13[%dma_start3A_348] : memref<2x!tpu.dma_semaphore, #tpu.memory_space<semaphore_mem>> -> memref<1x!tpu.dma_semaphore, #tpu.memory_space<semaphore_mem>>
        %dma_start3A_358 = tpu.memref_squeeze %dma_start3A_357 : memref<1x!tpu.dma_semaphore, #tpu.memory_space<semaphore_mem>> -> memref<!tpu.dma_semaphore, #tpu.memory_space<semaphore_mem>>
        tpu.enqueue_indirect_dma source(%dma_start3A_356 : memref<10080x64xf32, #tpu.memory_space<hbm>>) target(%dma_start3A_352 : memref<40x64xf32, #tpu.memory_space<vmem>>) offsets(%dma_start3A_353 : memref<40xi32, #tpu.memory_space<vmem>>) semaphore(%dma_start3A_358 : memref<!tpu.dma_semaphore, #tpu.memory_space<semaphore_mem>>)
        %add3A_359 = arith.constant 40 : i32
        %add3A_360 = arith.addi %mul3A_344, %add3A_359 : i32
        %dma_start3A_361 = arith.constant 0 : i32
        %dma_start3A_362 = arith.constant 0 : i32
        %dma_start3A_363 = arith.constant 40 : i32
        %dma_start3A_364 = arith.constant 0 : i32
        %dma_start3A_365 = tpu.memref_slice %arg12[%dma_start3A_361, %dma_start3A_363, %dma_start3A_364] : memref<2x200x64xf32, #tpu.memory_space<vmem>> -> memref<1x40x64xf32, #tpu.memory_space<vmem>>
        %dma_start3A_366 = tpu.memref_squeeze %dma_start3A_365 : memref<1x40x64xf32, #tpu.memory_space<vmem>> -> memref<40x64xf32, #tpu.memory_space<vmem>>
        %dma_start3A_367 = tpu.memref_slice %arg8[%add3A_360] : memref<11200xi32, #tpu.memory_space<vmem>> -> memref<40xi32, #tpu.memory_space<vmem>>
        %dma_start3A_368 = arith.constant 0 : i32
        %dma_start3A_369 = arith.constant 0 : i32
        %dma_start3A_370 = tpu.memref_slice %arg6[%dma_start3A_368, %dma_start3A_369] : memref<10080x64xf32, #tpu.memory_space<hbm>> -> memref<10080x64xf32, #tpu.memory_space<hbm>>
        %dma_start3A_371 = tpu.memref_slice %arg13[%dma_start3A_362] : memref<2x!tpu.dma_semaphore, #tpu.memory_space<semaphore_mem>> -> memref<1x!tpu.dma_semaphore, #tpu.memory_space<semaphore_mem>>
        %dma_start3A_372 = tpu.memref_squeeze %dma_start3A_371 : memref<1x!tpu.dma_semaphore, #tpu.memory_space<semaphore_mem>> -> memref<!tpu.dma_semaphore, #tpu.memory_space<semaphore_mem>>
        tpu.enqueue_indirect_dma source(%dma_start3A_370 : memref<10080x64xf32, #tpu.memory_space<hbm>>) target(%dma_start3A_366 : memref<40x64xf32, #tpu.memory_space<vmem>>) offsets(%dma_start3A_367 : memref<40xi32, #tpu.memory_space<vmem>>) semaphore(%dma_start3A_372 : memref<!tpu.dma_semaphore, #tpu.memory_space<semaphore_mem>>)
        %add3A_373 = arith.constant 80 : i32
        %add3A_374 = arith.addi %mul3A_344, %add3A_373 : i32
        %dma_start3A_375 = arith.constant 0 : i32
        %dma_start3A_376 = arith.constant 0 : i32
        %dma_start3A_377 = arith.constant 80 : i32
        %dma_start3A_378 = arith.constant 0 : i32
        %dma_start3A_379 = tpu.memref_slice %arg12[%dma_start3A_375, %dma_start3A_377, %dma_start3A_378] : memref<2x200x64xf32, #tpu.memory_space<vmem>> -> memref<1x40x64xf32, #tpu.memory_space<vmem>>
        %dma_start3A_380 = tpu.memref_squeeze %dma_start3A_379 : memref<1x40x64xf32, #tpu.memory_space<vmem>> -> memref<40x64xf32, #tpu.memory_space<vmem>>
        %dma_start3A_381 = tpu.memref_slice %arg8[%add3A_374] : memref<11200xi32, #tpu.memory_space<vmem>> -> memref<40xi32, #tpu.memory_space<vmem>>
        %dma_start3A_382 = arith.constant 0 : i32
        %dma_start3A_383 = arith.constant 0 : i32
        %dma_start3A_384 = tpu.memref_slice %arg6[%dma_start3A_382, %dma_start3A_383] : memref<10080x64xf32, #tpu.memory_space<hbm>> -> memref<10080x64xf32, #tpu.memory_space<hbm>>
        %dma_start3A_385 = tpu.memref_slice %arg13[%dma_start3A_376] : memref<2x!tpu.dma_semaphore, #tpu.memory_space<semaphore_mem>> -> memref<1x!tpu.dma_semaphore, #tpu.memory_space<semaphore_mem>>
        %dma_start3A_386 = tpu.memref_squeeze %dma_start3A_385 : memref<1x!tpu.dma_semaphore, #tpu.memory_space<semaphore_mem>> -> memref<!tpu.dma_semaphore, #tpu.memory_space<semaphore_mem>>
        tpu.enqueue_indirect_dma source(%dma_start3A_384 : memref<10080x64xf32, #tpu.memory_space<hbm>>) target(%dma_start3A_380 : memref<40x64xf32, #tpu.memory_space<vmem>>) offsets(%dma_start3A_381 : memref<40xi32, #tpu.memory_space<vmem>>) semaphore(%dma_start3A_386 : memref<!tpu.dma_semaphore, #tpu.memory_space<semaphore_mem>>)
        %add3A_387 = arith.constant 120 : i32
        %add3A_388 = arith.addi %mul3A_344, %add3A_387 : i32
        %dma_start3A_389 = arith.constant 0 : i32
        %dma_start3A_390 = arith.constant 0 : i32
        %dma_start3A_391 = arith.constant 120 : i32
        %dma_start3A_392 = arith.constant 0 : i32
        %dma_start3A_393 = tpu.memref_slice %arg12[%dma_start3A_389, %dma_start3A_391, %dma_start3A_392] : memref<2x200x64xf32, #tpu.memory_space<vmem>> -> memref<1x40x64xf32, #tpu.memory_space<vmem>>
        %dma_start3A_394 = tpu.memref_squeeze %dma_start3A_393 : memref<1x40x64xf32, #tpu.memory_space<vmem>> -> memref<40x64xf32, #tpu.memory_space<vmem>>
        %dma_start3A_395 = tpu.memref_slice %arg8[%add3A_388] : memref<11200xi32, #tpu.memory_space<vmem>> -> memref<40xi32, #tpu.memory_space<vmem>>
        %dma_start3A_396 = arith.constant 0 : i32
        %dma_start3A_397 = arith.constant 0 : i32
        %dma_start3A_398 = tpu.memref_slice %arg6[%dma_start3A_396, %dma_start3A_397] : memref<10080x64xf32, #tpu.memory_space<hbm>> -> memref<10080x64xf32, #tpu.memory_space<hbm>>
        %dma_start3A_399 = tpu.memref_slice %arg13[%dma_start3A_390] : memref<2x!tpu.dma_semaphore, #tpu.memory_space<semaphore_mem>> -> memref<1x!tpu.dma_semaphore, #tpu.memory_space<semaphore_mem>>
        %dma_start3A_400 = tpu.memref_squeeze %dma_start3A_399 : memref<1x!tpu.dma_semaphore, #tpu.memory_space<semaphore_mem>> -> memref<!tpu.dma_semaphore, #tpu.memory_space<semaphore_mem>>
        tpu.enqueue_indirect_dma source(%dma_start3A_398 : memref<10080x64xf32, #tpu.memory_space<hbm>>) target(%dma_start3A_394 : memref<40x64xf32, #tpu.memory_space<vmem>>) offsets(%dma_start3A_395 : memref<40xi32, #tpu.memory_space<vmem>>) semaphore(%dma_start3A_400 : memref<!tpu.dma_semaphore, #tpu.memory_space<semaphore_mem>>)
        %add3A_401 = arith.constant 160 : i32
        %add3A_402 = arith.addi %mul3A_344, %add3A_401 : i32
        %dma_start3A_403 = arith.constant 0 : i32
        %dma_start3A_404 = arith.constant 0 : i32
        %dma_start3A_405 = arith.constant 160 : i32
        %dma_start3A_406 = arith.constant 0 : i32
        %dma_start3A_407 = tpu.memref_slice %arg12[%dma_start3A_403, %dma_start3A_405, %dma_start3A_406] : memref<2x200x64xf32, #tpu.memory_space<vmem>> -> memref<1x40x64xf32, #tpu.memory_space<vmem>>
        %dma_start3A_408 = tpu.memref_squeeze %dma_start3A_407 : memref<1x40x64xf32, #tpu.memory_space<vmem>> -> memref<40x64xf32, #tpu.memory_space<vmem>>
        %dma_start3A_409 = tpu.memref_slice %arg8[%add3A_402] : memref<11200xi32, #tpu.memory_space<vmem>> -> memref<40xi32, #tpu.memory_space<vmem>>
        %dma_start3A_410 = arith.constant 0 : i32
        %dma_start3A_411 = arith.constant 0 : i32
        %dma_start3A_412 = tpu.memref_slice %arg6[%dma_start3A_410, %dma_start3A_411] : memref<10080x64xf32, #tpu.memory_space<hbm>> -> memref<10080x64xf32, #tpu.memory_space<hbm>>
        %dma_start3A_413 = tpu.memref_slice %arg13[%dma_start3A_404] : memref<2x!tpu.dma_semaphore, #tpu.memory_space<semaphore_mem>> -> memref<1x!tpu.dma_semaphore, #tpu.memory_space<semaphore_mem>>
        %dma_start3A_414 = tpu.memref_squeeze %dma_start3A_413 : memref<1x!tpu.dma_semaphore, #tpu.memory_space<semaphore_mem>> -> memref<!tpu.dma_semaphore, #tpu.memory_space<semaphore_mem>>
        tpu.enqueue_indirect_dma source(%dma_start3A_412 : memref<10080x64xf32, #tpu.memory_space<hbm>>) target(%dma_start3A_408 : memref<40x64xf32, #tpu.memory_space<vmem>>) offsets(%dma_start3A_409 : memref<40xi32, #tpu.memory_space<vmem>>) semaphore(%dma_start3A_414 : memref<!tpu.dma_semaphore, #tpu.memory_space<semaphore_mem>>)
      } else {
      }
      %mul3A_237 = arith.constant 200 : i32
      %mul3A_238 = arith.muli %add3A_229, %mul3A_237 : i32
      %add3A_239 = arith.constant 0 : i32
      %add3A_240 = arith.addi %mul3A_238, %add3A_239 : i32
      %dma_wait3A_241 = arith.constant 1 : i32
      %dma_wait3A_242 = arith.constant 1 : i32
      %dma_wait3A_243 = arith.constant 0 : i32
      %dma_wait3A_244 = arith.constant 0 : i32
      %dma_wait3A_245 = tpu.memref_slice %arg12[%dma_wait3A_241, %dma_wait3A_243, %dma_wait3A_244] : memref<2x200x64xf32, #tpu.memory_space<vmem>> -> memref<1x40x64xf32, #tpu.memory_space<vmem>>
      %dma_wait3A_246 = tpu.memref_squeeze %dma_wait3A_245 : memref<1x40x64xf32, #tpu.memory_space<vmem>> -> memref<40x64xf32, #tpu.memory_space<vmem>>
      %dma_wait3A_247 = tpu.memref_slice %arg8[%add3A_240] : memref<11200xi32, #tpu.memory_space<vmem>> -> memref<40xi32, #tpu.memory_space<vmem>>
      %dma_wait3A_248 = arith.constant 0 : i32
      %dma_wait3A_249 = arith.constant 0 : i32
      %dma_wait3A_250 = tpu.memref_slice %arg6[%dma_wait3A_248, %dma_wait3A_249] : memref<10080x64xf32, #tpu.memory_space<hbm>> -> memref<10080x64xf32, #tpu.memory_space<hbm>>
      %dma_wait3A_251 = tpu.memref_slice %arg13[%dma_wait3A_242] : memref<2x!tpu.dma_semaphore, #tpu.memory_space<semaphore_mem>> -> memref<1x!tpu.dma_semaphore, #tpu.memory_space<semaphore_mem>>
      %dma_wait3A_252 = tpu.memref_squeeze %dma_wait3A_251 : memref<1x!tpu.dma_semaphore, #tpu.memory_space<semaphore_mem>> -> memref<!tpu.dma_semaphore, #tpu.memory_space<semaphore_mem>>
      tpu.wait_indirect_dma semaphore(%dma_wait3A_252 : memref<!tpu.dma_semaphore, #tpu.memory_space<semaphore_mem>>) src(%dma_wait3A_250 : memref<10080x64xf32, #tpu.memory_space<hbm>>) dst(%dma_wait3A_246 : memref<40x64xf32, #tpu.memory_space<vmem>>)
      %add3A_253 = arith.constant 40 : i32
      %add3A_254 = arith.addi %mul3A_238, %add3A_253 : i32
      %dma_wait3A_255 = arith.constant 1 : i32
      %dma_wait3A_256 = arith.constant 1 : i32
      %dma_wait3A_257 = arith.constant 40 : i32
      %dma_wait3A_258 = arith.constant 0 : i32
      %dma_wait3A_259 = tpu.memref_slice %arg12[%dma_wait3A_255, %dma_wait3A_257, %dma_wait3A_258] : memref<2x200x64xf32, #tpu.memory_space<vmem>> -> memref<1x40x64xf32, #tpu.memory_space<vmem>>
      %dma_wait3A_260 = tpu.memref_squeeze %dma_wait3A_259 : memref<1x40x64xf32, #tpu.memory_space<vmem>> -> memref<40x64xf32, #tpu.memory_space<vmem>>
      %dma_wait3A_261 = tpu.memref_slice %arg8[%add3A_254] : memref<11200xi32, #tpu.memory_space<vmem>> -> memref<40xi32, #tpu.memory_space<vmem>>
      %dma_wait3A_262 = arith.constant 0 : i32
      %dma_wait3A_263 = arith.constant 0 : i32
      %dma_wait3A_264 = tpu.memref_slice %arg6[%dma_wait3A_262, %dma_wait3A_263] : memref<10080x64xf32, #tpu.memory_space<hbm>> -> memref<10080x64xf32, #tpu.memory_space<hbm>>
      %dma_wait3A_265 = tpu.memref_slice %arg13[%dma_wait3A_256] : memref<2x!tpu.dma_semaphore, #tpu.memory_space<semaphore_mem>> -> memref<1x!tpu.dma_semaphore, #tpu.memory_space<semaphore_mem>>
      %dma_wait3A_266 = tpu.memref_squeeze %dma_wait3A_265 : memref<1x!tpu.dma_semaphore, #tpu.memory_space<semaphore_mem>> -> memref<!tpu.dma_semaphore, #tpu.memory_space<semaphore_mem>>
      tpu.wait_indirect_dma semaphore(%dma_wait3A_266 : memref<!tpu.dma_semaphore, #tpu.memory_space<semaphore_mem>>) src(%dma_wait3A_264 : memref<10080x64xf32, #tpu.memory_space<hbm>>) dst(%dma_wait3A_260 : memref<40x64xf32, #tpu.memory_space<vmem>>)
      %add3A_267 = arith.constant 80 : i32
      %add3A_268 = arith.addi %mul3A_238, %add3A_267 : i32
      %dma_wait3A_269 = arith.constant 1 : i32
      %dma_wait3A_270 = arith.constant 1 : i32
      %dma_wait3A_271 = arith.constant 80 : i32
      %dma_wait3A_272 = arith.constant 0 : i32
      %dma_wait3A_273 = tpu.memref_slice %arg12[%dma_wait3A_269, %dma_wait3A_271, %dma_wait3A_272] : memref<2x200x64xf32, #tpu.memory_space<vmem>> -> memref<1x40x64xf32, #tpu.memory_space<vmem>>
      %dma_wait3A_274 = tpu.memref_squeeze %dma_wait3A_273 : memref<1x40x64xf32, #tpu.memory_space<vmem>> -> memref<40x64xf32, #tpu.memory_space<vmem>>
      %dma_wait3A_275 = tpu.memref_slice %arg8[%add3A_268] : memref<11200xi32, #tpu.memory_space<vmem>> -> memref<40xi32, #tpu.memory_space<vmem>>
      %dma_wait3A_276 = arith.constant 0 : i32
      %dma_wait3A_277 = arith.constant 0 : i32
      %dma_wait3A_278 = tpu.memref_slice %arg6[%dma_wait3A_276, %dma_wait3A_277] : memref<10080x64xf32, #tpu.memory_space<hbm>> -> memref<10080x64xf32, #tpu.memory_space<hbm>>
      %dma_wait3A_279 = tpu.memref_slice %arg13[%dma_wait3A_270] : memref<2x!tpu.dma_semaphore, #tpu.memory_space<semaphore_mem>> -> memref<1x!tpu.dma_semaphore, #tpu.memory_space<semaphore_mem>>
      %dma_wait3A_280 = tpu.memref_squeeze %dma_wait3A_279 : memref<1x!tpu.dma_semaphore, #tpu.memory_space<semaphore_mem>> -> memref<!tpu.dma_semaphore, #tpu.memory_space<semaphore_mem>>
      tpu.wait_indirect_dma semaphore(%dma_wait3A_280 : memref<!tpu.dma_semaphore, #tpu.memory_space<semaphore_mem>>) src(%dma_wait3A_278 : memref<10080x64xf32, #tpu.memory_space<hbm>>) dst(%dma_wait3A_274 : memref<40x64xf32, #tpu.memory_space<vmem>>)
      %add3A_281 = arith.constant 120 : i32
      %add3A_282 = arith.addi %mul3A_238, %add3A_281 : i32
      %dma_wait3A_283 = arith.constant 1 : i32
      %dma_wait3A_284 = arith.constant 1 : i32
      %dma_wait3A_285 = arith.constant 120 : i32
      %dma_wait3A_286 = arith.constant 0 : i32
      %dma_wait3A_287 = tpu.memref_slice %arg12[%dma_wait3A_283, %dma_wait3A_285, %dma_wait3A_286] : memref<2x200x64xf32, #tpu.memory_space<vmem>> -> memref<1x40x64xf32, #tpu.memory_space<vmem>>
      %dma_wait3A_288 = tpu.memref_squeeze %dma_wait3A_287 : memref<1x40x64xf32, #tpu.memory_space<vmem>> -> memref<40x64xf32, #tpu.memory_space<vmem>>
      %dma_wait3A_289 = tpu.memref_slice %arg8[%add3A_282] : memref<11200xi32, #tpu.memory_space<vmem>> -> memref<40xi32, #tpu.memory_space<vmem>>
      %dma_wait3A_290 = arith.constant 0 : i32
      %dma_wait3A_291 = arith.constant 0 : i32
      %dma_wait3A_292 = tpu.memref_slice %arg6[%dma_wait3A_290, %dma_wait3A_291] : memref<10080x64xf32, #tpu.memory_space<hbm>> -> memref<10080x64xf32, #tpu.memory_space<hbm>>
      %dma_wait3A_293 = tpu.memref_slice %arg13[%dma_wait3A_284] : memref<2x!tpu.dma_semaphore, #tpu.memory_space<semaphore_mem>> -> memref<1x!tpu.dma_semaphore, #tpu.memory_space<semaphore_mem>>
      %dma_wait3A_294 = tpu.memref_squeeze %dma_wait3A_293 : memref<1x!tpu.dma_semaphore, #tpu.memory_space<semaphore_mem>> -> memref<!tpu.dma_semaphore, #tpu.memory_space<semaphore_mem>>
      tpu.wait_indirect_dma semaphore(%dma_wait3A_294 : memref<!tpu.dma_semaphore, #tpu.memory_space<semaphore_mem>>) src(%dma_wait3A_292 : memref<10080x64xf32, #tpu.memory_space<hbm>>) dst(%dma_wait3A_288 : memref<40x64xf32, #tpu.memory_space<vmem>>)
      %add3A_295 = arith.constant 160 : i32
      %add3A_296 = arith.addi %mul3A_238, %add3A_295 : i32
      %dma_wait3A_297 = arith.constant 1 : i32
      %dma_wait3A_298 = arith.constant 1 : i32
      %dma_wait3A_299 = arith.constant 160 : i32
      %dma_wait3A_300 = arith.constant 0 : i32
      %dma_wait3A_301 = tpu.memref_slice %arg12[%dma_wait3A_297, %dma_wait3A_299, %dma_wait3A_300] : memref<2x200x64xf32, #tpu.memory_space<vmem>> -> memref<1x40x64xf32, #tpu.memory_space<vmem>>
      %dma_wait3A_302 = tpu.memref_squeeze %dma_wait3A_301 : memref<1x40x64xf32, #tpu.memory_space<vmem>> -> memref<40x64xf32, #tpu.memory_space<vmem>>
      %dma_wait3A_303 = tpu.memref_slice %arg8[%add3A_296] : memref<11200xi32, #tpu.memory_space<vmem>> -> memref<40xi32, #tpu.memory_space<vmem>>
      %dma_wait3A_304 = arith.constant 0 : i32
      %dma_wait3A_305 = arith.constant 0 : i32
      %dma_wait3A_306 = tpu.memref_slice %arg6[%dma_wait3A_304, %dma_wait3A_305] : memref<10080x64xf32, #tpu.memory_space<hbm>> -> memref<10080x64xf32, #tpu.memory_space<hbm>>
      %dma_wait3A_307 = tpu.memref_slice %arg13[%dma_wait3A_298] : memref<2x!tpu.dma_semaphore, #tpu.memory_space<semaphore_mem>> -> memref<1x!tpu.dma_semaphore, #tpu.memory_space<semaphore_mem>>
      %dma_wait3A_308 = tpu.memref_squeeze %dma_wait3A_307 : memref<1x!tpu.dma_semaphore, #tpu.memory_space<semaphore_mem>> -> memref<!tpu.dma_semaphore, #tpu.memory_space<semaphore_mem>>
      tpu.wait_indirect_dma semaphore(%dma_wait3A_308 : memref<!tpu.dma_semaphore, #tpu.memory_space<semaphore_mem>>) src(%dma_wait3A_306 : memref<10080x64xf32, #tpu.memory_space<hbm>>) dst(%dma_wait3A_302 : memref<40x64xf32, #tpu.memory_space<vmem>>)
      %mul3A_309 = arith.constant 200 : i32
      %mul3A_310 = arith.muli %add3A_229, %mul3A_309 : i32
      %add3A_311 = arith.constant 1 : i32
      %add3A_312 = arith.addi %add3A_229, %add3A_311 : i32
      %mul3A_313 = arith.constant 200 : i32
      %mul3A_314 = arith.muli %add3A_312, %mul3A_313 : i32
      %min3A_315 = arith.minsi %mul3A_314, %squeeze3A : i32
      %max3A_316 = arith.maxsi %while3A#1, %mul3A_310 : i32
      %while3A_317:2 = scf.while (%while3A_337 = %while3A#0, %while3A_338 = %max3A_316) : (i32, i32) -> (i32, i32) {
        %lt3A_339 = arith.cmpi slt, %while3A_338, %min3A_315 : i32
        scf.condition(%lt3A_339) %while3A_337, %while3A_338 : i32, i32
      } do {
      ^bb0(%while3A_337: i32, %while3A_338: i32):
        %add3A_339 = arith.constant 1 : i32
        %add3A_340 = arith.addi %while3A_337, %add3A_339 : i32
        %mul3A_341 = arith.constant 16 : i32
        %mul3A_342 = arith.muli %add3A_340, %mul3A_341 : i32
        %get3A_343 = arith.index_cast %mul3A_342 : i32 to index
        %get3A_344 = tpu.vector_load %arg10[%get3A_343] {strides = array<i32>} : memref<5120xi32, #tpu.memory_space<vmem>>, vector<16xi32>,
        %slice3A_345 = vector.extract_strided_slice %get3A_344 {offsets = [0], sizes = [1], strides = [1]} : vector<16xi32> to vector<1xi32>
        %squeeze3A_346 = vector.extract %slice3A_345[0] : i32 from vector<1xi32>
        %min3A_347 = arith.minsi %squeeze3A_346, %min3A_315 : i32
        %get3A_348 = arith.index_cast %while3A_337 : i32 to index
        %get3A_349 = arith.constant 0 : index
        %get3A_350 = tpu.vector_load %arg11[%get3A_348, %get3A_349] {strides = array<i32>} : memref<320x64xf32, #tpu.memory_space<vmem>>, vector<16xf32>,
        %get3A_351 = arith.index_cast %while3A_337 : i32 to index
        %get3A_352 = arith.constant 16 : index
        %get3A_353 = tpu.vector_load %arg11[%get3A_351, %get3A_352] {strides = array<i32>} : memref<320x64xf32, #tpu.memory_space<vmem>>, vector<16xf32>,
        %get3A_354 = arith.index_cast %while3A_337 : i32 to index
        %get3A_355 = arith.constant 32 : index
        %get3A_356 = tpu.vector_load %arg11[%get3A_354, %get3A_355] {strides = array<i32>} : memref<320x64xf32, #tpu.memory_space<vmem>>, vector<16xf32>,
        %get3A_357 = arith.index_cast %while3A_337 : i32 to index
        %get3A_358 = arith.constant 48 : index
        %get3A_359 = tpu.vector_load %arg11[%get3A_357, %get3A_358] {strides = array<i32>} : memref<320x64xf32, #tpu.memory_space<vmem>>, vector<16xf32>,
        %while3A_360 = arith.constant 0 : i32
        %while3A_361 = arith.subi %min3A_347, %while3A_338 : i32
        %while3A_362 = arith.addi %while3A_338, %while3A_361 : i32
        %while3A_363 = arith.constant 1 : i32
        %while3A_364 = arith.divsi %while3A_361, %while3A_363 : i32
        %while3A_365 = arith.muli %while3A_364, %while3A_363 : i32
        %while3A_366 = arith.addi %while3A_338, %while3A_365 : i32
        %while3A_367 = arith.constant 1 : i32
        scf.for %while3A_373 = %while3A_338 to %while3A_366 step %while3A_367  : i32 {
          %sub3A = arith.subi %while3A_373, %mul3A_310 : i32
          %get3A_374 = arith.constant 1 : i32
          %get3A_375 = arith.index_cast %get3A_374 : i32 to index
          %get3A_376 = arith.index_cast %sub3A : i32 to index
          %get3A_377 = arith.constant 0 : index
          %get3A_378 = tpu.vector_load %arg12[%get3A_375, %get3A_376, %get3A_377] {strides = array<i32>} : memref<2x200x64xf32, #tpu.memory_space<vmem>>, vector<16xf32>,
          %add3A_379 = arith.addf %get3A_350, %get3A_378 : vector<16xf32>
          %swap3A = arith.constant 1 : i32
          %swap3A_380 = arith.index_cast %swap3A : i32 to index
          %swap3A_381 = arith.index_cast %sub3A : i32 to index
          %swap3A_382 = arith.constant 0 : index
          %swap3A_383 = tpu.vector_load %arg12[%swap3A_380, %swap3A_381, %swap3A_382] {strides = array<i32>} : memref<2x200x64xf32, #tpu.memory_space<vmem>>, vector<16xf32>,
          tpu.vector_store %arg12[%swap3A_380, %swap3A_381, %swap3A_382], %add3A_379 {strides = array<i32>} : memref<2x200x64xf32, #tpu.memory_space<vmem>>, vector<16xf32>,
          %get3A_384 = arith.constant 1 : i32
          %get3A_385 = arith.index_cast %get3A_384 : i32 to index
          %get3A_386 = arith.index_cast %sub3A : i32 to index
          %get3A_387 = arith.constant 16 : index
          %get3A_388 = tpu.vector_load %arg12[%get3A_385, %get3A_386, %get3A_387] {strides = array<i32>} : memref<2x200x64xf32, #tpu.memory_space<vmem>>, vector<16xf32>,
          %add3A_389 = arith.addf %get3A_353, %get3A_388 : vector<16xf32>
          %swap3A_390 = arith.constant 1 : i32
          %swap3A_391 = arith.index_cast %swap3A_390 : i32 to index
          %swap3A_392 = arith.index_cast %sub3A : i32 to index
          %swap3A_393 = arith.constant 16 : index
          %swap3A_394 = tpu.vector_load %arg12[%swap3A_391, %swap3A_392, %swap3A_393] {strides = array<i32>} : memref<2x200x64xf32, #tpu.memory_space<vmem>>, vector<16xf32>,
          tpu.vector_store %arg12[%swap3A_391, %swap3A_392, %swap3A_393], %add3A_389 {strides = array<i32>} : memref<2x200x64xf32, #tpu.memory_space<vmem>>, vector<16xf32>,
          %get3A_395 = arith.constant 1 : i32
          %get3A_396 = arith.index_cast %get3A_395 : i32 to index
          %get3A_397 = arith.index_cast %sub3A : i32 to index
          %get3A_398 = arith.constant 32 : index
          %get3A_399 = tpu.vector_load %arg12[%get3A_396, %get3A_397, %get3A_398] {strides = array<i32>} : memref<2x200x64xf32, #tpu.memory_space<vmem>>, vector<16xf32>,
          %add3A_400 = arith.addf %get3A_356, %get3A_399 : vector<16xf32>
          %swap3A_401 = arith.constant 1 : i32
          %swap3A_402 = arith.index_cast %swap3A_401 : i32 to index
          %swap3A_403 = arith.index_cast %sub3A : i32 to index
          %swap3A_404 = arith.constant 32 : index
          %swap3A_405 = tpu.vector_load %arg12[%swap3A_402, %swap3A_403, %swap3A_404] {strides = array<i32>} : memref<2x200x64xf32, #tpu.memory_space<vmem>>, vector<16xf32>,
          tpu.vector_store %arg12[%swap3A_402, %swap3A_403, %swap3A_404], %add3A_400 {strides = array<i32>} : memref<2x200x64xf32, #tpu.memory_space<vmem>>, vector<16xf32>,
          %get3A_406 = arith.constant 1 : i32
          %get3A_407 = arith.index_cast %get3A_406 : i32 to index
          %get3A_408 = arith.index_cast %sub3A : i32 to index
          %get3A_409 = arith.constant 48 : index
          %get3A_410 = tpu.vector_load %arg12[%get3A_407, %get3A_408, %get3A_409] {strides = array<i32>} : memref<2x200x64xf32, #tpu.memory_space<vmem>>, vector<16xf32>,
          %add3A_411 = arith.addf %get3A_359, %get3A_410 : vector<16xf32>
          %swap3A_412 = arith.constant 1 : i32
          %swap3A_413 = arith.index_cast %swap3A_412 : i32 to index
          %swap3A_414 = arith.index_cast %sub3A : i32 to index
          %swap3A_415 = arith.constant 48 : index
          %swap3A_416 = tpu.vector_load %arg12[%swap3A_413, %swap3A_414, %swap3A_415] {strides = array<i32>} : memref<2x200x64xf32, #tpu.memory_space<vmem>>, vector<16xf32>,
          tpu.vector_store %arg12[%swap3A_413, %swap3A_414, %swap3A_415], %add3A_411 {strides = array<i32>} : memref<2x200x64xf32, #tpu.memory_space<vmem>>, vector<16xf32>,
        }
        %while3A_368 = arith.constant 1 : i32
        scf.for %while3A_373 = %while3A_366 to %while3A_362 step %while3A_368  : i32 {
          %sub3A = arith.subi %while3A_373, %mul3A_310 : i32
          %get3A_374 = arith.constant 1 : i32
          %get3A_375 = arith.index_cast %get3A_374 : i32 to index
          %get3A_376 = arith.index_cast %sub3A : i32 to index
          %get3A_377 = arith.constant 0 : index
          %get3A_378 = tpu.vector_load %arg12[%get3A_375, %get3A_376, %get3A_377] {strides = array<i32>} : memref<2x200x64xf32, #tpu.memory_space<vmem>>, vector<16xf32>,
          %add3A_379 = arith.addf %get3A_350, %get3A_378 : vector<16xf32>
          %swap3A = arith.constant 1 : i32
          %swap3A_380 = arith.index_cast %swap3A : i32 to index
          %swap3A_381 = arith.index_cast %sub3A : i32 to index
          %swap3A_382 = arith.constant 0 : index
          %swap3A_383 = tpu.vector_load %arg12[%swap3A_380, %swap3A_381, %swap3A_382] {strides = array<i32>} : memref<2x200x64xf32, #tpu.memory_space<vmem>>, vector<16xf32>,
          tpu.vector_store %arg12[%swap3A_380, %swap3A_381, %swap3A_382], %add3A_379 {strides = array<i32>} : memref<2x200x64xf32, #tpu.memory_space<vmem>>, vector<16xf32>,
          %get3A_384 = arith.constant 1 : i32
          %get3A_385 = arith.index_cast %get3A_384 : i32 to index
          %get3A_386 = arith.index_cast %sub3A : i32 to index
          %get3A_387 = arith.constant 16 : index
          %get3A_388 = tpu.vector_load %arg12[%get3A_385, %get3A_386, %get3A_387] {strides = array<i32>} : memref<2x200x64xf32, #tpu.memory_space<vmem>>, vector<16xf32>,
          %add3A_389 = arith.addf %get3A_353, %get3A_388 : vector<16xf32>
          %swap3A_390 = arith.constant 1 : i32
          %swap3A_391 = arith.index_cast %swap3A_390 : i32 to index
          %swap3A_392 = arith.index_cast %sub3A : i32 to index
          %swap3A_393 = arith.constant 16 : index
          %swap3A_394 = tpu.vector_load %arg12[%swap3A_391, %swap3A_392, %swap3A_393] {strides = array<i32>} : memref<2x200x64xf32, #tpu.memory_space<vmem>>, vector<16xf32>,
          tpu.vector_store %arg12[%swap3A_391, %swap3A_392, %swap3A_393], %add3A_389 {strides = array<i32>} : memref<2x200x64xf32, #tpu.memory_space<vmem>>, vector<16xf32>,
          %get3A_395 = arith.constant 1 : i32
          %get3A_396 = arith.index_cast %get3A_395 : i32 to index
          %get3A_397 = arith.index_cast %sub3A : i32 to index
          %get3A_398 = arith.constant 32 : index
          %get3A_399 = tpu.vector_load %arg12[%get3A_396, %get3A_397, %get3A_398] {strides = array<i32>} : memref<2x200x64xf32, #tpu.memory_space<vmem>>, vector<16xf32>,
          %add3A_400 = arith.addf %get3A_356, %get3A_399 : vector<16xf32>
          %swap3A_401 = arith.constant 1 : i32
          %swap3A_402 = arith.index_cast %swap3A_401 : i32 to index
          %swap3A_403 = arith.index_cast %sub3A : i32 to index
          %swap3A_404 = arith.constant 32 : index
          %swap3A_405 = tpu.vector_load %arg12[%swap3A_402, %swap3A_403, %swap3A_404] {strides = array<i32>} : memref<2x200x64xf32, #tpu.memory_space<vmem>>, vector<16xf32>,
          tpu.vector_store %arg12[%swap3A_402, %swap3A_403, %swap3A_404], %add3A_400 {strides = array<i32>} : memref<2x200x64xf32, #tpu.memory_space<vmem>>, vector<16xf32>,
          %get3A_406 = arith.constant 1 : i32
          %get3A_407 = arith.index_cast %get3A_406 : i32 to index
          %get3A_408 = arith.index_cast %sub3A : i32 to index
          %get3A_409 = arith.constant 48 : index
          %get3A_410 = tpu.vector_load %arg12[%get3A_407, %get3A_408, %get3A_409] {strides = array<i32>} : memref<2x200x64xf32, #tpu.memory_space<vmem>>, vector<16xf32>,
          %add3A_411 = arith.addf %get3A_359, %get3A_410 : vector<16xf32>
          %swap3A_412 = arith.constant 1 : i32
          %swap3A_413 = arith.index_cast %swap3A_412 : i32 to index
          %swap3A_414 = arith.index_cast %sub3A : i32 to index
          %swap3A_415 = arith.constant 48 : index
          %swap3A_416 = tpu.vector_load %arg12[%swap3A_413, %swap3A_414, %swap3A_415] {strides = array<i32>} : memref<2x200x64xf32, #tpu.memory_space<vmem>>, vector<16xf32>,
          tpu.vector_store %arg12[%swap3A_413, %swap3A_414, %swap3A_415], %add3A_411 {strides = array<i32>} : memref<2x200x64xf32, #tpu.memory_space<vmem>>, vector<16xf32>,
        }
        %eq3A = arith.cmpi eq, %min3A_347, %squeeze3A_346 : i32
        %add3A_369 = arith.constant 1 : i32
        %add3A_370 = arith.addi %while3A_337, %add3A_369 : i32
        %min3A_371 = arith.constant 318 : i32
        %min3A_372 = arith.minsi %add3A_370, %min3A_371 : i32
        %select_n3A = arith.select %eq3A, %min3A_372, %while3A_337 : i32
        scf.yield %select_n3A, %min3A_347 : i32, i32
      }
      %mul3A_318 = arith.constant 200 : i32
      %mul3A_319 = arith.muli %add3A_229, %mul3A_318 : i32
      %add3A_320 = arith.addi %mul3A_4, %mul3A_319 : i32
      %dma_start3A_321 = arith.constant 1 : i32
      %dma_start3A_322 = arith.constant 1 : i32
      %dma_start3A_323 = arith.constant 0 : i32
      %dma_start3A_324 = arith.constant 0 : i32
      %dma_start3A_325 = tpu.memref_slice %arg12[%dma_start3A_321, %dma_start3A_323, %dma_start3A_324] : memref<2x200x64xf32, #tpu.memory_space<vmem>> -> memref<1x200x64xf32, #tpu.memory_space<vmem>>
      %dma_start3A_326 = tpu.memref_squeeze %dma_start3A_325 : memref<1x200x64xf32, #tpu.memory_space<vmem>> -> memref<200x64xf32, #tpu.memory_space<vmem>>
      %dma_start3A_327 = arith.constant 0 : i32
      %dma_start3A_328 = tpu.memref_slice %arg7[%add3A_320, %dma_start3A_327] : memref<358400x64xf32, #tpu.memory_space<hbm>> -> memref<200x64xf32, #tpu.memory_space<hbm>>
      %dma_start3A_329 = tpu.memref_slice %arg14[%dma_start3A_322] : memref<2x!tpu.dma_semaphore, #tpu.memory_space<semaphore_mem>> -> memref<1x!tpu.dma_semaphore, #tpu.memory_space<semaphore_mem>>
      %dma_start3A_330 = tpu.memref_squeeze %dma_start3A_329 : memref<1x!tpu.dma_semaphore, #tpu.memory_space<semaphore_mem>> -> memref<!tpu.dma_semaphore, #tpu.memory_space<semaphore_mem>>
      %dma_start3A_331 = arith.constant 0 : i32
      %dma_start3A_332 = tpu.memref_slice %arg7[%add3A_320, %dma_start3A_331] : memref<358400x64xf32, #tpu.memory_space<hbm>> -> memref<200x64xf32, #tpu.memory_space<hbm>>
      %dma_start3A_333 = arith.constant 0 : i32
      %dma_start3A_334 = arith.constant 0 : i32
      %dma_start3A_335 = tpu.memref_slice %arg12[%dma_start3A_321, %dma_start3A_333, %dma_start3A_334] : memref<2x200x64xf32, #tpu.memory_space<vmem>> -> memref<1x200x64xf32, #tpu.memory_space<vmem>>
      %dma_start3A_336 = tpu.memref_squeeze %dma_start3A_335 : memref<1x200x64xf32, #tpu.memory_space<vmem>> -> memref<200x64xf32, #tpu.memory_space<vmem>>
      tpu.enqueue_dma source(%dma_start3A_336 : memref<200x64xf32, #tpu.memory_space<vmem>>) target(%dma_start3A_332 : memref<200x64xf32, #tpu.memory_space<hbm>>) target_semaphore(%dma_start3A_330 : memref<!tpu.dma_semaphore, #tpu.memory_space<semaphore_mem>>)
      scf.yield %while3A_317#0, %while3A_317#1 : i32, i32
    }
    %scan3A_82 = arith.constant 28 : i32
    %add3A_83 = arith.constant 10800 : i32
    %add3A_84 = arith.addi %mul3A_4, %add3A_83 : i32
    %dma_wait3A = arith.constant 0 : i32
    %dma_wait3A_85 = arith.constant 0 : i32
    %dma_wait3A_86 = arith.constant 0 : i32
    %dma_wait3A_87 = arith.constant 0 : i32
    %dma_wait3A_88 = tpu.memref_slice %arg12[%dma_wait3A, %dma_wait3A_86, %dma_wait3A_87] : memref<2x200x64xf32, #tpu.memory_space<vmem>> -> memref<1x200x64xf32, #tpu.memory_space<vmem>>
    %dma_wait3A_89 = tpu.memref_squeeze %dma_wait3A_88 : memref<1x200x64xf32, #tpu.memory_space<vmem>> -> memref<200x64xf32, #tpu.memory_space<vmem>>
    %dma_wait3A_90 = arith.constant 0 : i32
    %dma_wait3A_91 = tpu.memref_slice %arg7[%add3A_84, %dma_wait3A_90] : memref<358400x64xf32, #tpu.memory_space<hbm>> -> memref<200x64xf32, #tpu.memory_space<hbm>>
    %dma_wait3A_92 = tpu.memref_slice %arg14[%dma_wait3A_85] : memref<2x!tpu.dma_semaphore, #tpu.memory_space<semaphore_mem>> -> memref<1x!tpu.dma_semaphore, #tpu.memory_space<semaphore_mem>>
    %dma_wait3A_93 = tpu.memref_squeeze %dma_wait3A_92 : memref<1x!tpu.dma_semaphore, #tpu.memory_space<semaphore_mem>> -> memref<!tpu.dma_semaphore, #tpu.memory_space<semaphore_mem>>
    %dma_wait3A_94 = arith.constant 0 : i32
    %dma_wait3A_95 = tpu.memref_slice %arg7[%add3A_84, %dma_wait3A_94] : memref<358400x64xf32, #tpu.memory_space<hbm>> -> memref<200x64xf32, #tpu.memory_space<hbm>>
    %dma_wait3A_96 = arith.constant 0 : i32
    %dma_wait3A_97 = arith.constant 0 : i32
    %dma_wait3A_98 = tpu.memref_slice %arg12[%dma_wait3A, %dma_wait3A_96, %dma_wait3A_97] : memref<2x200x64xf32, #tpu.memory_space<vmem>> -> memref<1x200x64xf32, #tpu.memory_space<vmem>>
    %dma_wait3A_99 = tpu.memref_squeeze %dma_wait3A_98 : memref<1x200x64xf32, #tpu.memory_space<vmem>> -> memref<200x64xf32, #tpu.memory_space<vmem>>
    tpu.wait_dma2 semaphore(%dma_wait3A_93 : memref<!tpu.dma_semaphore, #tpu.memory_space<semaphore_mem>>) src(%dma_wait3A_99 : memref<200x64xf32, #tpu.memory_space<vmem>>) dst(%dma_wait3A_95 : memref<200x64xf32, #tpu.memory_space<hbm>>)
    %add3A_100 = arith.constant 11000 : i32
    %add3A_101 = arith.addi %mul3A_4, %add3A_100 : i32
    %dma_wait3A_102 = arith.constant 1 : i32
    %dma_wait3A_103 = arith.constant 1 : i32
    %dma_wait3A_104 = arith.constant 0 : i32
    %dma_wait3A_105 = arith.constant 0 : i32
    %dma_wait3A_106 = tpu.memref_slice %arg12[%dma_wait3A_102, %dma_wait3A_104, %dma_wait3A_105] : memref<2x200x64xf32, #tpu.memory_space<vmem>> -> memref<1x200x64xf32, #tpu.memory_space<vmem>>
    %dma_wait3A_107 = tpu.memref_squeeze %dma_wait3A_106 : memref<1x200x64xf32, #tpu.memory_space<vmem>> -> memref<200x64xf32, #tpu.memory_space<vmem>>
    %dma_wait3A_108 = arith.constant 0 : i32
    %dma_wait3A_109 = tpu.memref_slice %arg7[%add3A_101, %dma_wait3A_108] : memref<358400x64xf32, #tpu.memory_space<hbm>> -> memref<200x64xf32, #tpu.memory_space<hbm>>
    %dma_wait3A_110 = tpu.memref_slice %arg14[%dma_wait3A_103] : memref<2x!tpu.dma_semaphore, #tpu.memory_space<semaphore_mem>> -> memref<1x!tpu.dma_semaphore, #tpu.memory_space<semaphore_mem>>
    %dma_wait3A_111 = tpu.memref_squeeze %dma_wait3A_110 : memref<1x!tpu.dma_semaphore, #tpu.memory_space<semaphore_mem>> -> memref<!tpu.dma_semaphore, #tpu.memory_space<semaphore_mem>>
    %dma_wait3A_112 = arith.constant 0 : i32
    %dma_wait3A_113 = tpu.memref_slice %arg7[%add3A_101, %dma_wait3A_112] : memref<358400x64xf32, #tpu.memory_space<hbm>> -> memref<200x64xf32, #tpu.memory_space<hbm>>
    %dma_wait3A_114 = arith.constant 0 : i32
    %dma_wait3A_115 = arith.constant 0 : i32
    %dma_wait3A_116 = tpu.memref_slice %arg12[%dma_wait3A_102, %dma_wait3A_114, %dma_wait3A_115] : memref<2x200x64xf32, #tpu.memory_space<vmem>> -> memref<1x200x64xf32, #tpu.memory_space<vmem>>
    %dma_wait3A_117 = tpu.memref_squeeze %dma_wait3A_116 : memref<1x200x64xf32, #tpu.memory_space<vmem>> -> memref<200x64xf32, #tpu.memory_space<vmem>>
    tpu.wait_dma2 semaphore(%dma_wait3A_111 : memref<!tpu.dma_semaphore, #tpu.memory_space<semaphore_mem>>) src(%dma_wait3A_117 : memref<200x64xf32, #tpu.memory_space<vmem>>) dst(%dma_wait3A_113 : memref<200x64xf32, #tpu.memory_space<hbm>>)
    return
  }
}

#map = affine_map<(d0, d1) -> (0, 0)>
module attributes {stable_mosaic.version = 14 : i64} {
  func.func @body(%arg0: i32, %arg1: i32, %arg2: memref<32x320xi32, #tpu.memory_space<hbm>>, %arg3: memref<358400x64xf32, #tpu.memory_space<hbm>>, %arg4: memref<10000x64xf32, #tpu.memory_space<hbm>>, %arg5: memref<320xi32, #tpu.memory_space<vmem>>, %arg6: memref<5120xi32, #tpu.memory_space<vmem>>, %arg7: memref<2x400x64xf32, #tpu.memory_space<vmem>>, %arg8: memref<320x64xf32, #tpu.memory_space<vmem>>, %arg9: memref<2x!tpu.dma_semaphore, #tpu.memory_space<semaphore_mem>>) attributes {dimension_semantics = [#tpu.dimension_semantics<core_parallel>, #tpu.dimension_semantics<subcore_parallel>], iteration_bounds = array<i64: 2, 16>, scalar_prefetch = 0 : i64, scratch_operands = 5 : i64, tpu.core_type = #tpu.core_type<sc_vector_subcore>, window_params = [{transform_indices = #map}, {transform_indices = #map}, {transform_indices = #map}]} {
    %mul3A = arith.constant 2 : i32
    %mul3A_0 = arith.muli %arg1, %mul3A : i32
    %add3A = arith.addi %mul3A_0, %arg0 : i32
    %mul3A_1 = arith.constant 313 : i32
    %mul3A_2 = arith.muli %add3A, %mul3A_1 : i32
    %broadcast_in_dim3A = arith.constant 0xFF800000 : f32
    %broadcast_in_dim3A_3 = vector.broadcast %broadcast_in_dim3A : f32 to vector<16xf32>
    %scan3A = arith.constant 0 : i32
    %scan3A_4 = arith.constant 0 : i32
    %scan3A_5 = arith.constant 320 : i32
    %scan3A_6 = arith.addi %scan3A_4, %scan3A_5 : i32
    %scan3A_7 = arith.constant 1 : i32
    scf.for %scan3A_56 = %scan3A_4 to %scan3A_6 step %scan3A_7  : i32 {
      %swap3A = arith.index_cast %scan3A_56 : i32 to index
      %swap3A_57 = arith.constant 0 : index
      %swap3A_58 = tpu.vector_load %arg8[%swap3A, %swap3A_57] {strides = array<i32>} : memref<320x64xf32, #tpu.memory_space<vmem>>, vector<16xf32>,
      tpu.vector_store %arg8[%swap3A, %swap3A_57], %broadcast_in_dim3A_3 {strides = array<i32>} : memref<320x64xf32, #tpu.memory_space<vmem>>, vector<16xf32>,
      %swap3A_59 = arith.index_cast %scan3A_56 : i32 to index
      %swap3A_60 = arith.constant 16 : index
      %swap3A_61 = tpu.vector_load %arg8[%swap3A_59, %swap3A_60] {strides = array<i32>} : memref<320x64xf32, #tpu.memory_space<vmem>>, vector<16xf32>,
      tpu.vector_store %arg8[%swap3A_59, %swap3A_60], %broadcast_in_dim3A_3 {strides = array<i32>} : memref<320x64xf32, #tpu.memory_space<vmem>>, vector<16xf32>,
      %swap3A_62 = arith.index_cast %scan3A_56 : i32 to index
      %swap3A_63 = arith.constant 32 : index
      %swap3A_64 = tpu.vector_load %arg8[%swap3A_62, %swap3A_63] {strides = array<i32>} : memref<320x64xf32, #tpu.memory_space<vmem>>, vector<16xf32>,
      tpu.vector_store %arg8[%swap3A_62, %swap3A_63], %broadcast_in_dim3A_3 {strides = array<i32>} : memref<320x64xf32, #tpu.memory_space<vmem>>, vector<16xf32>,
      %swap3A_65 = arith.index_cast %scan3A_56 : i32 to index
      %swap3A_66 = arith.constant 48 : index
      %swap3A_67 = tpu.vector_load %arg8[%swap3A_65, %swap3A_66] {strides = array<i32>} : memref<320x64xf32, #tpu.memory_space<vmem>>, vector<16xf32>,
      tpu.vector_store %arg8[%swap3A_65, %swap3A_66], %broadcast_in_dim3A_3 {strides = array<i32>} : memref<320x64xf32, #tpu.memory_space<vmem>>, vector<16xf32>,
    }
    %scan3A_8 = arith.constant 320 : i32
    "tpu.region"() ({
      %run_scoped3A = tpu.sem_alloc : memref<!tpu.dma_semaphore, #tpu.memory_space<semaphore_mem>>
      %dma_start3A_56 = arith.constant 0 : i32
      %dma_start3A_57 = tpu.memref_slice %arg2[%add3A, %dma_start3A_56] : memref<32x320xi32, #tpu.memory_space<hbm>> -> memref<1x320xi32, #tpu.memory_space<hbm>>
      %dma_start3A_58 = tpu.memref_squeeze %dma_start3A_57 : memref<1x320xi32, #tpu.memory_space<hbm>> -> memref<320xi32, #tpu.memory_space<hbm>>
      %dma_start3A_59 = arith.constant 0 : i32
      %dma_start3A_60 = tpu.memref_slice %arg2[%add3A, %dma_start3A_59] : memref<32x320xi32, #tpu.memory_space<hbm>> -> memref<1x320xi32, #tpu.memory_space<hbm>>
      %dma_start3A_61 = tpu.memref_squeeze %dma_start3A_60 : memref<1x320xi32, #tpu.memory_space<hbm>> -> memref<320xi32, #tpu.memory_space<hbm>>
      tpu.enqueue_dma source(%dma_start3A_61 : memref<320xi32, #tpu.memory_space<hbm>>) target(%arg5 : memref<320xi32, #tpu.memory_space<vmem>>) target_semaphore(%run_scoped3A : memref<!tpu.dma_semaphore, #tpu.memory_space<semaphore_mem>>)
      %dma_wait3A = arith.constant 0 : i32
      %dma_wait3A_62 = tpu.memref_slice %arg2[%add3A, %dma_wait3A] : memref<32x320xi32, #tpu.memory_space<hbm>> -> memref<1x320xi32, #tpu.memory_space<hbm>>
      %dma_wait3A_63 = tpu.memref_squeeze %dma_wait3A_62 : memref<1x320xi32, #tpu.memory_space<hbm>> -> memref<320xi32, #tpu.memory_space<hbm>>
      %dma_wait3A_64 = arith.constant 0 : i32
      %dma_wait3A_65 = tpu.memref_slice %arg2[%add3A, %dma_wait3A_64] : memref<32x320xi32, #tpu.memory_space<hbm>> -> memref<1x320xi32, #tpu.memory_space<hbm>>
      %dma_wait3A_66 = tpu.memref_squeeze %dma_wait3A_65 : memref<1x320xi32, #tpu.memory_space<hbm>> -> memref<320xi32, #tpu.memory_space<hbm>>
      tpu.wait_dma2 semaphore(%run_scoped3A : memref<!tpu.dma_semaphore, #tpu.memory_space<semaphore_mem>>) src(%dma_wait3A_66 : memref<320xi32, #tpu.memory_space<hbm>>) dst(%arg5 : memref<320xi32, #tpu.memory_space<vmem>>)
      tpu.yield
    }) : () -> ()
    %scan3A_9 = arith.constant 0 : i32
    %scan3A_10 = arith.constant 0 : i32
    %scan3A_11 = arith.constant 20 : i32
    %scan3A_12 = arith.addi %scan3A_10, %scan3A_11 : i32
    %scan3A_13 = arith.constant 1 : i32
    scf.for %scan3A_56 = %scan3A_10 to %scan3A_12 step %scan3A_13  : i32 {
      %mul3A_57 = arith.constant 16 : i32
      %mul3A_58 = arith.muli %scan3A_56, %mul3A_57 : i32
      %get3A_59 = arith.index_cast %mul3A_58 : i32 to index
      %get3A_60 = tpu.vector_load %arg5[%get3A_59] {strides = array<i32>} : memref<320xi32, #tpu.memory_space<vmem>>, vector<16xi32>,
      %slice3A_61 = vector.extract_strided_slice %get3A_60 {offsets = [0], sizes = [1], strides = [1]} : vector<16xi32> to vector<1xi32>
      %squeeze3A_62 = vector.extract %slice3A_61[0] : i32 from vector<1xi32>
      %broadcast_in_dim3A_63 = vector.broadcast %squeeze3A_62 : i32 to vector<16xi32>
      %mul3A_64 = arith.constant 256 : i32
      %mul3A_65 = arith.muli %scan3A_56, %mul3A_64 : i32
      %add3A_66 = arith.constant 0 : i32
      %add3A_67 = arith.addi %mul3A_65, %add3A_66 : i32
      %swap3A = arith.index_cast %add3A_67 : i32 to index
      %swap3A_68 = tpu.vector_load %arg6[%swap3A] {strides = array<i32>} : memref<5120xi32, #tpu.memory_space<vmem>>, vector<16xi32>,
      tpu.vector_store %arg6[%swap3A], %broadcast_in_dim3A_63 {strides = array<i32>} : memref<5120xi32, #tpu.memory_space<vmem>>, vector<16xi32>,
      %slice3A_69 = vector.extract_strided_slice %get3A_60 {offsets = [1], sizes = [1], strides = [1]} : vector<16xi32> to vector<1xi32>
      %squeeze3A_70 = vector.extract %slice3A_69[0] : i32 from vector<1xi32>
      %broadcast_in_dim3A_71 = vector.broadcast %squeeze3A_70 : i32 to vector<16xi32>
      %mul3A_72 = arith.constant 256 : i32
      %mul3A_73 = arith.muli %scan3A_56, %mul3A_72 : i32
      %add3A_74 = arith.constant 16 : i32
      %add3A_75 = arith.addi %mul3A_73, %add3A_74 : i32
      %swap3A_76 = arith.index_cast %add3A_75 : i32 to index
      %swap3A_77 = tpu.vector_load %arg6[%swap3A_76] {strides = array<i32>} : memref<5120xi32, #tpu.memory_space<vmem>>, vector<16xi32>,
      tpu.vector_store %arg6[%swap3A_76], %broadcast_in_dim3A_71 {strides = array<i32>} : memref<5120xi32, #tpu.memory_space<vmem>>, vector<16xi32>,
      %slice3A_78 = vector.extract_strided_slice %get3A_60 {offsets = [2], sizes = [1], strides = [1]} : vector<16xi32> to vector<1xi32>
      %squeeze3A_79 = vector.extract %slice3A_78[0] : i32 from vector<1xi32>
      %broadcast_in_dim3A_80 = vector.broadcast %squeeze3A_79 : i32 to vector<16xi32>
      %mul3A_81 = arith.constant 256 : i32
      %mul3A_82 = arith.muli %scan3A_56, %mul3A_81 : i32
      %add3A_83 = arith.constant 32 : i32
      %add3A_84 = arith.addi %mul3A_82, %add3A_83 : i32
      %swap3A_85 = arith.index_cast %add3A_84 : i32 to index
      %swap3A_86 = tpu.vector_load %arg6[%swap3A_85] {strides = array<i32>} : memref<5120xi32, #tpu.memory_space<vmem>>, vector<16xi32>,
      tpu.vector_store %arg6[%swap3A_85], %broadcast_in_dim3A_80 {strides = array<i32>} : memref<5120xi32, #tpu.memory_space<vmem>>, vector<16xi32>,
      %slice3A_87 = vector.extract_strided_slice %get3A_60 {offsets = [3], sizes = [1], strides = [1]} : vector<16xi32> to vector<1xi32>
      %squeeze3A_88 = vector.extract %slice3A_87[0] : i32 from vector<1xi32>
      %broadcast_in_dim3A_89 = vector.broadcast %squeeze3A_88 : i32 to vector<16xi32>
      %mul3A_90 = arith.constant 256 : i32
      %mul3A_91 = arith.muli %scan3A_56, %mul3A_90 : i32
      %add3A_92 = arith.constant 48 : i32
      %add3A_93 = arith.addi %mul3A_91, %add3A_92 : i32
      %swap3A_94 = arith.index_cast %add3A_93 : i32 to index
      %swap3A_95 = tpu.vector_load %arg6[%swap3A_94] {strides = array<i32>} : memref<5120xi32, #tpu.memory_space<vmem>>, vector<16xi32>,
      tpu.vector_store %arg6[%swap3A_94], %broadcast_in_dim3A_89 {strides = array<i32>} : memref<5120xi32, #tpu.memory_space<vmem>>, vector<16xi32>,
      %slice3A_96 = vector.extract_strided_slice %get3A_60 {offsets = [4], sizes = [1], strides = [1]} : vector<16xi32> to vector<1xi32>
      %squeeze3A_97 = vector.extract %slice3A_96[0] : i32 from vector<1xi32>
      %broadcast_in_dim3A_98 = vector.broadcast %squeeze3A_97 : i32 to vector<16xi32>
      %mul3A_99 = arith.constant 256 : i32
      %mul3A_100 = arith.muli %scan3A_56, %mul3A_99 : i32
      %add3A_101 = arith.constant 64 : i32
      %add3A_102 = arith.addi %mul3A_100, %add3A_101 : i32
      %swap3A_103 = arith.index_cast %add3A_102 : i32 to index
      %swap3A_104 = tpu.vector_load %arg6[%swap3A_103] {strides = array<i32>} : memref<5120xi32, #tpu.memory_space<vmem>>, vector<16xi32>,
      tpu.vector_store %arg6[%swap3A_103], %broadcast_in_dim3A_98 {strides = array<i32>} : memref<5120xi32, #tpu.memory_space<vmem>>, vector<16xi32>,
      %slice3A_105 = vector.extract_strided_slice %get3A_60 {offsets = [5], sizes = [1], strides = [1]} : vector<16xi32> to vector<1xi32>
      %squeeze3A_106 = vector.extract %slice3A_105[0] : i32 from vector<1xi32>
      %broadcast_in_dim3A_107 = vector.broadcast %squeeze3A_106 : i32 to vector<16xi32>
      %mul3A_108 = arith.constant 256 : i32
      %mul3A_109 = arith.muli %scan3A_56, %mul3A_108 : i32
      %add3A_110 = arith.constant 80 : i32
      %add3A_111 = arith.addi %mul3A_109, %add3A_110 : i32
      %swap3A_112 = arith.index_cast %add3A_111 : i32 to index
      %swap3A_113 = tpu.vector_load %arg6[%swap3A_112] {strides = array<i32>} : memref<5120xi32, #tpu.memory_space<vmem>>, vector<16xi32>,
      tpu.vector_store %arg6[%swap3A_112], %broadcast_in_dim3A_107 {strides = array<i32>} : memref<5120xi32, #tpu.memory_space<vmem>>, vector<16xi32>,
      %slice3A_114 = vector.extract_strided_slice %get3A_60 {offsets = [6], sizes = [1], strides = [1]} : vector<16xi32> to vector<1xi32>
      %squeeze3A_115 = vector.extract %slice3A_114[0] : i32 from vector<1xi32>
      %broadcast_in_dim3A_116 = vector.broadcast %squeeze3A_115 : i32 to vector<16xi32>
      %mul3A_117 = arith.constant 256 : i32
      %mul3A_118 = arith.muli %scan3A_56, %mul3A_117 : i32
      %add3A_119 = arith.constant 96 : i32
      %add3A_120 = arith.addi %mul3A_118, %add3A_119 : i32
      %swap3A_121 = arith.index_cast %add3A_120 : i32 to index
      %swap3A_122 = tpu.vector_load %arg6[%swap3A_121] {strides = array<i32>} : memref<5120xi32, #tpu.memory_space<vmem>>, vector<16xi32>,
      tpu.vector_store %arg6[%swap3A_121], %broadcast_in_dim3A_116 {strides = array<i32>} : memref<5120xi32, #tpu.memory_space<vmem>>, vector<16xi32>,
      %slice3A_123 = vector.extract_strided_slice %get3A_60 {offsets = [7], sizes = [1], strides = [1]} : vector<16xi32> to vector<1xi32>
      %squeeze3A_124 = vector.extract %slice3A_123[0] : i32 from vector<1xi32>
      %broadcast_in_dim3A_125 = vector.broadcast %squeeze3A_124 : i32 to vector<16xi32>
      %mul3A_126 = arith.constant 256 : i32
      %mul3A_127 = arith.muli %scan3A_56, %mul3A_126 : i32
      %add3A_128 = arith.constant 112 : i32
      %add3A_129 = arith.addi %mul3A_127, %add3A_128 : i32
      %swap3A_130 = arith.index_cast %add3A_129 : i32 to index
      %swap3A_131 = tpu.vector_load %arg6[%swap3A_130] {strides = array<i32>} : memref<5120xi32, #tpu.memory_space<vmem>>, vector<16xi32>,
      tpu.vector_store %arg6[%swap3A_130], %broadcast_in_dim3A_125 {strides = array<i32>} : memref<5120xi32, #tpu.memory_space<vmem>>, vector<16xi32>,
      %slice3A_132 = vector.extract_strided_slice %get3A_60 {offsets = [8], sizes = [1], strides = [1]} : vector<16xi32> to vector<1xi32>
      %squeeze3A_133 = vector.extract %slice3A_132[0] : i32 from vector<1xi32>
      %broadcast_in_dim3A_134 = vector.broadcast %squeeze3A_133 : i32 to vector<16xi32>
      %mul3A_135 = arith.constant 256 : i32
      %mul3A_136 = arith.muli %scan3A_56, %mul3A_135 : i32
      %add3A_137 = arith.constant 128 : i32
      %add3A_138 = arith.addi %mul3A_136, %add3A_137 : i32
      %swap3A_139 = arith.index_cast %add3A_138 : i32 to index
      %swap3A_140 = tpu.vector_load %arg6[%swap3A_139] {strides = array<i32>} : memref<5120xi32, #tpu.memory_space<vmem>>, vector<16xi32>,
      tpu.vector_store %arg6[%swap3A_139], %broadcast_in_dim3A_134 {strides = array<i32>} : memref<5120xi32, #tpu.memory_space<vmem>>, vector<16xi32>,
      %slice3A_141 = vector.extract_strided_slice %get3A_60 {offsets = [9], sizes = [1], strides = [1]} : vector<16xi32> to vector<1xi32>
      %squeeze3A_142 = vector.extract %slice3A_141[0] : i32 from vector<1xi32>
      %broadcast_in_dim3A_143 = vector.broadcast %squeeze3A_142 : i32 to vector<16xi32>
      %mul3A_144 = arith.constant 256 : i32
      %mul3A_145 = arith.muli %scan3A_56, %mul3A_144 : i32
      %add3A_146 = arith.constant 144 : i32
      %add3A_147 = arith.addi %mul3A_145, %add3A_146 : i32
      %swap3A_148 = arith.index_cast %add3A_147 : i32 to index
      %swap3A_149 = tpu.vector_load %arg6[%swap3A_148] {strides = array<i32>} : memref<5120xi32, #tpu.memory_space<vmem>>, vector<16xi32>,
      tpu.vector_store %arg6[%swap3A_148], %broadcast_in_dim3A_143 {strides = array<i32>} : memref<5120xi32, #tpu.memory_space<vmem>>, vector<16xi32>,
      %slice3A_150 = vector.extract_strided_slice %get3A_60 {offsets = [10], sizes = [1], strides = [1]} : vector<16xi32> to vector<1xi32>
      %squeeze3A_151 = vector.extract %slice3A_150[0] : i32 from vector<1xi32>
      %broadcast_in_dim3A_152 = vector.broadcast %squeeze3A_151 : i32 to vector<16xi32>
      %mul3A_153 = arith.constant 256 : i32
      %mul3A_154 = arith.muli %scan3A_56, %mul3A_153 : i32
      %add3A_155 = arith.constant 160 : i32
      %add3A_156 = arith.addi %mul3A_154, %add3A_155 : i32
      %swap3A_157 = arith.index_cast %add3A_156 : i32 to index
      %swap3A_158 = tpu.vector_load %arg6[%swap3A_157] {strides = array<i32>} : memref<5120xi32, #tpu.memory_space<vmem>>, vector<16xi32>,
      tpu.vector_store %arg6[%swap3A_157], %broadcast_in_dim3A_152 {strides = array<i32>} : memref<5120xi32, #tpu.memory_space<vmem>>, vector<16xi32>,
      %slice3A_159 = vector.extract_strided_slice %get3A_60 {offsets = [11], sizes = [1], strides = [1]} : vector<16xi32> to vector<1xi32>
      %squeeze3A_160 = vector.extract %slice3A_159[0] : i32 from vector<1xi32>
      %broadcast_in_dim3A_161 = vector.broadcast %squeeze3A_160 : i32 to vector<16xi32>
      %mul3A_162 = arith.constant 256 : i32
      %mul3A_163 = arith.muli %scan3A_56, %mul3A_162 : i32
      %add3A_164 = arith.constant 176 : i32
      %add3A_165 = arith.addi %mul3A_163, %add3A_164 : i32
      %swap3A_166 = arith.index_cast %add3A_165 : i32 to index
      %swap3A_167 = tpu.vector_load %arg6[%swap3A_166] {strides = array<i32>} : memref<5120xi32, #tpu.memory_space<vmem>>, vector<16xi32>,
      tpu.vector_store %arg6[%swap3A_166], %broadcast_in_dim3A_161 {strides = array<i32>} : memref<5120xi32, #tpu.memory_space<vmem>>, vector<16xi32>,
      %slice3A_168 = vector.extract_strided_slice %get3A_60 {offsets = [12], sizes = [1], strides = [1]} : vector<16xi32> to vector<1xi32>
      %squeeze3A_169 = vector.extract %slice3A_168[0] : i32 from vector<1xi32>
      %broadcast_in_dim3A_170 = vector.broadcast %squeeze3A_169 : i32 to vector<16xi32>
      %mul3A_171 = arith.constant 256 : i32
      %mul3A_172 = arith.muli %scan3A_56, %mul3A_171 : i32
      %add3A_173 = arith.constant 192 : i32
      %add3A_174 = arith.addi %mul3A_172, %add3A_173 : i32
      %swap3A_175 = arith.index_cast %add3A_174 : i32 to index
      %swap3A_176 = tpu.vector_load %arg6[%swap3A_175] {strides = array<i32>} : memref<5120xi32, #tpu.memory_space<vmem>>, vector<16xi32>,
      tpu.vector_store %arg6[%swap3A_175], %broadcast_in_dim3A_170 {strides = array<i32>} : memref<5120xi32, #tpu.memory_space<vmem>>, vector<16xi32>,
      %slice3A_177 = vector.extract_strided_slice %get3A_60 {offsets = [13], sizes = [1], strides = [1]} : vector<16xi32> to vector<1xi32>
      %squeeze3A_178 = vector.extract %slice3A_177[0] : i32 from vector<1xi32>
      %broadcast_in_dim3A_179 = vector.broadcast %squeeze3A_178 : i32 to vector<16xi32>
      %mul3A_180 = arith.constant 256 : i32
      %mul3A_181 = arith.muli %scan3A_56, %mul3A_180 : i32
      %add3A_182 = arith.constant 208 : i32
      %add3A_183 = arith.addi %mul3A_181, %add3A_182 : i32
      %swap3A_184 = arith.index_cast %add3A_183 : i32 to index
      %swap3A_185 = tpu.vector_load %arg6[%swap3A_184] {strides = array<i32>} : memref<5120xi32, #tpu.memory_space<vmem>>, vector<16xi32>,
      tpu.vector_store %arg6[%swap3A_184], %broadcast_in_dim3A_179 {strides = array<i32>} : memref<5120xi32, #tpu.memory_space<vmem>>, vector<16xi32>,
      %slice3A_186 = vector.extract_strided_slice %get3A_60 {offsets = [14], sizes = [1], strides = [1]} : vector<16xi32> to vector<1xi32>
      %squeeze3A_187 = vector.extract %slice3A_186[0] : i32 from vector<1xi32>
      %broadcast_in_dim3A_188 = vector.broadcast %squeeze3A_187 : i32 to vector<16xi32>
      %mul3A_189 = arith.constant 256 : i32
      %mul3A_190 = arith.muli %scan3A_56, %mul3A_189 : i32
      %add3A_191 = arith.constant 224 : i32
      %add3A_192 = arith.addi %mul3A_190, %add3A_191 : i32
      %swap3A_193 = arith.index_cast %add3A_192 : i32 to index
      %swap3A_194 = tpu.vector_load %arg6[%swap3A_193] {strides = array<i32>} : memref<5120xi32, #tpu.memory_space<vmem>>, vector<16xi32>,
      tpu.vector_store %arg6[%swap3A_193], %broadcast_in_dim3A_188 {strides = array<i32>} : memref<5120xi32, #tpu.memory_space<vmem>>, vector<16xi32>,
      %slice3A_195 = vector.extract_strided_slice %get3A_60 {offsets = [15], sizes = [1], strides = [1]} : vector<16xi32> to vector<1xi32>
      %squeeze3A_196 = vector.extract %slice3A_195[0] : i32 from vector<1xi32>
      %broadcast_in_dim3A_197 = vector.broadcast %squeeze3A_196 : i32 to vector<16xi32>
      %mul3A_198 = arith.constant 256 : i32
      %mul3A_199 = arith.muli %scan3A_56, %mul3A_198 : i32
      %add3A_200 = arith.constant 240 : i32
      %add3A_201 = arith.addi %mul3A_199, %add3A_200 : i32
      %swap3A_202 = arith.index_cast %add3A_201 : i32 to index
      %swap3A_203 = tpu.vector_load %arg6[%swap3A_202] {strides = array<i32>} : memref<5120xi32, #tpu.memory_space<vmem>>, vector<16xi32>,
      tpu.vector_store %arg6[%swap3A_202], %broadcast_in_dim3A_197 {strides = array<i32>} : memref<5120xi32, #tpu.memory_space<vmem>>, vector<16xi32>,
    }
    %scan3A_14 = arith.constant 20 : i32
    %get3A = arith.constant 5008 : index
    %get3A_15 = tpu.vector_load %arg6[%get3A] {strides = array<i32>} : memref<5120xi32, #tpu.memory_space<vmem>>, vector<16xi32>,
    %slice3A = vector.extract_strided_slice %get3A_15 {offsets = [0], sizes = [1], strides = [1]} : vector<16xi32> to vector<1xi32>
    %squeeze3A = vector.extract %slice3A[0] : i32 from vector<1xi32>
    %mul3A_16 = arith.constant 11200 : i32
    %mul3A_17 = arith.muli %add3A, %mul3A_16 : i32
    %add3A_18 = arith.constant 0 : i32
    %add3A_19 = arith.addi %mul3A_17, %add3A_18 : i32
    %dma_start3A = arith.constant 0 : i32
    %dma_start3A_20 = arith.constant 0 : i32
    %dma_start3A_21 = arith.constant 0 : i32
    %dma_start3A_22 = arith.constant 0 : i32
    %dma_start3A_23 = tpu.memref_slice %arg7[%dma_start3A, %dma_start3A_21, %dma_start3A_22] : memref<2x400x64xf32, #tpu.memory_space<vmem>> -> memref<1x400x64xf32, #tpu.memory_space<vmem>>
    %dma_start3A_24 = tpu.memref_squeeze %dma_start3A_23 : memref<1x400x64xf32, #tpu.memory_space<vmem>> -> memref<400x64xf32, #tpu.memory_space<vmem>>
    %dma_start3A_25 = arith.constant 0 : i32
    %dma_start3A_26 = tpu.memref_slice %arg3[%add3A_19, %dma_start3A_25] : memref<358400x64xf32, #tpu.memory_space<hbm>> -> memref<400x64xf32, #tpu.memory_space<hbm>>
    %dma_start3A_27 = tpu.memref_slice %arg9[%dma_start3A_20] : memref<2x!tpu.dma_semaphore, #tpu.memory_space<semaphore_mem>> -> memref<1x!tpu.dma_semaphore, #tpu.memory_space<semaphore_mem>>
    %dma_start3A_28 = tpu.memref_squeeze %dma_start3A_27 : memref<1x!tpu.dma_semaphore, #tpu.memory_space<semaphore_mem>> -> memref<!tpu.dma_semaphore, #tpu.memory_space<semaphore_mem>>
    %dma_start3A_29 = arith.constant 0 : i32
    %dma_start3A_30 = arith.constant 0 : i32
    %dma_start3A_31 = tpu.memref_slice %arg7[%dma_start3A, %dma_start3A_29, %dma_start3A_30] : memref<2x400x64xf32, #tpu.memory_space<vmem>> -> memref<1x400x64xf32, #tpu.memory_space<vmem>>
    %dma_start3A_32 = tpu.memref_squeeze %dma_start3A_31 : memref<1x400x64xf32, #tpu.memory_space<vmem>> -> memref<400x64xf32, #tpu.memory_space<vmem>>
    %dma_start3A_33 = arith.constant 0 : i32
    %dma_start3A_34 = tpu.memref_slice %arg3[%add3A_19, %dma_start3A_33] : memref<358400x64xf32, #tpu.memory_space<hbm>> -> memref<400x64xf32, #tpu.memory_space<hbm>>
    tpu.enqueue_dma source(%dma_start3A_34 : memref<400x64xf32, #tpu.memory_space<hbm>>) target(%dma_start3A_32 : memref<400x64xf32, #tpu.memory_space<vmem>>) target_semaphore(%dma_start3A_28 : memref<!tpu.dma_semaphore, #tpu.memory_space<semaphore_mem>>)
    %scan3A_35 = arith.constant 0 : i32
    %scan3A_36 = arith.constant 0 : i32
    %scan3A_37 = arith.constant 0 : i32
    %scan3A_38 = arith.constant 14 : i32
    %scan3A_39 = arith.addi %scan3A_37, %scan3A_38 : i32
    %scan3A_40 = arith.constant 1 : i32
    %scan3A_41:2 = scf.for %scan3A_56 = %scan3A_37 to %scan3A_39 step %scan3A_40 iter_args(%scan3A_57 = %scan3A_35, %scan3A_58 = %scan3A_36) -> (i32, i32)  : i32 {
      %mul3A_59 = arith.constant 2 : i32
      %mul3A_60 = arith.muli %mul3A_59, %scan3A_56 : i32
      %add3A_61 = arith.constant 0 : i32
      %add3A_62 = arith.addi %mul3A_60, %add3A_61 : i32
      %add3A_63 = arith.constant 1 : i32
      %add3A_64 = arith.addi %add3A_62, %add3A_63 : i32
      %lt3A = arith.constant 28 : i32
      %lt3A_65 = arith.cmpi slt, %add3A_64, %lt3A : i32
      %convert_element_type3A_66 = arith.extui %lt3A_65 : i1 to i32
      %cond3A_67 = arith.constant 0 : i32
      %cond3A_68 = arith.cmpi ne, %convert_element_type3A_66, %cond3A_67 : i32
      scf.if %cond3A_68 {
        %add3A_132 = arith.constant 1 : i32
        %add3A_133 = arith.addi %add3A_62, %add3A_132 : i32
        %mul3A_134 = arith.constant 400 : i32
        %mul3A_135 = arith.muli %add3A_133, %mul3A_134 : i32
        %add3A_136 = arith.addi %mul3A_17, %mul3A_135 : i32
        %dma_start3A_137 = arith.constant 1 : i32
        %dma_start3A_138 = arith.constant 1 : i32
        %dma_start3A_139 = arith.constant 0 : i32
        %dma_start3A_140 = arith.constant 0 : i32
        %dma_start3A_141 = tpu.memref_slice %arg7[%dma_start3A_137, %dma_start3A_139, %dma_start3A_140] : memref<2x400x64xf32, #tpu.memory_space<vmem>> -> memref<1x400x64xf32, #tpu.memory_space<vmem>>
        %dma_start3A_142 = tpu.memref_squeeze %dma_start3A_141 : memref<1x400x64xf32, #tpu.memory_space<vmem>> -> memref<400x64xf32, #tpu.memory_space<vmem>>
        %dma_start3A_143 = arith.constant 0 : i32
        %dma_start3A_144 = tpu.memref_slice %arg3[%add3A_136, %dma_start3A_143] : memref<358400x64xf32, #tpu.memory_space<hbm>> -> memref<400x64xf32, #tpu.memory_space<hbm>>
        %dma_start3A_145 = tpu.memref_slice %arg9[%dma_start3A_138] : memref<2x!tpu.dma_semaphore, #tpu.memory_space<semaphore_mem>> -> memref<1x!tpu.dma_semaphore, #tpu.memory_space<semaphore_mem>>
        %dma_start3A_146 = tpu.memref_squeeze %dma_start3A_145 : memref<1x!tpu.dma_semaphore, #tpu.memory_space<semaphore_mem>> -> memref<!tpu.dma_semaphore, #tpu.memory_space<semaphore_mem>>
        %dma_start3A_147 = arith.constant 0 : i32
        %dma_start3A_148 = arith.constant 0 : i32
        %dma_start3A_149 = tpu.memref_slice %arg7[%dma_start3A_137, %dma_start3A_147, %dma_start3A_148] : memref<2x400x64xf32, #tpu.memory_space<vmem>> -> memref<1x400x64xf32, #tpu.memory_space<vmem>>
        %dma_start3A_150 = tpu.memref_squeeze %dma_start3A_149 : memref<1x400x64xf32, #tpu.memory_space<vmem>> -> memref<400x64xf32, #tpu.memory_space<vmem>>
        %dma_start3A_151 = arith.constant 0 : i32
        %dma_start3A_152 = tpu.memref_slice %arg3[%add3A_136, %dma_start3A_151] : memref<358400x64xf32, #tpu.memory_space<hbm>> -> memref<400x64xf32, #tpu.memory_space<hbm>>
        tpu.enqueue_dma source(%dma_start3A_152 : memref<400x64xf32, #tpu.memory_space<hbm>>) target(%dma_start3A_150 : memref<400x64xf32, #tpu.memory_space<vmem>>) target_semaphore(%dma_start3A_146 : memref<!tpu.dma_semaphore, #tpu.memory_space<semaphore_mem>>)
      } else {
      }
      %mul3A_69 = arith.constant 400 : i32
      %mul3A_70 = arith.muli %add3A_62, %mul3A_69 : i32
      %add3A_71 = arith.addi %mul3A_17, %mul3A_70 : i32
      %dma_wait3A = arith.constant 0 : i32
      %dma_wait3A_72 = arith.constant 0 : i32
      %dma_wait3A_73 = arith.constant 0 : i32
      %dma_wait3A_74 = arith.constant 0 : i32
      %dma_wait3A_75 = tpu.memref_slice %arg7[%dma_wait3A, %dma_wait3A_73, %dma_wait3A_74] : memref<2x400x64xf32, #tpu.memory_space<vmem>> -> memref<1x400x64xf32, #tpu.memory_space<vmem>>
      %dma_wait3A_76 = tpu.memref_squeeze %dma_wait3A_75 : memref<1x400x64xf32, #tpu.memory_space<vmem>> -> memref<400x64xf32, #tpu.memory_space<vmem>>
      %dma_wait3A_77 = arith.constant 0 : i32
      %dma_wait3A_78 = tpu.memref_slice %arg3[%add3A_71, %dma_wait3A_77] : memref<358400x64xf32, #tpu.memory_space<hbm>> -> memref<400x64xf32, #tpu.memory_space<hbm>>
      %dma_wait3A_79 = tpu.memref_slice %arg9[%dma_wait3A_72] : memref<2x!tpu.dma_semaphore, #tpu.memory_space<semaphore_mem>> -> memref<1x!tpu.dma_semaphore, #tpu.memory_space<semaphore_mem>>
      %dma_wait3A_80 = tpu.memref_squeeze %dma_wait3A_79 : memref<1x!tpu.dma_semaphore, #tpu.memory_space<semaphore_mem>> -> memref<!tpu.dma_semaphore, #tpu.memory_space<semaphore_mem>>
      %dma_wait3A_81 = arith.constant 0 : i32
      %dma_wait3A_82 = arith.constant 0 : i32
      %dma_wait3A_83 = tpu.memref_slice %arg7[%dma_wait3A, %dma_wait3A_81, %dma_wait3A_82] : memref<2x400x64xf32, #tpu.memory_space<vmem>> -> memref<1x400x64xf32, #tpu.memory_space<vmem>>
      %dma_wait3A_84 = tpu.memref_squeeze %dma_wait3A_83 : memref<1x400x64xf32, #tpu.memory_space<vmem>> -> memref<400x64xf32, #tpu.memory_space<vmem>>
      %dma_wait3A_85 = arith.constant 0 : i32
      %dma_wait3A_86 = tpu.memref_slice %arg3[%add3A_71, %dma_wait3A_85] : memref<358400x64xf32, #tpu.memory_space<hbm>> -> memref<400x64xf32, #tpu.memory_space<hbm>>
      tpu.wait_dma2 semaphore(%dma_wait3A_80 : memref<!tpu.dma_semaphore, #tpu.memory_space<semaphore_mem>>) src(%dma_wait3A_86 : memref<400x64xf32, #tpu.memory_space<hbm>>) dst(%dma_wait3A_84 : memref<400x64xf32, #tpu.memory_space<vmem>>)
      %mul3A_87 = arith.constant 400 : i32
      %mul3A_88 = arith.muli %add3A_62, %mul3A_87 : i32
      %add3A_89 = arith.constant 1 : i32
      %add3A_90 = arith.addi %add3A_62, %add3A_89 : i32
      %mul3A_91 = arith.constant 400 : i32
      %mul3A_92 = arith.muli %add3A_90, %mul3A_91 : i32
      %min3A = arith.minsi %mul3A_92, %squeeze3A : i32
      %max3A = arith.maxsi %scan3A_58, %mul3A_88 : i32
      %while3A:2 = scf.while (%while3A_132 = %scan3A_57, %while3A_133 = %max3A) : (i32, i32) -> (i32, i32) {
        %lt3A_134 = arith.cmpi slt, %while3A_133, %min3A : i32
        scf.condition(%lt3A_134) %while3A_132, %while3A_133 : i32, i32
      } do {
      ^bb0(%while3A_132: i32, %while3A_133: i32):
        %add3A_134 = arith.constant 1 : i32
        %add3A_135 = arith.addi %while3A_132, %add3A_134 : i32
        %mul3A_136 = arith.constant 16 : i32
        %mul3A_137 = arith.muli %add3A_135, %mul3A_136 : i32
        %get3A_138 = arith.index_cast %mul3A_137 : i32 to index
        %get3A_139 = tpu.vector_load %arg6[%get3A_138] {strides = array<i32>} : memref<5120xi32, #tpu.memory_space<vmem>>, vector<16xi32>,
        %slice3A_140 = vector.extract_strided_slice %get3A_139 {offsets = [0], sizes = [1], strides = [1]} : vector<16xi32> to vector<1xi32>
        %squeeze3A_141 = vector.extract %slice3A_140[0] : i32 from vector<1xi32>
        %min3A_142 = arith.minsi %squeeze3A_141, %min3A : i32
        %get3A_143 = arith.index_cast %while3A_132 : i32 to index
        %get3A_144 = arith.constant 0 : index
        %get3A_145 = tpu.vector_load %arg8[%get3A_143, %get3A_144] {strides = array<i32>} : memref<320x64xf32, #tpu.memory_space<vmem>>, vector<16xf32>,
        %get3A_146 = arith.index_cast %while3A_132 : i32 to index
        %get3A_147 = arith.constant 16 : index
        %get3A_148 = tpu.vector_load %arg8[%get3A_146, %get3A_147] {strides = array<i32>} : memref<320x64xf32, #tpu.memory_space<vmem>>, vector<16xf32>,
        %get3A_149 = arith.index_cast %while3A_132 : i32 to index
        %get3A_150 = arith.constant 32 : index
        %get3A_151 = tpu.vector_load %arg8[%get3A_149, %get3A_150] {strides = array<i32>} : memref<320x64xf32, #tpu.memory_space<vmem>>, vector<16xf32>,
        %get3A_152 = arith.index_cast %while3A_132 : i32 to index
        %get3A_153 = arith.constant 48 : index
        %get3A_154 = tpu.vector_load %arg8[%get3A_152, %get3A_153] {strides = array<i32>} : memref<320x64xf32, #tpu.memory_space<vmem>>, vector<16xf32>,
        %while3A_155 = arith.subi %min3A_142, %while3A_133 : i32
        %while3A_156 = arith.addi %while3A_133, %while3A_155 : i32
        %while3A_157 = arith.constant 1 : i32
        %while3A_158 = arith.divsi %while3A_155, %while3A_157 : i32
        %while3A_159 = arith.muli %while3A_158, %while3A_157 : i32
        %while3A_160 = arith.addi %while3A_133, %while3A_159 : i32
        %while3A_161 = arith.constant 1 : i32
        %while3A_162:4 = scf.for %while3A_181 = %while3A_133 to %while3A_160 step %while3A_161 iter_args(%while3A_182 = %get3A_145, %while3A_183 = %get3A_148, %while3A_184 = %get3A_151, %while3A_185 = %get3A_154) -> (vector<16xf32>, vector<16xf32>, vector<16xf32>, vector<16xf32>)  : i32 {
          %sub3A = arith.subi %while3A_181, %mul3A_88 : i32
          %get3A_186 = arith.constant 0 : i32
          %get3A_187 = arith.index_cast %get3A_186 : i32 to index
          %get3A_188 = arith.index_cast %sub3A : i32 to index
          %get3A_189 = arith.constant 0 : index
          %get3A_190 = tpu.vector_load %arg7[%get3A_187, %get3A_188, %get3A_189] {strides = array<i32>} : memref<2x400x64xf32, #tpu.memory_space<vmem>>, vector<16xf32>,
          %max3A_191 = arith.maximumf %while3A_182, %get3A_190 : vector<16xf32>
          %get3A_192 = arith.constant 0 : i32
          %get3A_193 = arith.index_cast %get3A_192 : i32 to index
          %get3A_194 = arith.index_cast %sub3A : i32 to index
          %get3A_195 = arith.constant 16 : index
          %get3A_196 = tpu.vector_load %arg7[%get3A_193, %get3A_194, %get3A_195] {strides = array<i32>} : memref<2x400x64xf32, #tpu.memory_space<vmem>>, vector<16xf32>,
          %max3A_197 = arith.maximumf %while3A_183, %get3A_196 : vector<16xf32>
          %get3A_198 = arith.constant 0 : i32
          %get3A_199 = arith.index_cast %get3A_198 : i32 to index
          %get3A_200 = arith.index_cast %sub3A : i32 to index
          %get3A_201 = arith.constant 32 : index
          %get3A_202 = tpu.vector_load %arg7[%get3A_199, %get3A_200, %get3A_201] {strides = array<i32>} : memref<2x400x64xf32, #tpu.memory_space<vmem>>, vector<16xf32>,
          %max3A_203 = arith.maximumf %while3A_184, %get3A_202 : vector<16xf32>
          %get3A_204 = arith.constant 0 : i32
          %get3A_205 = arith.index_cast %get3A_204 : i32 to index
          %get3A_206 = arith.index_cast %sub3A : i32 to index
          %get3A_207 = arith.constant 48 : index
          %get3A_208 = tpu.vector_load %arg7[%get3A_205, %get3A_206, %get3A_207] {strides = array<i32>} : memref<2x400x64xf32, #tpu.memory_space<vmem>>, vector<16xf32>,
          %max3A_209 = arith.maximumf %while3A_185, %get3A_208 : vector<16xf32>
          scf.yield %max3A_191, %max3A_197, %max3A_203, %max3A_209 : vector<16xf32>, vector<16xf32>, vector<16xf32>, vector<16xf32>
        }
        %while3A_163 = arith.constant 1 : i32
        %while3A_164:4 = scf.for %while3A_181 = %while3A_160 to %while3A_156 step %while3A_163 iter_args(%while3A_182 = %while3A_162#0, %while3A_183 = %while3A_162#1, %while3A_184 = %while3A_162#2, %while3A_185 = %while3A_162#3) -> (vector<16xf32>, vector<16xf32>, vector<16xf32>, vector<16xf32>)  : i32 {
          %sub3A = arith.subi %while3A_181, %mul3A_88 : i32
          %get3A_186 = arith.constant 0 : i32
          %get3A_187 = arith.index_cast %get3A_186 : i32 to index
          %get3A_188 = arith.index_cast %sub3A : i32 to index
          %get3A_189 = arith.constant 0 : index
          %get3A_190 = tpu.vector_load %arg7[%get3A_187, %get3A_188, %get3A_189] {strides = array<i32>} : memref<2x400x64xf32, #tpu.memory_space<vmem>>, vector<16xf32>,
          %max3A_191 = arith.maximumf %while3A_182, %get3A_190 : vector<16xf32>
          %get3A_192 = arith.constant 0 : i32
          %get3A_193 = arith.index_cast %get3A_192 : i32 to index
          %get3A_194 = arith.index_cast %sub3A : i32 to index
          %get3A_195 = arith.constant 16 : index
          %get3A_196 = tpu.vector_load %arg7[%get3A_193, %get3A_194, %get3A_195] {strides = array<i32>} : memref<2x400x64xf32, #tpu.memory_space<vmem>>, vector<16xf32>,
          %max3A_197 = arith.maximumf %while3A_183, %get3A_196 : vector<16xf32>
          %get3A_198 = arith.constant 0 : i32
          %get3A_199 = arith.index_cast %get3A_198 : i32 to index
          %get3A_200 = arith.index_cast %sub3A : i32 to index
          %get3A_201 = arith.constant 32 : index
          %get3A_202 = tpu.vector_load %arg7[%get3A_199, %get3A_200, %get3A_201] {strides = array<i32>} : memref<2x400x64xf32, #tpu.memory_space<vmem>>, vector<16xf32>,
          %max3A_203 = arith.maximumf %while3A_184, %get3A_202 : vector<16xf32>
          %get3A_204 = arith.constant 0 : i32
          %get3A_205 = arith.index_cast %get3A_204 : i32 to index
          %get3A_206 = arith.index_cast %sub3A : i32 to index
          %get3A_207 = arith.constant 48 : index
          %get3A_208 = tpu.vector_load %arg7[%get3A_205, %get3A_206, %get3A_207] {strides = array<i32>} : memref<2x400x64xf32, #tpu.memory_space<vmem>>, vector<16xf32>,
          %max3A_209 = arith.maximumf %while3A_185, %get3A_208 : vector<16xf32>
          scf.yield %max3A_191, %max3A_197, %max3A_203, %max3A_209 : vector<16xf32>, vector<16xf32>, vector<16xf32>, vector<16xf32>
        }
        %swap3A = arith.index_cast %while3A_132 : i32 to index
        %swap3A_165 = arith.constant 0 : index
        %swap3A_166 = tpu.vector_load %arg8[%swap3A, %swap3A_165] {strides = array<i32>} : memref<320x64xf32, #tpu.memory_space<vmem>>, vector<16xf32>,
        tpu.vector_store %arg8[%swap3A, %swap3A_165], %while3A_164#0 {strides = array<i32>} : memref<320x64xf32, #tpu.memory_space<vmem>>, vector<16xf32>,
        %swap3A_167 = arith.index_cast %while3A_132 : i32 to index
        %swap3A_168 = arith.constant 16 : index
        %swap3A_169 = tpu.vector_load %arg8[%swap3A_167, %swap3A_168] {strides = array<i32>} : memref<320x64xf32, #tpu.memory_space<vmem>>, vector<16xf32>,
        tpu.vector_store %arg8[%swap3A_167, %swap3A_168], %while3A_164#1 {strides = array<i32>} : memref<320x64xf32, #tpu.memory_space<vmem>>, vector<16xf32>,
        %swap3A_170 = arith.index_cast %while3A_132 : i32 to index
        %swap3A_171 = arith.constant 32 : index
        %swap3A_172 = tpu.vector_load %arg8[%swap3A_170, %swap3A_171] {strides = array<i32>} : memref<320x64xf32, #tpu.memory_space<vmem>>, vector<16xf32>,
        tpu.vector_store %arg8[%swap3A_170, %swap3A_171], %while3A_164#2 {strides = array<i32>} : memref<320x64xf32, #tpu.memory_space<vmem>>, vector<16xf32>,
        %swap3A_173 = arith.index_cast %while3A_132 : i32 to index
        %swap3A_174 = arith.constant 48 : index
        %swap3A_175 = tpu.vector_load %arg8[%swap3A_173, %swap3A_174] {strides = array<i32>} : memref<320x64xf32, #tpu.memory_space<vmem>>, vector<16xf32>,
        tpu.vector_store %arg8[%swap3A_173, %swap3A_174], %while3A_164#3 {strides = array<i32>} : memref<320x64xf32, #tpu.memory_space<vmem>>, vector<16xf32>,
        %eq3A_176 = arith.cmpi eq, %min3A_142, %squeeze3A_141 : i32
        %add3A_177 = arith.constant 1 : i32
        %add3A_178 = arith.addi %while3A_132, %add3A_177 : i32
        %min3A_179 = arith.constant 318 : i32
        %min3A_180 = arith.minsi %add3A_178, %min3A_179 : i32
        %select_n3A = arith.select %eq3A_176, %min3A_180, %while3A_132 : i32
        scf.yield %select_n3A, %min3A_142 : i32, i32
      }
      %mul3A_93 = arith.constant 2 : i32
      %mul3A_94 = arith.muli %mul3A_93, %scan3A_56 : i32
      %add3A_95 = arith.constant 1 : i32
      %add3A_96 = arith.addi %mul3A_94, %add3A_95 : i32
      %add3A_97 = arith.constant 1 : i32
      %add3A_98 = arith.addi %add3A_96, %add3A_97 : i32
      %lt3A_99 = arith.constant 28 : i32
      %lt3A_100 = arith.cmpi slt, %add3A_98, %lt3A_99 : i32
      %convert_element_type3A_101 = arith.extui %lt3A_100 : i1 to i32
      %cond3A_102 = arith.constant 0 : i32
      %cond3A_103 = arith.cmpi ne, %convert_element_type3A_101, %cond3A_102 : i32
      scf.if %cond3A_103 {
        %add3A_132 = arith.constant 1 : i32
        %add3A_133 = arith.addi %add3A_96, %add3A_132 : i32
        %mul3A_134 = arith.constant 400 : i32
        %mul3A_135 = arith.muli %add3A_133, %mul3A_134 : i32
        %add3A_136 = arith.addi %mul3A_17, %mul3A_135 : i32
        %dma_start3A_137 = arith.constant 0 : i32
        %dma_start3A_138 = arith.constant 0 : i32
        %dma_start3A_139 = arith.constant 0 : i32
        %dma_start3A_140 = arith.constant 0 : i32
        %dma_start3A_141 = tpu.memref_slice %arg7[%dma_start3A_137, %dma_start3A_139, %dma_start3A_140] : memref<2x400x64xf32, #tpu.memory_space<vmem>> -> memref<1x400x64xf32, #tpu.memory_space<vmem>>
        %dma_start3A_142 = tpu.memref_squeeze %dma_start3A_141 : memref<1x400x64xf32, #tpu.memory_space<vmem>> -> memref<400x64xf32, #tpu.memory_space<vmem>>
        %dma_start3A_143 = arith.constant 0 : i32
        %dma_start3A_144 = tpu.memref_slice %arg3[%add3A_136, %dma_start3A_143] : memref<358400x64xf32, #tpu.memory_space<hbm>> -> memref<400x64xf32, #tpu.memory_space<hbm>>
        %dma_start3A_145 = tpu.memref_slice %arg9[%dma_start3A_138] : memref<2x!tpu.dma_semaphore, #tpu.memory_space<semaphore_mem>> -> memref<1x!tpu.dma_semaphore, #tpu.memory_space<semaphore_mem>>
        %dma_start3A_146 = tpu.memref_squeeze %dma_start3A_145 : memref<1x!tpu.dma_semaphore, #tpu.memory_space<semaphore_mem>> -> memref<!tpu.dma_semaphore, #tpu.memory_space<semaphore_mem>>
        %dma_start3A_147 = arith.constant 0 : i32
        %dma_start3A_148 = arith.constant 0 : i32
        %dma_start3A_149 = tpu.memref_slice %arg7[%dma_start3A_137, %dma_start3A_147, %dma_start3A_148] : memref<2x400x64xf32, #tpu.memory_space<vmem>> -> memref<1x400x64xf32, #tpu.memory_space<vmem>>
        %dma_start3A_150 = tpu.memref_squeeze %dma_start3A_149 : memref<1x400x64xf32, #tpu.memory_space<vmem>> -> memref<400x64xf32, #tpu.memory_space<vmem>>
        %dma_start3A_151 = arith.constant 0 : i32
        %dma_start3A_152 = tpu.memref_slice %arg3[%add3A_136, %dma_start3A_151] : memref<358400x64xf32, #tpu.memory_space<hbm>> -> memref<400x64xf32, #tpu.memory_space<hbm>>
        tpu.enqueue_dma source(%dma_start3A_152 : memref<400x64xf32, #tpu.memory_space<hbm>>) target(%dma_start3A_150 : memref<400x64xf32, #tpu.memory_space<vmem>>) target_semaphore(%dma_start3A_146 : memref<!tpu.dma_semaphore, #tpu.memory_space<semaphore_mem>>)
      } else {
      }
      %mul3A_104 = arith.constant 400 : i32
      %mul3A_105 = arith.muli %add3A_96, %mul3A_104 : i32
      %add3A_106 = arith.addi %mul3A_17, %mul3A_105 : i32
      %dma_wait3A_107 = arith.constant 1 : i32
      %dma_wait3A_108 = arith.constant 1 : i32
      %dma_wait3A_109 = arith.constant 0 : i32
      %dma_wait3A_110 = arith.constant 0 : i32
      %dma_wait3A_111 = tpu.memref_slice %arg7[%dma_wait3A_107, %dma_wait3A_109, %dma_wait3A_110] : memref<2x400x64xf32, #tpu.memory_space<vmem>> -> memref<1x400x64xf32, #tpu.memory_space<vmem>>
      %dma_wait3A_112 = tpu.memref_squeeze %dma_wait3A_111 : memref<1x400x64xf32, #tpu.memory_space<vmem>> -> memref<400x64xf32, #tpu.memory_space<vmem>>
      %dma_wait3A_113 = arith.constant 0 : i32
      %dma_wait3A_114 = tpu.memref_slice %arg3[%add3A_106, %dma_wait3A_113] : memref<358400x64xf32, #tpu.memory_space<hbm>> -> memref<400x64xf32, #tpu.memory_space<hbm>>
      %dma_wait3A_115 = tpu.memref_slice %arg9[%dma_wait3A_108] : memref<2x!tpu.dma_semaphore, #tpu.memory_space<semaphore_mem>> -> memref<1x!tpu.dma_semaphore, #tpu.memory_space<semaphore_mem>>
      %dma_wait3A_116 = tpu.memref_squeeze %dma_wait3A_115 : memref<1x!tpu.dma_semaphore, #tpu.memory_space<semaphore_mem>> -> memref<!tpu.dma_semaphore, #tpu.memory_space<semaphore_mem>>
      %dma_wait3A_117 = arith.constant 0 : i32
      %dma_wait3A_118 = arith.constant 0 : i32
      %dma_wait3A_119 = tpu.memref_slice %arg7[%dma_wait3A_107, %dma_wait3A_117, %dma_wait3A_118] : memref<2x400x64xf32, #tpu.memory_space<vmem>> -> memref<1x400x64xf32, #tpu.memory_space<vmem>>
      %dma_wait3A_120 = tpu.memref_squeeze %dma_wait3A_119 : memref<1x400x64xf32, #tpu.memory_space<vmem>> -> memref<400x64xf32, #tpu.memory_space<vmem>>
      %dma_wait3A_121 = arith.constant 0 : i32
      %dma_wait3A_122 = tpu.memref_slice %arg3[%add3A_106, %dma_wait3A_121] : memref<358400x64xf32, #tpu.memory_space<hbm>> -> memref<400x64xf32, #tpu.memory_space<hbm>>
      tpu.wait_dma2 semaphore(%dma_wait3A_116 : memref<!tpu.dma_semaphore, #tpu.memory_space<semaphore_mem>>) src(%dma_wait3A_122 : memref<400x64xf32, #tpu.memory_space<hbm>>) dst(%dma_wait3A_120 : memref<400x64xf32, #tpu.memory_space<vmem>>)
      %mul3A_123 = arith.constant 400 : i32
      %mul3A_124 = arith.muli %add3A_96, %mul3A_123 : i32
      %add3A_125 = arith.constant 1 : i32
      %add3A_126 = arith.addi %add3A_96, %add3A_125 : i32
      %mul3A_127 = arith.constant 400 : i32
      %mul3A_128 = arith.muli %add3A_126, %mul3A_127 : i32
      %min3A_129 = arith.minsi %mul3A_128, %squeeze3A : i32
      %max3A_130 = arith.maxsi %while3A#1, %mul3A_124 : i32
      %while3A_131:2 = scf.while (%while3A_132 = %while3A#0, %while3A_133 = %max3A_130) : (i32, i32) -> (i32, i32) {
        %lt3A_134 = arith.cmpi slt, %while3A_133, %min3A_129 : i32
        scf.condition(%lt3A_134) %while3A_132, %while3A_133 : i32, i32
      } do {
      ^bb0(%while3A_132: i32, %while3A_133: i32):
        %add3A_134 = arith.constant 1 : i32
        %add3A_135 = arith.addi %while3A_132, %add3A_134 : i32
        %mul3A_136 = arith.constant 16 : i32
        %mul3A_137 = arith.muli %add3A_135, %mul3A_136 : i32
        %get3A_138 = arith.index_cast %mul3A_137 : i32 to index
        %get3A_139 = tpu.vector_load %arg6[%get3A_138] {strides = array<i32>} : memref<5120xi32, #tpu.memory_space<vmem>>, vector<16xi32>,
        %slice3A_140 = vector.extract_strided_slice %get3A_139 {offsets = [0], sizes = [1], strides = [1]} : vector<16xi32> to vector<1xi32>
        %squeeze3A_141 = vector.extract %slice3A_140[0] : i32 from vector<1xi32>
        %min3A_142 = arith.minsi %squeeze3A_141, %min3A_129 : i32
        %get3A_143 = arith.index_cast %while3A_132 : i32 to index
        %get3A_144 = arith.constant 0 : index
        %get3A_145 = tpu.vector_load %arg8[%get3A_143, %get3A_144] {strides = array<i32>} : memref<320x64xf32, #tpu.memory_space<vmem>>, vector<16xf32>,
        %get3A_146 = arith.index_cast %while3A_132 : i32 to index
        %get3A_147 = arith.constant 16 : index
        %get3A_148 = tpu.vector_load %arg8[%get3A_146, %get3A_147] {strides = array<i32>} : memref<320x64xf32, #tpu.memory_space<vmem>>, vector<16xf32>,
        %get3A_149 = arith.index_cast %while3A_132 : i32 to index
        %get3A_150 = arith.constant 32 : index
        %get3A_151 = tpu.vector_load %arg8[%get3A_149, %get3A_150] {strides = array<i32>} : memref<320x64xf32, #tpu.memory_space<vmem>>, vector<16xf32>,
        %get3A_152 = arith.index_cast %while3A_132 : i32 to index
        %get3A_153 = arith.constant 48 : index
        %get3A_154 = tpu.vector_load %arg8[%get3A_152, %get3A_153] {strides = array<i32>} : memref<320x64xf32, #tpu.memory_space<vmem>>, vector<16xf32>,
        %while3A_155 = arith.subi %min3A_142, %while3A_133 : i32
        %while3A_156 = arith.addi %while3A_133, %while3A_155 : i32
        %while3A_157 = arith.constant 1 : i32
        %while3A_158 = arith.divsi %while3A_155, %while3A_157 : i32
        %while3A_159 = arith.muli %while3A_158, %while3A_157 : i32
        %while3A_160 = arith.addi %while3A_133, %while3A_159 : i32
        %while3A_161 = arith.constant 1 : i32
        %while3A_162:4 = scf.for %while3A_181 = %while3A_133 to %while3A_160 step %while3A_161 iter_args(%while3A_182 = %get3A_145, %while3A_183 = %get3A_148, %while3A_184 = %get3A_151, %while3A_185 = %get3A_154) -> (vector<16xf32>, vector<16xf32>, vector<16xf32>, vector<16xf32>)  : i32 {
          %sub3A = arith.subi %while3A_181, %mul3A_124 : i32
          %get3A_186 = arith.constant 1 : i32
          %get3A_187 = arith.index_cast %get3A_186 : i32 to index
          %get3A_188 = arith.index_cast %sub3A : i32 to index
          %get3A_189 = arith.constant 0 : index
          %get3A_190 = tpu.vector_load %arg7[%get3A_187, %get3A_188, %get3A_189] {strides = array<i32>} : memref<2x400x64xf32, #tpu.memory_space<vmem>>, vector<16xf32>,
          %max3A_191 = arith.maximumf %while3A_182, %get3A_190 : vector<16xf32>
          %get3A_192 = arith.constant 1 : i32
          %get3A_193 = arith.index_cast %get3A_192 : i32 to index
          %get3A_194 = arith.index_cast %sub3A : i32 to index
          %get3A_195 = arith.constant 16 : index
          %get3A_196 = tpu.vector_load %arg7[%get3A_193, %get3A_194, %get3A_195] {strides = array<i32>} : memref<2x400x64xf32, #tpu.memory_space<vmem>>, vector<16xf32>,
          %max3A_197 = arith.maximumf %while3A_183, %get3A_196 : vector<16xf32>
          %get3A_198 = arith.constant 1 : i32
          %get3A_199 = arith.index_cast %get3A_198 : i32 to index
          %get3A_200 = arith.index_cast %sub3A : i32 to index
          %get3A_201 = arith.constant 32 : index
          %get3A_202 = tpu.vector_load %arg7[%get3A_199, %get3A_200, %get3A_201] {strides = array<i32>} : memref<2x400x64xf32, #tpu.memory_space<vmem>>, vector<16xf32>,
          %max3A_203 = arith.maximumf %while3A_184, %get3A_202 : vector<16xf32>
          %get3A_204 = arith.constant 1 : i32
          %get3A_205 = arith.index_cast %get3A_204 : i32 to index
          %get3A_206 = arith.index_cast %sub3A : i32 to index
          %get3A_207 = arith.constant 48 : index
          %get3A_208 = tpu.vector_load %arg7[%get3A_205, %get3A_206, %get3A_207] {strides = array<i32>} : memref<2x400x64xf32, #tpu.memory_space<vmem>>, vector<16xf32>,
          %max3A_209 = arith.maximumf %while3A_185, %get3A_208 : vector<16xf32>
          scf.yield %max3A_191, %max3A_197, %max3A_203, %max3A_209 : vector<16xf32>, vector<16xf32>, vector<16xf32>, vector<16xf32>
        }
        %while3A_163 = arith.constant 1 : i32
        %while3A_164:4 = scf.for %while3A_181 = %while3A_160 to %while3A_156 step %while3A_163 iter_args(%while3A_182 = %while3A_162#0, %while3A_183 = %while3A_162#1, %while3A_184 = %while3A_162#2, %while3A_185 = %while3A_162#3) -> (vector<16xf32>, vector<16xf32>, vector<16xf32>, vector<16xf32>)  : i32 {
          %sub3A = arith.subi %while3A_181, %mul3A_124 : i32
          %get3A_186 = arith.constant 1 : i32
          %get3A_187 = arith.index_cast %get3A_186 : i32 to index
          %get3A_188 = arith.index_cast %sub3A : i32 to index
          %get3A_189 = arith.constant 0 : index
          %get3A_190 = tpu.vector_load %arg7[%get3A_187, %get3A_188, %get3A_189] {strides = array<i32>} : memref<2x400x64xf32, #tpu.memory_space<vmem>>, vector<16xf32>,
          %max3A_191 = arith.maximumf %while3A_182, %get3A_190 : vector<16xf32>
          %get3A_192 = arith.constant 1 : i32
          %get3A_193 = arith.index_cast %get3A_192 : i32 to index
          %get3A_194 = arith.index_cast %sub3A : i32 to index
          %get3A_195 = arith.constant 16 : index
          %get3A_196 = tpu.vector_load %arg7[%get3A_193, %get3A_194, %get3A_195] {strides = array<i32>} : memref<2x400x64xf32, #tpu.memory_space<vmem>>, vector<16xf32>,
          %max3A_197 = arith.maximumf %while3A_183, %get3A_196 : vector<16xf32>
          %get3A_198 = arith.constant 1 : i32
          %get3A_199 = arith.index_cast %get3A_198 : i32 to index
          %get3A_200 = arith.index_cast %sub3A : i32 to index
          %get3A_201 = arith.constant 32 : index
          %get3A_202 = tpu.vector_load %arg7[%get3A_199, %get3A_200, %get3A_201] {strides = array<i32>} : memref<2x400x64xf32, #tpu.memory_space<vmem>>, vector<16xf32>,
          %max3A_203 = arith.maximumf %while3A_184, %get3A_202 : vector<16xf32>
          %get3A_204 = arith.constant 1 : i32
          %get3A_205 = arith.index_cast %get3A_204 : i32 to index
          %get3A_206 = arith.index_cast %sub3A : i32 to index
          %get3A_207 = arith.constant 48 : index
          %get3A_208 = tpu.vector_load %arg7[%get3A_205, %get3A_206, %get3A_207] {strides = array<i32>} : memref<2x400x64xf32, #tpu.memory_space<vmem>>, vector<16xf32>,
          %max3A_209 = arith.maximumf %while3A_185, %get3A_208 : vector<16xf32>
          scf.yield %max3A_191, %max3A_197, %max3A_203, %max3A_209 : vector<16xf32>, vector<16xf32>, vector<16xf32>, vector<16xf32>
        }
        %swap3A = arith.index_cast %while3A_132 : i32 to index
        %swap3A_165 = arith.constant 0 : index
        %swap3A_166 = tpu.vector_load %arg8[%swap3A, %swap3A_165] {strides = array<i32>} : memref<320x64xf32, #tpu.memory_space<vmem>>, vector<16xf32>,
        tpu.vector_store %arg8[%swap3A, %swap3A_165], %while3A_164#0 {strides = array<i32>} : memref<320x64xf32, #tpu.memory_space<vmem>>, vector<16xf32>,
        %swap3A_167 = arith.index_cast %while3A_132 : i32 to index
        %swap3A_168 = arith.constant 16 : index
        %swap3A_169 = tpu.vector_load %arg8[%swap3A_167, %swap3A_168] {strides = array<i32>} : memref<320x64xf32, #tpu.memory_space<vmem>>, vector<16xf32>,
        tpu.vector_store %arg8[%swap3A_167, %swap3A_168], %while3A_164#1 {strides = array<i32>} : memref<320x64xf32, #tpu.memory_space<vmem>>, vector<16xf32>,
        %swap3A_170 = arith.index_cast %while3A_132 : i32 to index
        %swap3A_171 = arith.constant 32 : index
        %swap3A_172 = tpu.vector_load %arg8[%swap3A_170, %swap3A_171] {strides = array<i32>} : memref<320x64xf32, #tpu.memory_space<vmem>>, vector<16xf32>,
        tpu.vector_store %arg8[%swap3A_170, %swap3A_171], %while3A_164#2 {strides = array<i32>} : memref<320x64xf32, #tpu.memory_space<vmem>>, vector<16xf32>,
        %swap3A_173 = arith.index_cast %while3A_132 : i32 to index
        %swap3A_174 = arith.constant 48 : index
        %swap3A_175 = tpu.vector_load %arg8[%swap3A_173, %swap3A_174] {strides = array<i32>} : memref<320x64xf32, #tpu.memory_space<vmem>>, vector<16xf32>,
        tpu.vector_store %arg8[%swap3A_173, %swap3A_174], %while3A_164#3 {strides = array<i32>} : memref<320x64xf32, #tpu.memory_space<vmem>>, vector<16xf32>,
        %eq3A_176 = arith.cmpi eq, %min3A_142, %squeeze3A_141 : i32
        %add3A_177 = arith.constant 1 : i32
        %add3A_178 = arith.addi %while3A_132, %add3A_177 : i32
        %min3A_179 = arith.constant 318 : i32
        %min3A_180 = arith.minsi %add3A_178, %min3A_179 : i32
        %select_n3A = arith.select %eq3A_176, %min3A_180, %while3A_132 : i32
        scf.yield %select_n3A, %min3A_142 : i32, i32
      }
      scf.yield %while3A_131#0, %while3A_131#1 : i32, i32
    }
    %scan3A_42 = arith.constant 14 : i32
    %scan3A_43 = arith.constant 0 : i32
    %scan3A_44 = arith.constant 0xFF800000 : f32
    %scan3A_45 = arith.constant 0 : i32
    %scan3A_46 = arith.constant 313 : i32
    %scan3A_47 = arith.addi %scan3A_45, %scan3A_46 : i32
    %scan3A_48 = arith.constant 1 : i32
    scf.for %scan3A_56 = %scan3A_45 to %scan3A_47 step %scan3A_48  : i32 {
      %get3A_57 = arith.index_cast %scan3A_56 : i32 to index
      %get3A_58 = arith.constant 0 : index
      %get3A_59 = tpu.vector_load %arg8[%get3A_57, %get3A_58] {strides = array<i32>} : memref<320x64xf32, #tpu.memory_space<vmem>>, vector<16xf32>,
      %eq3A_60 = vector.broadcast %scan3A_44 : f32 to vector<16xf32>
      %eq3A_61 = arith.cmpf oeq, %get3A_59, %eq3A_60 : vector<16xf32>
      %jit3A = arith.constant 0.000000e+00 : f32
      %broadcast_in_dim3A_62 = vector.broadcast %jit3A : f32 to vector<16xf32>
      %select_n3A = arith.select %eq3A_61, %broadcast_in_dim3A_62, %get3A_59 : vector<16xi1>, vector<16xf32>
      %swap3A = arith.index_cast %scan3A_56 : i32 to index
      %swap3A_63 = arith.constant 0 : index
      %swap3A_64 = tpu.vector_load %arg8[%swap3A, %swap3A_63] {strides = array<i32>} : memref<320x64xf32, #tpu.memory_space<vmem>>, vector<16xf32>,
      tpu.vector_store %arg8[%swap3A, %swap3A_63], %select_n3A {strides = array<i32>} : memref<320x64xf32, #tpu.memory_space<vmem>>, vector<16xf32>,
      %get3A_65 = arith.index_cast %scan3A_56 : i32 to index
      %get3A_66 = arith.constant 16 : index
      %get3A_67 = tpu.vector_load %arg8[%get3A_65, %get3A_66] {strides = array<i32>} : memref<320x64xf32, #tpu.memory_space<vmem>>, vector<16xf32>,
      %eq3A_68 = vector.broadcast %scan3A_44 : f32 to vector<16xf32>
      %eq3A_69 = arith.cmpf oeq, %get3A_67, %eq3A_68 : vector<16xf32>
      %jit3A_70 = arith.constant 0.000000e+00 : f32
      %broadcast_in_dim3A_71 = vector.broadcast %jit3A_70 : f32 to vector<16xf32>
      %select_n3A_72 = arith.select %eq3A_69, %broadcast_in_dim3A_71, %get3A_67 : vector<16xi1>, vector<16xf32>
      %swap3A_73 = arith.index_cast %scan3A_56 : i32 to index
      %swap3A_74 = arith.constant 16 : index
      %swap3A_75 = tpu.vector_load %arg8[%swap3A_73, %swap3A_74] {strides = array<i32>} : memref<320x64xf32, #tpu.memory_space<vmem>>, vector<16xf32>,
      tpu.vector_store %arg8[%swap3A_73, %swap3A_74], %select_n3A_72 {strides = array<i32>} : memref<320x64xf32, #tpu.memory_space<vmem>>, vector<16xf32>,
      %get3A_76 = arith.index_cast %scan3A_56 : i32 to index
      %get3A_77 = arith.constant 32 : index
      %get3A_78 = tpu.vector_load %arg8[%get3A_76, %get3A_77] {strides = array<i32>} : memref<320x64xf32, #tpu.memory_space<vmem>>, vector<16xf32>,
      %eq3A_79 = vector.broadcast %scan3A_44 : f32 to vector<16xf32>
      %eq3A_80 = arith.cmpf oeq, %get3A_78, %eq3A_79 : vector<16xf32>
      %jit3A_81 = arith.constant 0.000000e+00 : f32
      %broadcast_in_dim3A_82 = vector.broadcast %jit3A_81 : f32 to vector<16xf32>
      %select_n3A_83 = arith.select %eq3A_80, %broadcast_in_dim3A_82, %get3A_78 : vector<16xi1>, vector<16xf32>
      %swap3A_84 = arith.index_cast %scan3A_56 : i32 to index
      %swap3A_85 = arith.constant 32 : index
      %swap3A_86 = tpu.vector_load %arg8[%swap3A_84, %swap3A_85] {strides = array<i32>} : memref<320x64xf32, #tpu.memory_space<vmem>>, vector<16xf32>,
      tpu.vector_store %arg8[%swap3A_84, %swap3A_85], %select_n3A_83 {strides = array<i32>} : memref<320x64xf32, #tpu.memory_space<vmem>>, vector<16xf32>,
      %get3A_87 = arith.index_cast %scan3A_56 : i32 to index
      %get3A_88 = arith.constant 48 : index
      %get3A_89 = tpu.vector_load %arg8[%get3A_87, %get3A_88] {strides = array<i32>} : memref<320x64xf32, #tpu.memory_space<vmem>>, vector<16xf32>,
      %eq3A_90 = vector.broadcast %scan3A_44 : f32 to vector<16xf32>
      %eq3A_91 = arith.cmpf oeq, %get3A_89, %eq3A_90 : vector<16xf32>
      %jit3A_92 = arith.constant 0.000000e+00 : f32
      %broadcast_in_dim3A_93 = vector.broadcast %jit3A_92 : f32 to vector<16xf32>
      %select_n3A_94 = arith.select %eq3A_91, %broadcast_in_dim3A_93, %get3A_89 : vector<16xi1>, vector<16xf32>
      %swap3A_95 = arith.index_cast %scan3A_56 : i32 to index
      %swap3A_96 = arith.constant 48 : index
      %swap3A_97 = tpu.vector_load %arg8[%swap3A_95, %swap3A_96] {strides = array<i32>} : memref<320x64xf32, #tpu.memory_space<vmem>>, vector<16xf32>,
      tpu.vector_store %arg8[%swap3A_95, %swap3A_96], %select_n3A_94 {strides = array<i32>} : memref<320x64xf32, #tpu.memory_space<vmem>>, vector<16xf32>,
    }
    %scan3A_49 = arith.constant 313 : i32
    %eq3A = arith.constant 31 : i32
    %eq3A_50 = arith.cmpi eq, %add3A, %eq3A : i32
    %convert_element_type3A = arith.extui %eq3A_50 : i1 to i32
    %cond3A = arith.constant 0 : i32
    %cond3A_51 = arith.cmpi ne, %convert_element_type3A, %cond3A : i32
    scf.if %cond3A_51 {
      "tpu.region"() ({
        %run_scoped3A = tpu.sem_alloc : memref<!tpu.dma_semaphore, #tpu.memory_space<semaphore_mem>>
        %dma_start3A_56 = arith.constant 0 : i32
        %dma_start3A_57 = arith.constant 0 : i32
        %dma_start3A_58 = tpu.memref_slice %arg8[%dma_start3A_56, %dma_start3A_57] : memref<320x64xf32, #tpu.memory_space<vmem>> -> memref<297x64xf32, #tpu.memory_space<vmem>>
        %dma_start3A_59 = arith.constant 0 : i32
        %dma_start3A_60 = tpu.memref_slice %arg4[%mul3A_2, %dma_start3A_59] : memref<10000x64xf32, #tpu.memory_space<hbm>> -> memref<297x64xf32, #tpu.memory_space<hbm>>
        %dma_start3A_61 = arith.constant 0 : i32
        %dma_start3A_62 = tpu.memref_slice %arg4[%mul3A_2, %dma_start3A_61] : memref<10000x64xf32, #tpu.memory_space<hbm>> -> memref<297x64xf32, #tpu.memory_space<hbm>>
        %dma_start3A_63 = arith.constant 0 : i32
        %dma_start3A_64 = arith.constant 0 : i32
        %dma_start3A_65 = tpu.memref_slice %arg8[%dma_start3A_63, %dma_start3A_64] : memref<320x64xf32, #tpu.memory_space<vmem>> -> memref<297x64xf32, #tpu.memory_space<vmem>>
        tpu.enqueue_dma source(%dma_start3A_65 : memref<297x64xf32, #tpu.memory_space<vmem>>) target(%dma_start3A_62 : memref<297x64xf32, #tpu.memory_space<hbm>>) target_semaphore(%run_scoped3A : memref<!tpu.dma_semaphore, #tpu.memory_space<semaphore_mem>>)
        %dma_wait3A = arith.constant 0 : i32
        %dma_wait3A_66 = arith.constant 0 : i32
        %dma_wait3A_67 = tpu.memref_slice %arg8[%dma_wait3A, %dma_wait3A_66] : memref<320x64xf32, #tpu.memory_space<vmem>> -> memref<297x64xf32, #tpu.memory_space<vmem>>
        %dma_wait3A_68 = arith.constant 0 : i32
        %dma_wait3A_69 = tpu.memref_slice %arg4[%mul3A_2, %dma_wait3A_68] : memref<10000x64xf32, #tpu.memory_space<hbm>> -> memref<297x64xf32, #tpu.memory_space<hbm>>
        %dma_wait3A_70 = arith.constant 0 : i32
        %dma_wait3A_71 = tpu.memref_slice %arg4[%mul3A_2, %dma_wait3A_70] : memref<10000x64xf32, #tpu.memory_space<hbm>> -> memref<297x64xf32, #tpu.memory_space<hbm>>
        %dma_wait3A_72 = arith.constant 0 : i32
        %dma_wait3A_73 = arith.constant 0 : i32
        %dma_wait3A_74 = tpu.memref_slice %arg8[%dma_wait3A_72, %dma_wait3A_73] : memref<320x64xf32, #tpu.memory_space<vmem>> -> memref<297x64xf32, #tpu.memory_space<vmem>>
        tpu.wait_dma2 semaphore(%run_scoped3A : memref<!tpu.dma_semaphore, #tpu.memory_space<semaphore_mem>>) src(%dma_wait3A_74 : memref<297x64xf32, #tpu.memory_space<vmem>>) dst(%dma_wait3A_71 : memref<297x64xf32, #tpu.memory_space<hbm>>)
        tpu.yield
      }) : () -> ()
    } else {
    }
    %ne3A = arith.constant 31 : i32
    %ne3A_52 = arith.cmpi ne, %add3A, %ne3A : i32
    %convert_element_type3A_53 = arith.extui %ne3A_52 : i1 to i32
    %cond3A_54 = arith.constant 0 : i32
    %cond3A_55 = arith.cmpi ne, %convert_element_type3A_53, %cond3A_54 : i32
    scf.if %cond3A_55 {
      "tpu.region"() ({
        %run_scoped3A = tpu.sem_alloc : memref<!tpu.dma_semaphore, #tpu.memory_space<semaphore_mem>>
        %dma_start3A_56 = arith.constant 0 : i32
        %dma_start3A_57 = arith.constant 0 : i32
        %dma_start3A_58 = tpu.memref_slice %arg8[%dma_start3A_56, %dma_start3A_57] : memref<320x64xf32, #tpu.memory_space<vmem>> -> memref<313x64xf32, #tpu.memory_space<vmem>>
        %dma_start3A_59 = arith.constant 0 : i32
        %dma_start3A_60 = tpu.memref_slice %arg4[%mul3A_2, %dma_start3A_59] : memref<10000x64xf32, #tpu.memory_space<hbm>> -> memref<313x64xf32, #tpu.memory_space<hbm>>
        %dma_start3A_61 = arith.constant 0 : i32
        %dma_start3A_62 = tpu.memref_slice %arg4[%mul3A_2, %dma_start3A_61] : memref<10000x64xf32, #tpu.memory_space<hbm>> -> memref<313x64xf32, #tpu.memory_space<hbm>>
        %dma_start3A_63 = arith.constant 0 : i32
        %dma_start3A_64 = arith.constant 0 : i32
        %dma_start3A_65 = tpu.memref_slice %arg8[%dma_start3A_63, %dma_start3A_64] : memref<320x64xf32, #tpu.memory_space<vmem>> -> memref<313x64xf32, #tpu.memory_space<vmem>>
        tpu.enqueue_dma source(%dma_start3A_65 : memref<313x64xf32, #tpu.memory_space<vmem>>) target(%dma_start3A_62 : memref<313x64xf32, #tpu.memory_space<hbm>>) target_semaphore(%run_scoped3A : memref<!tpu.dma_semaphore, #tpu.memory_space<semaphore_mem>>)
        %dma_wait3A = arith.constant 0 : i32
        %dma_wait3A_66 = arith.constant 0 : i32
        %dma_wait3A_67 = tpu.memref_slice %arg8[%dma_wait3A, %dma_wait3A_66] : memref<320x64xf32, #tpu.memory_space<vmem>> -> memref<313x64xf32, #tpu.memory_space<vmem>>
        %dma_wait3A_68 = arith.constant 0 : i32
        %dma_wait3A_69 = tpu.memref_slice %arg4[%mul3A_2, %dma_wait3A_68] : memref<10000x64xf32, #tpu.memory_space<hbm>> -> memref<313x64xf32, #tpu.memory_space<hbm>>
        %dma_wait3A_70 = arith.constant 0 : i32
        %dma_wait3A_71 = tpu.memref_slice %arg4[%mul3A_2, %dma_wait3A_70] : memref<10000x64xf32, #tpu.memory_space<hbm>> -> memref<313x64xf32, #tpu.memory_space<hbm>>
        %dma_wait3A_72 = arith.constant 0 : i32
        %dma_wait3A_73 = arith.constant 0 : i32
        %dma_wait3A_74 = tpu.memref_slice %arg8[%dma_wait3A_72, %dma_wait3A_73] : memref<320x64xf32, #tpu.memory_space<vmem>> -> memref<313x64xf32, #tpu.memory_space<vmem>>
        tpu.wait_dma2 semaphore(%run_scoped3A : memref<!tpu.dma_semaphore, #tpu.memory_space<semaphore_mem>>) src(%dma_wait3A_74 : memref<313x64xf32, #tpu.memory_space<vmem>>) dst(%dma_wait3A_71 : memref<313x64xf32, #tpu.memory_space<hbm>>)
        tpu.yield
      }) : () -> ()
    } else {
    }
    return
  }
}

module attributes {stable_mosaic.version = 14 : i64} {
  func.func @body(%arg0: memref<10000x128xf32, #tpu.memory_space<vmem>>, %arg1: memref<256x64xf32, #tpu.memory_space<vmem>>, %arg2: memref<10080x64xf32, #tpu.memory_space<vmem>>, %arg3: memref<10080x64xf32, #tpu.memory_space<vmem>>) attributes {dimension_semantics = [], scalar_prefetch = 0 : i64, scratch_operands = 0 : i64, tpu.core_type = #tpu.core_type<tc>} {
    %get3A = arith.constant 0 : index
    %get3A_0 = arith.constant 0 : index
    %get3A_1 = vector.load %arg0[%get3A, %get3A_0] : memref<10000x128xf32, #tpu.memory_space<vmem>>, vector<10000x128xf32>
    %get3A_2 = arith.constant 0 : index
    %get3A_3 = arith.constant 0 : index
    %get3A_4 = vector.load %arg1[%get3A_2, %get3A_3] : memref<256x64xf32, #tpu.memory_space<vmem>>, vector<128x64xf32>
    %get3A_5 = arith.constant 128 : index
    %get3A_6 = arith.constant 0 : index
    %get3A_7 = vector.load %arg1[%get3A_5, %get3A_6] : memref<256x64xf32, #tpu.memory_space<vmem>>, vector<128x64xf32>
    %sub3A = arith.subf %get3A_4, %get3A_7 : vector<128x64xf32>
    %dot_general3A = arith.constant dense<0.000000e+00> : vector<10000x64xf32>
    %dot_general3A_8 = tpu.matmul %get3A_1, %sub3A, %dot_general3A {dimension_numbers = #tpu.dot_dimension_numbers<[1], [0], [0], [1], [0, 0, 1, 1], [], []>, precision = #tpu.contract_precision<fp32>, transpose_lhs_hint = false} : vector<10000x128xf32>, vector<128x64xf32>, vector<10000x64xf32> -> vector<10000x64xf32>
    %swap3A = arith.constant 0 : index
    %swap3A_9 = arith.constant 0 : index
    %swap3A_10 = vector.load %arg2[%swap3A, %swap3A_9] : memref<10080x64xf32, #tpu.memory_space<vmem>>, vector<10000x64xf32>
    tpu.vector_store %arg2[%swap3A, %swap3A_9], %dot_general3A_8 {strides = array<i32>} : memref<10080x64xf32, #tpu.memory_space<vmem>>, vector<10000x64xf32>,
    %dot_general3A_11 = arith.constant dense<0.000000e+00> : vector<10000x64xf32>
    %dot_general3A_12 = tpu.matmul %get3A_1, %get3A_7, %dot_general3A_11 {dimension_numbers = #tpu.dot_dimension_numbers<[1], [0], [0], [1], [0, 0, 1, 1], [], []>, precision = #tpu.contract_precision<fp32>, transpose_lhs_hint = false} : vector<10000x128xf32>, vector<128x64xf32>, vector<10000x64xf32> -> vector<10000x64xf32>
    %swap3A_13 = arith.constant 0 : index
    %swap3A_14 = arith.constant 0 : index
    %swap3A_15 = vector.load %arg3[%swap3A_13, %swap3A_14] : memref<10080x64xf32, #tpu.memory_space<vmem>>, vector<10000x64xf32>
    tpu.vector_store %arg3[%swap3A_13, %swap3A_14], %dot_general3A_12 {strides = array<i32>} : memref<10080x64xf32, #tpu.memory_space<vmem>>, vector<10000x64xf32>,
    return
  }
}

module attributes {stable_mosaic.version = 14 : i64} {
  func.func @body(%arg0: i32, %arg1: memref<2240x64xf32, #tpu.memory_space<vmem>>, %arg2: memref<1x64xf32, #tpu.memory_space<vmem>>, %arg3: memref<64x64xf32, #tpu.memory_space<vmem>>, %arg4: memref<1x64xf32, #tpu.memory_space<vmem>>, %arg5: memref<2240x64xf32, #tpu.memory_space<vmem>>) attributes {dimension_semantics = [#tpu.dimension_semantics<arbitrary>], iteration_bounds = array<i64: 160>, scalar_prefetch = 0 : i64, scratch_operands = 0 : i64, tpu.core_type = #tpu.core_type<tc>, window_params = [{transform_indices = @transform_0, window_bounds = array<i64: 2240, 64>}, {pipeline_mode = #tpu.pipeline_mode<synchronous>, transform_indices = @transform_1, window_bounds = array<i64: 1, 64>}, {pipeline_mode = #tpu.pipeline_mode<synchronous>, transform_indices = @transform_2, window_bounds = array<i64: 64, 64>}, {pipeline_mode = #tpu.pipeline_mode<synchronous>, transform_indices = @transform_3, window_bounds = array<i64: 1, 64>}, {transform_indices = @transform_4, window_bounds = array<i64: 2240, 64>}]} {
    %get3A = arith.constant 0 : index
    %get3A_0 = arith.constant 0 : index
    %get3A_1 = vector.load %arg1[%get3A, %get3A_0] : memref<2240x64xf32, #tpu.memory_space<vmem>>, vector<2240x64xf32>
    %get3A_2 = arith.constant 0 : index
    %get3A_3 = arith.constant 0 : index
    %get3A_4 = vector.load %arg2[%get3A_2, %get3A_3] : memref<1x64xf32, #tpu.memory_space<vmem>>, vector<1x64xf32>
    %add3A = vector.broadcast %get3A_4 : vector<1x64xf32> to vector<2240x64xf32>
    %add3A_5 = arith.addf %get3A_1, %add3A : vector<2240x64xf32>
    %max3A = arith.constant 0.000000e+00 : f32
    %max3A_6 = vector.broadcast %max3A : f32 to vector<2240x64xf32>
    %max3A_7 = arith.maximumf %add3A_5, %max3A_6 : vector<2240x64xf32>
    %get3A_8 = arith.constant 0 : index
    %get3A_9 = arith.constant 0 : index
    %get3A_10 = vector.load %arg3[%get3A_8, %get3A_9] : memref<64x64xf32, #tpu.memory_space<vmem>>, vector<64x64xf32>
    %dot_general3A = arith.constant dense<0.000000e+00> : vector<2240x64xf32>
    %dot_general3A_11 = tpu.matmul %max3A_7, %get3A_10, %dot_general3A {dimension_numbers = #tpu.dot_dimension_numbers<[1], [0], [0], [1], [0, 0, 1, 1], [], []>, precision = #tpu.contract_precision<fp32>, transpose_lhs_hint = false} : vector<2240x64xf32>, vector<64x64xf32>, vector<2240x64xf32> -> vector<2240x64xf32>
    %get3A_12 = arith.constant 0 : index
    %get3A_13 = arith.constant 0 : index
    %get3A_14 = vector.load %arg4[%get3A_12, %get3A_13] : memref<1x64xf32, #tpu.memory_space<vmem>>, vector<1x64xf32>
    %add3A_15 = vector.broadcast %get3A_14 : vector<1x64xf32> to vector<2240x64xf32>
    %add3A_16 = arith.addf %dot_general3A_11, %add3A_15 : vector<2240x64xf32>
    %swap3A = arith.constant 0 : index
    %swap3A_17 = arith.constant 0 : index
    %swap3A_18 = vector.load %arg5[%swap3A, %swap3A_17] : memref<2240x64xf32, #tpu.memory_space<vmem>>, vector<2240x64xf32>
    tpu.vector_store %arg5[%swap3A, %swap3A_17], %add3A_16 {strides = array<i32>} : memref<2240x64xf32, #tpu.memory_space<vmem>>, vector<2240x64xf32>,
    return
  }
  func.func @transform_0(%arg0: i32) -> (i32, i32) {
    %c0_i32 = arith.constant 0 : i32
    %c0_i32_0 = arith.constant 0 : i32
    return %arg0, %c0_i32 : i32, i32
  }
  func.func @transform_1(%arg0: i32) -> (i32, i32) {
    %c0_i32 = arith.constant 0 : i32
    %c0_i32_0 = arith.constant 0 : i32
    %c0_i32_1 = arith.constant 0 : i32
    return %c0_i32, %c0_i32_0 : i32, i32
  }
  func.func @transform_2(%arg0: i32) -> (i32, i32) {
    %c0_i32 = arith.constant 0 : i32
    %c0_i32_0 = arith.constant 0 : i32
    %c0_i32_1 = arith.constant 0 : i32
    return %c0_i32, %c0_i32_0 : i32, i32
  }
  func.func @transform_3(%arg0: i32) -> (i32, i32) {
    %c0_i32 = arith.constant 0 : i32
    %c0_i32_0 = arith.constant 0 : i32
    %c0_i32_1 = arith.constant 0 : i32
    return %c0_i32, %c0_i32_0 : i32, i32
  }
  func.func @transform_4(%arg0: i32) -> (i32, i32) {
    %c0_i32 = arith.constant 0 : i32
    %c0_i32_0 = arith.constant 0 : i32
    return %arg0, %c0_i32 : i32, i32
  }
}

module attributes {stable_mosaic.version = 14 : i64} {
  func.func @body(%arg0: memref<10000x64xf32, #tpu.memory_space<vmem>>, %arg1: memref<128x64xf32, #tpu.memory_space<vmem>>, %arg2: memref<10080x64xf32, #tpu.memory_space<vmem>>, %arg3: memref<10080x64xf32, #tpu.memory_space<vmem>>) attributes {dimension_semantics = [], scalar_prefetch = 0 : i64, scratch_operands = 0 : i64, tpu.core_type = #tpu.core_type<tc>} {
    %get3A = arith.constant 0 : index
    %get3A_0 = arith.constant 0 : index
    %get3A_1 = vector.load %arg0[%get3A, %get3A_0] : memref<10000x64xf32, #tpu.memory_space<vmem>>, vector<10000x64xf32>
    %get3A_2 = arith.constant 0 : index
    %get3A_3 = arith.constant 0 : index
    %get3A_4 = vector.load %arg1[%get3A_2, %get3A_3] : memref<128x64xf32, #tpu.memory_space<vmem>>, vector<64x64xf32>
    %get3A_5 = arith.constant 64 : index
    %get3A_6 = arith.constant 0 : index
    %get3A_7 = vector.load %arg1[%get3A_5, %get3A_6] : memref<128x64xf32, #tpu.memory_space<vmem>>, vector<64x64xf32>
    %sub3A = arith.subf %get3A_4, %get3A_7 : vector<64x64xf32>
    %dot_general3A = arith.constant dense<0.000000e+00> : vector<10000x64xf32>
    %dot_general3A_8 = tpu.matmul %get3A_1, %sub3A, %dot_general3A {dimension_numbers = #tpu.dot_dimension_numbers<[1], [0], [0], [1], [0, 0, 1, 1], [], []>, precision = #tpu.contract_precision<fp32>, transpose_lhs_hint = false} : vector<10000x64xf32>, vector<64x64xf32>, vector<10000x64xf32> -> vector<10000x64xf32>
    %swap3A = arith.constant 0 : index
    %swap3A_9 = arith.constant 0 : index
    %swap3A_10 = vector.load %arg2[%swap3A, %swap3A_9] : memref<10080x64xf32, #tpu.memory_space<vmem>>, vector<10000x64xf32>
    tpu.vector_store %arg2[%swap3A, %swap3A_9], %dot_general3A_8 {strides = array<i32>} : memref<10080x64xf32, #tpu.memory_space<vmem>>, vector<10000x64xf32>,
    %dot_general3A_11 = arith.constant dense<0.000000e+00> : vector<10000x64xf32>
    %dot_general3A_12 = tpu.matmul %get3A_1, %get3A_7, %dot_general3A_11 {dimension_numbers = #tpu.dot_dimension_numbers<[1], [0], [0], [1], [0, 0, 1, 1], [], []>, precision = #tpu.contract_precision<fp32>, transpose_lhs_hint = false} : vector<10000x64xf32>, vector<64x64xf32>, vector<10000x64xf32> -> vector<10000x64xf32>
    %swap3A_13 = arith.constant 0 : index
    %swap3A_14 = arith.constant 0 : index
    %swap3A_15 = vector.load %arg3[%swap3A_13, %swap3A_14] : memref<10080x64xf32, #tpu.memory_space<vmem>>, vector<10000x64xf32>
    tpu.vector_store %arg3[%swap3A_13, %swap3A_14], %dot_general3A_12 {strides = array<i32>} : memref<10080x64xf32, #tpu.memory_space<vmem>>, vector<10000x64xf32>,
    return
  }
}

</mosaic_0001>

<sc_bundles>
// kernel: kernel.11.cloned.1.call-start
scs
__scs_entry_jumppad:
0x0: {  	(pc) =	sbr.rel $0x88, $3  }
0x1: {  	(tag) =	ssettag $0x0;
	lr =	simm.s32 $0x1  }
0x2: {  	[smem:$0x3F97] =	sst lr;
	_ =	strace $0xD0000000  }
0x3: {  	_ = 	snop  }
0x4: {  	_ = 	snop  }
0x5: {  	_ = 	snop  }
0x6: {  	_ = 	snop  }
0x7: {  	_ = 	snop  }
__scs_overlays_trampoline_lowered:
0x8: {  	[smem:$0x3FA6] =	sst s0  }
0x9: {  	[smem:$0x3FA7] =	sst s1  }
0xa: {  	[smem:$0x3FA8] =	sst s2  }
0xb: {  	[smem:$0x3FA9] =	sst s3  }
0xc: {  	[smem:$0x3FAA] =	sst s4  }
0xd: {  	[smem:$0x3FAB] =	sst s5  }
0xe: {  	[smem:$0x3FAC] =	sst s6  }
0xf: {  	[smem:$0x3FAD] =	sst s7  }
0x10: {  	[smem:$0x3FAE] =	sst s8  }
0x11: {  	[smem:$0x3FAF] =	sst s9;
	s0 =	simm.s32 @!p0 $0x0  }
0x12: {  	s1 =	sld [smem:$0x3F95];
	s0 =	simm.s32 @p0 $0x1  }
0x13: {  	[smem:$0x3FB0] =	sst s0;
	s0 =	simm.s32 @!p1 $0x0  }
0x14: {  	s2 =	sld [smem:$0x3F94];
	s0 =	simm.s32 @p1 $0x1  }
0x15: {  	[smem:$0x3FB1] =	sst s0;
	s0 =	simm.s32 @!p2 $0x0  }
0x16: {  	s3 =	sld [smem:$0x3FDB];
	s0 =	simm.s32 @p2 $0x1  }
0x17: {  	s4 =	simm.s32 $0x1BF5;
	[smem:$0x3FB3] =	sst s0  }
0x18: {  	s0 =	sld [smem:$0x3F96];
	_ =	swait.ge [sflag:s4], $0x0  }
0x19: {  	s7 =	sld [smem:$0x3F97]  }
0x1a: {  	s8 =	sadd.s32 $0xFFFFE003, lr  }
0x1b: {  	s9 =	sadd.s32 $0xFFFFFEF7, lr;
	s5 =	simm.s32 $0xFFFFFFFF;
	p2 =	slt.u32 s8, $0xFFFFF086  }
0x1c: {  	p1 =	slt.u32 s9, $0xF7A;
	s5 =	simm.s32 @!p2 $0x0  }
0x1d: {  	s5 =	simm.s32 @p1 $0x1;
	p0 =	seq.s32 s7, s2  }
0x1e: {  	s7 =	smul.u32 @!p0 $0xF7A, s2;
	p2 =	seq.s32 @!p0 s5, $0x0  }
0x1f: {  	s9 =	smul.u32 $0xF7A, s1;
	s8 =	simm.s32 @!p0 $0x1BF5;
	p2 =	por !p2, p0  }
0x20: {  	[sflag:s8] =	ssyncset.s32 @!p0 $0xFFFFF086;
	s6 =	sadd.s32 @!p0 s3, s7;
	s7 =	simm.s32 @!p0 $0x108  }
0x21: {  	s3 =	sadd.s32 s3, s9;
	s6 =	sadd.s32 @!p0 $0x88, s6;
	s7 =	simm.s32 @p2 $0x1082  }
0x22: {  	[simem:s7], [sflag:s8] =	dma.local @!p0 [hbm:s6], $0xF7A  }
0x23: {  	s9 =	sor.u32 $0xD0000000, s2;
	s6 =	simm.s32 $0x108;
	_ =	swait.ge @!p0 [sflag:s8], $0x0  }
0x24: {  	s3 =	sadd.s32 $0x88, s3;
	s6 =	simm.s32 @!p1 $0x1082;
	[sflag:s4] =	ssyncset.s32 $0xFFFFF086  }
0x25: {  	[simem:s6], [sflag:s4] =	dma.local [hbm:s3], $0xF7A  }
0x26: {  	[smem:$0x3F97] =	sst s1;
	(tag) =	ssettag s2;
	_ =	strace s9  }
0x27: {  	s1 =	sld [smem:$0x3FA7]  }
0x28: {  	s2 =	sld [smem:$0x3FA8]  }
0x29: {  	s4 =	sld [smem:$0x3FAA]  }
0x2a: {  	p0 =	seq.s32 s5, $0x0;
	s5 =	sld [smem:$0x3FAB]  }
0x2b: {  	s6 =	sld [smem:$0x3FAC]  }
0x2c: {  	s7 =	sld [smem:$0x3FAD]  }
0x2d: {  	s3 =	simm.s32 $0x108;
	s8 =	sld [smem:$0x3FAE]  }
0x2e: {  	s3 =	simm.s32 @!p0 $0x1082;
	s9 =	sld [smem:$0x3FAF]  }
0x2f: {  	lr =	sadd.s32 s0, s3;
	s0 =	sld [smem:$0x3FA6]  }
0x30: {  	s3 =	sld [smem:$0x3FA9]  }
0x31: {  	[smem:$0x3FB2] =	sst s10  }
0x32: {  	s10 =	sld [smem:$0x3FB0];
	_ =	sdelay $0x3  }
0x33: {  	p0 =	seq.s32 s10, $0x1;
	s10 =	sld [smem:$0x3FB2];
	_ =	sdelay $0x3  }
0x34: {  	[smem:$0x3FB2] =	sst s10  }
0x35: {  	s10 =	sld [smem:$0x3FB1];
	_ =	sdelay $0x3  }
0x36: {  	p1 =	seq.s32 s10, $0x1;
	s10 =	sld [smem:$0x3FB2];
	_ =	sdelay $0x3  }
0x37: {  	[smem:$0x3FB2] =	sst s10  }
0x38: {  	s10 =	sld [smem:$0x3FB3]  }
0x39: {  	_ = 	snop;
	(pc) =	sbr.ind lr, $3  }
0x3a: {  	_ = 	snop  }
0x3b: {  	_ = 	snop  }
0x3c: {  	p2 =	seq.s32 s10, $0x1;
	s10 =	sld [smem:$0x3FB2]  }
0x3d: {  	_ =	shalt  }
0x3e: {  	_ =	shalt  }
0x3f: {  	_ =	shalt  }
0x40: {  	_ =	shalt  }
0x41: {  	_ =	shalt  }
0x42: {  	_ =	shalt  }
0x43: {  	_ =	shalt  }
0x44: {  	_ =	shalt  }
0x45: {  	_ =	shalt  }
0x46: {  	_ =	shalt  }
0x47: {  	_ =	shalt  }
0x48: {  	_ =	shalt  }
0x49: {  	_ =	shalt  }
0x4a: {  	_ =	shalt  }
0x4b: {  	_ =	shalt  }
0x4c: {  	_ =	shalt  }
0x4d: {  	_ =	shalt  }
0x4e: {  	_ =	shalt  }
0x4f: {  	_ =	shalt  }
0x50: {  	_ =	shalt  }
0x51: {  	_ =	shalt  }
0x52: {  	_ =	shalt  }
0x53: {  	_ =	shalt  }
0x54: {  	_ =	shalt  }
0x55: {  	_ =	shalt  }
0x56: {  	_ =	shalt  }
0x57: {  	_ =	shalt  }
0x58: {  	_ =	shalt  }
0x59: {  	_ =	shalt  }
0x5a: {  	_ =	shalt  }
0x5b: {  	_ =	shalt  }
0x5c: {  	_ =	shalt  }
0x5d: {  	_ =	shalt  }
0x5e: {  	_ =	shalt  }
0x5f: {  	_ =	shalt  }
0x60: {  	_ =	shalt  }
0x61: {  	_ =	shalt  }
0x62: {  	_ =	shalt  }
0x63: {  	_ =	shalt  }
0x64: {  	_ =	shalt  }
0x65: {  	_ =	shalt  }
0x66: {  	_ =	shalt  }
0x67: {  	_ =	shalt  }
0x68: {  	_ =	shalt  }
0x69: {  	_ =	shalt  }
0x6a: {  	_ =	shalt  }
0x6b: {  	_ =	shalt  }
0x6c: {  	_ =	shalt  }
0x6d: {  	_ =	shalt  }
0x6e: {  	_ =	shalt  }
0x6f: {  	_ =	shalt  }
0x70: {  	_ =	shalt  }
0x71: {  	_ =	shalt  }
0x72: {  	_ =	shalt  }
0x73: {  	_ =	shalt  }
0x74: {  	_ =	shalt  }
0x75: {  	_ =	shalt  }
0x76: {  	_ =	shalt  }
0x77: {  	_ =	shalt  }
0x78: {  	_ =	shalt  }
0x79: {  	_ =	shalt  }
0x7a: {  	_ =	shalt  }
0x7b: {  	_ =	shalt  }
0x7c: {  	_ =	shalt  }
0x7d: {  	_ =	shalt  }
0x7e: {  	_ =	shalt  }
0x7f: {  	_ =	shalt  }
0x80: {  	_ =	shalt  }
0x81: {  	_ =	shalt  }
0x82: {  	_ =	shalt  }
0x83: {  	_ =	shalt  }
0x84: {  	_ =	shalt  }
0x85: {  	_ =	shalt  }
0x86: {  	_ =	shalt  }
0x87: {  	_ =	shalt  }
.Lfunc_end0:
.L_simem_size_0:
called_computation_lowered:
.L_overlay_start_0:
0x88: {  	s2 =	sld [smem:$0x3FD9]  }
0x89: {  	s3 =	sld [smem:$0x3FFE];
	_ =	sdelay $0x1  }
0x8a: {  	s1 =	srdreg.scid  }
0x8b: {  	s0 =	sand.u32 $0x1, s1  }
0x8c: {  	s16 =	sshll.u32 s0, $0xA;
	s2 =	sadd.s32 s3, s2  }
0x8d: {  	s2 =	sadd.s32 s2, s16  }
0x8e: {  	[smem:$0x3FBE] =	sst s2  }
0x8f: {  	_ = 	snop  }
0x90: {  	(tm) =	ssettm $0x1  }
0x91: {  	s17 =	sld [smem:$0x3FFB];
	_ =	sdelay $0x3  }
0x92: {  	_ =	strace s17  }
0x93: {  	s2 =	sld [smem:$0x3FFC];
	_ =	sdelay $0x3  }
0x94: {  	_ =	strace s2  }
0x95: {  	s2 =	sld [smem:$0x3FFD];
	_ =	sdelay $0x3  }
0x96: {  	_ =	strace s2  }
0x97: {  	_ =	strace $0x8FFFFFFF  }
0x98: {  	s18 =	sld [smem:$0x3FDB];
	_ =	sdelay $0x1  }
0x99: {  	s19 =	simm.s32 $_scs_section_size  }
0x9a: {  	s4 =	simm.s32 $_size__tile_overlayer_lowered;
	s5 =	simm.s32 $_tile_overlayer_lowered  }
0x9b: {  	s22 =	simm.s32 $0x1BFF;
	s21 =	sshll.u32 s5, $0x1;
	s2 =	sadd.s32 s19, s18  }
0x9c: {  	s6 =	simm.s32 $0x0;
	s20 =	sshll.u32 s4, $0x1;
	s4 =	sadd.s32 s21, s2  }
0x9d: {  	[timem:s6], [sflag:s22] =	dma.local [hbm:s4], s20  }
0x9e: {  	_ =	swait.ge [sflag:s22], s20  }
0x9f: {  	s3 =	ssub.s32 $0x0, s20;
	[sflag:s22] =	ssyncset.done $0x0  }
0xa0: {  	[sflag:s22] =	ssyncadd.s32 s3;
	_ =	sdelay $0x1  }
0xa1: {  	s23 =	simm.s32 $0x1B8B  }
0xa2: {  	_ =	swait.ge [sflag:s23], $0x1  }
0xa3: {  	[sflag:s23] =	ssyncset.done $0x0  }
0xa4: {  	s25 =	simm.s32 $0x1B8E;
	s24 =	sld [smem:$0x3FFE];
	[sflag:s23] =	ssyncadd.s32 $0xFFFFFFFF  }
0xa5: {  	s26 =	simm.s32 $execute0_lowered;
	[smem:$0x3FD2] =	sst s25  }
0xa6: {  	s4 =	sshll.u32 s26, $0x1;
	_ =	strace $0x80000046;
	[dreg:$0x1] =	wrdreg $0xFFFFFFFF  }
0xa7: {  	s28 =	simm.s32 $_size_execute0_lowered;
	s2 =	sadd.s32 s2, s4;
	[dreg:$0x0] =	wrdreg $0x0  }
0xa8: {  	s4 =	sshll.u32 s28, $0x1;
	[dreg:$0x2] =	wrdreg s2  }
0xa9: {  	[dreg:$0x3] =	wrdreg s4  }
0xaa: {  	[dreg:$0x4] =	wrdreg $0xC0  }
0xab: {  	_ =	task [dreg:s6], $0x5FFFF  }
0xac: {  	[dreg:$0x1] =	wrdreg $0xFFFFFFFF  }
0xad: {  	[dreg:$0x0] =	wrdreg $0x60  }
0xae: {  	[dreg:$0x2] =	wrdreg s24  }
0xaf: {  	[dreg:$0x3] =	wrdreg $0x9  }
0xb0: {  	_ =	task.clear_ibuf [dreg:s6], $0x4FFFF;
	_ =	strace $0x90000046  }
0xb1: {  	s29 =	simm.s32 $0x9;
	_ =	strace $0x80000048  }
0xb2: {  	_ =	swait.ge [sflag:s29], $0x1  }
0xb3: {  	[sflag:s29] =	ssyncadd.s32 $0xFFFFFFFF  }
0xb4: {  	_ =	strace $0x90000048  }
0xb5: {  	_ =	sfence  }
0xb6: {  	s30 =	sld [smem:$0x0];
	_ =	sdelay $0x2  }
0xb7: {  	s31 =	sshll.u32 s1, $0xD;
	s1 =	sshrl.u32 s1, $0x2  }
0xb8: {  	s3 =	sand.u32 $0x4000, s31;
	s1 =	sadd.s32 s1, s30  }
0xb9: {  	s0 =	sor.u32 s3, s0;
	s1 =	sshll.u32 s1, $0x11  }
0xba: {  	s0 =	sor.u32 s1, s0  }
0xbb: {  	s0 =	sadd.s32 $0x8F2B, s0  }
0xbc: {  	[sflag:s0] =	ssyncadd.remote.s32 $0x1  }
0xbd: {  	_ =	sfence.sel $0xFFFF  }
0xbe: {  	[dreg:$0x0] =	wrdreg $0xFFFFFFFF;
	(pc) =	sbr.abs _section_cstart, $3  }
0xbf: {  	[dreg:$0x1] =	wrdreg $0xFFFFFFFF  }
0xc0: {  	_ =	task.clear_ibuf [dreg:s6], $0x2FFFF;
	_ =	strace $0x9FFFFFFF  }
0xc1: {  	(tm) =	ssettm $0x7FFFFFFF  }
tec
execute0_lowered:
.L_overlay_start_1:
0x0: {  	(tag) =	ssettag $0x1  }
0x1: {  	s5 =	rddreg [dreg:$0x0]  }
0x2: {  	s0 =	rddreg [dreg:$0x1]  }
0x3: {  	s3 =	srdreg.scid;
	s1 =	stileid.u32;
	s2 =	simm.s32 $0x0  }
0x4: {  	s11 =	simm.s32 $0xFA0;
	s12 =	simm.s32 $0x3B60;
	s15 =	simm.s32 $0x6720  }
0x5: {  	s16 =	simm.s32 $0x92E0;
	s4 =	sand.u32 $0x1, s3;
	s28 =	sshll.u32 s1, $0x1  }
0x6: {  	s17 =	simm.s32 $0xBFE0;
	s18 =	simm.s32 $0x0;
	s6 =	sor.u32 s4, s28  }
0x7: {  	[smem:$0x7FF] =	sst s2;
	s3 =	sadd.s32 $0xCA00, s5;
	s7 =	smul.u32 $0x578, s6  }
0x8: {  	_ =	strace $0x80000047;
	s9 =	ssub.s32 $0x2, s4;
	s8 =	smul.u32 $0x28, s6  }
0x9: {  	s4 =	sadd.s32 $0x2C00, s5;
	s10 =	sshrl.u32 s9, $0x1;
	s13 =	smul.u32 $0x139, s6  }
0xa: {  	s31 =	ssub.s32 s9, s10;
	s9 =	simm.s32 $0x1;
	s10 =	simm.s32 $0x7D0  }
0xb: {  	s29 =	sadd.s32 s7, s5;
	s30 =	sadd.s32 s8, s5;
	s14 =	sadd.s32 $0x139, s13  }
0xc: {  	v2 =	vimm.s32 $0x0;
	s8 =	smax.u32 s31, $0x1;
	v0 =	vmov s13;
	s13 =	simm.s32 $0xBEA0;
	s5 =	sadd.s32 $0x16800, s29  }
0xd: {  	v3 =	vimm.s32 $0x139;
	vm0 =	vmxor vm0, vm0;
	s6 =	sadd.s32 $0x21800, s29;
	s7 =	sadd.s32 $0x2C800, s30;
	v1 =	vmov s14;
	s14 =	simm.s32 $0xC120  }
.LBB2_1:
0xe: {  	s19 =	simm.s32 $0x40;
	s20 =	simm.s32 $0x0  }
.LBB2_2:
0xf: {  	p0 =	sne.s32 s19, $0xAEC0;
	[tilespmem:s20+$0x92E0] =	vst v3;
	s21 =	smov.u32 s19;
	s19 =	sadd.s32 $0x40, s19  }
.Ltmp0:
0x10: {  	[tilespmem:s20+$0x6720] =	vst v2;
	(pc) =	sbr.rel @p0 .LBB2_2-.Ltmp0, $3  }
0x11: {  	[tilespmem:s20+$0xFA0] =	vst v2  }
0x12: {  	[tilespmem:s20+$0x3B60] =	vst v3;
	_ =	sdelay $0x1  }
0x13: {  	s20 =	sshra.s32 s21, $0x2  }
0x14: {  	[tilespmem:s20+$0x92E0] =	vst v3  }
0x15: {  	[tilespmem:s20+$0x6720] =	vst v2  }
0x16: {  	[tilespmem:s20+$0xFA0] =	vst v2  }
0x17: {  	s19 =	simm.s32 $0x0;
	[tilespmem:s20+$0x3B60] =	vst v3;
	s21 =	simm.s32 $0x0;
	s20 =	simm.s32 $0x0  }
.LBB2_4:
0x18: {  	s22 =	smul.u32 $0xFA, s20;
	_ =	sdelay $0x1  }
0x19: {  	s23 =	sadd.s32 s3, s22  }
0x1a: {  	[tilespmem:s19], [sflag:$0x1] =	stream.linear.gather [hbm4b:s23+s19], $0x7D0, $0x38;
	[tilespmem:$0xC260] =	vst v63  }
0x1b: {  	_ =	swait.ge [sflag:s9], $0x7D0  }
0x1c: {  	[sflag:s9] =	ssyncset.done $0x0  }
0x1d: {  	s22 =	sadd.s32 s4, s22;
	[sflag:s9] =	ssyncadd.s32 $0xFFFFF830  }
0x1e: {  	[tilespmem:s10], [sflag:$0x1] =	stream.linear.gather [hbm4b:s22+s19], $0x7D0, $0x38;
	[tilespmem:$0xC260] =	vst v63  }
0x1f: {  	_ =	swait.ge [sflag:s9], $0x7D0  }
0x20: {  	[sflag:s9] =	ssyncset.done $0x0  }
0x21: {  	s31 =	simm.s32 $0x0;
	[sflag:s9] =	ssyncadd.s32 $0xFFFFF830  }
0x22: {  	v4 =	vld [tilespmem:s31+$0x0];
	_ =	sdelay $0x4  }
0x23: {  	p0 =	slt.s32 s21, $0x2BB1;
	vm3 =	vmmov vm0;
	vm1 =	vge.s32 v4, v0;
	vm2 =	vlt.s32 v4, v1  }
0x24: {  	vm3 =	vmneg @p0 vm3;
	vm1 =	vmand vm1, vm2  }
0x25: {  	vm1 =	vmand vm3, vm1  }
0x26: {  	v5 =	vsel vm1, $0x1, v2  }
0x27: {  	(xrf0) =	vadd.scan.msk.s32 $0xffff, v5;
	_ =	sdelay $0x5  }
0x28: {  	v5, _, _ =	vpop (xrf0)  }
0x29: {  	(v2sf) =	vpush v5, $0xF  }
0x2a: {  	v6 =	vmov s21  }
0x2b: {  	v6 =	vadd.s32 $0xFFFFFFFF, v6  }
0x2c: {  	v6 =	vbroadcast v6, $0x0;
	_ =	sdelay $0x1  }
0x2d: {  	v7 =	vld [tilespmem:s31+$0x7D0];
	v5 =	vadd.s32 v5, v6;
	_ =	sdelay $0x4  }
0x2e: {  	v4 =	vsub.s32 v4, v0;
	[tilespmem:v5+s11+$0x0] =	vst.idx.msk vm1, v7  }
0x2f: {  	s22 =	simm.s32 $0x10;
	[tilespmem:v5+s12+$0x0] =	vst.idx.msk vm1, v4  }
0x30: {  	v4 =	vld [tilespmem:s22+$0x0];
	_ =	sdelay $0x2  }
0x31: {  	s23 =	simm.s32 $0x80;
	s24 =	spop (v2sf)  }
.LBB2_5:
0x32: {  	p0 =	sne.s32 s23, $0x1F00  }
0x33: {  	s21 =	sadd.s32 s21, s24;
	s24 =	smov.u32 s23;
	s23 =	sadd.s32 $0x40, s23;
	vm1 =	vge.s32 v4, v0;
	vm2 =	vlt.s32 v4, v1  }
0x34: {  	p1 =	slt.s32 s21, $0x2BB1;
	v5 =	vmov s21;
	vm1 =	vmand vm1, vm2;
	vm2 =	vmmov vm0  }
0x35: {  	v5 =	vadd.s32 $0xFFFFFFFF, v5;
	vm2 =	vmneg @p1 vm2  }
0x36: {  	vm1 =	vmand vm2, vm1  }
0x37: {  	v6 =	vsel vm1, $0x1, v2  }
0x38: {  	(xrf0) =	vadd.scan.msk.s32 $0xffff, v6;
	_ =	sdelay $0x4  }
0x39: {  	v5 =	vbroadcast v5, $0x0  }
0x3a: {  	v6, _, _ =	vpop (xrf0)  }
0x3b: {  	v7 =	vld [tilespmem:s22+$0x7D0];
	v5 =	vadd.s32 v6, v5;
	(v2sf) =	vpush v6, $0xF;
	_ =	sdelay $0x4  }
0x3c: {  	v4 =	vsub.s32 v4, v0;
	[tilespmem:v5+s11+$0x0] =	vst.idx.msk vm1, v7  }
0x3d: {  	[tilespmem:v5+s12+$0x0] =	vst.idx.msk vm1, v4;
	_ =	sdelay $0x4  }
.Ltmp1:
0x3e: {  	s22 =	sshra.s32 s24, $0x2;
	(pc) =	sbr.rel @p0 .LBB2_5-.Ltmp1, $2  }
0x3f: {  	v4 =	vld [tilespmem:s22+$0x0];
	_ =	sdelay $0x2  }
0x40: {  	s24 =	spop (v2sf)  }
0x41: {  	s21 =	sadd.s32 s21, s24  }
0x42: {  	vm3 =	vmmov vm0;
	vm1 =	vge.s32 v4, v0;
	vm2 =	vlt.s32 v4, v1;
	p0 =	slt.s32 s21, $0x2BB1  }
0x43: {  	vm1 =	vmand vm1, vm2;
	vm3 =	vmneg @p0 vm3  }
0x44: {  	vm1 =	vmand vm3, vm1  }
0x45: {  	v5 =	vsel vm1, $0x1, v2  }
0x46: {  	(xrf0) =	vadd.scan.msk.s32 $0xffff, v5;
	_ =	sdelay $0x5  }
0x47: {  	v5, _, _ =	vpop (xrf0)  }
0x48: {  	(v2sf) =	vpush v5, $0xF;
	_ =	sdelay $0x5  }
0x49: {  	v6 =	vmov s21  }
0x4a: {  	v6 =	vadd.s32 $0xFFFFFFFF, v6  }
0x4b: {  	v6 =	vbroadcast v6, $0x0;
	_ =	sdelay $0x1  }
0x4c: {  	v7 =	vld [tilespmem:s22+$0x7D0];
	s20 =	sadd.s32 $0x1, s20;
	v5 =	vadd.s32 v5, v6  }
0x4d: {  	p0 =	sne.s32 s20, $0xA0  }
.Ltmp2:
0x4e: {  	_ = 	snop;
	(pc) =	sbr.rel @p0 .LBB2_4-.Ltmp2, $3  }
0x4f: {  	_ =	sdelay $0x1  }
0x50: {  	v4 =	vsub.s32 v4, v0;
	[tilespmem:v5+s11+$0x0] =	vst.idx.msk vm1, v7;
	s31 =	spop (v2sf)  }
0x51: {  	[tilespmem:v5+s12+$0x0] =	vst.idx.msk vm1, v4;
	s21 =	sadd.s32 s21, s31  }
0x52: {  	[tilespmem:$0xBEA0] =	vst v2  }
0x53: {  	[tilespmem:$0xBEB0] =	vst v2  }
0x54: {  	[tilespmem:$0xBEC0] =	vst v2  }
0x55: {  	[tilespmem:$0xBED0] =	vst v2  }
0x56: {  	[tilespmem:$0xBEE0] =	vst v2  }
0x57: {  	[tilespmem:$0xBEF0] =	vst v2  }
0x58: {  	[tilespmem:$0xBF00] =	vst v2  }
0x59: {  	[tilespmem:$0xBF10] =	vst v2  }
0x5a: {  	[tilespmem:$0xBF20] =	vst v2  }
0x5b: {  	[tilespmem:$0xBF30] =	vst v2  }
0x5c: {  	[tilespmem:$0xBF40] =	vst v2  }
0x5d: {  	[tilespmem:$0xBF50] =	vst v2  }
0x5e: {  	[tilespmem:$0xBF60] =	vst v2  }
0x5f: {  	[tilespmem:$0xBF70] =	vst v2  }
0x60: {  	[tilespmem:$0xBF80] =	vst v2  }
0x61: {  	[tilespmem:$0xBF90] =	vst v2  }
0x62: {  	[tilespmem:$0xBFA0] =	vst v2  }
0x63: {  	[tilespmem:$0xBFB0] =	vst v2  }
0x64: {  	[tilespmem:$0xBFC0] =	vst v2  }
0x65: {  	[tilespmem:$0xBFD0] =	vst v2;
	s19 =	simm.s32 $0x0;
	s21 =	simm.s32 $0x0;
	s20 =	simm.s32 $0x40  }
.LBB2_8:
0x66: {  	p0 =	sne.s32 s20, $0xAEC0;
	v4 =	vld [tilespmem:s21+$0x3B60];
	_ =	sdelay $0x4  }
0x67: {  	(xrf1) =	vunique.msk.u32 $0xffff, v4;
	_ =	sdelay $0xc  }
0x68: {  	v5 =	vld.idx.msk [tilespmem:v4+s13+$0x0], $0xffff  }
0x69: {  	_, v6, vm1 =	vpop (xrf1);
	_ =	sdelay $0x1  }
.Ltmp3:
0x6a: {  	(pc) =	sbr.rel @p0 .LBB2_8-.Ltmp3, $3  }
0x6b: {  	_ =	sdelay $0x1  }
0x6c: {  	v5 =	vadd.s32 v5, v6  }
0x6d: {  	s21 =	sshra.s32 s20, $0x2;
	s20 =	sadd.s32 $0x40, s20;
	[tilespmem:v4+s13+$0x0] =	vst.idx.msk vm1, v5  }
0x6e: {  	v4 =	vld [tilespmem:s21+$0x3B60];
	_ =	sdelay $0x4  }
0x6f: {  	(xrf1) =	vunique.msk.u32 $0xffff, v4;
	_ =	sdelay $0xd  }
0x70: {  	v5 =	vld.idx.msk [tilespmem:v4+s13+$0x0], $0xffff;
	_, v6, vm1 =	vpop (xrf1);
	_ =	sdelay $0x4  }
0x71: {  	v5 =	vadd.s32 v5, v6  }
0x72: {  	s20 =	simm.s32 $0x0;
	[tilespmem:v4+s13+$0x0] =	vst.idx.msk vm1, v5  }
0x73: {  	v4 =	vld [tilespmem:s20+$0xBEA0];
	_ =	sdelay $0x4  }
0x74: {  	(xrf0) =	vadd.scan.msk.s32 $0xffff, v4;
	_ =	sdelay $0x5  }
0x75: {  	v5, _, _ =	vpop (xrf0)  }
0x76: {  	v5 =	vadd.s32 s19, v5  }
0x77: {  	(v2sf) =	vpush v5, $0xF  }
0x78: {  	v4 =	vsub.s32 v5, v4  }
0x79: {  	s19 =	simm.s32 $0x40;
	[tilespmem:s20+$0xBFE0] =	vst v4;
	s20 =	simm.s32 $0x80  }
.LBB2_10:
0x7a: {  	p0 =	sne.s32 s20, $0x4C0;
	s21 =	sshra.s32 s19, $0x2;
	s19 =	smov.u32 s20  }
0x7b: {  	v4 =	vld [tilespmem:s21+$0xBEA0];
	_ =	sdelay $0x4  }
0x7c: {  	(xrf0) =	vadd.scan.msk.s32 $0xffff, v4;
	_ =	sdelay $0x5  }
.Ltmp4:
0x7d: {  	v5, _, _ =	vpop (xrf0);
	s22 =	spop (v2sf);
	(pc) =	sbr.rel @p0 .LBB2_10-.Ltmp4, $4  }
0x7e: {  	v5 =	vadd.s32 s22, v5  }
0x7f: {  	v4 =	vsub.s32 v5, v4;
	(v2sf) =	vpush v5, $0xF  }
0x80: {  	[tilespmem:s21+$0xBFE0] =	vst v4  }
0x81: {  	s20 =	sadd.s32 $0x40, s20  }
0x82: {  	s19 =	sshra.s32 s19, $0x2  }
0x83: {  	v4 =	vld [tilespmem:s19+$0xBEA0];
	_ =	sdelay $0x4  }
0x84: {  	(xrf0) =	vadd.scan.msk.s32 $0xffff, v4;
	_ =	sdelay $0x5  }
0x85: {  	v5, _, _ =	vpop (xrf0);
	s20 =	spop (v2sf)  }
0x86: {  	v5 =	vadd.s32 s20, v5  }
0x87: {  	v4 =	vsub.s32 v5, v4  }
0x88: {  	[tilespmem:s19+$0xBFE0] =	vst v4  }
0x89: {  	v4 =	vld [tilespmem:$0xBFE0]  }
0x8a: {  	v6 =	vld [tilespmem:$0xBFF0]  }
0x8b: {  	v7 =	vld [tilespmem:$0xC000]  }
0x8c: {  	v8 =	vld [tilespmem:$0xC010]  }
0x8d: {  	v9 =	vld [tilespmem:$0xC020]  }
0x8e: {  	v58 =	vld [tilespmem:$0xC060];
	[tilespmem:$0xC120] =	vst v4  }
0x8f: {  	v59 =	vld [tilespmem:$0xC070];
	[tilespmem:$0xC130] =	vst v6  }
0x90: {  	v4 =	vld [tilespmem:$0xC030];
	[tilespmem:$0xC140] =	vst v7  }
0x91: {  	v6 =	vld [tilespmem:$0xC040];
	[tilespmem:$0xC150] =	vst v8  }
0x92: {  	v7 =	vld [tilespmem:$0xC050];
	[tilespmem:$0xC160] =	vst v9  }
0x93: {  	v60 =	vld [tilespmem:$0xC0B0];
	[tilespmem:$0xC1A0] =	vst v58  }
0x94: {  	v61 =	vld [tilespmem:$0xC0C0];
	[tilespmem:$0xC1B0] =	vst v59  }
0x95: {  	[tilespmem:$0xC170] =	vst v4;
	v4 =	vld [tilespmem:$0xC080]  }
0x96: {  	[tilespmem:$0xC180] =	vst v6;
	v6 =	vld [tilespmem:$0xC090]  }
0x97: {  	[tilespmem:$0xC190] =	vst v7;
	v7 =	vld [tilespmem:$0xC0A0]  }
0x98: {  	v62 =	vld [tilespmem:$0xC100];
	[tilespmem:$0xC1F0] =	vst v60  }
0x99: {  	v63 =	vld [tilespmem:$0xC110];
	[tilespmem:$0xC200] =	vst v61  }
0x9a: {  	[tilespmem:$0xC1C0] =	vst v4;
	v4 =	vld [tilespmem:$0xC0D0]  }
0x9b: {  	[tilespmem:$0xC1D0] =	vst v6;
	v6 =	vld [tilespmem:$0xC0E0]  }
0x9c: {  	[tilespmem:$0xC1E0] =	vst v7;
	v7 =	vld [tilespmem:$0xC0F0]  }
0x9d: {  	[tilespmem:$0xC240] =	vst v62  }
0x9e: {  	[tilespmem:$0xC250] =	vst v63  }
0x9f: {  	[tilespmem:$0xC210] =	vst v4  }
0xa0: {  	[tilespmem:$0xC220] =	vst v6  }
0xa1: {  	s30 =	simm.s32 $0x0;
	[tilespmem:$0xC230] =	vst v7  }
0xa2: {  	v4 =	vld [tilespmem:s30+$0x3B60];
	_ =	sdelay $0x4  }
0xa3: {  	(xrf1) =	vunique.msk.u32 $0xffff, v4;
	_ =	sdelay $0x8  }
0xa4: {  	(v2sf) =	vpush v5, $0xF  }
0xa5: {  	v5 =	vld.idx.msk [tilespmem:v4+s14+$0x0], $0xffff;
	_ =	sdelay $0x3  }
0xa6: {  	_, v6, vm1 =	vpop (xrf1)  }
0xa7: {  	v5 =	vadd.s32 v5, v6  }
0xa8: {  	v5 =	vadd.s32 $0xFFFFFFFF, v5  }
0xa9: {  	vm2 =	vlt.s32 v5, $0x2BBF  }
0xaa: {  	v6 =	vld [tilespmem:s30+$0xFA0];
	v5 =	vnsel vm2, $0x2BBF, v5;
	_ =	sdelay $0x4  }
0xab: {  	[tilespmem:v5+s15+$0x0] =	vst.idx.msk $0xffff, v6  }
0xac: {  	s20 =	simm.s32 $0x80;
	s19 =	simm.s32 $0x40;
	s31 =	spop (v2sf);
	[tilespmem:v5+s16+$0x0] =	vst.idx.msk $0xffff, v4;
	v5 =	vadd.s32 $0x1, v5  }
.LBB2_12:
0xad: {  	p0 =	sne.s32 s20, $0xAEC0  }
0xae: {  	s21 =	sshra.s32 s19, $0x2;
	[tilespmem:v4+s14+$0x0] =	vst.idx.msk vm1, v5;
	s19 =	smov.u32 s20;
	s20 =	sadd.s32 $0x40, s20  }
0xaf: {  	v4 =	vld [tilespmem:s21+$0x3B60];
	_ =	sdelay $0x4  }
0xb0: {  	(xrf1) =	vunique.msk.u32 $0xffff, v4;
	_ =	sdelay $0x8  }
0xb1: {  	v5 =	vld.idx.msk [tilespmem:v4+s14+$0x0], $0xffff;
	_ =	sdelay $0x4  }
0xb2: {  	_, v6, vm1 =	vpop (xrf1)  }
0xb3: {  	v5 =	vadd.s32 v5, v6  }
0xb4: {  	v5 =	vadd.s32 $0xFFFFFFFF, v5  }
0xb5: {  	vm2 =	vlt.s32 v5, $0x2BBF  }
0xb6: {  	v6 =	vld [tilespmem:s21+$0xFA0];
	v5 =	vnsel vm2, $0x2BBF, v5;
	_ =	sdelay $0x1  }
.Ltmp5:
0xb7: {  	(pc) =	sbr.rel @p0 .LBB2_12-.Ltmp5, $3  }
0xb8: {  	_ =	sdelay $0x1  }
0xb9: {  	[tilespmem:v5+s15+$0x0] =	vst.idx.msk $0xffff, v6  }
0xba: {  	[tilespmem:v5+s16+$0x0] =	vst.idx.msk $0xffff, v4;
	v5 =	vadd.s32 $0x1, v5  }
0xbb: {  	_ =	sdelay $0x4  }
0xbc: {  	s19 =	sshra.s32 s19, $0x2;
	[tilespmem:v4+s14+$0x0] =	vst.idx.msk vm1, v5  }
0xbd: {  	v4 =	vld [tilespmem:s19+$0x3B60];
	_ =	sdelay $0x4  }
0xbe: {  	(xrf1) =	vunique.msk.u32 $0xffff, v4;
	_ =	sdelay $0x9  }
0xbf: {  	v5 =	vld.idx.msk [tilespmem:v4+s14+$0x0], $0xffff;
	_ =	sdelay $0x3  }
0xc0: {  	_, v6, vm1 =	vpop (xrf1)  }
0xc1: {  	v5 =	vadd.s32 v5, v6  }
0xc2: {  	v5 =	vadd.s32 $0xFFFFFFFF, v5  }
0xc3: {  	vm2 =	vlt.s32 v5, $0x2BBF  }
0xc4: {  	v63 =	vld [tilespmem:s19+$0xFA0];
	v5 =	vnsel vm2, $0x2BBF, v5;
	_ =	sdelay $0x4  }
0xc5: {  	[tilespmem:v5+s15+$0x0] =	vst.idx.msk $0xffff, v63  }
0xc6: {  	[tilespmem:v5+s16+$0x0] =	vst.idx.msk $0xffff, v4;
	v5 =	vadd.s32 $0x1, v5  }
0xc7: {  	[tilespmem:v4+s14+$0x0] =	vst.idx.msk vm1, v5  }
0xc8: {  	[hbm4b:s5+s2] =	stream.linear.scatter [tilespmem:s16], [sflag:$0x1], $0x2BC0, $0x38;
	[tilespmem:$0xC260] =	vst v63  }
0xc9: {  	_ =	swait.ge [sflag:s9], $0x2BC0  }
0xca: {  	[sflag:s9] =	ssyncset.done $0x0  }
0xcb: {  	[sflag:s9] =	ssyncadd.s32 $0xFFFFD440  }
0xcc: {  	[hbm4b:s6+s2] =	stream.linear.scatter [tilespmem:s15], [sflag:$0x1], $0x2BC0, $0x38;
	[tilespmem:$0xC260] =	vst v63  }
0xcd: {  	s18 =	sadd.s32 $0x1, s18;
	_ =	swait.ge [sflag:s9], $0x2BC0  }
0xce: {  	p0 =	sne.s32 s18, s8;
	[sflag:s9] =	ssyncset.done $0x0  }
.Ltmp6:
0xcf: {  	[sflag:s9] =	ssyncadd.s32 $0xFFFFD440;
	(pc) =	sbr.rel @p0 .LBB2_1-.Ltmp6, $4  }
0xd0: {  	[hbm4b:s7+s2] =	stream.linear.scatter [tilespmem:s17], [sflag:$0x1], $0x140, $0x38;
	[tilespmem:$0xC260] =	vst v63  }
0xd1: {  	_ =	swait.ge [sflag:s9], $0x140  }
0xd2: {  	[sflag:s9] =	ssyncset.done $0x0  }
0xd3: {  	[sflag:s9] =	ssyncadd.s32 $0xFFFFFEC0  }
0xd4: {  	_ =	sfence.sel $0x180000  }
0xd5: {  	[bflag:$0x0] =	sbarrier.arrive $0xFFFF  }
0xd6: {  	p0 =	sne.s32 s1, $0x0;
	_ =	strace $0x90000047  }
0xd7: {  	s0 =	sadd.s32 @!p0 $0x100000, s0;
	[bflag:$0x2] =	sbarrier.arrive $0xFFFF  }
0xd8: {  	[sflag:s0] =	ssyncadd.tile.s32 @!p0 $0x1;
	_ =	shalt  }
.Lfunc_end2:
_tile_overlayer_lowered:
.L_overlay_start_2:
0xd9: {  	(tag) =	ssettag $0x2  }
0xda: {  	s0 =	rddreg [dreg:$0x0];
	s2 =	stileid.u32  }
0xdb: {  	s1 =	rddreg [dreg:$0x1];
	p0 =	sne.s32 s2, $0x0  }
0xdc: {  	s3 =	rddreg [dreg:$0x2];
	[bflag:$0x3] =	sbarrier.arrive $0xFFFF;
	s2 =	simm.s32 @!p0 $0x1C01  }
0xdd: {  	[timem:s3], [sflag:s2] =	dma.local @!p0 [hbm:s0], s1  }
0xde: {  	s0 =	simm.s32 @!p0 $0x1  }
0xdf: {  	_ =	swait.ge @!p0 [sflag:s0], s1  }
0xe0: {  	s1 =	ssub.s32 @!p0 $0x0, s1;
	[sflag:s0] =	ssyncset.done @!p0 $0x0  }
0xe1: {  	[sflag:s0] =	ssyncadd.s32 @!p0 s1  }
0xe2: {  	[bflag:$0x3] =	sbarrier.arrive $0xFFFF  }
0xe3: {  	_ =	shalt  }

// kernel: kernel.14.cloned.1.call-start
scs
__scs_entry_jumppad:
0x0: {  	(pc) =	sbr.rel $0x88, $3  }
0x1: {  	(tag) =	ssettag $0x0;
	lr =	simm.s32 $0x1  }
0x2: {  	[smem:$0x3F97] =	sst lr;
	_ =	strace $0xD0000000  }
0x3: {  	_ = 	snop  }
0x4: {  	_ = 	snop  }
0x5: {  	_ = 	snop  }
0x6: {  	_ = 	snop  }
0x7: {  	_ = 	snop  }
__scs_overlays_trampoline_lowered:
0x8: {  	[smem:$0x3FA6] =	sst s0  }
0x9: {  	[smem:$0x3FA7] =	sst s1  }
0xa: {  	[smem:$0x3FA8] =	sst s2  }
0xb: {  	[smem:$0x3FA9] =	sst s3  }
0xc: {  	[smem:$0x3FAA] =	sst s4  }
0xd: {  	[smem:$0x3FAB] =	sst s5  }
0xe: {  	[smem:$0x3FAC] =	sst s6  }
0xf: {  	[smem:$0x3FAD] =	sst s7  }
0x10: {  	[smem:$0x3FAE] =	sst s8  }
0x11: {  	[smem:$0x3FAF] =	sst s9;
	s0 =	simm.s32 @!p0 $0x0  }
0x12: {  	s1 =	sld [smem:$0x3F95];
	s0 =	simm.s32 @p0 $0x1  }
0x13: {  	[smem:$0x3FB0] =	sst s0;
	s0 =	simm.s32 @!p1 $0x0  }
0x14: {  	s2 =	sld [smem:$0x3F94];
	s0 =	simm.s32 @p1 $0x1  }
0x15: {  	[smem:$0x3FB1] =	sst s0;
	s0 =	simm.s32 @!p2 $0x0  }
0x16: {  	s3 =	sld [smem:$0x3FDB];
	s0 =	simm.s32 @p2 $0x1  }
0x17: {  	s4 =	simm.s32 $0x1BF5;
	[smem:$0x3FB3] =	sst s0  }
0x18: {  	s0 =	sld [smem:$0x3F96];
	_ =	swait.ge [sflag:s4], $0x0  }
0x19: {  	s7 =	sld [smem:$0x3F97]  }
0x1a: {  	s8 =	sadd.s32 $0xFFFFE003, lr  }
0x1b: {  	s9 =	sadd.s32 $0xFFFFFEF7, lr;
	s5 =	simm.s32 $0xFFFFFFFF;
	p2 =	slt.u32 s8, $0xFFFFF086  }
0x1c: {  	p1 =	slt.u32 s9, $0xF7A;
	s5 =	simm.s32 @!p2 $0x0  }
0x1d: {  	s5 =	simm.s32 @p1 $0x1;
	p0 =	seq.s32 s7, s2  }
0x1e: {  	s7 =	smul.u32 @!p0 $0xF7A, s2;
	p2 =	seq.s32 @!p0 s5, $0x0  }
0x1f: {  	s9 =	smul.u32 $0xF7A, s1;
	s8 =	simm.s32 @!p0 $0x1BF5;
	p2 =	por !p2, p0  }
0x20: {  	[sflag:s8] =	ssyncset.s32 @!p0 $0xFFFFF086;
	s6 =	sadd.s32 @!p0 s3, s7;
	s7 =	simm.s32 @!p0 $0x108  }
0x21: {  	s3 =	sadd.s32 s3, s9;
	s6 =	sadd.s32 @!p0 $0x88, s6;
	s7 =	simm.s32 @p2 $0x1082  }
0x22: {  	[simem:s7], [sflag:s8] =	dma.local @!p0 [hbm:s6], $0xF7A  }
0x23: {  	s9 =	sor.u32 $0xD0000000, s2;
	s6 =	simm.s32 $0x108;
	_ =	swait.ge @!p0 [sflag:s8], $0x0  }
0x24: {  	s3 =	sadd.s32 $0x88, s3;
	s6 =	simm.s32 @!p1 $0x1082;
	[sflag:s4] =	ssyncset.s32 $0xFFFFF086  }
0x25: {  	[simem:s6], [sflag:s4] =	dma.local [hbm:s3], $0xF7A  }
0x26: {  	[smem:$0x3F97] =	sst s1;
	(tag) =	ssettag s2;
	_ =	strace s9  }
0x27: {  	s1 =	sld [smem:$0x3FA7]  }
0x28: {  	s2 =	sld [smem:$0x3FA8]  }
0x29: {  	s4 =	sld [smem:$0x3FAA]  }
0x2a: {  	p0 =	seq.s32 s5, $0x0;
	s5 =	sld [smem:$0x3FAB]  }
0x2b: {  	s6 =	sld [smem:$0x3FAC]  }
0x2c: {  	s7 =	sld [smem:$0x3FAD]  }
0x2d: {  	s3 =	simm.s32 $0x108;
	s8 =	sld [smem:$0x3FAE]  }
0x2e: {  	s3 =	simm.s32 @!p0 $0x1082;
	s9 =	sld [smem:$0x3FAF]  }
0x2f: {  	lr =	sadd.s32 s0, s3;
	s0 =	sld [smem:$0x3FA6]  }
0x30: {  	s3 =	sld [smem:$0x3FA9]  }
0x31: {  	[smem:$0x3FB2] =	sst s10  }
0x32: {  	s10 =	sld [smem:$0x3FB0];
	_ =	sdelay $0x3  }
0x33: {  	p0 =	seq.s32 s10, $0x1;
	s10 =	sld [smem:$0x3FB2];
	_ =	sdelay $0x3  }
0x34: {  	[smem:$0x3FB2] =	sst s10  }
0x35: {  	s10 =	sld [smem:$0x3FB1];
	_ =	sdelay $0x3  }
0x36: {  	p1 =	seq.s32 s10, $0x1;
	s10 =	sld [smem:$0x3FB2];
	_ =	sdelay $0x3  }
0x37: {  	[smem:$0x3FB2] =	sst s10  }
0x38: {  	s10 =	sld [smem:$0x3FB3]  }
0x39: {  	_ = 	snop;
	(pc) =	sbr.ind lr, $3  }
0x3a: {  	_ = 	snop  }
0x3b: {  	_ = 	snop  }
0x3c: {  	p2 =	seq.s32 s10, $0x1;
	s10 =	sld [smem:$0x3FB2]  }
0x3d: {  	_ =	shalt  }
0x3e: {  	_ =	shalt  }
0x3f: {  	_ =	shalt  }
0x40: {  	_ =	shalt  }
0x41: {  	_ =	shalt  }
0x42: {  	_ =	shalt  }
0x43: {  	_ =	shalt  }
0x44: {  	_ =	shalt  }
0x45: {  	_ =	shalt  }
0x46: {  	_ =	shalt  }
0x47: {  	_ =	shalt  }
0x48: {  	_ =	shalt  }
0x49: {  	_ =	shalt  }
0x4a: {  	_ =	shalt  }
0x4b: {  	_ =	shalt  }
0x4c: {  	_ =	shalt  }
0x4d: {  	_ =	shalt  }
0x4e: {  	_ =	shalt  }
0x4f: {  	_ =	shalt  }
0x50: {  	_ =	shalt  }
0x51: {  	_ =	shalt  }
0x52: {  	_ =	shalt  }
0x53: {  	_ =	shalt  }
0x54: {  	_ =	shalt  }
0x55: {  	_ =	shalt  }
0x56: {  	_ =	shalt  }
0x57: {  	_ =	shalt  }
0x58: {  	_ =	shalt  }
0x59: {  	_ =	shalt  }
0x5a: {  	_ =	shalt  }
0x5b: {  	_ =	shalt  }
0x5c: {  	_ =	shalt  }
0x5d: {  	_ =	shalt  }
0x5e: {  	_ =	shalt  }
0x5f: {  	_ =	shalt  }
0x60: {  	_ =	shalt  }
0x61: {  	_ =	shalt  }
0x62: {  	_ =	shalt  }
0x63: {  	_ =	shalt  }
0x64: {  	_ =	shalt  }
0x65: {  	_ =	shalt  }
0x66: {  	_ =	shalt  }
0x67: {  	_ =	shalt  }
0x68: {  	_ =	shalt  }
0x69: {  	_ =	shalt  }
0x6a: {  	_ =	shalt  }
0x6b: {  	_ =	shalt  }
0x6c: {  	_ =	shalt  }
0x6d: {  	_ =	shalt  }
0x6e: {  	_ =	shalt  }
0x6f: {  	_ =	shalt  }
0x70: {  	_ =	shalt  }
0x71: {  	_ =	shalt  }
0x72: {  	_ =	shalt  }
0x73: {  	_ =	shalt  }
0x74: {  	_ =	shalt  }
0x75: {  	_ =	shalt  }
0x76: {  	_ =	shalt  }
0x77: {  	_ =	shalt  }
0x78: {  	_ =	shalt  }
0x79: {  	_ =	shalt  }
0x7a: {  	_ =	shalt  }
0x7b: {  	_ =	shalt  }
0x7c: {  	_ =	shalt  }
0x7d: {  	_ =	shalt  }
0x7e: {  	_ =	shalt  }
0x7f: {  	_ =	shalt  }
0x80: {  	_ =	shalt  }
0x81: {  	_ =	shalt  }
0x82: {  	_ =	shalt  }
0x83: {  	_ =	shalt  }
0x84: {  	_ =	shalt  }
0x85: {  	_ =	shalt  }
0x86: {  	_ =	shalt  }
0x87: {  	_ =	shalt  }
.Lfunc_end0:
.L_simem_size_0:
called_computation.1_lowered:
.L_overlay_start_0:
0x88: {  	s2 =	sld [smem:$0x3FD9]  }
0x89: {  	s3 =	sld [smem:$0x3FFE];
	_ =	sdelay $0x1  }
0x8a: {  	s1 =	srdreg.scid  }
0x8b: {  	s0 =	sand.u32 $0x1, s1  }
0x8c: {  	s17 =	sshll.u32 s0, $0xA;
	s2 =	sadd.s32 s3, s2  }
0x8d: {  	s2 =	sadd.s32 s2, s17  }
0x8e: {  	[smem:$0x3FBE] =	sst s2  }
0x8f: {  	_ = 	snop  }
0x90: {  	s2 =	sld [smem:$0x3FD0];
	(tm) =	ssettm $0x1  }
0x91: {  	s18 =	sld [smem:$0x3FFB];
	_ =	sdelay $0x3  }
0x92: {  	_ =	strace s18  }
0x93: {  	s3 =	sld [smem:$0x3FFC];
	_ =	sdelay $0x3  }
0x94: {  	_ =	strace s3  }
0x95: {  	s3 =	sld [smem:$0x3FFD];
	_ =	sdelay $0x3  }
0x96: {  	_ =	strace s3  }
0x97: {  	_ =	strace $0x8FFFFFFF  }
0x98: {  	s19 =	sld [smem:$0x3FDB];
	_ =	sdelay $0x1  }
0x99: {  	s4 =	simm.s32 $_scs_section_size  }
0x9a: {  	s5 =	simm.s32 $_size__tile_overlayer_lowered;
	s6 =	simm.s32 $_tile_overlayer_lowered  }
0x9b: {  	s22 =	simm.s32 $0x1BFF;
	s21 =	sshll.u32 s6, $0x1;
	s3 =	sadd.s32 s4, s19  }
0x9c: {  	s7 =	simm.s32 $0x0;
	s20 =	sshll.u32 s5, $0x1;
	s5 =	sadd.s32 s21, s3  }
0x9d: {  	[timem:s7], [sflag:s22] =	dma.local [hbm:s5], s20  }
0x9e: {  	_ =	swait.ge [sflag:s22], s20  }
0x9f: {  	s4 =	ssub.s32 $0x0, s20;
	[sflag:s22] =	ssyncset.done $0x0  }
0xa0: {  	[sflag:s22] =	ssyncadd.s32 s4;
	_ =	sdelay $0x1  }
0xa1: {  	s23 =	simm.s32 $0x1B8B  }
0xa2: {  	_ =	swait.ge [sflag:s23], $0x1  }
0xa3: {  	[sflag:s23] =	ssyncset.done $0x0  }
0xa4: {  	s25 =	simm.s32 $0x1B8E;
	s24 =	sld [smem:$0x3FFE];
	[sflag:s23] =	ssyncadd.s32 $0xFFFFFFFF  }
0xa5: {  	s26 =	simm.s32 $execute0_lowered;
	[smem:$0x3FD2] =	sst s25  }
0xa6: {  	s5 =	sshll.u32 s26, $0x1;
	_ =	strace $0x80000049;
	[dreg:$0x1] =	wrdreg $0xFFFFFFFF  }
0xa7: {  	s28 =	simm.s32 $_size_execute0_lowered;
	s3 =	sadd.s32 s3, s5;
	[dreg:$0x0] =	wrdreg $0x0  }
0xa8: {  	s5 =	sshll.u32 s28, $0x1;
	[dreg:$0x2] =	wrdreg s3  }
0xa9: {  	[dreg:$0x3] =	wrdreg s5  }
0xaa: {  	[dreg:$0x4] =	wrdreg $0xC0  }
0xab: {  	_ =	task [dreg:s7], $0x5FFFF  }
0xac: {  	[dreg:$0x1] =	wrdreg $0xFFFFFFFF  }
0xad: {  	[dreg:$0x0] =	wrdreg $0x60  }
0xae: {  	[dreg:$0x2] =	wrdreg s24  }
0xaf: {  	[dreg:$0x3] =	wrdreg s2  }
0xb0: {  	[dreg:$0x4] =	wrdreg $0x9  }
0xb1: {  	_ =	task.clear_ibuf [dreg:s7], $0x5FFFF;
	_ =	strace $0x90000049  }
0xb2: {  	s29 =	simm.s32 $0x9;
	_ =	strace $0x8000004B  }
0xb3: {  	_ =	swait.ge [sflag:s29], $0x1  }
0xb4: {  	[sflag:s29] =	ssyncadd.s32 $0xFFFFFFFF  }
0xb5: {  	_ =	strace $0x9000004B  }
0xb6: {  	_ =	sfence  }
0xb7: {  	s30 =	sld [smem:$0x0];
	_ =	sdelay $0x2  }
0xb8: {  	s31 =	sshll.u32 s1, $0xD;
	s1 =	sshrl.u32 s1, $0x2  }
0xb9: {  	s3 =	sand.u32 $0x4000, s31;
	s1 =	sadd.s32 s1, s30  }
0xba: {  	s0 =	sor.u32 s3, s0;
	s1 =	sshll.u32 s1, $0x11  }
0xbb: {  	s0 =	sor.u32 s1, s0  }
0xbc: {  	s0 =	sadd.s32 $0x8F2B, s0  }
0xbd: {  	[sflag:s0] =	ssyncadd.remote.s32 $0x1  }
0xbe: {  	_ =	sfence.sel $0xFFFF  }
0xbf: {  	[dreg:$0x0] =	wrdreg $0xFFFFFFFF;
	(pc) =	sbr.abs _section_cstart, $3  }
0xc0: {  	[dreg:$0x1] =	wrdreg $0xFFFFFFFF  }
0xc1: {  	_ =	task.clear_ibuf [dreg:s7], $0x2FFFF;
	_ =	strace $0x9FFFFFFF  }
0xc2: {  	(tm) =	ssettm $0x7FFFFFFF  }
0xc3: {  	_ =	shalt  }
tec
execute0_lowered:
.L_overlay_start_1:
0x0: {  	(tag) =	ssettag $0x1  }
0x1: {  	s0 =	srdreg.scid;
	s5 =	rddreg [dreg:$0x0]  }
0x2: {  	s1 =	stileid.u32;
	s6 =	rddreg [dreg:$0x1]  }
0x3: {  	s3 =	simm.s32 $0x0;
	s13 =	simm.s32 $0x28;
	s14 =	simm.s32 $0x9100  }
0x4: {  	s22 =	simm.s32 $0xC300;
	s0 =	sand.u32 $0x1, s0;
	s1 =	sshll.u32 s1, $0x1  }
0x5: {  	s23 =	simm.s32 $0xCD00;
	s24 =	simm.s32 $0xD700;
	s1 =	sor.u32 s0, s1  }
0x6: {  	s25 =	simm.s32 $0xE100;
	s26 =	simm.s32 $0xEB00;
	s2 =	smul.u32 $0x2BC0, s1  }
0x7: {  	s28 =	simm.s32 $0x1;
	s0 =	ssub.s32 $0x2, s0;
	s7 =	smul.u32 $0x28, s1  }
0x8: {  	[smem:$0x7FF] =	sst s3;
	s9 =	sshrl.u32 s0, $0x1;
	s1 =	smul.u32 $0x9C8, s1  }
0x9: {  	s29 =	simm.s32 $0x2;
	_ =	strace $0x8000004A;
	s0 =	ssub.s32 s0, s9  }
.Ltmp0:
0xa: {  	s4 =	sshrl.u32 s2, $0x3;
	s1 =	sadd.s32 s6, s1;
	(pc) =	sbr.rel .LBB2_1-.Ltmp0, $4  }
0xb: {  	s7 =	sadd.s32 s7, s5;
	s0 =	smax.u32 s0, $0x1;
	[dreg:$0x5] =	wrdreg s1  }
0xc: {  	s8 =	sadd.s32 s4, s5;
	s7 =	sadd.s32 $0x2C800, s7;
	[dreg:$0x6] =	wrdreg s0  }
0xd: {  	s6 =	simm.s32 $0x0;
	s8 =	sadd.s32 $0x21800, s8;
	[dreg:$0x4] =	wrdreg s7  }
0xe: {  	s4 =	sadd.s32 $0x2CE00, s5;
	s5 =	sadd.s32 $0x40A00, s5;
	[dreg:$0x3] =	wrdreg s8  }
.LBB2_17:
0xf: {  	s0 =	simm.s32 $0x3  }
0x10: {  	_ =	swait.ge [sflag:s0], $0x3200  }
0x11: {  	[sflag:s0] =	ssyncset.done $0x0  }
0x12: {  	s1 =	simm.s32 $0x4;
	[sflag:s0] =	ssyncadd.s32 $0xFFFFCE00  }
0x13: {  	_ =	swait.ge [sflag:s1], $0x3200  }
0x14: {  	s6 =	rddreg [dreg:$0x7]  }
0x15: {  	s31 =	rddreg [dreg:$0x6];
	s6 =	sadd.s32 $0x1, s6  }
0x16: {  	p0 =	sne.s32 s6, s31  }
.Ltmp1:
0x17: {  	_ = 	snop;
	(pc) =	sbr.rel @!p0 .LBB2_18-.Ltmp1, $3  }
0x18: {  	_ =	sdelay $0x1  }
0x19: {  	[sflag:s1] =	ssyncset.done $0x0  }
0x1a: {  	[sflag:s1] =	ssyncadd.s32 $0xFFFFCE00  }
.LBB2_1:
0x1b: {  	[dreg:$0x7] =	wrdreg s6  }
0x1c: {  	s0 =	rddreg [dreg:$0x3];
	s1 =	simm.s32 $0x5  }
0x1d: {  	[tilespmem:s3], [sflag:$0x5] =	stream.linear.gather [hbm4b:s0+s3], $0x2BC0, $0x38;
	[tilespmem:$0xF500] =	vst v63  }
0x1e: {  	_ =	swait.ge [sflag:s1], $0x2BC0  }
0x1f: {  	[sflag:s1] =	ssyncset.done $0x0  }
0x20: {  	s20 =	simm.s32 $0x2BC0;
	s19 =	rddreg [dreg:$0x4];
	[sflag:s1] =	ssyncadd.s32 $0xFFFFD440  }
0x21: {  	[tilespmem:s20], [sflag:$0x5] =	stream.linear.gather [hbm4b:s19+s3], $0x140, $0x38;
	[tilespmem:$0xF500] =	vst v63  }
0x22: {  	_ =	swait.ge [sflag:s1], $0x140  }
0x23: {  	[sflag:s1] =	ssyncset.done $0x0  }
0x24: {  	s30 =	simm.s32 $0x4100;
	s21 =	rddreg [dreg:$0x5];
	[sflag:s1] =	ssyncadd.s32 $0xFFFFFEC0  }
0x25: {  	[tilespmem:s30], [sflag:$0x5] =	stream.linear.gather [hbm4b:s21+s3], $0x5000, $0x38;
	[tilespmem:$0xF500] =	vst v63  }
0x26: {  	_ =	swait.ge [sflag:s1], $0x5000  }
0x27: {  	[sflag:s1] =	ssyncset.done $0x0  }
0x28: {  	s31 =	simm.s32 $0x0;
	[sflag:s1] =	ssyncadd.s32 $0xFFFFB000  }
0x29: {  	v0 =	vld [tilespmem:s31+$0x2BC0];
	_ =	sdelay $0x4  }
0x2a: {  	v1 =	vbroadcast v0, $0x0  }
0x2b: {  	s0 =	simm.s32 $0x2D80;
	v2 =	vbroadcast v0, $0x1  }
0x2c: {  	v3 =	vbroadcast v0, $0x2;
	[tilespmem:s0+$0xFFFFFF80] =	vst v1  }
0x2d: {  	v52 =	vbroadcast v0, $0x3;
	[tilespmem:s0+$0xFFFFFF90] =	vst v2  }
0x2e: {  	v53 =	vbroadcast v0, $0x4;
	[tilespmem:s0+$0xFFFFFFA0] =	vst v3  }
0x2f: {  	v54 =	vbroadcast v0, $0x5;
	[tilespmem:s0+$0xFFFFFFB0] =	vst v52  }
0x30: {  	v55 =	vbroadcast v0, $0x6;
	[tilespmem:s0+$0xFFFFFFC0] =	vst v53  }
0x31: {  	v56 =	vbroadcast v0, $0x7;
	[tilespmem:s0+$0xFFFFFFD0] =	vst v54  }
0x32: {  	v57 =	vbroadcast v0, $0x8;
	[tilespmem:s0+$0xFFFFFFE0] =	vst v55  }
0x33: {  	v58 =	vbroadcast v0, $0x9;
	[tilespmem:s0+$0xFFFFFFF0] =	vst v56  }
0x34: {  	v59 =	vbroadcast v0, $0xA;
	[tilespmem:s0+$0x0] =	vst v57  }
0x35: {  	v60 =	vbroadcast v0, $0xB;
	[tilespmem:s0+$0x10] =	vst v58  }
0x36: {  	v61 =	vbroadcast v0, $0xC;
	[tilespmem:s0+$0x20] =	vst v59  }
0x37: {  	v62 =	vbroadcast v0, $0xD;
	[tilespmem:s0+$0x30] =	vst v60  }
0x38: {  	v63 =	vbroadcast v0, $0xE;
	[tilespmem:s0+$0x40] =	vst v61  }
0x39: {  	v0 =	vbroadcast v0, $0xF;
	[tilespmem:s0+$0x50] =	vst v62  }
0x3a: {  	[tilespmem:s0+$0x60] =	vst v63  }
0x3b: {  	s7 =	simm.s32 $0x10;
	s6 =	simm.s32 $0x80;
	[tilespmem:s0+$0x70] =	vst v0  }
.LBB2_2:
0x3c: {  	p0 =	sne.s32 s6, $0x4C0;
	v0 =	vld [tilespmem:s7+$0x2BC0];
	_ =	sdelay $0x4  }
0x3d: {  	v1 =	vbroadcast v0, $0x0;
	v2 =	vbroadcast v0, $0x1  }
0x3e: {  	s0 =	sadd.s32 $0x100, s0;
	v3 =	vbroadcast v0, $0x2;
	v4 =	vbroadcast v0, $0x3  }
0x3f: {  	v5 =	vbroadcast v0, $0x5;
	[tilespmem:s0+$0xFFFFFF80] =	vst v1;
	v1 =	vbroadcast v0, $0x4  }
0x40: {  	v6 =	vbroadcast v0, $0x7;
	[tilespmem:s0+$0xFFFFFF90] =	vst v2;
	v2 =	vbroadcast v0, $0x6  }
0x41: {  	v7 =	vbroadcast v0, $0x9;
	[tilespmem:s0+$0xFFFFFFA0] =	vst v3;
	v3 =	vbroadcast v0, $0x8  }
0x42: {  	v8 =	vbroadcast v0, $0xB;
	[tilespmem:s0+$0xFFFFFFB0] =	vst v4;
	v4 =	vbroadcast v0, $0xA  }
0x43: {  	v9 =	vbroadcast v0, $0xD;
	[tilespmem:s0+$0xFFFFFFC0] =	vst v1;
	v1 =	vbroadcast v0, $0xC  }
0x44: {  	[tilespmem:s0+$0xFFFFFFD0] =	vst v5;
	v5 =	vbroadcast v0, $0xE;
	v0 =	vbroadcast v0, $0xF  }
0x45: {  	[tilespmem:s0+$0xFFFFFFE0] =	vst v2  }
0x46: {  	[tilespmem:s0+$0xFFFFFFF0] =	vst v6  }
0x47: {  	[tilespmem:s0+$0x0] =	vst v3  }
0x48: {  	[tilespmem:s0+$0x10] =	vst v7  }
0x49: {  	[tilespmem:s0+$0x20] =	vst v4  }
.Ltmp2:
0x4a: {  	[tilespmem:s0+$0x30] =	vst v8;
	(pc) =	sbr.rel @p0 .LBB2_2-.Ltmp2, $4  }
0x4b: {  	[tilespmem:s0+$0x40] =	vst v1  }
0x4c: {  	[tilespmem:s0+$0x50] =	vst v9  }
0x4d: {  	[tilespmem:s0+$0x60] =	vst v5  }
0x4e: {  	s7 =	sshra.s32 s6, $0x2;
	s6 =	sadd.s32 $0x40, s6;
	[tilespmem:s0+$0x70] =	vst v0  }
0x4f: {  	v0 =	vld [tilespmem:s7+$0x2BC0];
	_ =	sdelay $0x4  }
0x50: {  	v1 =	vbroadcast v0, $0x0  }
0x51: {  	s0 =	sadd.s32 $0x100, s0;
	v2 =	vbroadcast v0, $0x1  }
0x52: {  	v3 =	vbroadcast v0, $0x2;
	[tilespmem:s0+$0xFFFFFF80] =	vst v1  }
0x53: {  	v52 =	vbroadcast v0, $0x3;
	[tilespmem:s0+$0xFFFFFF90] =	vst v2  }
0x54: {  	v53 =	vbroadcast v0, $0x4;
	[tilespmem:s0+$0xFFFFFFA0] =	vst v3  }
0x55: {  	v54 =	vbroadcast v0, $0x5;
	[tilespmem:s0+$0xFFFFFFB0] =	vst v52  }
0x56: {  	v55 =	vbroadcast v0, $0x6;
	[tilespmem:s0+$0xFFFFFFC0] =	vst v53  }
0x57: {  	v56 =	vbroadcast v0, $0x7;
	[tilespmem:s0+$0xFFFFFFD0] =	vst v54  }
0x58: {  	v57 =	vbroadcast v0, $0x8;
	[tilespmem:s0+$0xFFFFFFE0] =	vst v55  }
0x59: {  	v58 =	vbroadcast v0, $0x9;
	[tilespmem:s0+$0xFFFFFFF0] =	vst v56  }
0x5a: {  	v59 =	vbroadcast v0, $0xA;
	[tilespmem:s0+$0x0] =	vst v57  }
0x5b: {  	v60 =	vbroadcast v0, $0xB;
	[tilespmem:s0+$0x10] =	vst v58  }
0x5c: {  	v61 =	vbroadcast v0, $0xC;
	[tilespmem:s0+$0x20] =	vst v59  }
0x5d: {  	v62 =	vbroadcast v0, $0xD;
	[tilespmem:s0+$0x30] =	vst v60  }
0x5e: {  	v63 =	vbroadcast v0, $0xE;
	[tilespmem:s0+$0x40] =	vst v61  }
0x5f: {  	v0 =	vbroadcast v0, $0xF;
	[tilespmem:s0+$0x50] =	vst v62  }
0x60: {  	[tilespmem:s0+$0x60] =	vst v63  }
0x61: {  	[tilespmem:s0+$0x70] =	vst v0  }
0x62: {  	v0 =	vld [tilespmem:$0x4090];
	_ =	sdelay $0x4  }
0x63: {  	(v2sf) =	vpush v0, $0x0;
	_ =	sdelay $0x4  }
0x64: {  	s19 =	simm.s32 $0x0  }
0x65: {  	[tilespmem:s14], [sflag:$0x1] =	stream.indirect.gather [hbm4b:s4+s13], $0x40, s19, s13, $0xb8;
	[tilespmem:$0xF500] =	vst v63  }
0x66: {  	s17 =	simm.s32 $0x9B00;
	s18 =	simm.s32 $0x50;
	s1 =	simm.s32 $0xA500  }
0x67: {  	[tilespmem:s17], [sflag:$0x1] =	stream.indirect.gather [hbm4b:s4+s13], $0x40, s13, s13, $0xb8;
	[tilespmem:$0xF500] =	vst v63  }
0x68: {  	s20 =	simm.s32 $0x78;
	s21 =	simm.s32 $0xAF00;
	s30 =	simm.s32 $0xA0  }
0x69: {  	[tilespmem:s1], [sflag:$0x1] =	stream.indirect.gather [hbm4b:s4+s13], $0x40, s18, s13, $0xb8;
	[tilespmem:$0xF500] =	vst v63  }
.Ltmp3:
0x6a: {  	s31 =	simm.s32 $0xB900;
	s12 =	simm.s32 $0x190;
	(pc) =	sbr.rel .LBB2_4-.Ltmp3, $4  }
0x6b: {  	[tilespmem:s21], [sflag:$0x1] =	stream.indirect.gather [hbm4b:s4+s13], $0x40, s20, s13, $0xb8;
	[tilespmem:$0xF500] =	vst v63  }
0x6c: {  	s15 =	simm.s32 $0xFFFFFF38;
	s16 =	simm.s32 $0x0;
	s17 =	simm.s32 $0x0  }
0x6d: {  	[tilespmem:s31], [sflag:$0x1] =	stream.indirect.gather [hbm4b:s4+s13], $0x40, s30, s13, $0xb8;
	[tilespmem:$0xF500] =	vst v63  }
0x6e: {  	s1 =	simm.s32 $0xC8;
	s18 =	simm.s32 $0x0;
	s8 =	spop (v2sf)  }
.LBB2_16:
0x6f: {  	s17 =	sadd.s32 $0x1, s17  }
0x70: {  	p0 =	sne.s32 s17, $0x1C  }
.Ltmp4:
0x71: {  	s0 =	sadd.s32 s2, s21;
	(pc) =	sbr.rel @!p0 .LBB2_17-.Ltmp4, $4  }
0x72: {  	s0 =	sshll.u32 s0, $0x3  }
0x73: {  	s1 =	sadd.s32 $0x190, s1;
	s12 =	sadd.s32 $0x190, s12;
	s0 =	sand.u32 $0x1FFFFFC0, s0  }
0x74: {  	s16 =	sadd.s32 $0xFFFFFE70, s16;
	s15 =	sadd.s32 $0xFFFFFE70, s15;
	s0 =	sadd.s32 s5, s0  }
0x75: {  	[hbm4b:s0+s3] =	stream.linear.scatter [tilespmem:s22], [sflag:$0x4], $0x3200, $0x38;
	[tilespmem:$0xF500] =	vst v63  }
.LBB2_4:
0x76: {  	p0 =	seq.s32 s17, $0x0  }
0x77: {  	s0 =	simm.s32 @!p0 $0x4  }
0x78: {  	s30 =	smul.u32 $0x190, s17;
	_ =	swait.ge @!p0 [sflag:s0], $0x3200  }
0x79: {  	[sflag:s0] =	ssyncset.done @!p0 $0x0  }
0x7a: {  	s21 =	sadd.s32 $0xC8, s30;
	[sflag:s0] =	ssyncadd.s32 @!p0 $0xFFFFCE00  }
0x7b: {  	[tilespmem:s22], [sflag:$0x2] =	stream.indirect.gather [hbm4b:s4+s13], $0x40, s21, s13, $0xb8;
	[tilespmem:$0xF500] =	vst v63  }
0x7c: {  	s10 =	sadd.s32 $0xF0, s30  }
0x7d: {  	[tilespmem:s23], [sflag:$0x2] =	stream.indirect.gather [hbm4b:s4+s13], $0x40, s10, s13, $0xb8;
	[tilespmem:$0xF500] =	vst v63  }
0x7e: {  	s11 =	sadd.s32 $0x118, s30  }
0x7f: {  	[tilespmem:s24], [sflag:$0x2] =	stream.indirect.gather [hbm4b:s4+s13], $0x40, s11, s13, $0xb8;
	[tilespmem:$0xF500] =	vst v63  }
0x80: {  	s20 =	sadd.s32 $0x140, s30  }
0x81: {  	[tilespmem:s25], [sflag:$0x2] =	stream.indirect.gather [hbm4b:s4+s13], $0x40, s20, s13, $0xb8;
	[tilespmem:$0xF500] =	vst v63  }
0x82: {  	s31 =	sadd.s32 $0x168, s30  }
0x83: {  	[tilespmem:s26], [sflag:$0x2] =	stream.indirect.gather [hbm4b:s4+s13], $0x40, s31, s13, $0xb8;
	[tilespmem:$0xF500] =	vst v63  }
0x84: {  	_ =	swait.ge [sflag:s28], $0xA00  }
0x85: {  	[sflag:s28] =	ssyncset.done $0x0  }
0x86: {  	[sflag:s28] =	ssyncadd.s32 $0xFFFFF600  }
0x87: {  	_ =	swait.ge [sflag:s28], $0xA00  }
0x88: {  	[sflag:s28] =	ssyncset.done $0x0  }
0x89: {  	[sflag:s28] =	ssyncadd.s32 $0xFFFFF600  }
0x8a: {  	s6 =	smov.u32 s8;
	p1 =	sgt.s32 s19, s30;
	_ =	swait.ge [sflag:s28], $0xA00  }
0x8b: {  	s7 =	smov.u32 s30;
	p0 =	slt.s32 s21, s8;
	[sflag:s28] =	ssyncset.done $0x0  }
0x8c: {  	s7 =	smov.u32 @p1 s19;
	s6 =	smov.u32 @p0 s21;
	[sflag:s28] =	ssyncadd.s32 $0xFFFFF600  }
0x8d: {  	p0 =	sge.s32 s7, s6;
	_ =	swait.ge [sflag:s28], $0xA00  }
.Ltmp5:
0x8e: {  	[sflag:s28] =	ssyncset.done $0x0;
	(pc) =	sbr.rel @!p0 .LBB2_5-.Ltmp5, $4  }
0x8f: {  	[sflag:s28] =	ssyncadd.s32 $0xFFFFF600  }
0x90: {  	_ =	swait.ge [sflag:s28], $0xA00  }
0x91: {  	[sflag:s28] =	ssyncset.done $0x0  }
0x92: {  	[sflag:s28] =	ssyncadd.s32 $0xFFFFF600  }
.LBB2_10:
0x93: {  	s0 =	sadd.s32 s2, s30  }
0x94: {  	s0 =	sshll.u32 s0, $0x3  }
0x95: {  	p0 =	seq.s32 s17, $0x1B;
	s31 =	sshll.u32 s17, $0x1;
	s0 =	sadd.s32 s5, s0  }
0x96: {  	[hbm4b:s0+s3] =	stream.linear.scatter [tilespmem:s14], [sflag:$0x3], $0x3200, $0x38;
	[tilespmem:$0xF500] =	vst v63  }
0x97: {  	s6 =	simm.s32 @!p0 $0x3;
	s0 =	sadd.s32 $0x2, s31  }
0x98: {  	_ =	swait.ge @!p0 [sflag:s6], $0x3200;
	s9 =	smul.u32 @!p0 $0x320, s0  }
0x99: {  	s10 =	simm.s32 @!p0 $0x9100;
	[sflag:s6] =	ssyncset.done @!p0 $0x0  }
0x9a: {  	[sflag:s6] =	ssyncadd.s32 @!p0 $0xFFFFCE00;
	s6 =	sshra.s32 @!p0 s9, $0x2;
	s9 =	simm.s32 @!p0 $0x28  }
0x9b: {  	[tilespmem:s10], [sflag:$0x1] =	stream.indirect.gather @!p0 [hbm4b:s4+s9], $0x40, s6, s9, $0xb8;
	[tilespmem:$0xF500] =	vst v63  }
0x9c: {  	s11 =	simm.s32 @!p0 $0x9B00;
	s10 =	sadd.s32 @!p0 $0x28, s6  }
0x9d: {  	[tilespmem:s11], [sflag:$0x1] =	stream.indirect.gather @!p0 [hbm4b:s4+s9], $0x40, s10, s9, $0xb8;
	[tilespmem:$0xF500] =	vst v63  }
0x9e: {  	s10 =	sadd.s32 @!p0 $0x50, s6;
	s11 =	simm.s32 @!p0 $0xA500  }
0x9f: {  	[tilespmem:s11], [sflag:$0x1] =	stream.indirect.gather @!p0 [hbm4b:s4+s9], $0x40, s10, s9, $0xb8;
	[tilespmem:$0xF500] =	vst v63  }
0xa0: {  	s10 =	sadd.s32 @!p0 $0x78, s6;
	s11 =	simm.s32 @!p0 $0xAF00  }
0xa1: {  	[tilespmem:s11], [sflag:$0x1] =	stream.indirect.gather @!p0 [hbm4b:s4+s9], $0x40, s10, s9, $0xb8;
	[tilespmem:$0xF500] =	vst v63  }
0xa2: {  	s6 =	sadd.s32 @!p0 $0xA0, s6;
	s10 =	simm.s32 @!p0 $0xB900  }
0xa3: {  	[tilespmem:s10], [sflag:$0x1] =	stream.indirect.gather @!p0 [hbm4b:s4+s9], $0x40, s6, s9, $0xb8;
	[tilespmem:$0xF500] =	vst v63  }
0xa4: {  	_ =	swait.ge [sflag:s29], $0xA00  }
0xa5: {  	[sflag:s29] =	ssyncset.done $0x0  }
0xa6: {  	[sflag:s29] =	ssyncadd.s32 $0xFFFFF600  }
0xa7: {  	_ =	swait.ge [sflag:s29], $0xA00  }
0xa8: {  	[sflag:s29] =	ssyncset.done $0x0  }
0xa9: {  	s6 =	smul.u32 $0xC8, s0;
	[sflag:s29] =	ssyncadd.s32 $0xFFFFF600  }
0xaa: {  	p1 =	sgt.s32 s7, s21;
	s19 =	smov.u32 s21;
	_ =	swait.ge [sflag:s29], $0xA00  }
0xab: {  	s0 =	smov.u32 s8;
	p0 =	slt.s32 s6, s8;
	[sflag:s29] =	ssyncset.done $0x0  }
0xac: {  	s19 =	smov.u32 @p1 s7;
	s0 =	smov.u32 @p0 s6;
	[sflag:s29] =	ssyncadd.s32 $0xFFFFF600  }
0xad: {  	p0 =	sge.s32 s19, s0;
	_ =	swait.ge [sflag:s29], $0xA00  }
.Ltmp6:
0xae: {  	[sflag:s29] =	ssyncset.done $0x0;
	(pc) =	sbr.rel @p0 .LBB2_16-.Ltmp6, $4  }
.Ltmp7:
0xaf: {  	[sflag:s29] =	ssyncadd.s32 $0xFFFFF600;
	(pc) =	sbr.rel @!p0 .LBB2_11-.Ltmp7, $4  }
0xb0: {  	_ =	swait.ge [sflag:s29], $0xA00  }
0xb1: {  	[sflag:s29] =	ssyncset.done $0x0  }
0xb2: {  	[sflag:s29] =	ssyncadd.s32 $0xFFFFF600  }
0xb3: {  	_ = 	snop  }
.LBB2_8:
0xb4: {  	v7 =	vld [tilespmem:s20+$0xFFFFFFF0];
	_ =	sdelay $0x1  }
0xb5: {  	v0 =	vadd.f32 v4, v0  }
0xb6: {  	v2 =	vadd.f32 v6, v2  }
0xb7: {  	v63 =	vadd.f32 v5, v3;
	[tilespmem:s7+$0xFFFFFFE0] =	vst v0  }
0xb8: {  	[tilespmem:s7+$0x0] =	vst v2;
	v1 =	vadd.f32 v7, v1  }
0xb9: {  	[tilespmem:s7+$0x10] =	vst v63  }
0xba: {  	[tilespmem:s7+$0xFFFFFFF0] =	vst v1  }
.LBB2_9:
.Ltmp8:
0xbb: {  	(pc) =	sbr.rel @!p0 .LBB2_10-.Ltmp8, $4  }
0xbc: {  	p1 =	slt.s32 s19, $0x13E  }
0xbd: {  	p2 =	sgt.s32 s9, s6;
	s19 =	simm.s32 @!p1 $0x13E  }
0xbe: {  	s19 =	smov.u32 @p2 s18  }
0xbf: {  	s7 =	smov.u32 s0;
	s18 =	smov.u32 s19  }
.LBB2_5:
0xc0: {  	s19 =	sadd.s32 $0x1, s18  }
0xc1: {  	s0 =	sshll.u32 s19, $0x6  }
0xc2: {  	s0 =	sshra.s32 s0, $0x2  }
0xc3: {  	v0 =	vld [tilespmem:s0+$0x2D00];
	_ =	sdelay $0x4  }
0xc4: {  	(v2sf) =	vpush v0, $0x0;
	_ =	sdelay $0xe  }
0xc5: {  	s9 =	spop (v2sf)  }
0xc6: {  	s0 =	smov.u32 s6;
	p0 =	slt.s32 s9, s6  }
0xc7: {  	s0 =	smov.u32 @p0 s9  }
0xc8: {  	p1 =	sge.s32 s7, s0  }
.Ltmp9:
0xc9: {  	_ = 	snop;
	(pc) =	sbr.rel @p1 .LBB2_9-.Ltmp9, $1  }
0xca: {  	_ =	sdelay $0x3  }
0xcb: {  	p1 =	slt.s32 s9, s8;
	s31 =	smov.u32 s8  }
0xcc: {  	s31 =	smov.u32 @p1 s9  }
0xcd: {  	s20 =	sshll.u32 s18, $0x8;
	s11 =	smov.u32 s1;
	p1 =	slt.s32 s31, s1  }
0xce: {  	s20 =	sshra.s32 s20, $0x2;
	s11 =	smov.u32 @p1 s31  }
0xcf: {  	s10 =	sadd.s32 s7, s16;
	v0 =	vld [tilespmem:s20+$0x4100];
	s11 =	ssub.s32 s11, s7  }
0xd0: {  	s10 =	sshll.u32 s10, $0x8;
	v1 =	vld [tilespmem:s20+$0x4110];
	p1 =	sne.s32 s11, $0x1  }
.Ltmp10:
0xd1: {  	v2 =	vld [tilespmem:s20+$0x4120];
	s10 =	sshra.s32 s10, $0x2;
	(pc) =	sbr.rel @!p1 .LBB2_8-.Ltmp10, $4  }
0xd2: {  	v3 =	vld [tilespmem:s20+$0x4130];
	s20 =	sadd.s32 $0x9120, s10  }
0xd3: {  	v4 =	vld [tilespmem:s20+$0xFFFFFFE0]  }
0xd4: {  	v6 =	vld [tilespmem:s20+$0x0]  }
0xd5: {  	v5 =	vld [tilespmem:s20+$0x10];
	s7 =	smov.u32 s20;
	s31 =	sadd.s32 $0xFFFFFFFF, s11  }
.LBB2_7:
0xd6: {  	p1 =	sne.s32 s31, $0x1;
	v7 =	vld [tilespmem:s20+$0xFFFFFFF0];
	_ =	sdelay $0x1  }
0xd7: {  	v4 =	vadd.f32 v4, v0  }
.Ltmp11:
0xd8: {  	v6 =	vadd.f32 v6, v2;
	(pc) =	sbr.rel @p1 .LBB2_7-.Ltmp11, $4  }
0xd9: {  	v5 =	vadd.f32 v5, v3;
	s20 =	sadd.s32 $0x40, s20;
	[tilespmem:s7+$0xFFFFFFE0] =	vst v4  }
0xda: {  	v4 =	vld [tilespmem:s20+$0xFFFFFFE0];
	v7 =	vadd.f32 v7, v1;
	[tilespmem:s7+$0x0] =	vst v6  }
0xdb: {  	v6 =	vld [tilespmem:s20+$0x0];
	[tilespmem:s7+$0x10] =	vst v5  }
0xdc: {  	s31 =	sadd.s32 $0xFFFFFFFF, s31;
	v5 =	vld [tilespmem:s20+$0x10];
	[tilespmem:s7+$0xFFFFFFF0] =	vst v7;
	s7 =	smov.u32 s20  }
.Ltmp12:
0xdd: {  	_ = 	snop;
	(pc) =	sbr.rel .LBB2_8-.Ltmp12, $1  }
0xde: {  	_ =	sdelay $0x3  }
.LBB2_14:
0xdf: {  	v7 =	vld [tilespmem:s20+$0xFFFFFFF0];
	_ =	sdelay $0x1  }
0xe0: {  	v0 =	vadd.f32 v4, v0  }
0xe1: {  	v2 =	vadd.f32 v6, v2  }
0xe2: {  	v63 =	vadd.f32 v5, v3;
	[tilespmem:s19+$0xFFFFFFD0] =	vst v0  }
0xe3: {  	[tilespmem:s19+$0xFFFFFFE0] =	vst v2;
	v1 =	vadd.f32 v7, v1  }
0xe4: {  	[tilespmem:s19+$0x0] =	vst v63  }
0xe5: {  	[tilespmem:s19+$0xFFFFFFF0] =	vst v1  }
.LBB2_15:
.Ltmp13:
0xe6: {  	(pc) =	sbr.rel @!p0 .LBB2_16-.Ltmp13, $4  }
0xe7: {  	p1 =	slt.s32 s7, $0x13E  }
0xe8: {  	p2 =	sgt.s32 s9, s0;
	s7 =	simm.s32 @!p1 $0x13E  }
0xe9: {  	s7 =	smov.u32 @p2 s18  }
0xea: {  	s19 =	smov.u32 s6;
	s18 =	smov.u32 s7  }
.LBB2_11:
0xeb: {  	s7 =	sadd.s32 $0x1, s18  }
0xec: {  	s6 =	sshll.u32 s7, $0x6  }
0xed: {  	s6 =	sshra.s32 s6, $0x2  }
0xee: {  	v0 =	vld [tilespmem:s6+$0x2D00];
	_ =	sdelay $0x4  }
0xef: {  	(v2sf) =	vpush v0, $0x0;
	_ =	sdelay $0xe  }
0xf0: {  	s9 =	spop (v2sf)  }
0xf1: {  	s6 =	smov.u32 s0;
	p0 =	slt.s32 s9, s0  }
0xf2: {  	s6 =	smov.u32 @p0 s9  }
0xf3: {  	p1 =	sge.s32 s19, s6  }
.Ltmp14:
0xf4: {  	_ = 	snop;
	(pc) =	sbr.rel @p1 .LBB2_15-.Ltmp14, $1  }
0xf5: {  	_ =	sdelay $0x3  }
0xf6: {  	p1 =	slt.s32 s9, s8;
	s11 =	smov.u32 s8  }
0xf7: {  	s11 =	smov.u32 @p1 s9  }
0xf8: {  	s10 =	sshll.u32 s18, $0x8;
	s30 =	smov.u32 s12;
	p1 =	slt.s32 s11, s12  }
0xf9: {  	s10 =	sshra.s32 s10, $0x2;
	s30 =	smov.u32 @p1 s11  }
0xfa: {  	s20 =	sadd.s32 s19, s15;
	v0 =	vld [tilespmem:s10+$0x4100];
	s31 =	ssub.s32 s30, s19  }
0xfb: {  	s20 =	sshll.u32 s20, $0x8;
	v2 =	vld [tilespmem:s10+$0x4110];
	p1 =	sne.s32 s31, $0x1  }
.Ltmp15:
0xfc: {  	v1 =	vld [tilespmem:s10+$0x4120];
	s20 =	sshra.s32 s20, $0x2;
	(pc) =	sbr.rel @!p1 .LBB2_14-.Ltmp15, $4  }
0xfd: {  	v3 =	vld [tilespmem:s10+$0x4130];
	s20 =	sadd.s32 $0xC330, s20  }
0xfe: {  	v4 =	vld [tilespmem:s20+$0xFFFFFFD0]  }
0xff: {  	v6 =	vld [tilespmem:s20+$0xFFFFFFE0]  }
0x100: {  	v5 =	vld [tilespmem:s20+$0x0];
	s19 =	smov.u32 s20;
	s30 =	sadd.s32 $0xFFFFFFFF, s31  }
.LBB2_13:
0x101: {  	p1 =	sne.s32 s30, $0x1;
	v7 =	vld [tilespmem:s20+$0xFFFFFFF0];
	_ =	sdelay $0x1  }
0x102: {  	v4 =	vadd.f32 v4, v0  }
.Ltmp16:
0x103: {  	v6 =	vadd.f32 v6, v2;
	(pc) =	sbr.rel @p1 .LBB2_13-.Ltmp16, $4  }
0x104: {  	v5 =	vadd.f32 v5, v3;
	s20 =	sadd.s32 $0x40, s20;
	[tilespmem:s19+$0xFFFFFFD0] =	vst v4  }
0x105: {  	v4 =	vld [tilespmem:s20+$0xFFFFFFD0];
	[tilespmem:s19+$0xFFFFFFE0] =	vst v6;
	v7 =	vadd.f32 v7, v1  }
0x106: {  	v6 =	vld [tilespmem:s20+$0xFFFFFFE0];
	[tilespmem:s19+$0x0] =	vst v5  }
0x107: {  	s30 =	sadd.s32 $0xFFFFFFFF, s30;
	v5 =	vld [tilespmem:s20+$0x0];
	[tilespmem:s19+$0xFFFFFFF0] =	vst v7;
	s19 =	smov.u32 s20  }
.Ltmp17:
0x108: {  	_ = 	snop;
	(pc) =	sbr.rel .LBB2_14-.Ltmp17, $1  }
0x109: {  	_ =	sdelay $0x3  }
.LBB2_18:
0x10a: {  	_ =	sfence.sel $0x180000  }
0x10b: {  	[bflag:$0x0] =	sbarrier.arrive $0xFFFF  }
0x10c: {  	_ =	strace $0x9000004A  }
0x10d: {  	s0 =	stileid.u32;
	[bflag:$0x2] =	sbarrier.arrive $0xFFFF  }
0x10e: {  	p0 =	sne.s32 s0, $0x0;
	s0 =	rddreg [dreg:$0x2]  }
0x10f: {  	s0 =	sadd.s32 @!p0 $0x100000, s0  }
0x110: {  	[sflag:s0] =	ssyncadd.tile.s32 @!p0 $0x1;
	_ =	shalt  }
.Lfunc_end2:
_tile_overlayer_lowered:
.L_overlay_start_2:
0x111: {  	(tag) =	ssettag $0x2  }
0x112: {  	s0 =	rddreg [dreg:$0x0];
	s2 =	stileid.u32  }
0x113: {  	s1 =	rddreg [dreg:$0x1];
	p0 =	sne.s32 s2, $0x0  }
0x114: {  	s3 =	rddreg [dreg:$0x2];
	[bflag:$0x3] =	sbarrier.arrive $0xFFFF;
	s2 =	simm.s32 @!p0 $0x1C05  }
0x115: {  	[timem:s3], [sflag:s2] =	dma.local @!p0 [hbm:s0], s1  }
0x116: {  	s0 =	simm.s32 @!p0 $0x5  }
0x117: {  	_ =	swait.ge @!p0 [sflag:s0], s1  }
0x118: {  	s1 =	ssub.s32 @!p0 $0x0, s1;
	[sflag:s0] =	ssyncset.done @!p0 $0x0  }
0x119: {  	[sflag:s0] =	ssyncadd.s32 @!p0 s1  }
0x11a: {  	[bflag:$0x3] =	sbarrier.arrive $0xFFFF  }
0x11b: {  	_ =	shalt  }

// kernel: kernel.17.cloned.1.call-start
scs
__scs_entry_jumppad:
0x0: {  	(pc) =	sbr.rel $0x88, $3  }
0x1: {  	(tag) =	ssettag $0x0;
	lr =	simm.s32 $0x1  }
0x2: {  	[smem:$0x3F97] =	sst lr;
	_ =	strace $0xD0000000  }
0x3: {  	_ = 	snop  }
0x4: {  	_ = 	snop  }
0x5: {  	_ = 	snop  }
0x6: {  	_ = 	snop  }
0x7: {  	_ = 	snop  }
__scs_overlays_trampoline_lowered:
0x8: {  	[smem:$0x3FA6] =	sst s0  }
0x9: {  	[smem:$0x3FA7] =	sst s1  }
0xa: {  	[smem:$0x3FA8] =	sst s2  }
0xb: {  	[smem:$0x3FA9] =	sst s3  }
0xc: {  	[smem:$0x3FAA] =	sst s4  }
0xd: {  	[smem:$0x3FAB] =	sst s5  }
0xe: {  	[smem:$0x3FAC] =	sst s6  }
0xf: {  	[smem:$0x3FAD] =	sst s7  }
0x10: {  	[smem:$0x3FAE] =	sst s8  }
0x11: {  	[smem:$0x3FAF] =	sst s9;
	s0 =	simm.s32 @!p0 $0x0  }
0x12: {  	s1 =	sld [smem:$0x3F95];
	s0 =	simm.s32 @p0 $0x1  }
0x13: {  	[smem:$0x3FB0] =	sst s0;
	s0 =	simm.s32 @!p1 $0x0  }
0x14: {  	s2 =	sld [smem:$0x3F94];
	s0 =	simm.s32 @p1 $0x1  }
0x15: {  	[smem:$0x3FB1] =	sst s0;
	s0 =	simm.s32 @!p2 $0x0  }
0x16: {  	s3 =	sld [smem:$0x3FDB];
	s0 =	simm.s32 @p2 $0x1  }
0x17: {  	s4 =	simm.s32 $0x1BF5;
	[smem:$0x3FB3] =	sst s0  }
0x18: {  	s0 =	sld [smem:$0x3F96];
	_ =	swait.ge [sflag:s4], $0x0  }
0x19: {  	s7 =	sld [smem:$0x3F97]  }
0x1a: {  	s8 =	sadd.s32 $0xFFFFE003, lr  }
0x1b: {  	s9 =	sadd.s32 $0xFFFFFEF7, lr;
	s5 =	simm.s32 $0xFFFFFFFF;
	p2 =	slt.u32 s8, $0xFFFFF086  }
0x1c: {  	p1 =	slt.u32 s9, $0xF7A;
	s5 =	simm.s32 @!p2 $0x0  }
0x1d: {  	s5 =	simm.s32 @p1 $0x1;
	p0 =	seq.s32 s7, s2  }
0x1e: {  	s7 =	smul.u32 @!p0 $0xF7A, s2;
	p2 =	seq.s32 @!p0 s5, $0x0  }
0x1f: {  	s9 =	smul.u32 $0xF7A, s1;
	s8 =	simm.s32 @!p0 $0x1BF5;
	p2 =	por !p2, p0  }
0x20: {  	[sflag:s8] =	ssyncset.s32 @!p0 $0xFFFFF086;
	s6 =	sadd.s32 @!p0 s3, s7;
	s7 =	simm.s32 @!p0 $0x108  }
0x21: {  	s3 =	sadd.s32 s3, s9;
	s6 =	sadd.s32 @!p0 $0x88, s6;
	s7 =	simm.s32 @p2 $0x1082  }
0x22: {  	[simem:s7], [sflag:s8] =	dma.local @!p0 [hbm:s6], $0xF7A  }
0x23: {  	s9 =	sor.u32 $0xD0000000, s2;
	s6 =	simm.s32 $0x108;
	_ =	swait.ge @!p0 [sflag:s8], $0x0  }
0x24: {  	s3 =	sadd.s32 $0x88, s3;
	s6 =	simm.s32 @!p1 $0x1082;
	[sflag:s4] =	ssyncset.s32 $0xFFFFF086  }
0x25: {  	[simem:s6], [sflag:s4] =	dma.local [hbm:s3], $0xF7A  }
0x26: {  	[smem:$0x3F97] =	sst s1;
	(tag) =	ssettag s2;
	_ =	strace s9  }
0x27: {  	s1 =	sld [smem:$0x3FA7]  }
0x28: {  	s2 =	sld [smem:$0x3FA8]  }
0x29: {  	s4 =	sld [smem:$0x3FAA]  }
0x2a: {  	p0 =	seq.s32 s5, $0x0;
	s5 =	sld [smem:$0x3FAB]  }
0x2b: {  	s6 =	sld [smem:$0x3FAC]  }
0x2c: {  	s7 =	sld [smem:$0x3FAD]  }
0x2d: {  	s3 =	simm.s32 $0x108;
	s8 =	sld [smem:$0x3FAE]  }
0x2e: {  	s3 =	simm.s32 @!p0 $0x1082;
	s9 =	sld [smem:$0x3FAF]  }
0x2f: {  	lr =	sadd.s32 s0, s3;
	s0 =	sld [smem:$0x3FA6]  }
0x30: {  	s3 =	sld [smem:$0x3FA9]  }
0x31: {  	[smem:$0x3FB2] =	sst s10  }
0x32: {  	s10 =	sld [smem:$0x3FB0];
	_ =	sdelay $0x3  }
0x33: {  	p0 =	seq.s32 s10, $0x1;
	s10 =	sld [smem:$0x3FB2];
	_ =	sdelay $0x3  }
0x34: {  	[smem:$0x3FB2] =	sst s10  }
0x35: {  	s10 =	sld [smem:$0x3FB1];
	_ =	sdelay $0x3  }
0x36: {  	p1 =	seq.s32 s10, $0x1;
	s10 =	sld [smem:$0x3FB2];
	_ =	sdelay $0x3  }
0x37: {  	[smem:$0x3FB2] =	sst s10  }
0x38: {  	s10 =	sld [smem:$0x3FB3]  }
0x39: {  	_ = 	snop;
	(pc) =	sbr.ind lr, $3  }
0x3a: {  	_ = 	snop  }
0x3b: {  	_ = 	snop  }
0x3c: {  	p2 =	seq.s32 s10, $0x1;
	s10 =	sld [smem:$0x3FB2]  }
0x3d: {  	_ =	shalt  }
0x3e: {  	_ =	shalt  }
0x3f: {  	_ =	shalt  }
0x40: {  	_ =	shalt  }
0x41: {  	_ =	shalt  }
0x42: {  	_ =	shalt  }
0x43: {  	_ =	shalt  }
0x44: {  	_ =	shalt  }
0x45: {  	_ =	shalt  }
0x46: {  	_ =	shalt  }
0x47: {  	_ =	shalt  }
0x48: {  	_ =	shalt  }
0x49: {  	_ =	shalt  }
0x4a: {  	_ =	shalt  }
0x4b: {  	_ =	shalt  }
0x4c: {  	_ =	shalt  }
0x4d: {  	_ =	shalt  }
0x4e: {  	_ =	shalt  }
0x4f: {  	_ =	shalt  }
0x50: {  	_ =	shalt  }
0x51: {  	_ =	shalt  }
0x52: {  	_ =	shalt  }
0x53: {  	_ =	shalt  }
0x54: {  	_ =	shalt  }
0x55: {  	_ =	shalt  }
0x56: {  	_ =	shalt  }
0x57: {  	_ =	shalt  }
0x58: {  	_ =	shalt  }
0x59: {  	_ =	shalt  }
0x5a: {  	_ =	shalt  }
0x5b: {  	_ =	shalt  }
0x5c: {  	_ =	shalt  }
0x5d: {  	_ =	shalt  }
0x5e: {  	_ =	shalt  }
0x5f: {  	_ =	shalt  }
0x60: {  	_ =	shalt  }
0x61: {  	_ =	shalt  }
0x62: {  	_ =	shalt  }
0x63: {  	_ =	shalt  }
0x64: {  	_ =	shalt  }
0x65: {  	_ =	shalt  }
0x66: {  	_ =	shalt  }
0x67: {  	_ =	shalt  }
0x68: {  	_ =	shalt  }
0x69: {  	_ =	shalt  }
0x6a: {  	_ =	shalt  }
0x6b: {  	_ =	shalt  }
0x6c: {  	_ =	shalt  }
0x6d: {  	_ =	shalt  }
0x6e: {  	_ =	shalt  }
0x6f: {  	_ =	shalt  }
0x70: {  	_ =	shalt  }
0x71: {  	_ =	shalt  }
0x72: {  	_ =	shalt  }
0x73: {  	_ =	shalt  }
0x74: {  	_ =	shalt  }
0x75: {  	_ =	shalt  }
0x76: {  	_ =	shalt  }
0x77: {  	_ =	shalt  }
0x78: {  	_ =	shalt  }
0x79: {  	_ =	shalt  }
0x7a: {  	_ =	shalt  }
0x7b: {  	_ =	shalt  }
0x7c: {  	_ =	shalt  }
0x7d: {  	_ =	shalt  }
0x7e: {  	_ =	shalt  }
0x7f: {  	_ =	shalt  }
0x80: {  	_ =	shalt  }
0x81: {  	_ =	shalt  }
0x82: {  	_ =	shalt  }
0x83: {  	_ =	shalt  }
0x84: {  	_ =	shalt  }
0x85: {  	_ =	shalt  }
0x86: {  	_ =	shalt  }
0x87: {  	_ =	shalt  }
.Lfunc_end0:
.L_simem_size_0:
called_computation.2_lowered:
.L_overlay_start_0:
0x88: {  	s2 =	sld [smem:$0x3FD9]  }
0x89: {  	s3 =	sld [smem:$0x3FFE];
	_ =	sdelay $0x1  }
0x8a: {  	s1 =	srdreg.scid  }
0x8b: {  	s0 =	sand.u32 $0x1, s1  }
0x8c: {  	s17 =	sshll.u32 s0, $0xA;
	s2 =	sadd.s32 s3, s2  }
0x8d: {  	s2 =	sadd.s32 s2, s17  }
0x8e: {  	[smem:$0x3FBE] =	sst s2  }
0x8f: {  	_ = 	snop  }
0x90: {  	s2 =	sld [smem:$0x3FD0];
	(tm) =	ssettm $0x1  }
0x91: {  	s18 =	sld [smem:$0x3FFB];
	_ =	sdelay $0x3  }
0x92: {  	_ =	strace s18  }
0x93: {  	s3 =	sld [smem:$0x3FFC];
	_ =	sdelay $0x3  }
0x94: {  	_ =	strace s3  }
0x95: {  	s3 =	sld [smem:$0x3FFD];
	_ =	sdelay $0x3  }
0x96: {  	_ =	strace s3  }
0x97: {  	_ =	strace $0x8FFFFFFF  }
0x98: {  	s19 =	sld [smem:$0x3FDB];
	_ =	sdelay $0x1  }
0x99: {  	s4 =	simm.s32 $_scs_section_size  }
0x9a: {  	s5 =	simm.s32 $_size__tile_overlayer_lowered;
	s6 =	simm.s32 $_tile_overlayer_lowered  }
0x9b: {  	s22 =	simm.s32 $0x1BFF;
	s21 =	sshll.u32 s6, $0x1;
	s3 =	sadd.s32 s4, s19  }
0x9c: {  	s7 =	simm.s32 $0x0;
	s20 =	sshll.u32 s5, $0x1;
	s5 =	sadd.s32 s21, s3  }
0x9d: {  	[timem:s7], [sflag:s22] =	dma.local [hbm:s5], s20  }
0x9e: {  	_ =	swait.ge [sflag:s22], s20  }
0x9f: {  	s4 =	ssub.s32 $0x0, s20;
	[sflag:s22] =	ssyncset.done $0x0  }
0xa0: {  	[sflag:s22] =	ssyncadd.s32 s4;
	_ =	sdelay $0x1  }
0xa1: {  	s23 =	simm.s32 $0x1B8B  }
0xa2: {  	_ =	swait.ge [sflag:s23], $0x1  }
0xa3: {  	[sflag:s23] =	ssyncset.done $0x0  }
0xa4: {  	s25 =	simm.s32 $0x1B8E;
	s24 =	sld [smem:$0x3FFE];
	[sflag:s23] =	ssyncadd.s32 $0xFFFFFFFF  }
0xa5: {  	s26 =	simm.s32 $execute0_lowered;
	[smem:$0x3FD2] =	sst s25  }
0xa6: {  	s5 =	sshll.u32 s26, $0x1;
	_ =	strace $0x8000004C;
	[dreg:$0x1] =	wrdreg $0xFFFFFFFF  }
0xa7: {  	s28 =	simm.s32 $_size_execute0_lowered;
	s3 =	sadd.s32 s3, s5;
	[dreg:$0x0] =	wrdreg $0x0  }
0xa8: {  	s5 =	sshll.u32 s28, $0x1;
	[dreg:$0x2] =	wrdreg s3  }
0xa9: {  	[dreg:$0x3] =	wrdreg s5  }
0xaa: {  	[dreg:$0x4] =	wrdreg $0xC0  }
0xab: {  	_ =	task [dreg:s7], $0x5FFFF  }
0xac: {  	[dreg:$0x1] =	wrdreg $0xFFFFFFFF  }
0xad: {  	[dreg:$0x0] =	wrdreg $0x60  }
0xae: {  	[dreg:$0x2] =	wrdreg s24  }
0xaf: {  	[dreg:$0x3] =	wrdreg s2  }
0xb0: {  	[dreg:$0x4] =	wrdreg $0x9  }
0xb1: {  	_ =	task.clear_ibuf [dreg:s7], $0x5FFFF;
	_ =	strace $0x9000004C  }
0xb2: {  	s29 =	simm.s32 $0x9;
	_ =	strace $0x8000004E  }
0xb3: {  	_ =	swait.ge [sflag:s29], $0x1  }
0xb4: {  	[sflag:s29] =	ssyncadd.s32 $0xFFFFFFFF  }
0xb5: {  	_ =	strace $0x9000004E  }
0xb6: {  	_ =	sfence  }
0xb7: {  	s30 =	sld [smem:$0x0];
	_ =	sdelay $0x2  }
0xb8: {  	s31 =	sshll.u32 s1, $0xD;
	s1 =	sshrl.u32 s1, $0x2  }
0xb9: {  	s3 =	sand.u32 $0x4000, s31;
	s1 =	sadd.s32 s1, s30  }
0xba: {  	s0 =	sor.u32 s3, s0;
	s1 =	sshll.u32 s1, $0x11  }
0xbb: {  	s0 =	sor.u32 s1, s0  }
0xbc: {  	s0 =	sadd.s32 $0x8F2B, s0  }
0xbd: {  	[sflag:s0] =	ssyncadd.remote.s32 $0x1  }
0xbe: {  	_ =	sfence.sel $0xFFFF  }
0xbf: {  	[dreg:$0x0] =	wrdreg $0xFFFFFFFF;
	(pc) =	sbr.abs _section_cstart, $3  }
0xc0: {  	[dreg:$0x1] =	wrdreg $0xFFFFFFFF  }
0xc1: {  	_ =	task.clear_ibuf [dreg:s7], $0x2FFFF;
	_ =	strace $0x9FFFFFFF  }
0xc2: {  	(tm) =	ssettm $0x7FFFFFFF  }
0xc3: {  	_ =	shalt  }
tec
execute0_lowered:
.L_overlay_start_1:
0x0: {  	(tag) =	ssettag $0x1  }
0x1: {  	s1 =	rddreg [dreg:$0x0];
	s2 =	srdreg.scid  }
0x2: {  	s0 =	stileid.u32;
	s8 =	rddreg [dreg:$0x1]  }
0x3: {  	s10 =	simm.s32 $0x3;
	s3 =	sand.u32 $0x1, s2;
	s4 =	sshll.u32 s0, $0x1  }
0x4: {  	s12 =	simm.s32 $0x7940;
	s13 =	simm.s32 $0x1;
	s15 =	sor.u32 s3, s4  }
0x5: {  	s14 =	simm.s32 $0x2;
	s2 =	simm.s32 $0x0;
	s4 =	smul.u32 $0x28, s15  }
0x6: {  	[smem:$0x7FF] =	sst s2;
	s5 =	ssub.s32 $0x2, s3;
	s6 =	smul.u32 $0x15E00, s15  }
.Ltmp0:
0x7: {  	s3 =	sadd.s32 $0x2CE00, s1;
	_ =	strace $0x8000004D;
	(pc) =	sbr.rel .LBB2_1-.Ltmp0, $4  }
0x8: {  	s7 =	sshrl.u32 s5, $0x1;
	s9 =	smul.u32 $0x9C8, s15;
	p0 =	sne.s32 s15, $0x1F  }
0x9: {  	s31 =	ssub.s32 s5, s7;
	s5 =	smul.u32 $0x2BC0, s15;
	s15 =	simm.s32 $0x0  }
0xa: {  	s4 =	sadd.s32 s4, s1;
	s6 =	sadd.s32 s3, s6;
	s7 =	sadd.s32 s8, s9  }
0xb: {  	v0 =	vimm.f32 $0.0e+00;
	s8 =	sadd.s32 $0x12F38, s8;
	s9 =	smax.u32 s31, $0x1;
	s4 =	sadd.s32 $0x2C800, s4  }
.LBB2_19:
0xc: {  	s0 =	simm.s32 @p0 $0x0;
	s1 =	simm.s32 @p0 $0xDD40  }
0xd: {  	[hbm4b:s7+s0] =	stream.linear.scatter @p0 [tilespmem:s1], [sflag:$0x3], $0x4E40, $0x38;
	[tilespmem:$0x12D40] =	vst v63  }
0xe: {  	s0 =	simm.s32 @p0 $0x3  }
0xf: {  	_ =	swait.ge @p0 [sflag:s0], $0x4E40  }
0x10: {  	s15 =	sadd.s32 $0x1, s15;
	s1 =	simm.s32 @!p0 $0xDD40;
	[sflag:s0] =	ssyncset.done @p0 $0x0  }
0x11: {  	p1 =	sne.s32 s15, s9;
	[sflag:s0] =	ssyncadd.s32 @p0 $0xFFFFB1C0;
	s0 =	simm.s32 @!p0 $0x0  }
0x12: {  	[hbm4b:s8+s0] =	stream.linear.scatter @!p0 [tilespmem:s1], [sflag:$0x3], $0x4A40, $0x38;
	[tilespmem:$0x12D40] =	vst v63  }
.Ltmp1:
0x13: {  	_ = 	snop;
	(pc) =	sbr.rel @!p1 .LBB2_20-.Ltmp1, $4  }
0x14: {  	s0 =	simm.s32 @!p0 $0x3  }
0x15: {  	_ =	swait.ge @!p0 [sflag:s0], $0x4A40  }
0x16: {  	[sflag:s0] =	ssyncset.done @!p0 $0x0  }
0x17: {  	[sflag:s0] =	ssyncadd.s32 @!p0 $0xFFFFB5C0  }
.LBB2_1:
0x18: {  	s16 =	simm.s32 $0x100;
	s1 =	simm.s32 $0x0  }
.LBB2_2:
0x19: {  	p1 =	sne.s32 s16, $0x13F00;
	[tilespmem:s1+$0xDD70] =	vst v0;
	s17 =	smov.u32 s16;
	s16 =	sadd.s32 $0x100, s16  }
.Ltmp2:
0x1a: {  	[tilespmem:s1+$0xDD60] =	vst v0;
	(pc) =	sbr.rel @p1 .LBB2_2-.Ltmp2, $3  }
0x1b: {  	[tilespmem:s1+$0xDD40] =	vst v0  }
0x1c: {  	[tilespmem:s1+$0xDD50] =	vst v0;
	_ =	sdelay $0x1  }
0x1d: {  	s1 =	sshra.s32 s17, $0x2  }
0x1e: {  	[tilespmem:s1+$0xDD70] =	vst v0  }
0x1f: {  	[tilespmem:s1+$0xDD60] =	vst v0  }
0x20: {  	[tilespmem:s1+$0xDD40] =	vst v0  }
0x21: {  	[tilespmem:s1+$0xDD50] =	vst v0;
	s30 =	simm.s32 $0x0  }
0x22: {  	[tilespmem:s30], [sflag:$0x3] =	stream.linear.gather [hbm4b:s4+s30], $0x140, $0x38;
	[tilespmem:$0x12D40] =	vst v63  }
0x23: {  	_ =	swait.ge [sflag:s10], $0x140  }
0x24: {  	[sflag:s10] =	ssyncset.done $0x0  }
0x25: {  	s31 =	simm.s32 $0x0;
	[sflag:s10] =	ssyncadd.s32 $0xFFFFFEC0  }
0x26: {  	v1 =	vld [tilespmem:s31+$0x0];
	_ =	sdelay $0x4  }
0x27: {  	v2 =	vbroadcast v1, $0x0  }
0x28: {  	s16 =	simm.s32 $0x1C0;
	v3 =	vbroadcast v1, $0x1  }
0x29: {  	v4 =	vbroadcast v1, $0x2;
	[tilespmem:s16+$0xFFFFFF80] =	vst v2  }
0x2a: {  	v60 =	vbroadcast v1, $0x5;
	[tilespmem:s16+$0xFFFFFF90] =	vst v3  }
0x2b: {  	v61 =	vbroadcast v1, $0x8;
	[tilespmem:s16+$0xFFFFFFA0] =	vst v4  }
0x2c: {  	v62 =	vbroadcast v1, $0xB;
	[tilespmem:s16+$0xFFFFFFD0] =	vst v60  }
0x2d: {  	v63 =	vbroadcast v1, $0xE;
	[tilespmem:s16+$0x0] =	vst v61  }
0x2e: {  	v2 =	vbroadcast v1, $0x3;
	[tilespmem:s16+$0x30] =	vst v62  }
0x2f: {  	v3 =	vbroadcast v1, $0x4;
	[tilespmem:s16+$0x60] =	vst v63  }
0x30: {  	[tilespmem:s16+$0xFFFFFFB0] =	vst v2;
	v2 =	vbroadcast v1, $0x6  }
0x31: {  	[tilespmem:s16+$0xFFFFFFC0] =	vst v3;
	v3 =	vbroadcast v1, $0x7  }
0x32: {  	[tilespmem:s16+$0xFFFFFFE0] =	vst v2;
	v2 =	vbroadcast v1, $0x9  }
0x33: {  	[tilespmem:s16+$0xFFFFFFF0] =	vst v3;
	v3 =	vbroadcast v1, $0xA  }
0x34: {  	[tilespmem:s16+$0x10] =	vst v2;
	v2 =	vbroadcast v1, $0xC  }
0x35: {  	[tilespmem:s16+$0x20] =	vst v3;
	v3 =	vbroadcast v1, $0xD  }
0x36: {  	v1 =	vbroadcast v1, $0xF;
	[tilespmem:s16+$0x40] =	vst v2  }
0x37: {  	[tilespmem:s16+$0x50] =	vst v3  }
0x38: {  	s1 =	simm.s32 $0x10;
	s17 =	simm.s32 $0x80;
	[tilespmem:s16+$0x70] =	vst v1  }
.LBB2_4:
0x39: {  	p1 =	sne.s32 s17, $0x4C0;
	v1 =	vld [tilespmem:s1+$0x0];
	_ =	sdelay $0x4  }
0x3a: {  	v2 =	vbroadcast v1, $0x0;
	v3 =	vbroadcast v1, $0x1  }
0x3b: {  	s16 =	sadd.s32 $0x100, s16;
	v4 =	vbroadcast v1, $0x2;
	v5 =	vbroadcast v1, $0x3  }
0x3c: {  	v6 =	vbroadcast v1, $0x5;
	[tilespmem:s16+$0xFFFFFF80] =	vst v2;
	v2 =	vbroadcast v1, $0x4  }
0x3d: {  	v7 =	vbroadcast v1, $0x7;
	[tilespmem:s16+$0xFFFFFF90] =	vst v3;
	v3 =	vbroadcast v1, $0x6  }
0x3e: {  	v8 =	vbroadcast v1, $0x9;
	[tilespmem:s16+$0xFFFFFFA0] =	vst v4;
	v4 =	vbroadcast v1, $0x8  }
0x3f: {  	v9 =	vbroadcast v1, $0xB;
	[tilespmem:s16+$0xFFFFFFB0] =	vst v5;
	v5 =	vbroadcast v1, $0xA  }
0x40: {  	v10 =	vbroadcast v1, $0xD;
	[tilespmem:s16+$0xFFFFFFC0] =	vst v2;
	v2 =	vbroadcast v1, $0xC  }
0x41: {  	[tilespmem:s16+$0xFFFFFFD0] =	vst v6;
	v6 =	vbroadcast v1, $0xE;
	v1 =	vbroadcast v1, $0xF  }
0x42: {  	[tilespmem:s16+$0xFFFFFFE0] =	vst v3  }
0x43: {  	[tilespmem:s16+$0xFFFFFFF0] =	vst v7  }
0x44: {  	[tilespmem:s16+$0x0] =	vst v4  }
0x45: {  	[tilespmem:s16+$0x10] =	vst v8  }
0x46: {  	[tilespmem:s16+$0x20] =	vst v5  }
.Ltmp3:
0x47: {  	[tilespmem:s16+$0x30] =	vst v9;
	(pc) =	sbr.rel @p1 .LBB2_4-.Ltmp3, $4  }
0x48: {  	[tilespmem:s16+$0x40] =	vst v2  }
0x49: {  	[tilespmem:s16+$0x50] =	vst v10  }
0x4a: {  	[tilespmem:s16+$0x60] =	vst v6  }
0x4b: {  	s1 =	sshra.s32 s17, $0x2;
	s17 =	sadd.s32 $0x40, s17;
	[tilespmem:s16+$0x70] =	vst v1  }
0x4c: {  	v1 =	vld [tilespmem:s1+$0x0];
	_ =	sdelay $0x4  }
0x4d: {  	v2 =	vbroadcast v1, $0x0  }
0x4e: {  	s30 =	sadd.s32 $0x100, s16;
	v3 =	vbroadcast v1, $0x1  }
0x4f: {  	v4 =	vbroadcast v1, $0x2;
	[tilespmem:s30+$0xFFFFFF80] =	vst v2  }
0x50: {  	v60 =	vbroadcast v1, $0x5;
	[tilespmem:s30+$0xFFFFFF90] =	vst v3  }
0x51: {  	v61 =	vbroadcast v1, $0x8;
	[tilespmem:s30+$0xFFFFFFA0] =	vst v4  }
0x52: {  	v62 =	vbroadcast v1, $0xB;
	[tilespmem:s30+$0xFFFFFFD0] =	vst v60  }
0x53: {  	v63 =	vbroadcast v1, $0xE;
	[tilespmem:s30+$0x0] =	vst v61  }
0x54: {  	v2 =	vbroadcast v1, $0x3;
	[tilespmem:s30+$0x30] =	vst v62  }
0x55: {  	v3 =	vbroadcast v1, $0x4;
	[tilespmem:s30+$0x60] =	vst v63  }
0x56: {  	[tilespmem:s30+$0xFFFFFFB0] =	vst v2;
	v2 =	vbroadcast v1, $0x6  }
0x57: {  	[tilespmem:s30+$0xFFFFFFC0] =	vst v3;
	v3 =	vbroadcast v1, $0x7  }
0x58: {  	[tilespmem:s30+$0xFFFFFFE0] =	vst v2;
	v2 =	vbroadcast v1, $0x9  }
0x59: {  	[tilespmem:s30+$0xFFFFFFF0] =	vst v3;
	v3 =	vbroadcast v1, $0xA  }
0x5a: {  	[tilespmem:s30+$0x10] =	vst v2;
	v2 =	vbroadcast v1, $0xC  }
0x5b: {  	[tilespmem:s30+$0x20] =	vst v3;
	v3 =	vbroadcast v1, $0xD  }
0x5c: {  	v1 =	vbroadcast v1, $0xF;
	[tilespmem:s30+$0x40] =	vst v2  }
0x5d: {  	[tilespmem:s30+$0x50] =	vst v3  }
0x5e: {  	[tilespmem:s30+$0x70] =	vst v1  }
0x5f: {  	v1 =	vld [tilespmem:$0x14D0];
	_ =	sdelay $0x4  }
0x60: {  	(v2sf) =	vpush v1, $0x0;
	_ =	sdelay $0xa  }
.Ltmp4:
0x61: {  	_ = 	snop;
	(pc) =	sbr.rel .LBB2_6-.Ltmp4, $4  }
0x62: {  	s26 =	simm.s32 $0x0;
	s31 =	simm.s32 $0x1540;
	s11 =	simm.s32 $0x190  }
0x63: {  	s18 =	simm.s32 $0x320;
	s19 =	simm.s32 $0xFFFFFE70;
	s20 =	simm.s32 $0x0  }
0x64: {  	[tilespmem:s31], [sflag:$0x1] =	stream.linear.gather [hbm4b:s6+s26], $0x6400, $0x38;
	[tilespmem:$0x12D40] =	vst v63  }
0x65: {  	s22 =	simm.s32 $0x0;
	s21 =	simm.s32 $0x0;
	s0 =	spop (v2sf)  }
.LBB2_18:
0x66: {  	s21 =	sadd.s32 $0x1, s21  }
0x67: {  	p1 =	sne.s32 s21, $0xE  }
.Ltmp5:
0x68: {  	_ = 	snop;
	(pc) =	sbr.rel @!p1 .LBB2_19-.Ltmp5, $3  }
0x69: {  	_ =	sdelay $0x1  }
0x6a: {  	s11 =	sadd.s32 $0x320, s11;
	s18 =	sadd.s32 $0x320, s18  }
0x6b: {  	s20 =	sadd.s32 $0xFFFFFCE0, s20;
	s19 =	sadd.s32 $0xFFFFFCE0, s19;
	s26 =	smov.u32 s23  }
.LBB2_6:
0x6c: {  	s24 =	smul.u32 $0x320, s21;
	_ =	sdelay $0x1  }
0x6d: {  	s25 =	smov.u32 s0;
	s23 =	sadd.s32 $0x190, s24;
	p2 =	sgt.s32 s26, s24  }
0x6e: {  	s31 =	smov.u32 s24;
	s1 =	sadd.s32 s5, s23;
	p1 =	slt.s32 s23, s0  }
0x6f: {  	s31 =	smov.u32 @p2 s26;
	s1 =	sshll.u32 s1, $0x3;
	s25 =	smov.u32 @p1 s23  }
0x70: {  	s1 =	sand.u32 $0x1FFFFF80, s1;
	p1 =	sge.s32 s31, s25  }
.Ltmp6:
0x71: {  	s1 =	sadd.s32 s3, s1;
	(pc) =	sbr.rel @!p1 .LBB2_7-.Ltmp6, $4  }
0x72: {  	[tilespmem:s12], [sflag:$0x2] =	stream.linear.gather [hbm4b:s1+s2], $0x6400, $0x38;
	[tilespmem:$0x12D40] =	vst v63  }
0x73: {  	_ =	swait.ge [sflag:s13], $0x6400  }
0x74: {  	[sflag:s13] =	ssyncset.done $0x0  }
0x75: {  	[sflag:s13] =	ssyncadd.s32 $0xFFFF9C00  }
.LBB2_12:
0x76: {  	p1 =	seq.s32 s21, $0xD;
	s1 =	sadd.s32 $0x320, s24  }
0x77: {  	s16 =	sadd.s32 @!p1 s5, s1  }
0x78: {  	s16 =	sshll.u32 @!p1 s16, $0x3  }
0x79: {  	s16 =	sand.u32 @!p1 $0x1FFFFF00, s16  }
0x7a: {  	s17 =	simm.s32 @!p1 $0x0;
	s24 =	simm.s32 @!p1 $0x1540;
	s16 =	sadd.s32 @!p1 s3, s16  }
0x7b: {  	[tilespmem:s24], [sflag:$0x1] =	stream.linear.gather @!p1 [hbm4b:s16+s17], $0x6400, $0x38;
	[tilespmem:$0x12D40] =	vst v63  }
0x7c: {  	p2 =	sgt.s32 s31, s23;
	p1 =	slt.s32 s1, s0;
	s24 =	smov.u32 s0  }
0x7d: {  	s23 =	smov.u32 @p2 s31;
	s24 =	smov.u32 @p1 s1  }
0x7e: {  	p1 =	sge.s32 s23, s24  }
.Ltmp7:
0x7f: {  	_ = 	snop;
	(pc) =	sbr.rel @p1 .LBB2_18-.Ltmp7, $4  }
.Ltmp8:
0x80: {  	_ = 	snop;
	(pc) =	sbr.rel @!p1 .LBB2_13-.Ltmp8, $4  }
0x81: {  	_ =	swait.ge [sflag:s14], $0x6400  }
0x82: {  	[sflag:s14] =	ssyncset.done $0x0  }
0x83: {  	[sflag:s14] =	ssyncadd.s32 $0xFFFF9C00  }
0x84: {  	_ = 	snop  }
.LBB2_10:
0x85: {  	v3 =	vmax.f32 v3, v5;
	v1 =	vmax.f32 v1, v6;
	v4 =	vmax.f32 v4, v7  }
.LBB2_11:
.Ltmp9:
0x86: {  	(pc) =	sbr.rel @!p1 .LBB2_12-.Ltmp9, $4  }
0x87: {  	[tilespmem:s28+$0xDD40] =	vst v4;
	p2 =	slt.s32 s26, $0x13E  }
0x88: {  	[tilespmem:s28+$0xDD50] =	vst v3;
	p3 =	sgt.s32 s30, s25;
	s26 =	simm.s32 @!p2 $0x13E  }
0x89: {  	[tilespmem:s28+$0xDD60] =	vst v1;
	s26 =	smov.u32 @p3 s22  }
0x8a: {  	[tilespmem:s28+$0xDD70] =	vst v2;
	s31 =	smov.u32 s29;
	s22 =	smov.u32 s26  }
.LBB2_7:
0x8b: {  	s26 =	sadd.s32 $0x1, s22  }
0x8c: {  	s1 =	sshll.u32 s26, $0x6  }
0x8d: {  	s1 =	sshra.s32 s1, $0x2  }
0x8e: {  	v1 =	vld [tilespmem:s1+$0x140];
	_ =	sdelay $0x4  }
0x8f: {  	(v2sf) =	vpush v1, $0x0;
	_ =	sdelay $0xe  }
0x90: {  	s30 =	spop (v2sf)  }
0x91: {  	s17 =	sshll.u32 s22, $0x8;
	s29 =	smov.u32 s25;
	p1 =	slt.s32 s30, s25  }
0x92: {  	s28 =	sshra.s32 s17, $0x2;
	s29 =	smov.u32 @p1 s30  }
0x93: {  	v4 =	vld [tilespmem:s28+$0xDD40];
	p2 =	sge.s32 s31, s29  }
.Ltmp10:
0x94: {  	v3 =	vld [tilespmem:s28+$0xDD50];
	(pc) =	sbr.rel @p2 .LBB2_11-.Ltmp10, $2  }
0x95: {  	v1 =	vld [tilespmem:s28+$0xDD60];
	_ =	sdelay $0x1  }
0x96: {  	v2 =	vld [tilespmem:s28+$0xDD70];
	_ =	sdelay $0x1  }
0x97: {  	s1 =	sadd.s32 s31, s20  }
0x98: {  	p2 =	slt.s32 s30, s0;
	s16 =	smov.u32 s0;
	s1 =	sshll.u32 s1, $0x8  }
0x99: {  	s16 =	smov.u32 @p2 s30;
	s1 =	sshra.s32 s1, $0x2  }
0x9a: {  	s17 =	smov.u32 s11;
	p2 =	slt.s32 s16, s11;
	s1 =	sadd.s32 $0x1560, s1  }
0x9b: {  	s17 =	smov.u32 @p2 s16;
	v8 =	vld [tilespmem:s1+$0x10]  }
0x9c: {  	s16 =	ssub.s32 s17, s31;
	v5 =	vld [tilespmem:s1+$0xFFFFFFF0]  }
0x9d: {  	v6 =	vld [tilespmem:s1+$0x0];
	p2 =	sne.s32 s16, $0x1  }
.Ltmp11:
0x9e: {  	v7 =	vld [tilespmem:s1+$0xFFFFFFE0];
	(pc) =	sbr.rel @!p2 .LBB2_10-.Ltmp11, $2  }
0x9f: {  	_ =	sdelay $0x2  }
0xa0: {  	s1 =	sadd.s32 $0x40, s1;
	s31 =	sadd.s32 $0xFFFFFFFF, s16;
	v2 =	vmax.f32 v2, v8  }
.LBB2_9:
0xa1: {  	v8 =	vld [tilespmem:s1+$0x10];
	p2 =	sne.s32 s31, $0x1;
	s31 =	sadd.s32 $0xFFFFFFFF, s31;
	v3 =	vmax.f32 v3, v5  }
.Ltmp12:
0xa2: {  	v1 =	vmax.f32 v1, v6;
	v5 =	vld [tilespmem:s1+$0xFFFFFFF0];
	(pc) =	sbr.rel @p2 .LBB2_9-.Ltmp12, $3  }
0xa3: {  	v4 =	vmax.f32 v4, v7;
	v6 =	vld [tilespmem:s1+$0x0]  }
0xa4: {  	v7 =	vld [tilespmem:s1+$0xFFFFFFE0];
	_ =	sdelay $0x1  }
0xa5: {  	s1 =	sadd.s32 $0x40, s1;
	v2 =	vmax.f32 v2, v8  }
.Ltmp13:
0xa6: {  	_ = 	snop;
	(pc) =	sbr.rel .LBB2_10-.Ltmp13, $1  }
0xa7: {  	_ =	sdelay $0x3  }
.LBB2_16:
0xa8: {  	v3 =	vmax.f32 v3, v5;
	v1 =	vmax.f32 v1, v6;
	v4 =	vmax.f32 v4, v7  }
.LBB2_17:
.Ltmp14:
0xa9: {  	(pc) =	sbr.rel @!p1 .LBB2_18-.Ltmp14, $4  }
0xaa: {  	[tilespmem:s26+$0xDD40] =	vst v4;
	p2 =	slt.s32 s25, $0x13E  }
0xab: {  	[tilespmem:s26+$0xDD50] =	vst v3;
	p3 =	sgt.s32 s29, s24;
	s25 =	simm.s32 @!p2 $0x13E  }
0xac: {  	[tilespmem:s26+$0xDD60] =	vst v1;
	s25 =	smov.u32 @p3 s22  }
0xad: {  	[tilespmem:s26+$0xDD70] =	vst v2;
	s23 =	smov.u32 s28;
	s22 =	smov.u32 s25  }
.LBB2_13:
0xae: {  	s25 =	sadd.s32 $0x1, s22  }
0xaf: {  	s1 =	sshll.u32 s25, $0x6  }
0xb0: {  	s1 =	sshra.s32 s1, $0x2  }
0xb1: {  	v1 =	vld [tilespmem:s1+$0x140];
	_ =	sdelay $0x4  }
0xb2: {  	(v2sf) =	vpush v1, $0x0;
	_ =	sdelay $0xe  }
0xb3: {  	s29 =	spop (v2sf)  }
0xb4: {  	s31 =	sshll.u32 s22, $0x8;
	s28 =	smov.u32 s24;
	p1 =	slt.s32 s29, s24  }
0xb5: {  	s26 =	sshra.s32 s31, $0x2;
	s28 =	smov.u32 @p1 s29  }
0xb6: {  	v4 =	vld [tilespmem:s26+$0xDD40];
	p2 =	sge.s32 s23, s28  }
.Ltmp15:
0xb7: {  	v3 =	vld [tilespmem:s26+$0xDD50];
	(pc) =	sbr.rel @p2 .LBB2_17-.Ltmp15, $2  }
0xb8: {  	v1 =	vld [tilespmem:s26+$0xDD60];
	_ =	sdelay $0x1  }
0xb9: {  	v2 =	vld [tilespmem:s26+$0xDD70];
	_ =	sdelay $0x1  }
0xba: {  	s1 =	sadd.s32 s23, s19  }
0xbb: {  	p2 =	slt.s32 s29, s0;
	s16 =	smov.u32 s0;
	s1 =	sshll.u32 s1, $0x8  }
0xbc: {  	s16 =	smov.u32 @p2 s29;
	s1 =	sshra.s32 s1, $0x2  }
0xbd: {  	s17 =	smov.u32 s18;
	p2 =	slt.s32 s16, s18;
	s1 =	sadd.s32 $0x7940, s1  }
0xbe: {  	s17 =	smov.u32 @p2 s16;
	v8 =	vld [tilespmem:s1+$0x30]  }
0xbf: {  	s16 =	ssub.s32 s17, s23;
	v5 =	vld [tilespmem:s1+$0x10]  }
0xc0: {  	v6 =	vld [tilespmem:s1+$0x20];
	p2 =	sne.s32 s16, $0x1  }
.Ltmp16:
0xc1: {  	v7 =	vld [tilespmem:s1+$0x0];
	(pc) =	sbr.rel @!p2 .LBB2_16-.Ltmp16, $2  }
0xc2: {  	_ =	sdelay $0x2  }
0xc3: {  	s1 =	sadd.s32 $0x40, s1;
	s23 =	sadd.s32 $0xFFFFFFFF, s16;
	v2 =	vmax.f32 v2, v8  }
.LBB2_15:
0xc4: {  	v8 =	vld [tilespmem:s1+$0x30];
	p2 =	sne.s32 s23, $0x1;
	s23 =	sadd.s32 $0xFFFFFFFF, s23;
	v3 =	vmax.f32 v3, v5  }
.Ltmp17:
0xc5: {  	v1 =	vmax.f32 v1, v6;
	v5 =	vld [tilespmem:s1+$0x10];
	(pc) =	sbr.rel @p2 .LBB2_15-.Ltmp17, $3  }
0xc6: {  	v4 =	vmax.f32 v4, v7;
	v6 =	vld [tilespmem:s1+$0x20]  }
0xc7: {  	v7 =	vld [tilespmem:s1+$0x0];
	_ =	sdelay $0x1  }
0xc8: {  	s1 =	sadd.s32 $0x40, s1;
	v2 =	vmax.f32 v2, v8  }
.Ltmp18:
0xc9: {  	_ = 	snop;
	(pc) =	sbr.rel .LBB2_16-.Ltmp18, $1  }
0xca: {  	_ =	sdelay $0x3  }
.LBB2_20:
0xcb: {  	_ =	sfence.sel $0x180000  }
0xcc: {  	[bflag:$0x0] =	sbarrier.arrive $0xFFFF  }
0xcd: {  	_ =	strace $0x9000004D  }
0xce: {  	s0 =	stileid.u32;
	[bflag:$0x2] =	sbarrier.arrive $0xFFFF  }
0xcf: {  	p0 =	sne.s32 s0, $0x0;
	s0 =	rddreg [dreg:$0x2]  }
0xd0: {  	s0 =	sadd.s32 @!p0 $0x100000, s0  }
0xd1: {  	[sflag:s0] =	ssyncadd.tile.s32 @!p0 $0x1;
	_ =	shalt  }
.Lfunc_end2:
_tile_overlayer_lowered:
.L_overlay_start_2:
0xd2: {  	(tag) =	ssettag $0x2  }
0xd3: {  	s0 =	rddreg [dreg:$0x0];
	s2 =	stileid.u32  }
0xd4: {  	s1 =	rddreg [dreg:$0x1];
	p0 =	sne.s32 s2, $0x0  }
0xd5: {  	s3 =	rddreg [dreg:$0x2];
	[bflag:$0x3] =	sbarrier.arrive $0xFFFF;
	s2 =	simm.s32 @!p0 $0x1C03  }
0xd6: {  	[timem:s3], [sflag:s2] =	dma.local @!p0 [hbm:s0], s1  }
0xd7: {  	s0 =	simm.s32 @!p0 $0x3  }
0xd8: {  	_ =	swait.ge @!p0 [sflag:s0], s1  }
0xd9: {  	s1 =	ssub.s32 @!p0 $0x0, s1;
	[sflag:s0] =	ssyncset.done @!p0 $0x0  }
0xda: {  	[sflag:s0] =	ssyncadd.s32 @!p0 s1  }
0xdb: {  	[bflag:$0x3] =	sbarrier.arrive $0xFFFF  }
0xdc: {  	_ =	shalt  }

// kernel: kernel.20.cloned.1.call-start
scs
__scs_entry_jumppad:
0x0: {  	(pc) =	sbr.rel $0x88, $3  }
0x1: {  	(tag) =	ssettag $0x0;
	lr =	simm.s32 $0x1  }
0x2: {  	[smem:$0x3F97] =	sst lr;
	_ =	strace $0xD0000000  }
0x3: {  	_ = 	snop  }
0x4: {  	_ = 	snop  }
0x5: {  	_ = 	snop  }
0x6: {  	_ = 	snop  }
0x7: {  	_ = 	snop  }
__scs_overlays_trampoline_lowered:
0x8: {  	[smem:$0x3FA6] =	sst s0  }
0x9: {  	[smem:$0x3FA7] =	sst s1  }
0xa: {  	[smem:$0x3FA8] =	sst s2  }
0xb: {  	[smem:$0x3FA9] =	sst s3  }
0xc: {  	[smem:$0x3FAA] =	sst s4  }
0xd: {  	[smem:$0x3FAB] =	sst s5  }
0xe: {  	[smem:$0x3FAC] =	sst s6  }
0xf: {  	[smem:$0x3FAD] =	sst s7  }
0x10: {  	[smem:$0x3FAE] =	sst s8  }
0x11: {  	[smem:$0x3FAF] =	sst s9;
	s0 =	simm.s32 @!p0 $0x0  }
0x12: {  	s1 =	sld [smem:$0x3F95];
	s0 =	simm.s32 @p0 $0x1  }
0x13: {  	[smem:$0x3FB0] =	sst s0;
	s0 =	simm.s32 @!p1 $0x0  }
0x14: {  	s2 =	sld [smem:$0x3F94];
	s0 =	simm.s32 @p1 $0x1  }
0x15: {  	[smem:$0x3FB1] =	sst s0;
	s0 =	simm.s32 @!p2 $0x0  }
0x16: {  	s3 =	sld [smem:$0x3FDB];
	s0 =	simm.s32 @p2 $0x1  }
0x17: {  	s4 =	simm.s32 $0x1BF5;
	[smem:$0x3FB3] =	sst s0  }
0x18: {  	s0 =	sld [smem:$0x3F96];
	_ =	swait.ge [sflag:s4], $0x0  }
0x19: {  	s7 =	sld [smem:$0x3F97]  }
0x1a: {  	s8 =	sadd.s32 $0xFFFFE003, lr  }
0x1b: {  	s9 =	sadd.s32 $0xFFFFFEF7, lr;
	s5 =	simm.s32 $0xFFFFFFFF;
	p2 =	slt.u32 s8, $0xFFFFF086  }
0x1c: {  	p1 =	slt.u32 s9, $0xF7A;
	s5 =	simm.s32 @!p2 $0x0  }
0x1d: {  	s5 =	simm.s32 @p1 $0x1;
	p0 =	seq.s32 s7, s2  }
0x1e: {  	s7 =	smul.u32 @!p0 $0xF7A, s2;
	p2 =	seq.s32 @!p0 s5, $0x0  }
0x1f: {  	s9 =	smul.u32 $0xF7A, s1;
	s8 =	simm.s32 @!p0 $0x1BF5;
	p2 =	por !p2, p0  }
0x20: {  	[sflag:s8] =	ssyncset.s32 @!p0 $0xFFFFF086;
	s6 =	sadd.s32 @!p0 s3, s7;
	s7 =	simm.s32 @!p0 $0x108  }
0x21: {  	s3 =	sadd.s32 s3, s9;
	s6 =	sadd.s32 @!p0 $0x88, s6;
	s7 =	simm.s32 @p2 $0x1082  }
0x22: {  	[simem:s7], [sflag:s8] =	dma.local @!p0 [hbm:s6], $0xF7A  }
0x23: {  	s9 =	sor.u32 $0xD0000000, s2;
	s6 =	simm.s32 $0x108;
	_ =	swait.ge @!p0 [sflag:s8], $0x0  }
0x24: {  	s3 =	sadd.s32 $0x88, s3;
	s6 =	simm.s32 @!p1 $0x1082;
	[sflag:s4] =	ssyncset.s32 $0xFFFFF086  }
0x25: {  	[simem:s6], [sflag:s4] =	dma.local [hbm:s3], $0xF7A  }
0x26: {  	[smem:$0x3F97] =	sst s1;
	(tag) =	ssettag s2;
	_ =	strace s9  }
0x27: {  	s1 =	sld [smem:$0x3FA7]  }
0x28: {  	s2 =	sld [smem:$0x3FA8]  }
0x29: {  	s4 =	sld [smem:$0x3FAA]  }
0x2a: {  	p0 =	seq.s32 s5, $0x0;
	s5 =	sld [smem:$0x3FAB]  }
0x2b: {  	s6 =	sld [smem:$0x3FAC]  }
0x2c: {  	s7 =	sld [smem:$0x3FAD]  }
0x2d: {  	s3 =	simm.s32 $0x108;
	s8 =	sld [smem:$0x3FAE]  }
0x2e: {  	s3 =	simm.s32 @!p0 $0x1082;
	s9 =	sld [smem:$0x3FAF]  }
0x2f: {  	lr =	sadd.s32 s0, s3;
	s0 =	sld [smem:$0x3FA6]  }
0x30: {  	s3 =	sld [smem:$0x3FA9]  }
0x31: {  	[smem:$0x3FB2] =	sst s10  }
0x32: {  	s10 =	sld [smem:$0x3FB0];
	_ =	sdelay $0x3  }
0x33: {  	p0 =	seq.s32 s10, $0x1;
	s10 =	sld [smem:$0x3FB2];
	_ =	sdelay $0x3  }
0x34: {  	[smem:$0x3FB2] =	sst s10  }
0x35: {  	s10 =	sld [smem:$0x3FB1];
	_ =	sdelay $0x3  }
0x36: {  	p1 =	seq.s32 s10, $0x1;
	s10 =	sld [smem:$0x3FB2];
	_ =	sdelay $0x3  }
0x37: {  	[smem:$0x3FB2] =	sst s10  }
0x38: {  	s10 =	sld [smem:$0x3FB3]  }
0x39: {  	_ = 	snop;
	(pc) =	sbr.ind lr, $3  }
0x3a: {  	_ = 	snop  }
0x3b: {  	_ = 	snop  }
0x3c: {  	p2 =	seq.s32 s10, $0x1;
	s10 =	sld [smem:$0x3FB2]  }
0x3d: {  	_ =	shalt  }
0x3e: {  	_ =	shalt  }
0x3f: {  	_ =	shalt  }
0x40: {  	_ =	shalt  }
0x41: {  	_ =	shalt  }
0x42: {  	_ =	shalt  }
0x43: {  	_ =	shalt  }
0x44: {  	_ =	shalt  }
0x45: {  	_ =	shalt  }
0x46: {  	_ =	shalt  }
0x47: {  	_ =	shalt  }
0x48: {  	_ =	shalt  }
0x49: {  	_ =	shalt  }
0x4a: {  	_ =	shalt  }
0x4b: {  	_ =	shalt  }
0x4c: {  	_ =	shalt  }
0x4d: {  	_ =	shalt  }
0x4e: {  	_ =	shalt  }
0x4f: {  	_ =	shalt  }
0x50: {  	_ =	shalt  }
0x51: {  	_ =	shalt  }
0x52: {  	_ =	shalt  }
0x53: {  	_ =	shalt  }
0x54: {  	_ =	shalt  }
0x55: {  	_ =	shalt  }
0x56: {  	_ =	shalt  }
0x57: {  	_ =	shalt  }
0x58: {  	_ =	shalt  }
0x59: {  	_ =	shalt  }
0x5a: {  	_ =	shalt  }
0x5b: {  	_ =	shalt  }
0x5c: {  	_ =	shalt  }
0x5d: {  	_ =	shalt  }
0x5e: {  	_ =	shalt  }
0x5f: {  	_ =	shalt  }
0x60: {  	_ =	shalt  }
0x61: {  	_ =	shalt  }
0x62: {  	_ =	shalt  }
0x63: {  	_ =	shalt  }
0x64: {  	_ =	shalt  }
0x65: {  	_ =	shalt  }
0x66: {  	_ =	shalt  }
0x67: {  	_ =	shalt  }
0x68: {  	_ =	shalt  }
0x69: {  	_ =	shalt  }
0x6a: {  	_ =	shalt  }
0x6b: {  	_ =	shalt  }
0x6c: {  	_ =	shalt  }
0x6d: {  	_ =	shalt  }
0x6e: {  	_ =	shalt  }
0x6f: {  	_ =	shalt  }
0x70: {  	_ =	shalt  }
0x71: {  	_ =	shalt  }
0x72: {  	_ =	shalt  }
0x73: {  	_ =	shalt  }
0x74: {  	_ =	shalt  }
0x75: {  	_ =	shalt  }
0x76: {  	_ =	shalt  }
0x77: {  	_ =	shalt  }
0x78: {  	_ =	shalt  }
0x79: {  	_ =	shalt  }
0x7a: {  	_ =	shalt  }
0x7b: {  	_ =	shalt  }
0x7c: {  	_ =	shalt  }
0x7d: {  	_ =	shalt  }
0x7e: {  	_ =	shalt  }
0x7f: {  	_ =	shalt  }
0x80: {  	_ =	shalt  }
0x81: {  	_ =	shalt  }
0x82: {  	_ =	shalt  }
0x83: {  	_ =	shalt  }
0x84: {  	_ =	shalt  }
0x85: {  	_ =	shalt  }
0x86: {  	_ =	shalt  }
0x87: {  	_ =	shalt  }
.Lfunc_end0:
.L_simem_size_0:
called_computation.3_lowered:
.L_overlay_start_0:
0x88: {  	s2 =	sld [smem:$0x3FD9]  }
0x89: {  	s3 =	sld [smem:$0x3FFE];
	_ =	sdelay $0x1  }
0x8a: {  	s1 =	srdreg.scid  }
0x8b: {  	s0 =	sand.u32 $0x1, s1  }
0x8c: {  	s17 =	sshll.u32 s0, $0xA;
	s2 =	sadd.s32 s3, s2  }
0x8d: {  	s2 =	sadd.s32 s2, s17  }
0x8e: {  	[smem:$0x3FBE] =	sst s2  }
0x8f: {  	_ = 	snop  }
0x90: {  	s2 =	sld [smem:$0x3FD0];
	(tm) =	ssettm $0x1  }
0x91: {  	s18 =	sld [smem:$0x3FFB];
	_ =	sdelay $0x3  }
0x92: {  	_ =	strace s18  }
0x93: {  	s3 =	sld [smem:$0x3FFC];
	_ =	sdelay $0x3  }
0x94: {  	_ =	strace s3  }
0x95: {  	s3 =	sld [smem:$0x3FFD];
	_ =	sdelay $0x3  }
0x96: {  	_ =	strace s3  }
0x97: {  	_ =	strace $0x8FFFFFFF  }
0x98: {  	s19 =	sld [smem:$0x3FDB];
	_ =	sdelay $0x1  }
0x99: {  	s4 =	simm.s32 $_scs_section_size  }
0x9a: {  	s5 =	simm.s32 $_size__tile_overlayer_lowered;
	s6 =	simm.s32 $_tile_overlayer_lowered  }
0x9b: {  	s22 =	simm.s32 $0x1BFF;
	s21 =	sshll.u32 s6, $0x1;
	s3 =	sadd.s32 s4, s19  }
0x9c: {  	s7 =	simm.s32 $0x0;
	s20 =	sshll.u32 s5, $0x1;
	s5 =	sadd.s32 s21, s3  }
0x9d: {  	[timem:s7], [sflag:s22] =	dma.local [hbm:s5], s20  }
0x9e: {  	_ =	swait.ge [sflag:s22], s20  }
0x9f: {  	s4 =	ssub.s32 $0x0, s20;
	[sflag:s22] =	ssyncset.done $0x0  }
0xa0: {  	[sflag:s22] =	ssyncadd.s32 s4;
	_ =	sdelay $0x1  }
0xa1: {  	s23 =	simm.s32 $0x1B8B  }
0xa2: {  	_ =	swait.ge [sflag:s23], $0x1  }
0xa3: {  	[sflag:s23] =	ssyncset.done $0x0  }
0xa4: {  	s25 =	simm.s32 $0x1B8E;
	s24 =	sld [smem:$0x3FFE];
	[sflag:s23] =	ssyncadd.s32 $0xFFFFFFFF  }
0xa5: {  	s26 =	simm.s32 $execute0_lowered;
	[smem:$0x3FD2] =	sst s25  }
0xa6: {  	s5 =	sshll.u32 s26, $0x1;
	_ =	strace $0x8000004F;
	[dreg:$0x1] =	wrdreg $0xFFFFFFFF  }
0xa7: {  	s28 =	simm.s32 $_size_execute0_lowered;
	s3 =	sadd.s32 s3, s5;
	[dreg:$0x0] =	wrdreg $0x0  }
0xa8: {  	s5 =	sshll.u32 s28, $0x1;
	[dreg:$0x2] =	wrdreg s3  }
0xa9: {  	[dreg:$0x3] =	wrdreg s5  }
0xaa: {  	[dreg:$0x4] =	wrdreg $0xC0  }
0xab: {  	_ =	task [dreg:s7], $0x5FFFF  }
0xac: {  	[dreg:$0x1] =	wrdreg $0xFFFFFFFF  }
0xad: {  	[dreg:$0x0] =	wrdreg $0x60  }
0xae: {  	[dreg:$0x2] =	wrdreg s24  }
0xaf: {  	[dreg:$0x3] =	wrdreg s2  }
0xb0: {  	[dreg:$0x4] =	wrdreg $0x9  }
0xb1: {  	_ =	task.clear_ibuf [dreg:s7], $0x5FFFF;
	_ =	strace $0x9000004F  }
0xb2: {  	s29 =	simm.s32 $0x9;
	_ =	strace $0x80000051  }
0xb3: {  	_ =	swait.ge [sflag:s29], $0x1  }
0xb4: {  	[sflag:s29] =	ssyncadd.s32 $0xFFFFFFFF  }
0xb5: {  	_ =	strace $0x90000051  }
0xb6: {  	_ =	sfence  }
0xb7: {  	s30 =	sld [smem:$0x0];
	_ =	sdelay $0x2  }
0xb8: {  	s31 =	sshll.u32 s1, $0xD;
	s1 =	sshrl.u32 s1, $0x2  }
0xb9: {  	s3 =	sand.u32 $0x4000, s31;
	s1 =	sadd.s32 s1, s30  }
0xba: {  	s0 =	sor.u32 s3, s0;
	s1 =	sshll.u32 s1, $0x11  }
0xbb: {  	s0 =	sor.u32 s1, s0  }
0xbc: {  	s0 =	sadd.s32 $0x8F2B, s0  }
0xbd: {  	[sflag:s0] =	ssyncadd.remote.s32 $0x1  }
0xbe: {  	_ =	sfence.sel $0xFFFF  }
0xbf: {  	[dreg:$0x0] =	wrdreg $0xFFFFFFFF;
	(pc) =	sbr.abs _section_cstart, $3  }
0xc0: {  	[dreg:$0x1] =	wrdreg $0xFFFFFFFF  }
0xc1: {  	_ =	task.clear_ibuf [dreg:s7], $0x2FFFF;
	_ =	strace $0x9FFFFFFF  }
0xc2: {  	(tm) =	ssettm $0x7FFFFFFF  }
0xc3: {  	_ =	shalt  }
tec
execute0_lowered:
.L_overlay_start_1:
0x0: {  	(tag) =	ssettag $0x1  }
0x1: {  	s0 =	srdreg.scid;
	s5 =	rddreg [dreg:$0x0]  }
0x2: {  	s1 =	stileid.u32;
	s6 =	rddreg [dreg:$0x1]  }
0x3: {  	s3 =	simm.s32 $0x0;
	s13 =	simm.s32 $0x28;
	s14 =	simm.s32 $0x9100  }
0x4: {  	s22 =	simm.s32 $0xC300;
	s0 =	sand.u32 $0x1, s0;
	s1 =	sshll.u32 s1, $0x1  }
0x5: {  	s23 =	simm.s32 $0xCD00;
	s24 =	simm.s32 $0xD700;
	s1 =	sor.u32 s0, s1  }
0x6: {  	s25 =	simm.s32 $0xE100;
	s26 =	simm.s32 $0xEB00;
	s2 =	smul.u32 $0x2BC0, s1  }
0x7: {  	s28 =	simm.s32 $0x1;
	s0 =	ssub.s32 $0x2, s0;
	s7 =	smul.u32 $0x28, s1  }
0x8: {  	[smem:$0x7FF] =	sst s3;
	s9 =	sshrl.u32 s0, $0x1;
	s1 =	smul.u32 $0x9C8, s1  }
0x9: {  	s29 =	simm.s32 $0x2;
	_ =	strace $0x80000050;
	s0 =	ssub.s32 s0, s9  }
.Ltmp0:
0xa: {  	s4 =	sshrl.u32 s2, $0x3;
	s1 =	sadd.s32 s6, s1;
	(pc) =	sbr.rel .LBB2_1-.Ltmp0, $4  }
0xb: {  	s7 =	sadd.s32 s7, s5;
	s0 =	smax.u32 s0, $0x1;
	[dreg:$0x5] =	wrdreg s1  }
0xc: {  	s8 =	sadd.s32 s4, s5;
	s7 =	sadd.s32 $0x2C800, s7;
	[dreg:$0x6] =	wrdreg s0  }
0xd: {  	s6 =	simm.s32 $0x0;
	s8 =	sadd.s32 $0x21800, s8;
	[dreg:$0x4] =	wrdreg s7  }
0xe: {  	s4 =	sadd.s32 $0x2CE00, s5;
	s5 =	sadd.s32 $0x40A00, s5;
	[dreg:$0x3] =	wrdreg s8  }
.LBB2_17:
0xf: {  	s0 =	simm.s32 $0x3  }
0x10: {  	_ =	swait.ge [sflag:s0], $0x3200  }
0x11: {  	[sflag:s0] =	ssyncset.done $0x0  }
0x12: {  	s1 =	simm.s32 $0x4;
	[sflag:s0] =	ssyncadd.s32 $0xFFFFCE00  }
0x13: {  	_ =	swait.ge [sflag:s1], $0x3200  }
0x14: {  	s6 =	rddreg [dreg:$0x7]  }
0x15: {  	s31 =	rddreg [dreg:$0x6];
	s6 =	sadd.s32 $0x1, s6  }
0x16: {  	p0 =	sne.s32 s6, s31  }
.Ltmp1:
0x17: {  	_ = 	snop;
	(pc) =	sbr.rel @!p0 .LBB2_18-.Ltmp1, $3  }
0x18: {  	_ =	sdelay $0x1  }
0x19: {  	[sflag:s1] =	ssyncset.done $0x0  }
0x1a: {  	[sflag:s1] =	ssyncadd.s32 $0xFFFFCE00  }
.LBB2_1:
0x1b: {  	[dreg:$0x7] =	wrdreg s6  }
0x1c: {  	s0 =	rddreg [dreg:$0x3];
	s1 =	simm.s32 $0x5  }
0x1d: {  	[tilespmem:s3], [sflag:$0x5] =	stream.linear.gather [hbm4b:s0+s3], $0x2BC0, $0x38;
	[tilespmem:$0xF500] =	vst v63  }
0x1e: {  	_ =	swait.ge [sflag:s1], $0x2BC0  }
0x1f: {  	[sflag:s1] =	ssyncset.done $0x0  }
0x20: {  	s20 =	simm.s32 $0x2BC0;
	s19 =	rddreg [dreg:$0x4];
	[sflag:s1] =	ssyncadd.s32 $0xFFFFD440  }
0x21: {  	[tilespmem:s20], [sflag:$0x5] =	stream.linear.gather [hbm4b:s19+s3], $0x140, $0x38;
	[tilespmem:$0xF500] =	vst v63  }
0x22: {  	_ =	swait.ge [sflag:s1], $0x140  }
0x23: {  	[sflag:s1] =	ssyncset.done $0x0  }
0x24: {  	s30 =	simm.s32 $0x4100;
	s21 =	rddreg [dreg:$0x5];
	[sflag:s1] =	ssyncadd.s32 $0xFFFFFEC0  }
0x25: {  	[tilespmem:s30], [sflag:$0x5] =	stream.linear.gather [hbm4b:s21+s3], $0x5000, $0x38;
	[tilespmem:$0xF500] =	vst v63  }
0x26: {  	_ =	swait.ge [sflag:s1], $0x5000  }
0x27: {  	[sflag:s1] =	ssyncset.done $0x0  }
0x28: {  	s31 =	simm.s32 $0x0;
	[sflag:s1] =	ssyncadd.s32 $0xFFFFB000  }
0x29: {  	v0 =	vld [tilespmem:s31+$0x2BC0];
	_ =	sdelay $0x4  }
0x2a: {  	v1 =	vbroadcast v0, $0x0  }
0x2b: {  	s0 =	simm.s32 $0x2D80;
	v2 =	vbroadcast v0, $0x1  }
0x2c: {  	v3 =	vbroadcast v0, $0x2;
	[tilespmem:s0+$0xFFFFFF80] =	vst v1  }
0x2d: {  	v52 =	vbroadcast v0, $0x3;
	[tilespmem:s0+$0xFFFFFF90] =	vst v2  }
0x2e: {  	v53 =	vbroadcast v0, $0x4;
	[tilespmem:s0+$0xFFFFFFA0] =	vst v3  }
0x2f: {  	v54 =	vbroadcast v0, $0x5;
	[tilespmem:s0+$0xFFFFFFB0] =	vst v52  }
0x30: {  	v55 =	vbroadcast v0, $0x6;
	[tilespmem:s0+$0xFFFFFFC0] =	vst v53  }
0x31: {  	v56 =	vbroadcast v0, $0x7;
	[tilespmem:s0+$0xFFFFFFD0] =	vst v54  }
0x32: {  	v57 =	vbroadcast v0, $0x8;
	[tilespmem:s0+$0xFFFFFFE0] =	vst v55  }
0x33: {  	v58 =	vbroadcast v0, $0x9;
	[tilespmem:s0+$0xFFFFFFF0] =	vst v56  }
0x34: {  	v59 =	vbroadcast v0, $0xA;
	[tilespmem:s0+$0x0] =	vst v57  }
0x35: {  	v60 =	vbroadcast v0, $0xB;
	[tilespmem:s0+$0x10] =	vst v58  }
0x36: {  	v61 =	vbroadcast v0, $0xC;
	[tilespmem:s0+$0x20] =	vst v59  }
0x37: {  	v62 =	vbroadcast v0, $0xD;
	[tilespmem:s0+$0x30] =	vst v60  }
0x38: {  	v63 =	vbroadcast v0, $0xE;
	[tilespmem:s0+$0x40] =	vst v61  }
0x39: {  	v0 =	vbroadcast v0, $0xF;
	[tilespmem:s0+$0x50] =	vst v62  }
0x3a: {  	[tilespmem:s0+$0x60] =	vst v63  }
0x3b: {  	s7 =	simm.s32 $0x10;
	s6 =	simm.s32 $0x80;
	[tilespmem:s0+$0x70] =	vst v0  }
.LBB2_2:
0x3c: {  	p0 =	sne.s32 s6, $0x4C0;
	v0 =	vld [tilespmem:s7+$0x2BC0];
	_ =	sdelay $0x4  }
0x3d: {  	v1 =	vbroadcast v0, $0x0;
	v2 =	vbroadcast v0, $0x1  }
0x3e: {  	s0 =	sadd.s32 $0x100, s0;
	v3 =	vbroadcast v0, $0x2;
	v4 =	vbroadcast v0, $0x3  }
0x3f: {  	v5 =	vbroadcast v0, $0x5;
	[tilespmem:s0+$0xFFFFFF80] =	vst v1;
	v1 =	vbroadcast v0, $0x4  }
0x40: {  	v6 =	vbroadcast v0, $0x7;
	[tilespmem:s0+$0xFFFFFF90] =	vst v2;
	v2 =	vbroadcast v0, $0x6  }
0x41: {  	v7 =	vbroadcast v0, $0x9;
	[tilespmem:s0+$0xFFFFFFA0] =	vst v3;
	v3 =	vbroadcast v0, $0x8  }
0x42: {  	v8 =	vbroadcast v0, $0xB;
	[tilespmem:s0+$0xFFFFFFB0] =	vst v4;
	v4 =	vbroadcast v0, $0xA  }
0x43: {  	v9 =	vbroadcast v0, $0xD;
	[tilespmem:s0+$0xFFFFFFC0] =	vst v1;
	v1 =	vbroadcast v0, $0xC  }
0x44: {  	[tilespmem:s0+$0xFFFFFFD0] =	vst v5;
	v5 =	vbroadcast v0, $0xE;
	v0 =	vbroadcast v0, $0xF  }
0x45: {  	[tilespmem:s0+$0xFFFFFFE0] =	vst v2  }
0x46: {  	[tilespmem:s0+$0xFFFFFFF0] =	vst v6  }
0x47: {  	[tilespmem:s0+$0x0] =	vst v3  }
0x48: {  	[tilespmem:s0+$0x10] =	vst v7  }
0x49: {  	[tilespmem:s0+$0x20] =	vst v4  }
.Ltmp2:
0x4a: {  	[tilespmem:s0+$0x30] =	vst v8;
	(pc) =	sbr.rel @p0 .LBB2_2-.Ltmp2, $4  }
0x4b: {  	[tilespmem:s0+$0x40] =	vst v1  }
0x4c: {  	[tilespmem:s0+$0x50] =	vst v9  }
0x4d: {  	[tilespmem:s0+$0x60] =	vst v5  }
0x4e: {  	s7 =	sshra.s32 s6, $0x2;
	s6 =	sadd.s32 $0x40, s6;
	[tilespmem:s0+$0x70] =	vst v0  }
0x4f: {  	v0 =	vld [tilespmem:s7+$0x2BC0];
	_ =	sdelay $0x4  }
0x50: {  	v1 =	vbroadcast v0, $0x0  }
0x51: {  	s0 =	sadd.s32 $0x100, s0;
	v2 =	vbroadcast v0, $0x1  }
0x52: {  	v3 =	vbroadcast v0, $0x2;
	[tilespmem:s0+$0xFFFFFF80] =	vst v1  }
0x53: {  	v52 =	vbroadcast v0, $0x3;
	[tilespmem:s0+$0xFFFFFF90] =	vst v2  }
0x54: {  	v53 =	vbroadcast v0, $0x4;
	[tilespmem:s0+$0xFFFFFFA0] =	vst v3  }
0x55: {  	v54 =	vbroadcast v0, $0x5;
	[tilespmem:s0+$0xFFFFFFB0] =	vst v52  }
0x56: {  	v55 =	vbroadcast v0, $0x6;
	[tilespmem:s0+$0xFFFFFFC0] =	vst v53  }
0x57: {  	v56 =	vbroadcast v0, $0x7;
	[tilespmem:s0+$0xFFFFFFD0] =	vst v54  }
0x58: {  	v57 =	vbroadcast v0, $0x8;
	[tilespmem:s0+$0xFFFFFFE0] =	vst v55  }
0x59: {  	v58 =	vbroadcast v0, $0x9;
	[tilespmem:s0+$0xFFFFFFF0] =	vst v56  }
0x5a: {  	v59 =	vbroadcast v0, $0xA;
	[tilespmem:s0+$0x0] =	vst v57  }
0x5b: {  	v60 =	vbroadcast v0, $0xB;
	[tilespmem:s0+$0x10] =	vst v58  }
0x5c: {  	v61 =	vbroadcast v0, $0xC;
	[tilespmem:s0+$0x20] =	vst v59  }
0x5d: {  	v62 =	vbroadcast v0, $0xD;
	[tilespmem:s0+$0x30] =	vst v60  }
0x5e: {  	v63 =	vbroadcast v0, $0xE;
	[tilespmem:s0+$0x40] =	vst v61  }
0x5f: {  	v0 =	vbroadcast v0, $0xF;
	[tilespmem:s0+$0x50] =	vst v62  }
0x60: {  	[tilespmem:s0+$0x60] =	vst v63  }
0x61: {  	[tilespmem:s0+$0x70] =	vst v0  }
0x62: {  	v0 =	vld [tilespmem:$0x4090];
	_ =	sdelay $0x4  }
0x63: {  	(v2sf) =	vpush v0, $0x0;
	_ =	sdelay $0x4  }
0x64: {  	s19 =	simm.s32 $0x0  }
0x65: {  	[tilespmem:s14], [sflag:$0x1] =	stream.indirect.gather [hbm4b:s4+s13], $0x40, s19, s13, $0xb8;
	[tilespmem:$0xF500] =	vst v63  }
0x66: {  	s17 =	simm.s32 $0x9B00;
	s18 =	simm.s32 $0x50;
	s1 =	simm.s32 $0xA500  }
0x67: {  	[tilespmem:s17], [sflag:$0x1] =	stream.indirect.gather [hbm4b:s4+s13], $0x40, s13, s13, $0xb8;
	[tilespmem:$0xF500] =	vst v63  }
0x68: {  	s20 =	simm.s32 $0x78;
	s21 =	simm.s32 $0xAF00;
	s30 =	simm.s32 $0xA0  }
0x69: {  	[tilespmem:s1], [sflag:$0x1] =	stream.indirect.gather [hbm4b:s4+s13], $0x40, s18, s13, $0xb8;
	[tilespmem:$0xF500] =	vst v63  }
.Ltmp3:
0x6a: {  	s31 =	simm.s32 $0xB900;
	s12 =	simm.s32 $0x190;
	(pc) =	sbr.rel .LBB2_4-.Ltmp3, $4  }
0x6b: {  	[tilespmem:s21], [sflag:$0x1] =	stream.indirect.gather [hbm4b:s4+s13], $0x40, s20, s13, $0xb8;
	[tilespmem:$0xF500] =	vst v63  }
0x6c: {  	s15 =	simm.s32 $0xFFFFFF38;
	s16 =	simm.s32 $0x0;
	s17 =	simm.s32 $0x0  }
0x6d: {  	[tilespmem:s31], [sflag:$0x1] =	stream.indirect.gather [hbm4b:s4+s13], $0x40, s30, s13, $0xb8;
	[tilespmem:$0xF500] =	vst v63  }
0x6e: {  	s1 =	simm.s32 $0xC8;
	s18 =	simm.s32 $0x0;
	s8 =	spop (v2sf)  }
.LBB2_16:
0x6f: {  	s17 =	sadd.s32 $0x1, s17  }
0x70: {  	p0 =	sne.s32 s17, $0x1C  }
.Ltmp4:
0x71: {  	s0 =	sadd.s32 s2, s21;
	(pc) =	sbr.rel @!p0 .LBB2_17-.Ltmp4, $4  }
0x72: {  	s0 =	sshll.u32 s0, $0x3  }
0x73: {  	s1 =	sadd.s32 $0x190, s1;
	s12 =	sadd.s32 $0x190, s12;
	s0 =	sand.u32 $0x1FFFFFC0, s0  }
0x74: {  	s16 =	sadd.s32 $0xFFFFFE70, s16;
	s15 =	sadd.s32 $0xFFFFFE70, s15;
	s0 =	sadd.s32 s5, s0  }
0x75: {  	[hbm4b:s0+s3] =	stream.linear.scatter [tilespmem:s22], [sflag:$0x4], $0x3200, $0x38;
	[tilespmem:$0xF500] =	vst v63  }
.LBB2_4:
0x76: {  	p0 =	seq.s32 s17, $0x0  }
0x77: {  	s0 =	simm.s32 @!p0 $0x4  }
0x78: {  	s30 =	smul.u32 $0x190, s17;
	_ =	swait.ge @!p0 [sflag:s0], $0x3200  }
0x79: {  	[sflag:s0] =	ssyncset.done @!p0 $0x0  }
0x7a: {  	s21 =	sadd.s32 $0xC8, s30;
	[sflag:s0] =	ssyncadd.s32 @!p0 $0xFFFFCE00  }
0x7b: {  	[tilespmem:s22], [sflag:$0x2] =	stream.indirect.gather [hbm4b:s4+s13], $0x40, s21, s13, $0xb8;
	[tilespmem:$0xF500] =	vst v63  }
0x7c: {  	s10 =	sadd.s32 $0xF0, s30  }
0x7d: {  	[tilespmem:s23], [sflag:$0x2] =	stream.indirect.gather [hbm4b:s4+s13], $0x40, s10, s13, $0xb8;
	[tilespmem:$0xF500] =	vst v63  }
0x7e: {  	s11 =	sadd.s32 $0x118, s30  }
0x7f: {  	[tilespmem:s24], [sflag:$0x2] =	stream.indirect.gather [hbm4b:s4+s13], $0x40, s11, s13, $0xb8;
	[tilespmem:$0xF500] =	vst v63  }
0x80: {  	s20 =	sadd.s32 $0x140, s30  }
0x81: {  	[tilespmem:s25], [sflag:$0x2] =	stream.indirect.gather [hbm4b:s4+s13], $0x40, s20, s13, $0xb8;
	[tilespmem:$0xF500] =	vst v63  }
0x82: {  	s31 =	sadd.s32 $0x168, s30  }
0x83: {  	[tilespmem:s26], [sflag:$0x2] =	stream.indirect.gather [hbm4b:s4+s13], $0x40, s31, s13, $0xb8;
	[tilespmem:$0xF500] =	vst v63  }
0x84: {  	_ =	swait.ge [sflag:s28], $0xA00  }
0x85: {  	[sflag:s28] =	ssyncset.done $0x0  }
0x86: {  	[sflag:s28] =	ssyncadd.s32 $0xFFFFF600  }
0x87: {  	_ =	swait.ge [sflag:s28], $0xA00  }
0x88: {  	[sflag:s28] =	ssyncset.done $0x0  }
0x89: {  	[sflag:s28] =	ssyncadd.s32 $0xFFFFF600  }
0x8a: {  	s6 =	smov.u32 s8;
	p1 =	sgt.s32 s19, s30;
	_ =	swait.ge [sflag:s28], $0xA00  }
0x8b: {  	s7 =	smov.u32 s30;
	p0 =	slt.s32 s21, s8;
	[sflag:s28] =	ssyncset.done $0x0  }
0x8c: {  	s7 =	smov.u32 @p1 s19;
	s6 =	smov.u32 @p0 s21;
	[sflag:s28] =	ssyncadd.s32 $0xFFFFF600  }
0x8d: {  	p0 =	sge.s32 s7, s6;
	_ =	swait.ge [sflag:s28], $0xA00  }
.Ltmp5:
0x8e: {  	[sflag:s28] =	ssyncset.done $0x0;
	(pc) =	sbr.rel @!p0 .LBB2_5-.Ltmp5, $4  }
0x8f: {  	[sflag:s28] =	ssyncadd.s32 $0xFFFFF600  }
0x90: {  	_ =	swait.ge [sflag:s28], $0xA00  }
0x91: {  	[sflag:s28] =	ssyncset.done $0x0  }
0x92: {  	[sflag:s28] =	ssyncadd.s32 $0xFFFFF600  }
.LBB2_10:
0x93: {  	s0 =	sadd.s32 s2, s30  }
0x94: {  	s0 =	sshll.u32 s0, $0x3  }
0x95: {  	p0 =	seq.s32 s17, $0x1B;
	s31 =	sshll.u32 s17, $0x1;
	s0 =	sadd.s32 s5, s0  }
0x96: {  	[hbm4b:s0+s3] =	stream.linear.scatter [tilespmem:s14], [sflag:$0x3], $0x3200, $0x38;
	[tilespmem:$0xF500] =	vst v63  }
0x97: {  	s6 =	simm.s32 @!p0 $0x3;
	s0 =	sadd.s32 $0x2, s31  }
0x98: {  	_ =	swait.ge @!p0 [sflag:s6], $0x3200;
	s9 =	smul.u32 @!p0 $0x320, s0  }
0x99: {  	s10 =	simm.s32 @!p0 $0x9100;
	[sflag:s6] =	ssyncset.done @!p0 $0x0  }
0x9a: {  	[sflag:s6] =	ssyncadd.s32 @!p0 $0xFFFFCE00;
	s6 =	sshra.s32 @!p0 s9, $0x2;
	s9 =	simm.s32 @!p0 $0x28  }
0x9b: {  	[tilespmem:s10], [sflag:$0x1] =	stream.indirect.gather @!p0 [hbm4b:s4+s9], $0x40, s6, s9, $0xb8;
	[tilespmem:$0xF500] =	vst v63  }
0x9c: {  	s11 =	simm.s32 @!p0 $0x9B00;
	s10 =	sadd.s32 @!p0 $0x28, s6  }
0x9d: {  	[tilespmem:s11], [sflag:$0x1] =	stream.indirect.gather @!p0 [hbm4b:s4+s9], $0x40, s10, s9, $0xb8;
	[tilespmem:$0xF500] =	vst v63  }
0x9e: {  	s10 =	sadd.s32 @!p0 $0x50, s6;
	s11 =	simm.s32 @!p0 $0xA500  }
0x9f: {  	[tilespmem:s11], [sflag:$0x1] =	stream.indirect.gather @!p0 [hbm4b:s4+s9], $0x40, s10, s9, $0xb8;
	[tilespmem:$0xF500] =	vst v63  }
0xa0: {  	s10 =	sadd.s32 @!p0 $0x78, s6;
	s11 =	simm.s32 @!p0 $0xAF00  }
0xa1: {  	[tilespmem:s11], [sflag:$0x1] =	stream.indirect.gather @!p0 [hbm4b:s4+s9], $0x40, s10, s9, $0xb8;
	[tilespmem:$0xF500] =	vst v63  }
0xa2: {  	s6 =	sadd.s32 @!p0 $0xA0, s6;
	s10 =	simm.s32 @!p0 $0xB900  }
0xa3: {  	[tilespmem:s10], [sflag:$0x1] =	stream.indirect.gather @!p0 [hbm4b:s4+s9], $0x40, s6, s9, $0xb8;
	[tilespmem:$0xF500] =	vst v63  }
0xa4: {  	_ =	swait.ge [sflag:s29], $0xA00  }
0xa5: {  	[sflag:s29] =	ssyncset.done $0x0  }
0xa6: {  	[sflag:s29] =	ssyncadd.s32 $0xFFFFF600  }
0xa7: {  	_ =	swait.ge [sflag:s29], $0xA00  }
0xa8: {  	[sflag:s29] =	ssyncset.done $0x0  }
0xa9: {  	s6 =	smul.u32 $0xC8, s0;
	[sflag:s29] =	ssyncadd.s32 $0xFFFFF600  }
0xaa: {  	p1 =	sgt.s32 s7, s21;
	s19 =	smov.u32 s21;
	_ =	swait.ge [sflag:s29], $0xA00  }
0xab: {  	s0 =	smov.u32 s8;
	p0 =	slt.s32 s6, s8;
	[sflag:s29] =	ssyncset.done $0x0  }
0xac: {  	s19 =	smov.u32 @p1 s7;
	s0 =	smov.u32 @p0 s6;
	[sflag:s29] =	ssyncadd.s32 $0xFFFFF600  }
0xad: {  	p0 =	sge.s32 s19, s0;
	_ =	swait.ge [sflag:s29], $0xA00  }
.Ltmp6:
0xae: {  	[sflag:s29] =	ssyncset.done $0x0;
	(pc) =	sbr.rel @p0 .LBB2_16-.Ltmp6, $4  }
.Ltmp7:
0xaf: {  	[sflag:s29] =	ssyncadd.s32 $0xFFFFF600;
	(pc) =	sbr.rel @!p0 .LBB2_11-.Ltmp7, $4  }
0xb0: {  	_ =	swait.ge [sflag:s29], $0xA00  }
0xb1: {  	[sflag:s29] =	ssyncset.done $0x0  }
0xb2: {  	[sflag:s29] =	ssyncadd.s32 $0xFFFFF600  }
0xb3: {  	_ = 	snop  }
.LBB2_8:
0xb4: {  	v7 =	vld [tilespmem:s20+$0xFFFFFFF0];
	_ =	sdelay $0x1  }
0xb5: {  	v0 =	vadd.f32 v4, v0  }
0xb6: {  	v2 =	vadd.f32 v6, v2  }
0xb7: {  	v63 =	vadd.f32 v5, v3;
	[tilespmem:s7+$0xFFFFFFE0] =	vst v0  }
0xb8: {  	[tilespmem:s7+$0x0] =	vst v2;
	v1 =	vadd.f32 v7, v1  }
0xb9: {  	[tilespmem:s7+$0x10] =	vst v63  }
0xba: {  	[tilespmem:s7+$0xFFFFFFF0] =	vst v1  }
.LBB2_9:
.Ltmp8:
0xbb: {  	(pc) =	sbr.rel @!p0 .LBB2_10-.Ltmp8, $4  }
0xbc: {  	p1 =	slt.s32 s19, $0x13E  }
0xbd: {  	p2 =	sgt.s32 s9, s6;
	s19 =	simm.s32 @!p1 $0x13E  }
0xbe: {  	s19 =	smov.u32 @p2 s18  }
0xbf: {  	s7 =	smov.u32 s0;
	s18 =	smov.u32 s19  }
.LBB2_5:
0xc0: {  	s19 =	sadd.s32 $0x1, s18  }
0xc1: {  	s0 =	sshll.u32 s19, $0x6  }
0xc2: {  	s0 =	sshra.s32 s0, $0x2  }
0xc3: {  	v0 =	vld [tilespmem:s0+$0x2D00];
	_ =	sdelay $0x4  }
0xc4: {  	(v2sf) =	vpush v0, $0x0;
	_ =	sdelay $0xe  }
0xc5: {  	s9 =	spop (v2sf)  }
0xc6: {  	s0 =	smov.u32 s6;
	p0 =	slt.s32 s9, s6  }
0xc7: {  	s0 =	smov.u32 @p0 s9  }
0xc8: {  	p1 =	sge.s32 s7, s0  }
.Ltmp9:
0xc9: {  	_ = 	snop;
	(pc) =	sbr.rel @p1 .LBB2_9-.Ltmp9, $1  }
0xca: {  	_ =	sdelay $0x3  }
0xcb: {  	p1 =	slt.s32 s9, s8;
	s31 =	smov.u32 s8  }
0xcc: {  	s31 =	smov.u32 @p1 s9  }
0xcd: {  	s20 =	sshll.u32 s18, $0x8;
	s11 =	smov.u32 s1;
	p1 =	slt.s32 s31, s1  }
0xce: {  	s20 =	sshra.s32 s20, $0x2;
	s11 =	smov.u32 @p1 s31  }
0xcf: {  	s10 =	sadd.s32 s7, s16;
	v0 =	vld [tilespmem:s20+$0x4100];
	s11 =	ssub.s32 s11, s7  }
0xd0: {  	s10 =	sshll.u32 s10, $0x8;
	v1 =	vld [tilespmem:s20+$0x4110];
	p1 =	sne.s32 s11, $0x1  }
.Ltmp10:
0xd1: {  	v2 =	vld [tilespmem:s20+$0x4120];
	s10 =	sshra.s32 s10, $0x2;
	(pc) =	sbr.rel @!p1 .LBB2_8-.Ltmp10, $4  }
0xd2: {  	v3 =	vld [tilespmem:s20+$0x4130];
	s20 =	sadd.s32 $0x9120, s10  }
0xd3: {  	v4 =	vld [tilespmem:s20+$0xFFFFFFE0]  }
0xd4: {  	v6 =	vld [tilespmem:s20+$0x0]  }
0xd5: {  	v5 =	vld [tilespmem:s20+$0x10];
	s7 =	smov.u32 s20;
	s31 =	sadd.s32 $0xFFFFFFFF, s11  }
.LBB2_7:
0xd6: {  	p1 =	sne.s32 s31, $0x1;
	v7 =	vld [tilespmem:s20+$0xFFFFFFF0];
	_ =	sdelay $0x1  }
0xd7: {  	v4 =	vadd.f32 v4, v0  }
.Ltmp11:
0xd8: {  	v6 =	vadd.f32 v6, v2;
	(pc) =	sbr.rel @p1 .LBB2_7-.Ltmp11, $4  }
0xd9: {  	v5 =	vadd.f32 v5, v3;
	s20 =	sadd.s32 $0x40, s20;
	[tilespmem:s7+$0xFFFFFFE0] =	vst v4  }
0xda: {  	v4 =	vld [tilespmem:s20+$0xFFFFFFE0];
	v7 =	vadd.f32 v7, v1;
	[tilespmem:s7+$0x0] =	vst v6  }
0xdb: {  	v6 =	vld [tilespmem:s20+$0x0];
	[tilespmem:s7+$0x10] =	vst v5  }
0xdc: {  	s31 =	sadd.s32 $0xFFFFFFFF, s31;
	v5 =	vld [tilespmem:s20+$0x10];
	[tilespmem:s7+$0xFFFFFFF0] =	vst v7;
	s7 =	smov.u32 s20  }
.Ltmp12:
0xdd: {  	_ = 	snop;
	(pc) =	sbr.rel .LBB2_8-.Ltmp12, $1  }
0xde: {  	_ =	sdelay $0x3  }
.LBB2_14:
0xdf: {  	v7 =	vld [tilespmem:s20+$0xFFFFFFF0];
	_ =	sdelay $0x1  }
0xe0: {  	v0 =	vadd.f32 v4, v0  }
0xe1: {  	v2 =	vadd.f32 v6, v2  }
0xe2: {  	v63 =	vadd.f32 v5, v3;
	[tilespmem:s19+$0xFFFFFFD0] =	vst v0  }
0xe3: {  	[tilespmem:s19+$0xFFFFFFE0] =	vst v2;
	v1 =	vadd.f32 v7, v1  }
0xe4: {  	[tilespmem:s19+$0x0] =	vst v63  }
0xe5: {  	[tilespmem:s19+$0xFFFFFFF0] =	vst v1  }
.LBB2_15:
.Ltmp13:
0xe6: {  	(pc) =	sbr.rel @!p0 .LBB2_16-.Ltmp13, $4  }
0xe7: {  	p1 =	slt.s32 s7, $0x13E  }
0xe8: {  	p2 =	sgt.s32 s9, s0;
	s7 =	simm.s32 @!p1 $0x13E  }
0xe9: {  	s7 =	smov.u32 @p2 s18  }
0xea: {  	s19 =	smov.u32 s6;
	s18 =	smov.u32 s7  }
.LBB2_11:
0xeb: {  	s7 =	sadd.s32 $0x1, s18  }
0xec: {  	s6 =	sshll.u32 s7, $0x6  }
0xed: {  	s6 =	sshra.s32 s6, $0x2  }
0xee: {  	v0 =	vld [tilespmem:s6+$0x2D00];
	_ =	sdelay $0x4  }
0xef: {  	(v2sf) =	vpush v0, $0x0;
	_ =	sdelay $0xe  }
0xf0: {  	s9 =	spop (v2sf)  }
0xf1: {  	s6 =	smov.u32 s0;
	p0 =	slt.s32 s9, s0  }
0xf2: {  	s6 =	smov.u32 @p0 s9  }
0xf3: {  	p1 =	sge.s32 s19, s6  }
.Ltmp14:
0xf4: {  	_ = 	snop;
	(pc) =	sbr.rel @p1 .LBB2_15-.Ltmp14, $1  }
0xf5: {  	_ =	sdelay $0x3  }
0xf6: {  	p1 =	slt.s32 s9, s8;
	s11 =	smov.u32 s8  }
0xf7: {  	s11 =	smov.u32 @p1 s9  }
0xf8: {  	s10 =	sshll.u32 s18, $0x8;
	s30 =	smov.u32 s12;
	p1 =	slt.s32 s11, s12  }
0xf9: {  	s10 =	sshra.s32 s10, $0x2;
	s30 =	smov.u32 @p1 s11  }
0xfa: {  	s20 =	sadd.s32 s19, s15;
	v0 =	vld [tilespmem:s10+$0x4100];
	s31 =	ssub.s32 s30, s19  }
0xfb: {  	s20 =	sshll.u32 s20, $0x8;
	v2 =	vld [tilespmem:s10+$0x4110];
	p1 =	sne.s32 s31, $0x1  }
.Ltmp15:
0xfc: {  	v1 =	vld [tilespmem:s10+$0x4120];
	s20 =	sshra.s32 s20, $0x2;
	(pc) =	sbr.rel @!p1 .LBB2_14-.Ltmp15, $4  }
0xfd: {  	v3 =	vld [tilespmem:s10+$0x4130];
	s20 =	sadd.s32 $0xC330, s20  }
0xfe: {  	v4 =	vld [tilespmem:s20+$0xFFFFFFD0]  }
0xff: {  	v6 =	vld [tilespmem:s20+$0xFFFFFFE0]  }
0x100: {  	v5 =	vld [tilespmem:s20+$0x0];
	s19 =	smov.u32 s20;
	s30 =	sadd.s32 $0xFFFFFFFF, s31  }
.LBB2_13:
0x101: {  	p1 =	sne.s32 s30, $0x1;
	v7 =	vld [tilespmem:s20+$0xFFFFFFF0];
	_ =	sdelay $0x1  }
0x102: {  	v4 =	vadd.f32 v4, v0  }
.Ltmp16:
0x103: {  	v6 =	vadd.f32 v6, v2;
	(pc) =	sbr.rel @p1 .LBB2_13-.Ltmp16, $4  }
0x104: {  	v5 =	vadd.f32 v5, v3;
	s20 =	sadd.s32 $0x40, s20;
	[tilespmem:s19+$0xFFFFFFD0] =	vst v4  }
0x105: {  	v4 =	vld [tilespmem:s20+$0xFFFFFFD0];
	[tilespmem:s19+$0xFFFFFFE0] =	vst v6;
	v7 =	vadd.f32 v7, v1  }
0x106: {  	v6 =	vld [tilespmem:s20+$0xFFFFFFE0];
	[tilespmem:s19+$0x0] =	vst v5  }
0x107: {  	s30 =	sadd.s32 $0xFFFFFFFF, s30;
	v5 =	vld [tilespmem:s20+$0x0];
	[tilespmem:s19+$0xFFFFFFF0] =	vst v7;
	s19 =	smov.u32 s20  }
.Ltmp17:
0x108: {  	_ = 	snop;
	(pc) =	sbr.rel .LBB2_14-.Ltmp17, $1  }
0x109: {  	_ =	sdelay $0x3  }
.LBB2_18:
0x10a: {  	_ =	sfence.sel $0x180000  }
0x10b: {  	[bflag:$0x0] =	sbarrier.arrive $0xFFFF  }
0x10c: {  	_ =	strace $0x90000050  }
0x10d: {  	s0 =	stileid.u32;
	[bflag:$0x2] =	sbarrier.arrive $0xFFFF  }
0x10e: {  	p0 =	sne.s32 s0, $0x0;
	s0 =	rddreg [dreg:$0x2]  }
0x10f: {  	s0 =	sadd.s32 @!p0 $0x100000, s0  }
0x110: {  	[sflag:s0] =	ssyncadd.tile.s32 @!p0 $0x1;
	_ =	shalt  }
.Lfunc_end2:
_tile_overlayer_lowered:
.L_overlay_start_2:
0x111: {  	(tag) =	ssettag $0x2  }
0x112: {  	s0 =	rddreg [dreg:$0x0];
	s2 =	stileid.u32  }
0x113: {  	s1 =	rddreg [dreg:$0x1];
	p0 =	sne.s32 s2, $0x0  }
0x114: {  	s3 =	rddreg [dreg:$0x2];
	[bflag:$0x3] =	sbarrier.arrive $0xFFFF;
	s2 =	simm.s32 @!p0 $0x1C05  }
0x115: {  	[timem:s3], [sflag:s2] =	dma.local @!p0 [hbm:s0], s1  }
0x116: {  	s0 =	simm.s32 @!p0 $0x5  }
0x117: {  	_ =	swait.ge @!p0 [sflag:s0], s1  }
0x118: {  	s1 =	ssub.s32 @!p0 $0x0, s1;
	[sflag:s0] =	ssyncset.done @!p0 $0x0  }
0x119: {  	[sflag:s0] =	ssyncadd.s32 @!p0 s1  }
0x11a: {  	[bflag:$0x3] =	sbarrier.arrive $0xFFFF  }
0x11b: {  	_ =	shalt  }

// kernel: kernel.23.cloned.1.call-start
scs
__scs_entry_jumppad:
0x0: {  	(pc) =	sbr.rel $0x88, $3  }
0x1: {  	(tag) =	ssettag $0x0;
	lr =	simm.s32 $0x1  }
0x2: {  	[smem:$0x3F97] =	sst lr;
	_ =	strace $0xD0000000  }
0x3: {  	_ = 	snop  }
0x4: {  	_ = 	snop  }
0x5: {  	_ = 	snop  }
0x6: {  	_ = 	snop  }
0x7: {  	_ = 	snop  }
__scs_overlays_trampoline_lowered:
0x8: {  	[smem:$0x3FA6] =	sst s0  }
0x9: {  	[smem:$0x3FA7] =	sst s1  }
0xa: {  	[smem:$0x3FA8] =	sst s2  }
0xb: {  	[smem:$0x3FA9] =	sst s3  }
0xc: {  	[smem:$0x3FAA] =	sst s4  }
0xd: {  	[smem:$0x3FAB] =	sst s5  }
0xe: {  	[smem:$0x3FAC] =	sst s6  }
0xf: {  	[smem:$0x3FAD] =	sst s7  }
0x10: {  	[smem:$0x3FAE] =	sst s8  }
0x11: {  	[smem:$0x3FAF] =	sst s9;
	s0 =	simm.s32 @!p0 $0x0  }
0x12: {  	s1 =	sld [smem:$0x3F95];
	s0 =	simm.s32 @p0 $0x1  }
0x13: {  	[smem:$0x3FB0] =	sst s0;
	s0 =	simm.s32 @!p1 $0x0  }
0x14: {  	s2 =	sld [smem:$0x3F94];
	s0 =	simm.s32 @p1 $0x1  }
0x15: {  	[smem:$0x3FB1] =	sst s0;
	s0 =	simm.s32 @!p2 $0x0  }
0x16: {  	s3 =	sld [smem:$0x3FDB];
	s0 =	simm.s32 @p2 $0x1  }
0x17: {  	s4 =	simm.s32 $0x1BF5;
	[smem:$0x3FB3] =	sst s0  }
0x18: {  	s0 =	sld [smem:$0x3F96];
	_ =	swait.ge [sflag:s4], $0x0  }
0x19: {  	s7 =	sld [smem:$0x3F97]  }
0x1a: {  	s8 =	sadd.s32 $0xFFFFE003, lr  }
0x1b: {  	s9 =	sadd.s32 $0xFFFFFEF7, lr;
	s5 =	simm.s32 $0xFFFFFFFF;
	p2 =	slt.u32 s8, $0xFFFFF086  }
0x1c: {  	p1 =	slt.u32 s9, $0xF7A;
	s5 =	simm.s32 @!p2 $0x0  }
0x1d: {  	s5 =	simm.s32 @p1 $0x1;
	p0 =	seq.s32 s7, s2  }
0x1e: {  	s7 =	smul.u32 @!p0 $0xF7A, s2;
	p2 =	seq.s32 @!p0 s5, $0x0  }
0x1f: {  	s9 =	smul.u32 $0xF7A, s1;
	s8 =	simm.s32 @!p0 $0x1BF5;
	p2 =	por !p2, p0  }
0x20: {  	[sflag:s8] =	ssyncset.s32 @!p0 $0xFFFFF086;
	s6 =	sadd.s32 @!p0 s3, s7;
	s7 =	simm.s32 @!p0 $0x108  }
0x21: {  	s3 =	sadd.s32 s3, s9;
	s6 =	sadd.s32 @!p0 $0x88, s6;
	s7 =	simm.s32 @p2 $0x1082  }
0x22: {  	[simem:s7], [sflag:s8] =	dma.local @!p0 [hbm:s6], $0xF7A  }
0x23: {  	s9 =	sor.u32 $0xD0000000, s2;
	s6 =	simm.s32 $0x108;
	_ =	swait.ge @!p0 [sflag:s8], $0x0  }
0x24: {  	s3 =	sadd.s32 $0x88, s3;
	s6 =	simm.s32 @!p1 $0x1082;
	[sflag:s4] =	ssyncset.s32 $0xFFFFF086  }
0x25: {  	[simem:s6], [sflag:s4] =	dma.local [hbm:s3], $0xF7A  }
0x26: {  	[smem:$0x3F97] =	sst s1;
	(tag) =	ssettag s2;
	_ =	strace s9  }
0x27: {  	s1 =	sld [smem:$0x3FA7]  }
0x28: {  	s2 =	sld [smem:$0x3FA8]  }
0x29: {  	s4 =	sld [smem:$0x3FAA]  }
0x2a: {  	p0 =	seq.s32 s5, $0x0;
	s5 =	sld [smem:$0x3FAB]  }
0x2b: {  	s6 =	sld [smem:$0x3FAC]  }
0x2c: {  	s7 =	sld [smem:$0x3FAD]  }
0x2d: {  	s3 =	simm.s32 $0x108;
	s8 =	sld [smem:$0x3FAE]  }
0x2e: {  	s3 =	simm.s32 @!p0 $0x1082;
	s9 =	sld [smem:$0x3FAF]  }
0x2f: {  	lr =	sadd.s32 s0, s3;
	s0 =	sld [smem:$0x3FA6]  }
0x30: {  	s3 =	sld [smem:$0x3FA9]  }
0x31: {  	[smem:$0x3FB2] =	sst s10  }
0x32: {  	s10 =	sld [smem:$0x3FB0];
	_ =	sdelay $0x3  }
0x33: {  	p0 =	seq.s32 s10, $0x1;
	s10 =	sld [smem:$0x3FB2];
	_ =	sdelay $0x3  }
0x34: {  	[smem:$0x3FB2] =	sst s10  }
0x35: {  	s10 =	sld [smem:$0x3FB1];
	_ =	sdelay $0x3  }
0x36: {  	p1 =	seq.s32 s10, $0x1;
	s10 =	sld [smem:$0x3FB2];
	_ =	sdelay $0x3  }
0x37: {  	[smem:$0x3FB2] =	sst s10  }
0x38: {  	s10 =	sld [smem:$0x3FB3]  }
0x39: {  	_ = 	snop;
	(pc) =	sbr.ind lr, $3  }
0x3a: {  	_ = 	snop  }
0x3b: {  	_ = 	snop  }
0x3c: {  	p2 =	seq.s32 s10, $0x1;
	s10 =	sld [smem:$0x3FB2]  }
0x3d: {  	_ =	shalt  }
0x3e: {  	_ =	shalt  }
0x3f: {  	_ =	shalt  }
0x40: {  	_ =	shalt  }
0x41: {  	_ =	shalt  }
0x42: {  	_ =	shalt  }
0x43: {  	_ =	shalt  }
0x44: {  	_ =	shalt  }
0x45: {  	_ =	shalt  }
0x46: {  	_ =	shalt  }
0x47: {  	_ =	shalt  }
0x48: {  	_ =	shalt  }
0x49: {  	_ =	shalt  }
0x4a: {  	_ =	shalt  }
0x4b: {  	_ =	shalt  }
0x4c: {  	_ =	shalt  }
0x4d: {  	_ =	shalt  }
0x4e: {  	_ =	shalt  }
0x4f: {  	_ =	shalt  }
0x50: {  	_ =	shalt  }
0x51: {  	_ =	shalt  }
0x52: {  	_ =	shalt  }
0x53: {  	_ =	shalt  }
0x54: {  	_ =	shalt  }
0x55: {  	_ =	shalt  }
0x56: {  	_ =	shalt  }
0x57: {  	_ =	shalt  }
0x58: {  	_ =	shalt  }
0x59: {  	_ =	shalt  }
0x5a: {  	_ =	shalt  }
0x5b: {  	_ =	shalt  }
0x5c: {  	_ =	shalt  }
0x5d: {  	_ =	shalt  }
0x5e: {  	_ =	shalt  }
0x5f: {  	_ =	shalt  }
0x60: {  	_ =	shalt  }
0x61: {  	_ =	shalt  }
0x62: {  	_ =	shalt  }
0x63: {  	_ =	shalt  }
0x64: {  	_ =	shalt  }
0x65: {  	_ =	shalt  }
0x66: {  	_ =	shalt  }
0x67: {  	_ =	shalt  }
0x68: {  	_ =	shalt  }
0x69: {  	_ =	shalt  }
0x6a: {  	_ =	shalt  }
0x6b: {  	_ =	shalt  }
0x6c: {  	_ =	shalt  }
0x6d: {  	_ =	shalt  }
0x6e: {  	_ =	shalt  }
0x6f: {  	_ =	shalt  }
0x70: {  	_ =	shalt  }
0x71: {  	_ =	shalt  }
0x72: {  	_ =	shalt  }
0x73: {  	_ =	shalt  }
0x74: {  	_ =	shalt  }
0x75: {  	_ =	shalt  }
0x76: {  	_ =	shalt  }
0x77: {  	_ =	shalt  }
0x78: {  	_ =	shalt  }
0x79: {  	_ =	shalt  }
0x7a: {  	_ =	shalt  }
0x7b: {  	_ =	shalt  }
0x7c: {  	_ =	shalt  }
0x7d: {  	_ =	shalt  }
0x7e: {  	_ =	shalt  }
0x7f: {  	_ =	shalt  }
0x80: {  	_ =	shalt  }
0x81: {  	_ =	shalt  }
0x82: {  	_ =	shalt  }
0x83: {  	_ =	shalt  }
0x84: {  	_ =	shalt  }
0x85: {  	_ =	shalt  }
0x86: {  	_ =	shalt  }
0x87: {  	_ =	shalt  }
.Lfunc_end0:
.L_simem_size_0:
called_computation.4_lowered:
.L_overlay_start_0:
0x88: {  	s2 =	sld [smem:$0x3FD9]  }
0x89: {  	s3 =	sld [smem:$0x3FFE];
	_ =	sdelay $0x1  }
0x8a: {  	s1 =	srdreg.scid  }
0x8b: {  	s0 =	sand.u32 $0x1, s1  }
0x8c: {  	s17 =	sshll.u32 s0, $0xA;
	s2 =	sadd.s32 s3, s2  }
0x8d: {  	s2 =	sadd.s32 s2, s17  }
0x8e: {  	[smem:$0x3FBE] =	sst s2  }
0x8f: {  	_ = 	snop  }
0x90: {  	s2 =	sld [smem:$0x3FD0];
	(tm) =	ssettm $0x1  }
0x91: {  	s18 =	sld [smem:$0x3FFB];
	_ =	sdelay $0x3  }
0x92: {  	_ =	strace s18  }
0x93: {  	s3 =	sld [smem:$0x3FFC];
	_ =	sdelay $0x3  }
0x94: {  	_ =	strace s3  }
0x95: {  	s3 =	sld [smem:$0x3FFD];
	_ =	sdelay $0x3  }
0x96: {  	_ =	strace s3  }
0x97: {  	_ =	strace $0x8FFFFFFF  }
0x98: {  	s19 =	sld [smem:$0x3FDB];
	_ =	sdelay $0x1  }
0x99: {  	s4 =	simm.s32 $_scs_section_size  }
0x9a: {  	s5 =	simm.s32 $_size__tile_overlayer_lowered;
	s6 =	simm.s32 $_tile_overlayer_lowered  }
0x9b: {  	s22 =	simm.s32 $0x1BFF;
	s21 =	sshll.u32 s6, $0x1;
	s3 =	sadd.s32 s4, s19  }
0x9c: {  	s7 =	simm.s32 $0x0;
	s20 =	sshll.u32 s5, $0x1;
	s5 =	sadd.s32 s21, s3  }
0x9d: {  	[timem:s7], [sflag:s22] =	dma.local [hbm:s5], s20  }
0x9e: {  	_ =	swait.ge [sflag:s22], s20  }
0x9f: {  	s4 =	ssub.s32 $0x0, s20;
	[sflag:s22] =	ssyncset.done $0x0  }
0xa0: {  	[sflag:s22] =	ssyncadd.s32 s4;
	_ =	sdelay $0x1  }
0xa1: {  	s23 =	simm.s32 $0x1B8B  }
0xa2: {  	_ =	swait.ge [sflag:s23], $0x1  }
0xa3: {  	[sflag:s23] =	ssyncset.done $0x0  }
0xa4: {  	s25 =	simm.s32 $0x1B8E;
	s24 =	sld [smem:$0x3FFE];
	[sflag:s23] =	ssyncadd.s32 $0xFFFFFFFF  }
0xa5: {  	s26 =	simm.s32 $execute0_lowered;
	[smem:$0x3FD2] =	sst s25  }
0xa6: {  	s5 =	sshll.u32 s26, $0x1;
	_ =	strace $0x80000052;
	[dreg:$0x1] =	wrdreg $0xFFFFFFFF  }
0xa7: {  	s28 =	simm.s32 $_size_execute0_lowered;
	s3 =	sadd.s32 s3, s5;
	[dreg:$0x0] =	wrdreg $0x0  }
0xa8: {  	s5 =	sshll.u32 s28, $0x1;
	[dreg:$0x2] =	wrdreg s3  }
0xa9: {  	[dreg:$0x3] =	wrdreg s5  }
0xaa: {  	[dreg:$0x4] =	wrdreg $0xC0  }
0xab: {  	_ =	task [dreg:s7], $0x5FFFF  }
0xac: {  	[dreg:$0x1] =	wrdreg $0xFFFFFFFF  }
0xad: {  	[dreg:$0x0] =	wrdreg $0x60  }
0xae: {  	[dreg:$0x2] =	wrdreg s24  }
0xaf: {  	[dreg:$0x3] =	wrdreg s2  }
0xb0: {  	[dreg:$0x4] =	wrdreg $0x9  }
0xb1: {  	_ =	task.clear_ibuf [dreg:s7], $0x5FFFF;
	_ =	strace $0x90000052  }
0xb2: {  	s29 =	simm.s32 $0x9;
	_ =	strace $0x80000054  }
0xb3: {  	_ =	swait.ge [sflag:s29], $0x1  }
0xb4: {  	[sflag:s29] =	ssyncadd.s32 $0xFFFFFFFF  }
0xb5: {  	_ =	strace $0x90000054  }
0xb6: {  	_ =	sfence  }
0xb7: {  	s30 =	sld [smem:$0x0];
	_ =	sdelay $0x2  }
0xb8: {  	s31 =	sshll.u32 s1, $0xD;
	s1 =	sshrl.u32 s1, $0x2  }
0xb9: {  	s3 =	sand.u32 $0x4000, s31;
	s1 =	sadd.s32 s1, s30  }
0xba: {  	s0 =	sor.u32 s3, s0;
	s1 =	sshll.u32 s1, $0x11  }
0xbb: {  	s0 =	sor.u32 s1, s0  }
0xbc: {  	s0 =	sadd.s32 $0x8F2B, s0  }
0xbd: {  	[sflag:s0] =	ssyncadd.remote.s32 $0x1  }
0xbe: {  	_ =	sfence.sel $0xFFFF  }
0xbf: {  	[dreg:$0x0] =	wrdreg $0xFFFFFFFF;
	(pc) =	sbr.abs _section_cstart, $3  }
0xc0: {  	[dreg:$0x1] =	wrdreg $0xFFFFFFFF  }
0xc1: {  	_ =	task.clear_ibuf [dreg:s7], $0x2FFFF;
	_ =	strace $0x9FFFFFFF  }
0xc2: {  	(tm) =	ssettm $0x7FFFFFFF  }
0xc3: {  	_ =	shalt  }
tec
execute0_lowered:
.L_overlay_start_1:
0x0: {  	(tag) =	ssettag $0x1  }
0x1: {  	s1 =	rddreg [dreg:$0x0]  }
0x2: {  	s2 =	srdreg.scid;
	s0 =	stileid.u32  }
0x3: {  	s8 =	rddreg [dreg:$0x1];
	s10 =	simm.s32 $0x3;
	s12 =	simm.s32 $0x7940  }
0x4: {  	s13 =	simm.s32 $0x1;
	s3 =	sand.u32 $0x1, s2;
	s4 =	sshll.u32 s0, $0x1  }
0x5: {  	s14 =	simm.s32 $0x2;
	s2 =	simm.s32 $0x0;
	s15 =	sor.u32 s3, s4  }
0x6: {  	[smem:$0x7FF] =	sst s2;
	s5 =	ssub.s32 $0x2, s3;
	s4 =	smul.u32 $0x28, s15  }
0x7: {  	s3 =	sadd.s32 $0x2CE00, s1;
	_ =	strace $0x80000053;
	s6 =	smul.u32 $0x15E00, s15  }
0x8: {  	s7 =	sshrl.u32 s5, $0x1;
	s9 =	smul.u32 $0x9C8, s15;
	p0 =	sne.s32 s15, $0x1F  }
0x9: {  	s31 =	ssub.s32 s5, s7;
	s5 =	smul.u32 $0x2BC0, s15;
	s15 =	simm.s32 $0x0  }
0xa: {  	s4 =	sadd.s32 s4, s1;
	s6 =	sadd.s32 s3, s6;
	s7 =	sadd.s32 s8, s9  }
0xb: {  	v0 =	vimm.f32 $-Inf;
	s8 =	sadd.s32 $0x12F38, s8;
	s9 =	smax.u32 s31, $0x1;
	s4 =	sadd.s32 $0x2C800, s4  }
.LBB2_1:
0xc: {  	s16 =	simm.s32 $0x100;
	s1 =	simm.s32 $0x0  }
.LBB2_2:
0xd: {  	p1 =	sne.s32 s16, $0x13F00;
	[tilespmem:s1+$0xDD70] =	vst v0;
	s17 =	smov.u32 s16;
	s16 =	sadd.s32 $0x100, s16  }
.Ltmp0:
0xe: {  	[tilespmem:s1+$0xDD60] =	vst v0;
	(pc) =	sbr.rel @p1 .LBB2_2-.Ltmp0, $3  }
0xf: {  	[tilespmem:s1+$0xDD40] =	vst v0  }
0x10: {  	[tilespmem:s1+$0xDD50] =	vst v0;
	_ =	sdelay $0x1  }
0x11: {  	s1 =	sshra.s32 s17, $0x2  }
0x12: {  	[tilespmem:s1+$0xDD70] =	vst v0  }
0x13: {  	[tilespmem:s1+$0xDD60] =	vst v0  }
0x14: {  	[tilespmem:s1+$0xDD40] =	vst v0  }
0x15: {  	[tilespmem:s1+$0xDD50] =	vst v0;
	s30 =	simm.s32 $0x0  }
0x16: {  	[tilespmem:s30], [sflag:$0x3] =	stream.linear.gather [hbm4b:s4+s30], $0x140, $0x38;
	[tilespmem:$0x12D40] =	vst v63  }
0x17: {  	_ =	swait.ge [sflag:s10], $0x140  }
0x18: {  	[sflag:s10] =	ssyncset.done $0x0  }
0x19: {  	s31 =	simm.s32 $0x0;
	[sflag:s10] =	ssyncadd.s32 $0xFFFFFEC0  }
0x1a: {  	v1 =	vld [tilespmem:s31+$0x0];
	_ =	sdelay $0x4  }
0x1b: {  	v2 =	vbroadcast v1, $0x0  }
0x1c: {  	s16 =	simm.s32 $0x1C0;
	v3 =	vbroadcast v1, $0x1  }
0x1d: {  	v4 =	vbroadcast v1, $0x2;
	[tilespmem:s16+$0xFFFFFF80] =	vst v2  }
0x1e: {  	v60 =	vbroadcast v1, $0x5;
	[tilespmem:s16+$0xFFFFFF90] =	vst v3  }
0x1f: {  	v61 =	vbroadcast v1, $0x8;
	[tilespmem:s16+$0xFFFFFFA0] =	vst v4  }
0x20: {  	v62 =	vbroadcast v1, $0xB;
	[tilespmem:s16+$0xFFFFFFD0] =	vst v60  }
0x21: {  	v63 =	vbroadcast v1, $0xE;
	[tilespmem:s16+$0x0] =	vst v61  }
0x22: {  	v2 =	vbroadcast v1, $0x3;
	[tilespmem:s16+$0x30] =	vst v62  }
0x23: {  	v3 =	vbroadcast v1, $0x4;
	[tilespmem:s16+$0x60] =	vst v63  }
0x24: {  	[tilespmem:s16+$0xFFFFFFB0] =	vst v2;
	v2 =	vbroadcast v1, $0x6  }
0x25: {  	[tilespmem:s16+$0xFFFFFFC0] =	vst v3;
	v3 =	vbroadcast v1, $0x7  }
0x26: {  	[tilespmem:s16+$0xFFFFFFE0] =	vst v2;
	v2 =	vbroadcast v1, $0x9  }
0x27: {  	[tilespmem:s16+$0xFFFFFFF0] =	vst v3;
	v3 =	vbroadcast v1, $0xA  }
0x28: {  	[tilespmem:s16+$0x10] =	vst v2;
	v2 =	vbroadcast v1, $0xC  }
0x29: {  	[tilespmem:s16+$0x20] =	vst v3;
	v3 =	vbroadcast v1, $0xD  }
0x2a: {  	v1 =	vbroadcast v1, $0xF;
	[tilespmem:s16+$0x40] =	vst v2  }
0x2b: {  	[tilespmem:s16+$0x50] =	vst v3  }
0x2c: {  	s1 =	simm.s32 $0x10;
	s17 =	simm.s32 $0x80;
	[tilespmem:s16+$0x70] =	vst v1  }
.LBB2_4:
0x2d: {  	p1 =	sne.s32 s17, $0x4C0;
	v1 =	vld [tilespmem:s1+$0x0];
	_ =	sdelay $0x4  }
0x2e: {  	v2 =	vbroadcast v1, $0x0;
	v3 =	vbroadcast v1, $0x1  }
0x2f: {  	s16 =	sadd.s32 $0x100, s16;
	v4 =	vbroadcast v1, $0x2;
	v5 =	vbroadcast v1, $0x3  }
0x30: {  	v6 =	vbroadcast v1, $0x5;
	[tilespmem:s16+$0xFFFFFF80] =	vst v2;
	v2 =	vbroadcast v1, $0x4  }
0x31: {  	v7 =	vbroadcast v1, $0x7;
	[tilespmem:s16+$0xFFFFFF90] =	vst v3;
	v3 =	vbroadcast v1, $0x6  }
0x32: {  	v8 =	vbroadcast v1, $0x9;
	[tilespmem:s16+$0xFFFFFFA0] =	vst v4;
	v4 =	vbroadcast v1, $0x8  }
0x33: {  	v9 =	vbroadcast v1, $0xB;
	[tilespmem:s16+$0xFFFFFFB0] =	vst v5;
	v5 =	vbroadcast v1, $0xA  }
0x34: {  	v10 =	vbroadcast v1, $0xD;
	[tilespmem:s16+$0xFFFFFFC0] =	vst v2;
	v2 =	vbroadcast v1, $0xC  }
0x35: {  	[tilespmem:s16+$0xFFFFFFD0] =	vst v6;
	v6 =	vbroadcast v1, $0xE;
	v1 =	vbroadcast v1, $0xF  }
0x36: {  	[tilespmem:s16+$0xFFFFFFE0] =	vst v3  }
0x37: {  	[tilespmem:s16+$0xFFFFFFF0] =	vst v7  }
0x38: {  	[tilespmem:s16+$0x0] =	vst v4  }
0x39: {  	[tilespmem:s16+$0x10] =	vst v8  }
0x3a: {  	[tilespmem:s16+$0x20] =	vst v5  }
.Ltmp1:
0x3b: {  	[tilespmem:s16+$0x30] =	vst v9;
	(pc) =	sbr.rel @p1 .LBB2_4-.Ltmp1, $4  }
0x3c: {  	[tilespmem:s16+$0x40] =	vst v2  }
0x3d: {  	[tilespmem:s16+$0x50] =	vst v10  }
0x3e: {  	[tilespmem:s16+$0x60] =	vst v6  }
0x3f: {  	s1 =	sshra.s32 s17, $0x2;
	s17 =	sadd.s32 $0x40, s17;
	[tilespmem:s16+$0x70] =	vst v1  }
0x40: {  	v1 =	vld [tilespmem:s1+$0x0];
	_ =	sdelay $0x4  }
0x41: {  	v2 =	vbroadcast v1, $0x0  }
0x42: {  	s30 =	sadd.s32 $0x100, s16;
	v3 =	vbroadcast v1, $0x1  }
0x43: {  	v4 =	vbroadcast v1, $0x2;
	[tilespmem:s30+$0xFFFFFF80] =	vst v2  }
0x44: {  	v60 =	vbroadcast v1, $0x5;
	[tilespmem:s30+$0xFFFFFF90] =	vst v3  }
0x45: {  	v61 =	vbroadcast v1, $0x8;
	[tilespmem:s30+$0xFFFFFFA0] =	vst v4  }
0x46: {  	v62 =	vbroadcast v1, $0xB;
	[tilespmem:s30+$0xFFFFFFD0] =	vst v60  }
0x47: {  	v63 =	vbroadcast v1, $0xE;
	[tilespmem:s30+$0x0] =	vst v61  }
0x48: {  	v2 =	vbroadcast v1, $0x3;
	[tilespmem:s30+$0x30] =	vst v62  }
0x49: {  	v3 =	vbroadcast v1, $0x4;
	[tilespmem:s30+$0x60] =	vst v63  }
0x4a: {  	[tilespmem:s30+$0xFFFFFFB0] =	vst v2;
	v2 =	vbroadcast v1, $0x6  }
0x4b: {  	[tilespmem:s30+$0xFFFFFFC0] =	vst v3;
	v3 =	vbroadcast v1, $0x7  }
0x4c: {  	[tilespmem:s30+$0xFFFFFFE0] =	vst v2;
	v2 =	vbroadcast v1, $0x9  }
0x4d: {  	[tilespmem:s30+$0xFFFFFFF0] =	vst v3;
	v3 =	vbroadcast v1, $0xA  }
0x4e: {  	[tilespmem:s30+$0x10] =	vst v2;
	v2 =	vbroadcast v1, $0xC  }
0x4f: {  	[tilespmem:s30+$0x20] =	vst v3;
	v3 =	vbroadcast v1, $0xD  }
0x50: {  	v1 =	vbroadcast v1, $0xF;
	[tilespmem:s30+$0x40] =	vst v2  }
0x51: {  	[tilespmem:s30+$0x50] =	vst v3  }
0x52: {  	[tilespmem:s30+$0x70] =	vst v1  }
0x53: {  	v1 =	vld [tilespmem:$0x14D0];
	_ =	sdelay $0x4  }
0x54: {  	(v2sf) =	vpush v1, $0x0;
	_ =	sdelay $0xa  }
.Ltmp2:
0x55: {  	_ = 	snop;
	(pc) =	sbr.rel .LBB2_6-.Ltmp2, $4  }
0x56: {  	s26 =	simm.s32 $0x0;
	s31 =	simm.s32 $0x1540;
	s11 =	simm.s32 $0x190  }
0x57: {  	s18 =	simm.s32 $0x320;
	s19 =	simm.s32 $0xFFFFFE70;
	s20 =	simm.s32 $0x0  }
0x58: {  	[tilespmem:s31], [sflag:$0x1] =	stream.linear.gather [hbm4b:s6+s26], $0x6400, $0x38;
	[tilespmem:$0x12D40] =	vst v63  }
0x59: {  	s22 =	simm.s32 $0x0;
	s21 =	simm.s32 $0x0;
	s0 =	spop (v2sf)  }
.LBB2_18:
0x5a: {  	s21 =	sadd.s32 $0x1, s21  }
0x5b: {  	p1 =	sne.s32 s21, $0xE  }
.Ltmp3:
0x5c: {  	_ = 	snop;
	(pc) =	sbr.rel @!p1 .LBB2_19-.Ltmp3, $3  }
0x5d: {  	_ =	sdelay $0x1  }
0x5e: {  	s11 =	sadd.s32 $0x320, s11;
	s18 =	sadd.s32 $0x320, s18  }
0x5f: {  	s20 =	sadd.s32 $0xFFFFFCE0, s20;
	s19 =	sadd.s32 $0xFFFFFCE0, s19;
	s26 =	smov.u32 s23  }
.LBB2_6:
0x60: {  	s24 =	smul.u32 $0x320, s21;
	_ =	sdelay $0x1  }
0x61: {  	s25 =	smov.u32 s0;
	s23 =	sadd.s32 $0x190, s24;
	p2 =	sgt.s32 s26, s24  }
0x62: {  	s31 =	smov.u32 s24;
	s1 =	sadd.s32 s5, s23;
	p1 =	slt.s32 s23, s0  }
0x63: {  	s31 =	smov.u32 @p2 s26;
	s1 =	sshll.u32 s1, $0x3;
	s25 =	smov.u32 @p1 s23  }
0x64: {  	s1 =	sand.u32 $0x1FFFFF80, s1;
	p1 =	sge.s32 s31, s25  }
.Ltmp4:
0x65: {  	s1 =	sadd.s32 s3, s1;
	(pc) =	sbr.rel @!p1 .LBB2_7-.Ltmp4, $4  }
0x66: {  	[tilespmem:s12], [sflag:$0x2] =	stream.linear.gather [hbm4b:s1+s2], $0x6400, $0x38;
	[tilespmem:$0x12D40] =	vst v63  }
0x67: {  	_ =	swait.ge [sflag:s13], $0x6400  }
0x68: {  	[sflag:s13] =	ssyncset.done $0x0  }
0x69: {  	[sflag:s13] =	ssyncadd.s32 $0xFFFF9C00  }
.LBB2_12:
0x6a: {  	p1 =	seq.s32 s21, $0xD;
	s1 =	sadd.s32 $0x320, s24  }
0x6b: {  	s16 =	sadd.s32 @!p1 s5, s1  }
0x6c: {  	s16 =	sshll.u32 @!p1 s16, $0x3  }
0x6d: {  	s16 =	sand.u32 @!p1 $0x1FFFFF00, s16  }
0x6e: {  	s17 =	simm.s32 @!p1 $0x0;
	s24 =	simm.s32 @!p1 $0x1540;
	s16 =	sadd.s32 @!p1 s3, s16  }
0x6f: {  	[tilespmem:s24], [sflag:$0x1] =	stream.linear.gather @!p1 [hbm4b:s16+s17], $0x6400, $0x38;
	[tilespmem:$0x12D40] =	vst v63  }
0x70: {  	p2 =	sgt.s32 s31, s23;
	p1 =	slt.s32 s1, s0;
	s24 =	smov.u32 s0  }
0x71: {  	s23 =	smov.u32 @p2 s31;
	s24 =	smov.u32 @p1 s1  }
0x72: {  	p1 =	sge.s32 s23, s24  }
.Ltmp5:
0x73: {  	_ = 	snop;
	(pc) =	sbr.rel @p1 .LBB2_18-.Ltmp5, $4  }
.Ltmp6:
0x74: {  	_ = 	snop;
	(pc) =	sbr.rel @!p1 .LBB2_13-.Ltmp6, $4  }
0x75: {  	_ =	swait.ge [sflag:s14], $0x6400  }
0x76: {  	[sflag:s14] =	ssyncset.done $0x0  }
0x77: {  	[sflag:s14] =	ssyncadd.s32 $0xFFFF9C00  }
0x78: {  	_ = 	snop  }
.LBB2_10:
0x79: {  	v3 =	vmax.f32 v3, v5;
	v1 =	vmax.f32 v1, v6;
	v4 =	vmax.f32 v4, v7  }
.LBB2_11:
.Ltmp7:
0x7a: {  	(pc) =	sbr.rel @!p1 .LBB2_12-.Ltmp7, $4  }
0x7b: {  	[tilespmem:s28+$0xDD40] =	vst v4;
	p2 =	slt.s32 s26, $0x13E  }
0x7c: {  	[tilespmem:s28+$0xDD50] =	vst v3;
	p3 =	sgt.s32 s30, s25;
	s26 =	simm.s32 @!p2 $0x13E  }
0x7d: {  	[tilespmem:s28+$0xDD60] =	vst v1;
	s26 =	smov.u32 @p3 s22  }
0x7e: {  	[tilespmem:s28+$0xDD70] =	vst v2;
	s31 =	smov.u32 s29;
	s22 =	smov.u32 s26  }
.LBB2_7:
0x7f: {  	s26 =	sadd.s32 $0x1, s22  }
0x80: {  	s1 =	sshll.u32 s26, $0x6  }
0x81: {  	s1 =	sshra.s32 s1, $0x2  }
0x82: {  	v1 =	vld [tilespmem:s1+$0x140];
	_ =	sdelay $0x4  }
0x83: {  	(v2sf) =	vpush v1, $0x0;
	_ =	sdelay $0xe  }
0x84: {  	s30 =	spop (v2sf)  }
0x85: {  	s17 =	sshll.u32 s22, $0x8;
	s29 =	smov.u32 s25;
	p1 =	slt.s32 s30, s25  }
0x86: {  	s28 =	sshra.s32 s17, $0x2;
	s29 =	smov.u32 @p1 s30  }
0x87: {  	v4 =	vld [tilespmem:s28+$0xDD40];
	p2 =	sge.s32 s31, s29  }
.Ltmp8:
0x88: {  	v3 =	vld [tilespmem:s28+$0xDD50];
	(pc) =	sbr.rel @p2 .LBB2_11-.Ltmp8, $2  }
0x89: {  	v1 =	vld [tilespmem:s28+$0xDD60];
	_ =	sdelay $0x1  }
0x8a: {  	v2 =	vld [tilespmem:s28+$0xDD70];
	_ =	sdelay $0x1  }
0x8b: {  	s1 =	sadd.s32 s31, s20  }
0x8c: {  	p2 =	slt.s32 s30, s0;
	s16 =	smov.u32 s0;
	s1 =	sshll.u32 s1, $0x8  }
0x8d: {  	s16 =	smov.u32 @p2 s30;
	s1 =	sshra.s32 s1, $0x2  }
0x8e: {  	s17 =	smov.u32 s11;
	p2 =	slt.s32 s16, s11;
	s1 =	sadd.s32 $0x1560, s1  }
0x8f: {  	s17 =	smov.u32 @p2 s16;
	v8 =	vld [tilespmem:s1+$0x10]  }
0x90: {  	s16 =	ssub.s32 s17, s31;
	v5 =	vld [tilespmem:s1+$0xFFFFFFF0]  }
0x91: {  	v6 =	vld [tilespmem:s1+$0x0];
	p2 =	sne.s32 s16, $0x1  }
.Ltmp9:
0x92: {  	v7 =	vld [tilespmem:s1+$0xFFFFFFE0];
	(pc) =	sbr.rel @!p2 .LBB2_10-.Ltmp9, $2  }
0x93: {  	_ =	sdelay $0x2  }
0x94: {  	s1 =	sadd.s32 $0x40, s1;
	s31 =	sadd.s32 $0xFFFFFFFF, s16;
	v2 =	vmax.f32 v2, v8  }
.LBB2_9:
0x95: {  	v8 =	vld [tilespmem:s1+$0x10];
	p2 =	sne.s32 s31, $0x1;
	s31 =	sadd.s32 $0xFFFFFFFF, s31;
	v3 =	vmax.f32 v3, v5  }
.Ltmp10:
0x96: {  	v1 =	vmax.f32 v1, v6;
	v5 =	vld [tilespmem:s1+$0xFFFFFFF0];
	(pc) =	sbr.rel @p2 .LBB2_9-.Ltmp10, $3  }
0x97: {  	v4 =	vmax.f32 v4, v7;
	v6 =	vld [tilespmem:s1+$0x0]  }
0x98: {  	v7 =	vld [tilespmem:s1+$0xFFFFFFE0];
	_ =	sdelay $0x1  }
0x99: {  	s1 =	sadd.s32 $0x40, s1;
	v2 =	vmax.f32 v2, v8  }
.Ltmp11:
0x9a: {  	_ = 	snop;
	(pc) =	sbr.rel .LBB2_10-.Ltmp11, $1  }
0x9b: {  	_ =	sdelay $0x3  }
.LBB2_16:
0x9c: {  	v3 =	vmax.f32 v3, v5;
	v1 =	vmax.f32 v1, v6;
	v4 =	vmax.f32 v4, v7  }
.LBB2_17:
.Ltmp12:
0x9d: {  	(pc) =	sbr.rel @!p1 .LBB2_18-.Ltmp12, $4  }
0x9e: {  	[tilespmem:s26+$0xDD40] =	vst v4;
	p2 =	slt.s32 s25, $0x13E  }
0x9f: {  	[tilespmem:s26+$0xDD50] =	vst v3;
	p3 =	sgt.s32 s29, s24;
	s25 =	simm.s32 @!p2 $0x13E  }
0xa0: {  	[tilespmem:s26+$0xDD60] =	vst v1;
	s25 =	smov.u32 @p3 s22  }
0xa1: {  	[tilespmem:s26+$0xDD70] =	vst v2;
	s23 =	smov.u32 s28;
	s22 =	smov.u32 s25  }
.LBB2_13:
0xa2: {  	s25 =	sadd.s32 $0x1, s22  }
0xa3: {  	s1 =	sshll.u32 s25, $0x6  }
0xa4: {  	s1 =	sshra.s32 s1, $0x2  }
0xa5: {  	v1 =	vld [tilespmem:s1+$0x140];
	_ =	sdelay $0x4  }
0xa6: {  	(v2sf) =	vpush v1, $0x0;
	_ =	sdelay $0xe  }
0xa7: {  	s29 =	spop (v2sf)  }
0xa8: {  	s31 =	sshll.u32 s22, $0x8;
	s28 =	smov.u32 s24;
	p1 =	slt.s32 s29, s24  }
0xa9: {  	s26 =	sshra.s32 s31, $0x2;
	s28 =	smov.u32 @p1 s29  }
0xaa: {  	v4 =	vld [tilespmem:s26+$0xDD40];
	p2 =	sge.s32 s23, s28  }
.Ltmp13:
0xab: {  	v3 =	vld [tilespmem:s26+$0xDD50];
	(pc) =	sbr.rel @p2 .LBB2_17-.Ltmp13, $2  }
0xac: {  	v1 =	vld [tilespmem:s26+$0xDD60];
	_ =	sdelay $0x1  }
0xad: {  	v2 =	vld [tilespmem:s26+$0xDD70];
	_ =	sdelay $0x1  }
0xae: {  	s1 =	sadd.s32 s23, s19  }
0xaf: {  	p2 =	slt.s32 s29, s0;
	s16 =	smov.u32 s0;
	s1 =	sshll.u32 s1, $0x8  }
0xb0: {  	s16 =	smov.u32 @p2 s29;
	s1 =	sshra.s32 s1, $0x2  }
0xb1: {  	s17 =	smov.u32 s18;
	p2 =	slt.s32 s16, s18;
	s1 =	sadd.s32 $0x7940, s1  }
0xb2: {  	s17 =	smov.u32 @p2 s16;
	v8 =	vld [tilespmem:s1+$0x30]  }
0xb3: {  	s16 =	ssub.s32 s17, s23;
	v5 =	vld [tilespmem:s1+$0x10]  }
0xb4: {  	v6 =	vld [tilespmem:s1+$0x20];
	p2 =	sne.s32 s16, $0x1  }
.Ltmp14:
0xb5: {  	v7 =	vld [tilespmem:s1+$0x0];
	(pc) =	sbr.rel @!p2 .LBB2_16-.Ltmp14, $2  }
0xb6: {  	_ =	sdelay $0x2  }
0xb7: {  	s1 =	sadd.s32 $0x40, s1;
	s23 =	sadd.s32 $0xFFFFFFFF, s16;
	v2 =	vmax.f32 v2, v8  }
.LBB2_15:
0xb8: {  	v8 =	vld [tilespmem:s1+$0x30];
	p2 =	sne.s32 s23, $0x1;
	s23 =	sadd.s32 $0xFFFFFFFF, s23;
	v3 =	vmax.f32 v3, v5  }
.Ltmp15:
0xb9: {  	v1 =	vmax.f32 v1, v6;
	v5 =	vld [tilespmem:s1+$0x10];
	(pc) =	sbr.rel @p2 .LBB2_15-.Ltmp15, $3  }
0xba: {  	v4 =	vmax.f32 v4, v7;
	v6 =	vld [tilespmem:s1+$0x20]  }
0xbb: {  	v7 =	vld [tilespmem:s1+$0x0];
	_ =	sdelay $0x1  }
0xbc: {  	s1 =	sadd.s32 $0x40, s1;
	v2 =	vmax.f32 v2, v8  }
.Ltmp16:
0xbd: {  	_ = 	snop;
	(pc) =	sbr.rel .LBB2_16-.Ltmp16, $1  }
0xbe: {  	_ =	sdelay $0x3  }
.LBB2_19:
0xbf: {  	s16 =	simm.s32 $0x0  }
0xc0: {  	v3 =	vld [tilespmem:s16+$0xDD40]  }
0xc1: {  	v2 =	vld [tilespmem:s16+$0xDD50]  }
0xc2: {  	s17 =	simm.s32 $0x100;
	v1 =	vld [tilespmem:s16+$0xDD60]  }
.LBB2_20:
0xc3: {  	p1 =	sne.s32 s17, $0x13800;
	v4 =	vld [tilespmem:s16+$0xDD70];
	_ =	sdelay $0x1  }
0xc4: {  	vm0 =	veq.f32 v3, $-Inf  }
.Ltmp17:
0xc5: {  	v3 =	vsel vm0, $0x0, v3;
	vm0 =	veq.f32 v2, $-Inf;
	(pc) =	sbr.rel @p1 .LBB2_20-.Ltmp17, $4  }
0xc6: {  	s0 =	sshra.s32 s17, $0x2;
	[tilespmem:s16+$0xDD40] =	vst v3;
	v2 =	vsel vm0, $0x0, v2;
	vm0 =	veq.f32 v1, $-Inf  }
0xc7: {  	v3 =	vld [tilespmem:s0+$0xDD40];
	[tilespmem:s16+$0xDD50] =	vst v2;
	v1 =	vsel vm0, $0x0, v1;
	vm0 =	veq.f32 v4, $-Inf  }
0xc8: {  	v2 =	vld [tilespmem:s0+$0xDD50];
	[tilespmem:s16+$0xDD60] =	vst v1;
	v4 =	vsel vm0, $0x0, v4  }
0xc9: {  	s17 =	sadd.s32 $0x100, s17;
	v1 =	vld [tilespmem:s0+$0xDD60];
	[tilespmem:s16+$0xDD70] =	vst v4;
	s16 =	smov.u32 s0  }
0xca: {  	v4 =	vld [tilespmem:s16+$0xDD70];
	_ =	sdelay $0x1  }
0xcb: {  	vm0 =	veq.f32 v3, $-Inf  }
0xcc: {  	v3 =	vsel vm0, $0x0, v3;
	vm13 =	veq.f32 v2, $-Inf  }
0xcd: {  	[tilespmem:s16+$0xDD40] =	vst v3;
	v2 =	vsel vm13, $0x0, v2;
	vm14 =	veq.f32 v1, $-Inf  }
0xce: {  	[tilespmem:s16+$0xDD50] =	vst v2;
	v1 =	vsel vm14, $0x0, v1;
	vm15 =	veq.f32 v4, $-Inf  }
0xcf: {  	[tilespmem:s16+$0xDD60] =	vst v1;
	v1 =	vsel vm15, $0x0, v4  }
0xd0: {  	s0 =	simm.s32 @p0 $0x0;
	s1 =	simm.s32 @p0 $0xDD40;
	[tilespmem:s16+$0xDD70] =	vst v1  }
0xd1: {  	[hbm4b:s7+s0] =	stream.linear.scatter @p0 [tilespmem:s1], [sflag:$0x3], $0x4E40, $0x38;
	[tilespmem:$0x12D40] =	vst v63  }
0xd2: {  	s0 =	simm.s32 @p0 $0x3  }
0xd3: {  	s15 =	sadd.s32 $0x1, s15;
	_ =	swait.ge @p0 [sflag:s0], $0x4E40  }
0xd4: {  	p1 =	sne.s32 s15, s9;
	[sflag:s0] =	ssyncset.done @p0 $0x0  }
0xd5: {  	s1 =	simm.s32 @!p0 $0xDD40;
	[sflag:s0] =	ssyncadd.s32 @p0 $0xFFFFB1C0;
	s0 =	simm.s32 @!p0 $0x0  }
0xd6: {  	[hbm4b:s8+s0] =	stream.linear.scatter @!p0 [tilespmem:s1], [sflag:$0x3], $0x4A40, $0x38;
	[tilespmem:$0x12D40] =	vst v63  }
.Ltmp18:
0xd7: {  	_ = 	snop;
	(pc) =	sbr.rel @p1 .LBB2_1-.Ltmp18, $4  }
0xd8: {  	s0 =	simm.s32 @!p0 $0x3  }
0xd9: {  	_ =	swait.ge @!p0 [sflag:s0], $0x4A40  }
0xda: {  	[sflag:s0] =	ssyncset.done @!p0 $0x0  }
0xdb: {  	[sflag:s0] =	ssyncadd.s32 @!p0 $0xFFFFB5C0  }
0xdc: {  	_ =	sfence.sel $0x180000  }
0xdd: {  	[bflag:$0x0] =	sbarrier.arrive $0xFFFF  }
0xde: {  	_ =	strace $0x90000053  }
0xdf: {  	s0 =	stileid.u32;
	[bflag:$0x2] =	sbarrier.arrive $0xFFFF  }
0xe0: {  	p0 =	sne.s32 s0, $0x0;
	s0 =	rddreg [dreg:$0x2]  }
0xe1: {  	s0 =	sadd.s32 @!p0 $0x100000, s0  }
0xe2: {  	[sflag:s0] =	ssyncadd.tile.s32 @!p0 $0x1;
	_ =	shalt  }
.Lfunc_end2:
_tile_overlayer_lowered:
.L_overlay_start_2:
0xe3: {  	(tag) =	ssettag $0x2  }
0xe4: {  	s0 =	rddreg [dreg:$0x0];
	s2 =	stileid.u32  }
0xe5: {  	s1 =	rddreg [dreg:$0x1];
	p0 =	sne.s32 s2, $0x0  }
0xe6: {  	s3 =	rddreg [dreg:$0x2];
	[bflag:$0x3] =	sbarrier.arrive $0xFFFF;
	s2 =	simm.s32 @!p0 $0x1C03  }
0xe7: {  	[timem:s3], [sflag:s2] =	dma.local @!p0 [hbm:s0], s1  }
0xe8: {  	s0 =	simm.s32 @!p0 $0x3  }
0xe9: {  	_ =	swait.ge @!p0 [sflag:s0], s1  }
0xea: {  	s1 =	ssub.s32 @!p0 $0x0, s1;
	[sflag:s0] =	ssyncset.done @!p0 $0x0  }
0xeb: {  	[sflag:s0] =	ssyncadd.s32 @!p0 s1  }
0xec: {  	[bflag:$0x3] =	sbarrier.arrive $0xFFFF  }
0xed: {  	_ =	shalt  }

</sc_bundles>
